<compile_context>
chip_gen: v7x
topology: tpu7x:2x2x1
jax: 0.10.2.dev20260603
libtpu: 0.0.44.dev20260713+nightly
codegen_flags: <defaults>
</compile_context>

<pallas_src>
import functools

import jax
import jax.numpy as jnp
import numpy as np
from jax import lax
from jax.experimental import pallas as pl
from jax.experimental.pallas import tpu as pltpu
from jax.experimental.pallas import tpu_sc as plsc

N_ATOMS = 10000
N_EDGES = 160000
N_TRIPLETS = 160000
F = 128
R = 6
S = 7
CUTOFF = 5.0
P = 7

NC, NS, L = 2, 16, 16
NW = NC * NS
EPW = N_EDGES // NW
TPW = N_TRIPLETS // NW
TPS = N_TRIPLETS // NS

def _sc_mesh():
  return plsc.VectorSubcoreMesh(
      core_axis_name="c", subcore_axis_name="s", num_cores=NC, num_subcores=NS)

f32 = jnp.float32
i32 = jnp.int32


def _swish(x):
  return x * jax.nn.sigmoid(x)


def _envelope(x):
  p = P
  a = -(p + 1) * (p + 2) / 2.0
  b = p * (p + 2)
  c = -p * (p + 1) / 2.0
  xp0 = x ** (p - 1)
  xp1 = xp0 * x
  xp2 = xp1 * x
  return 1.0 / x + a * xp0 + b * xp1 + c * xp2


def _wid():
  return lax.axis_index("c") * NS + lax.axis_index("s")


def _sc_edge_d2(pxa, pya, pza, i_arr, j_arr):
  @functools.partial(
      pl.kernel,
      out_type=jax.ShapeDtypeStruct((N_EDGES,), f32),
      mesh=_sc_mesh(),
      compiler_params=pltpu.CompilerParams(needs_layout_passes=False),
      scratch_types=[
          pltpu.VMEM((N_ATOMS,), f32),
          pltpu.VMEM((N_ATOMS,), f32),
          pltpu.VMEM((N_ATOMS,), f32),
          pltpu.VMEM((EPW,), i32),
          pltpu.VMEM((EPW,), i32),
          pltpu.VMEM((EPW,), f32),
      ],
  )
  def k(px_hbm, py_hbm, pz_hbm, i_hbm, j_hbm, d2_hbm, px, py, pz, iv, jv, ov):
    w = _wid()
    base = w * EPW
    pltpu.sync_copy(px_hbm, px)
    pltpu.sync_copy(py_hbm, py)
    pltpu.sync_copy(pz_hbm, pz)
    pltpu.sync_copy(i_hbm.at[pl.ds(base, EPW)], iv)
    pltpu.sync_copy(j_hbm.at[pl.ds(base, EPW)], jv)

    def body(g, _):
      st = jnp.minimum(g * L, EPW - L)
      a16 = iv[pl.ds(st, L)]
      b16 = jv[pl.ds(st, L)]
      dx = plsc.load_gather(px, [a16]) - plsc.load_gather(px, [b16])
      dy = plsc.load_gather(py, [a16]) - plsc.load_gather(py, [b16])
      dz = plsc.load_gather(pz, [a16]) - plsc.load_gather(pz, [b16])
      ov[pl.ds(st, L)] = dx * dx + dy * dy + dz * dz
      return 0

    lax.fori_loop(0, (EPW + L - 1) // L, body, 0)
    pltpu.sync_copy(ov, d2_hbm.at[pl.ds(base, EPW)])

  return k(pxa, pya, pza, i_arr, j_arr)


def _sc_triplet_geom(pxa, pya, pza, i_arr, j_arr, idx_kj, idx_ji, d2):
  out_t = tuple(jax.ShapeDtypeStruct((N_TRIPLETS,), f32) for _ in range(4))

  @functools.partial(
      pl.kernel,
      out_type=out_t,
      mesh=_sc_mesh(),
      compiler_params=pltpu.CompilerParams(needs_layout_passes=False),
      scratch_types=[
          pltpu.VMEM((N_ATOMS,), f32),
          pltpu.VMEM((N_ATOMS,), f32),
          pltpu.VMEM((N_ATOMS,), f32),
          pltpu.VMEM((TPW,), i32),
          pltpu.VMEM((TPW,), i32),
          pltpu.VMEM((TPW,), i32),
          pltpu.VMEM((TPW,), i32),
          pltpu.VMEM((TPW,), i32),
          pltpu.VMEM((TPW,), f32),
          pltpu.VMEM((TPW,), f32),
          pltpu.VMEM((TPW,), f32),
          pltpu.VMEM((TPW,), f32),
          pltpu.SemaphoreType.DMA,
      ],
  )
  def k(px_hbm, py_hbm, pz_hbm, i_hbm, j_hbm, kj_hbm, ji_hbm, d2_hbm,
        dot_hbm, n1_hbm, n2_hbm, d2kj_hbm,
        px, py, pz, jiv, kjv, av, bv, kv, dkv, odot, on1, on2, sem):
    w = _wid()
    base = w * TPW
    pltpu.sync_copy(px_hbm, px)
    pltpu.sync_copy(py_hbm, py)
    pltpu.sync_copy(pz_hbm, pz)
    pltpu.sync_copy(ji_hbm.at[pl.ds(base, TPW)], jiv)
    pltpu.sync_copy(kj_hbm.at[pl.ds(base, TPW)], kjv)
    pltpu.async_copy(i_hbm.at[jiv], av, sem).wait()
    pltpu.async_copy(j_hbm.at[jiv], bv, sem).wait()
    pltpu.async_copy(j_hbm.at[kjv], kv, sem).wait()
    pltpu.async_copy(d2_hbm.at[kjv], dkv, sem).wait()

    def body(g, _):
      st = jnp.minimum(g * L, TPW - L)
      a16 = av[pl.ds(st, L)]
      b16 = bv[pl.ds(st, L)]
      k16 = kv[pl.ds(st, L)]
      bx = plsc.load_gather(px, [b16])
      by = plsc.load_gather(py, [b16])
      bz = plsc.load_gather(pz, [b16])
      v1x = plsc.load_gather(px, [a16]) - bx
      v1y = plsc.load_gather(py, [a16]) - by
      v1z = plsc.load_gather(pz, [a16]) - bz
      v2x = plsc.load_gather(px, [k16]) - bx
      v2y = plsc.load_gather(py, [k16]) - by
      v2z = plsc.load_gather(pz, [k16]) - bz
      odot[pl.ds(st, L)] = v1x * v2x + v1y * v2y + v1z * v2z
      on1[pl.ds(st, L)] = v1x * v1x + v1y * v1y + v1z * v1z
      on2[pl.ds(st, L)] = v2x * v2x + v2y * v2y + v2z * v2z
      return 0

    lax.fori_loop(0, (TPW + L - 1) // L, body, 0)
    pltpu.sync_copy(odot, dot_hbm.at[pl.ds(base, TPW)])
    pltpu.sync_copy(on1, n1_hbm.at[pl.ds(base, TPW)])
    pltpu.sync_copy(on2, n2_hbm.at[pl.ds(base, TPW)])
    pltpu.sync_copy(dkv, d2kj_hbm.at[pl.ds(base, TPW)])

  return k(pxa, pya, pza, i_arr, j_arr, idx_kj, idx_ji, d2)


_G_CHUNK = 200


def _sc_row_gather(tab, idx):
  n_chunks = TPW // _G_CHUNK
  dt = tab.dtype
  dcols = tab.shape[1]

  @functools.partial(
      pl.kernel,
      out_type=jax.ShapeDtypeStruct((N_TRIPLETS, dcols), dt),
      mesh=_sc_mesh(),
      compiler_params=pltpu.CompilerParams(needs_layout_passes=False),
      scratch_types=[
          pltpu.VMEM((_G_CHUNK,), i32),
          pltpu.VMEM((_G_CHUNK, dcols), dt),
          pltpu.SemaphoreType.DMA,
      ],
  )
  def k(tab_hbm, idx_hbm, out_hbm, idxv, rows, sem):
    w = _wid()
    base = w * TPW

    def body(ci, _):
      off = pl.multiple_of(base + ci * _G_CHUNK, 8)
      pltpu.sync_copy(idx_hbm.at[pl.ds(off, _G_CHUNK)], idxv)
      pltpu.async_copy(tab_hbm.at[idxv], rows, sem).wait()
      pltpu.sync_copy(rows, out_hbm.at[pl.ds(off, _G_CHUNK)])
      return 0

    lax.fori_loop(0, n_chunks, body, 0)

  return k(tab, idx)


_CH = 8000
_CHP = 8192
_EPC = N_EDGES // NC
_NCHUNK = _EPC // _CH
_ZROWS = _CHP // NS
_WROWS = 1000


def _sc_scatter_edges(rows_hbm_arr, idx):
  @functools.partial(
      pl.kernel,
      out_type=jax.ShapeDtypeStruct((N_EDGES, F), f32),
      mesh=_sc_mesh(),
      compiler_params=pltpu.CompilerParams(needs_layout_passes=False),
      scratch_types=[
          pltpu.VMEM((TPS,), i32),
          pltpu.VMEM((TPS + 9 * L,), i32),
          pltpu.VMEM((4 * L, F), f32),
          pltpu.VMEM((L, F), f32),
          pltpu.VMEM_SHARED((_CHP, F), f32),
          pltpu.SemaphoreType.DMA,
          pltpu.SemaphoreType.DMA,
      ],
  )
  def k(rows_hbm, idx_hbm, agg_hbm, idxv, plist, rbuf, zrow, acc,
        sem, sem2):
    c = lax.axis_index("c")
    s = lax.axis_index("s")
    sbase = s * TPS
    pltpu.sync_copy(idx_hbm.at[pl.ds(sbase, TPS)], idxv)

    def zfill(r, _):
      for gg in range(F // L):
        zrow[r, pl.ds(gg * L, L)] = jnp.zeros((L,), f32)
      return 0

    lax.fori_loop(0, L, zfill, 0)

    def chunk_body(ci, _):
      cbase = c * _EPC + ci * _CH
      def zcopy(r, _):
        pltpu.sync_copy(
            zrow, acc.at[pl.ds(pl.multiple_of(s * _ZROWS + r * L, 8), L)])
        return 0

      lax.fori_loop(0, _ZROWS // L, zcopy, 0)
      plsc.subcore_barrier()

      def scan_body(g, ptr):
        v = idxv[pl.ds(g * L, L)]
        local = v - cbase
        m = (local >= 0) & (local < _CH)
        tglob = lax.iota(i32, L) + (sbase + g * L)
        packed = lax.shift_left(tglob, 13) | local
        plsc.store_compressed(plist.at[pl.ds(ptr, L)], packed, mask=m)
        return ptr + jnp.sum(jnp.where(m, 1, 0).astype(i32))

      ptr = lax.fori_loop(0, TPS // L, scan_body, jnp.int32(0))
      for kk in range(8):
        plist[pl.ds(ptr + kk * L, L)] = jnp.full((L,), _CH, i32)

      nb = (ptr + (L - 1)) // L

      def batch_body(b, _):
        pv = plist[pl.ds(b * L, L)]
        tvec = lax.shift_right_logical(pv, 13)
        lvec = pv & (2 ** 13 - 1)
        pltpu.async_copy(rows_hbm.at[tvec], rbuf.at[pl.ds(0, L)], sem).wait()
        pltpu.sync_copy(rbuf.at[pl.ds(0, L)], acc.at[lvec], add=True)
        return 0

      lax.fori_loop(0, nb, batch_body, 0)
      plsc.subcore_barrier()
      @pl.when(s < 8)
      def _():
        pltpu.sync_copy(
            acc.at[pl.ds(pl.multiple_of(s * _WROWS, 8), _WROWS)],
            agg_hbm.at[pl.ds(pl.multiple_of(cbase + s * _WROWS, 8), _WROWS)])
      plsc.subcore_barrier()
      return 0

    lax.fori_loop(0, _NCHUNK, chunk_body, 0)

  return k(rows_hbm_arr, idx)


_NP_PAD = 10240
_AZROWS = _NP_PAD // NS


def _sc_scatter_atoms(rows_hbm_arr, i_arr):
  n_full = EPW // L
  tail_valid = EPW - n_full * L

  @functools.partial(
      pl.kernel,
      out_type=jax.ShapeDtypeStruct((NC, _NP_PAD, F), f32),
      mesh=_sc_mesh(),
      compiler_params=pltpu.CompilerParams(needs_layout_passes=False),
      scratch_types=[
          pltpu.VMEM((EPW,), i32),
          pltpu.VMEM((4 * L, F), f32),
          pltpu.VMEM((4 * L, F), f32),
          pltpu.VMEM((L, F), f32),
          pltpu.VMEM_SHARED((_NP_PAD, F), f32),
          pltpu.SemaphoreType.DMA,
          pltpu.SemaphoreType.DMA,
          pltpu.SemaphoreType.DMA,
      ],
  )
  def k(rows_hbm, i_hbm, part_hbm, iv, rbufa, rbufb, zrow, acc,
        sema, semb, sems):
    c = lax.axis_index("c")
    s = lax.axis_index("s")
    w = c * NS + s
    base = w * EPW
    pltpu.sync_copy(i_hbm.at[pl.ds(base, EPW)], iv)

    def zfill(r, _):
      for gg in range(F // L):
        zrow[r, pl.ds(gg * L, L)] = jnp.zeros((L,), f32)
      return 0

    lax.fori_loop(0, L, zfill, 0)

    def zcopy(r, _):
      pltpu.sync_copy(
          zrow, acc.at[pl.ds(pl.multiple_of(s * _AZROWS + r * L, 8), L)])
      return 0

    lax.fori_loop(0, _AZROWS // L, zcopy, 0)
    plsc.subcore_barrier()

    lane = lax.iota(i32, L)
    n_pair = n_full // 8

    def body(m, _):
      st_a = m * (8 * L)
      st_b = st_a + 4 * L
      lda = pltpu.async_copy(
          rows_hbm.at[pl.ds(pl.multiple_of(base + st_a, 8), 4 * L)],
          rbufa, sema)
      ldb = pltpu.async_copy(
          rows_hbm.at[pl.ds(pl.multiple_of(base + st_b, 8), 4 * L)],
          rbufb, semb)
      sds = []
      lda.wait()
      for kk in range(4):
        ivec = iv[pl.ds(st_a + kk * L, L)]
        sds.append(pltpu.async_copy(
            rbufa.at[pl.ds(kk * L, L)], acc.at[ivec], sems, add=True))
      ldb.wait()
      for kk in range(4):
        ivec = iv[pl.ds(st_b + kk * L, L)]
        sds.append(pltpu.async_copy(
            rbufb.at[pl.ds(kk * L, L)], acc.at[ivec], sems, add=True))
      for d in sds:
        d.wait()
      return 0

    lax.fori_loop(0, n_pair, body, 0)
    for g in range(n_pair * 8, n_full):
      st = g * L
      pltpu.sync_copy(
          rows_hbm.at[pl.ds(pl.multiple_of(base + st, 8), L)],
          rbufa.at[pl.ds(0, L)])
      ivec = iv[pl.ds(st, L)]
      pltpu.sync_copy(rbufa.at[pl.ds(0, L)], acc.at[ivec], add=True)
    if tail_valid:
      st = EPW - L
      pltpu.sync_copy(rows_hbm.at[pl.ds(pl.multiple_of(base + st, 8), L)],
                      rbufa.at[pl.ds(0, L)])
      ivec = iv[pl.ds(st, L)]
      ivec = jnp.where(lane < (L - tail_valid), jnp.full((L,), N_ATOMS, i32),
                       ivec)
      pltpu.sync_copy(rbufa.at[pl.ds(0, L)], acc.at[ivec], add=True)

    plsc.subcore_barrier()
    pltpu.sync_copy(
        acc.at[pl.ds(pl.multiple_of(s * _AZROWS, 8), _AZROWS)],
        part_hbm.at[c, pl.ds(pl.multiple_of(s * _AZROWS, 8), _AZROWS)])

  return k(rows_hbm_arr, i_arr)


_BE = 1024
_NEB = (N_EDGES + _BE - 1) // _BE
_BE2 = 4000
_NEB2 = N_EDGES // _BE2

def _freq_row():
  return (lax.broadcasted_iota(jnp.int32, (1, R), 1).astype(f32) + 1.0) * np.pi


def _sbf_consts():
  q = lax.broadcasted_iota(jnp.int32, (1, S * R), 1)
  r = (q % R).astype(f32)
  s = (q // R).astype(f32)
  bwf = (r + 1.0) * np.pi + s * (S - 1) * np.pi
  return bwf, s


def _vec_spec(b):
  return pl.BlockSpec((b,), lambda k: (k,))


def _mat_spec(b, d):
  return pl.BlockSpec((b, d), lambda k: (k, 0))


def _full_spec(shape):
  nd = len(shape)
  return pl.BlockSpec(shape, lambda k: (0,) * nd)


def _tc_edge(d2, cvec, emb_w, emb_b, rbf_w0, mw0, mb0):
  def body(d2_ref, c_ref, ew_ref, eb_ref, rw0_ref, mw_ref, mb_ref,
           rbf_ref, m0_ref, t0_ref, mkj_ref):
    d2t = d2_ref[...]
    dist = jnp.sqrt(d2t)
    ds_ = dist / CUTOFF
    env = _envelope(ds_)
    rbf = env[:, None] * jnp.sin(_freq_row() * ds_[:, None]) / dist[:, None]
    rbf_ref[...] = rbf
    m0 = c_ref[...][None, :] * _swish(
        jnp.dot(rbf, ew_ref[...], preferred_element_type=f32)
        + eb_ref[...][None, :])
    m0_ref[...] = m0
    t0_ref[...] = m0 * jnp.dot(rbf, rw0_ref[...], preferred_element_type=f32)
    mkj_ref[...] = _swish(
        jnp.dot(m0, mw_ref[...], preferred_element_type=f32)
        + mb_ref[...][None, :])

  return pl.pallas_call(
      body,
      grid=(_NEB,),
      in_specs=[_vec_spec(_BE), _full_spec((F,)), _full_spec((R, F)),
                _full_spec((F,)), _full_spec((R, F)),
                _full_spec((F, F)), _full_spec((F,))],
      out_specs=[_mat_spec(_BE, R), _mat_spec(_BE, F), _mat_spec(_BE, F),
                 _mat_spec(_BE, F)],
      out_shape=[jax.ShapeDtypeStruct((N_EDGES, R), f32),
                 jax.ShapeDtypeStruct((N_EDGES, F), f32),
                 jax.ShapeDtypeStruct((N_EDGES, F), f32),
                 jax.ShapeDtypeStruct((N_EDGES, F), f32)],
  )(d2, cvec, emb_w, emb_b, rbf_w0, mw0, mb0)


def _tc_triplet(dot, n1, n2, d2kj, sw0, sb0, sw1, sb1):
  def body(dot_ref, n1_ref, n2_ref, dk_ref, w0_ref, b0_ref, w1_ref, b1_ref,
           sf0_ref, sf1_ref):
    dott = dot_ref[...]
    nrm = jnp.sqrt(n1_ref[...] + 1e-12) * jnp.sqrt(n2_ref[...] + 1e-12)
    ca = jnp.clip(dott / (nrm + 1e-7), -1.0 + 1e-6, 1.0 - 1e-6)
    dk = jnp.sqrt(dk_ref[...]) / CUTOFF
    env = _envelope(dk)
    bwf, shwf = _sbf_consts()
    cprev = jnp.ones_like(ca)
    ccur = ca
    sph = (shwf == 0.0).astype(f32) * cprev[:, None]
    sph = sph + (shwf == 1.0).astype(f32) * ccur[:, None]
    for s_ in range(2, S):
      cnext = 2.0 * ca * ccur - cprev
      cprev, ccur = ccur, cnext
      sph = sph + (shwf == float(s_)).astype(f32) * ccur[:, None]
    sbf = env[:, None] * jnp.sin(bwf * dk[:, None]) * sph
    sf0_ref[...] = _swish(
        jnp.dot(sbf, w0_ref[...], preferred_element_type=f32)
        + b0_ref[...][None, :])
    sf1_ref[...] = _swish(
        jnp.dot(sbf, w1_ref[...], preferred_element_type=f32)
        + b1_ref[...][None, :])

  return pl.pallas_call(
      body,
      grid=(_NEB,),
      in_specs=[_vec_spec(_BE)] * 4
      + [_full_spec((S * R, 8)), _full_spec((8,)),
         _full_spec((S * R, 8)), _full_spec((8,))],
      out_specs=[_mat_spec(_BE, 8), _mat_spec(_BE, 8)],
      out_shape=[jax.ShapeDtypeStruct((N_TRIPLETS, 8), f32),
                 jax.ShapeDtypeStruct((N_TRIPLETS, 8), f32)],
  )(dot, n1, n2, d2kj, sw0, sb0, sw1, sb1)


def _tc_mkj(m, mw, mb):
  def body(m_ref, w_ref, b_ref, o_ref):
    o_ref[...] = _swish(
        jnp.dot(m_ref[...], w_ref[...], preferred_element_type=f32)
        + b_ref[...][None, :])

  return pl.pallas_call(
      body,
      grid=(_NEB2,),
      in_specs=[_mat_spec(_BE2, F), _full_spec((F, F)), _full_spec((F,))],
      out_specs=_mat_spec(_BE2, F),
      out_shape=jax.ShapeDtypeStruct((N_EDGES, F), f32),
  )(m, mw, mb)


def _tc_bil(x2, sf, bmat, bil_b):
  def body(x_ref, sf_ref, bm_ref, bb_ref, o_ref):
    y = jnp.dot(x_ref[...].astype(jnp.bfloat16), bm_ref[...],
                preferred_element_type=f32)
    sft = sf_ref[...]
    acc = bb_ref[...][None, :]
    for ii in range(8):
      acc = acc + sft[:, ii][:, None] * y[:, ii * F:(ii + 1) * F]
    o_ref[...] = acc

  return pl.pallas_call(
      body,
      grid=(_NEB2,),
      in_specs=[_mat_spec(_BE2, F), _mat_spec(_BE2, 8),
                _full_spec((F, 8 * F)), _full_spec((F,))],
      out_specs=_mat_spec(_BE2, F),
      out_shape=jax.ShapeDtypeStruct((N_TRIPLETS, F), f32),
  )(x2, sf, bmat.astype(jnp.bfloat16), bil_b)


def _tc_update(agg, m, rbf, dw, db, res, rbf_wn, mw_next=None, mb_next=None):
  rp = [res[0]['w1'], res[0]['b1'], res[0]['w2'], res[0]['b2'],
        res[1]['w1'], res[1]['b1'], res[1]['w2'], res[1]['b2']]
  emit_mkj = mw_next is not None

  def body(*refs):
    if emit_mkj:
      (agg_ref, m_ref, rbf_ref, dw_ref, db_ref,
       r0w1, r0b1, r0w2, r0b2, r1w1, r1b1, r1w2, r1b2, rwn_ref,
       mwn_ref, mbn_ref, mn_ref, tn_ref, mkj_ref) = refs
    else:
      (agg_ref, m_ref, rbf_ref, dw_ref, db_ref,
       r0w1, r0b1, r0w2, r0b2, r1w1, r1b1, r1w2, r1b2, rwn_ref,
       mn_ref, tn_ref) = refs
    mm = m_ref[...] + _swish(
        jnp.dot(agg_ref[...], dw_ref[...], preferred_element_type=f32)
        + db_ref[...][None, :])
    for (w1, b1, w2, b2) in ((r0w1, r0b1, r0w2, r0b2),
                             (r1w1, r1b1, r1w2, r1b2)):
      h = _swish(jnp.dot(mm, w1[...], preferred_element_type=f32)
                 + b1[...][None, :])
      mm = mm + jnp.dot(h, w2[...], preferred_element_type=f32) + b2[...][None, :]
    mn_ref[...] = mm
    tn_ref[...] = mm * jnp.dot(rbf_ref[...], rwn_ref[...],
                               preferred_element_type=f32)
    if emit_mkj:
      mkj_ref[...] = _swish(
          jnp.dot(mm, mwn_ref[...], preferred_element_type=f32)
          + mbn_ref[...][None, :])

  ins = [_mat_spec(_BE2, F), _mat_spec(_BE2, F), _mat_spec(_BE2, R),
         _full_spec((F, F)), _full_spec((F,)),
         _full_spec((F, F)), _full_spec((F,)),
         _full_spec((F, F)), _full_spec((F,)),
         _full_spec((F, F)), _full_spec((F,)),
         _full_spec((F, F)), _full_spec((F,)),
         _full_spec((R, F))]
  outs = [_mat_spec(_BE2, F), _mat_spec(_BE2, F)]
  oshapes = [jax.ShapeDtypeStruct((N_EDGES, F), f32),
             jax.ShapeDtypeStruct((N_EDGES, F), f32)]
  args = [agg, m, rbf, dw, db] + rp + [rbf_wn]
  if emit_mkj:
    ins += [_full_spec((F, F)), _full_spec((F,))]
    outs.append(_mat_spec(_BE2, F))
    oshapes.append(jax.ShapeDtypeStruct((N_EDGES, F), f32))
    args += [mw_next, mb_next]

  return pl.pallas_call(
      body,
      grid=(_NEB2,),
      in_specs=ins,
      out_specs=outs,
      out_shape=oshapes,
  )(*args)


_BA = 2000
_NAB = N_ATOMS // _BA


def _tc_atom_out(parts, outp):
  ws = []
  for pb in outp:
    ws += [pb['w1'], pb['b1'], pb['w2'], pb['b2']]

  def body(p0_ref, p1_ref, p2_ref,
           w10, b10, w20, b20, w11, b11, w21, b21, w12, b12, w22, b22,
           o_ref):
    @pl.when(pl.program_id(0) == 0)
    def _():
      o_ref[...] = jnp.zeros((1, 1), f32)

    tot = jnp.zeros((), f32)
    for (p_ref, w1, b1, w2, b2) in (
        (p0_ref, w10, b10, w20, b20),
        (p1_ref, w11, b11, w21, b21),
        (p2_ref, w12, b12, w22, b22)):
      af = p_ref[0] + p_ref[1]
      h = _swish(af)
      h2 = _swish(jnp.dot(h, w1[...], preferred_element_type=f32)
                  + b1[...][None, :])
      o = jnp.dot(h2, w2[...], preferred_element_type=f32) + b2[...][None, :]
      tot = tot + jnp.sum(o)
    o_ref[...] = o_ref[...] + tot.reshape(1, 1)

  pspec = pl.BlockSpec((NC, _BA, F), lambda k: (0, k, 0))
  return pl.pallas_call(
      body,
      grid=(_NAB,),
      in_specs=[pspec, pspec, pspec,
                _full_spec((F, F // 2)), _full_spec((F // 2,)),
                _full_spec((F // 2, 1)), _full_spec((1,)),
                _full_spec((F, F // 2)), _full_spec((F // 2,)),
                _full_spec((F // 2, 1)), _full_spec((1,)),
                _full_spec((F, F // 2)), _full_spec((F // 2,)),
                _full_spec((F // 2, 1)), _full_spec((1,))],
      out_specs=_full_spec((1, 1)),
      out_shape=jax.ShapeDtypeStruct((1, 1), f32),
  )(*parts, *ws)


def kernel(z, pos, i, j, idx_kj, idx_ji, params):
  del z
  pxa, pya, pza = pos[:, 0], pos[:, 1], pos[:, 2]

  d2 = _sc_edge_d2(pxa, pya, pza, i, j)
  dot, n1, n2, d2kj = _sc_triplet_geom(pxa, pya, pza, i, j, idx_kj, idx_ji, d2)

  emb = params['emb']
  cvec = (emb['atom'][0] * emb['atom'][0]).astype(f32)
  outp = params['out']
  ib0_mw = params['inter'][0]['m_w']
  ib0_mb = params['inter'][0]['m_b']
  rbf, m, t0, mkj = _tc_edge(d2, cvec, emb['rbf_w'], emb['rbf_b'],
                             outp[0]['rbf_w'], ib0_mw, ib0_mb)

  ib0, ib1 = params['inter'][0], params['inter'][1]
  sf0, sf1 = _tc_triplet(dot, n1, n2, d2kj,
                         ib0['sbf_w'], ib0['sbf_b'], ib1['sbf_w'], ib1['sbf_b'])

  parts = [_sc_scatter_atoms(t0, i)]
  sfs = (sf0, sf1)
  for blk, ib in enumerate((ib0, ib1)):
    x2 = _sc_row_gather(mkj, idx_kj)
    bmat = jnp.transpose(ib['bil_w'], (2, 1, 0)).reshape(F, 8 * F)
    bil = _tc_bil(x2, sfs[blk], bmat, ib['bil_b'])
    agg = _sc_scatter_edges(bil, idx_ji)
    if blk == 0:
      m, tn, mkj = _tc_update(agg, m, rbf, ib['down_w'], ib['down_b'],
                              ib['res'], outp[blk + 1]['rbf_w'],
                              ib1['m_w'], ib1['m_b'])
    else:
      m, tn = _tc_update(agg, m, rbf, ib['down_w'], ib['down_b'],
                         ib['res'], outp[blk + 1]['rbf_w'])
    parts.append(_sc_scatter_atoms(tn, i))

  total = _tc_atom_out(parts, outp)
  return total[0, 0]

# --- scband reference (transcript-rebuilt; emitter-appended) ---
"""Pipeline reference for scband-dime-net-65901978189932 (READ-ONLY COPY).

The authoritative reference and input builder live on the scoring server;
editing this copy changes nothing except your own understanding.
"""

import jax, jax.numpy as jnp
import numpy as np

N_ATOMS = 10000
N_EDGES = 160000
N_TRIPLETS = 160000
F = 128
NUM_BLOCKS = 2
R = 6
S = 7
CUTOFF = 5.0
P = 7  # envelope_exponent + 1


def swish(x):
    return x * jax.nn.sigmoid(x)


def envelope(x):
    p = P
    a = -(p + 1) * (p + 2) / 2.0
    b = p * (p + 2)
    c = -p * (p + 1) / 2.0
    xp0 = x ** (p - 1)
    xp1 = xp0 * x
    xp2 = xp1 * x
    return 1.0 / x + a * xp0 + b * xp1 + c * xp2


def _make_params(key):
    cnt = [0]
    def nk():
        cnt[0] += 1
        return jax.random.fold_in(key, cnt[0])
    def lin(din, dout):
        w = jax.random.normal(nk(), (din, dout), dtype=jnp.float32) / np.sqrt(din)
        b = jnp.zeros((dout,), jnp.float32)
        return w, b
    def lin_nb(din, dout):
        return jax.random.normal(nk(), (din, dout), dtype=jnp.float32) / np.sqrt(din)
    params = {}
    params['freq'] = jnp.arange(1, R + 1, dtype=jnp.float32) * np.pi
    rw, rb = lin(R, F)
    params['emb'] = {'atom': jax.random.normal(nk(), (1, F), dtype=jnp.float32), 'rbf_w': rw, 'rbf_b': rb}
    outs = []
    for _ in range(NUM_BLOCKS + 1):
        w1, b1 = lin(F, F // 2)
        w2, b2 = lin(F // 2, 1)
        outs.append({'rbf_w': lin_nb(R, F), 'w1': w1, 'b1': b1, 'w2': w2, 'b2': b2})
    params['out'] = outs
    inters = []
    for _ in range(NUM_BLOCKS):
        sw, sb = lin(S * R, 8)
        mw, mb = lin(F, F)
        dw, db = lin(F, F)
        bil_w = jax.random.normal(nk(), (F, 8, F), dtype=jnp.float32) / np.sqrt(8 * F)
        bil_b = jnp.zeros((F,), jnp.float32)
        res = []
        for _ in range(2):
            w1, b1 = lin(F, F)
            w2, b2 = lin(F, F)
            res.append({'w1': w1, 'b1': b1, 'w2': w2, 'b2': b2})
        inters.append({'rbf_w': lin_nb(R, F), 'sbf_w': sw, 'sbf_b': sb, 'm_w': mw, 'm_b': mb,
                       'bil_w': bil_w, 'bil_b': bil_b, 'down_w': dw, 'down_b': db, 'res': res})
    params['inter'] = inters
    return params


def setup_inputs(seed: int = 0):
    key = jax.random.key(seed)
    z = jnp.zeros((N_ATOMS,), dtype=jnp.int32)
    pos = jax.random.normal(jax.random.fold_in(key, 1), (N_ATOMS, 3), dtype=jnp.float32) * 3.0
    i = jax.random.randint(jax.random.fold_in(key, 2), (N_EDGES,), 0, N_ATOMS, dtype=jnp.int32)
    j = (i + 1 + jax.random.randint(jax.random.fold_in(key, 3), (N_EDGES,), 0, N_ATOMS - 1, dtype=jnp.int32)) % N_ATOMS
    idx_kj = jax.random.randint(jax.random.fold_in(key, 4), (N_TRIPLETS,), 0, N_EDGES, dtype=jnp.int32)
    idx_ji = jax.random.randint(jax.random.fold_in(key, 5), (N_TRIPLETS,), 0, N_EDGES, dtype=jnp.int32)
    params = _make_params(jax.random.fold_in(key, 6))
    return {'z': z, 'pos': pos, 'i': i, 'j': j, 'idx_kj': idx_kj, 'idx_ji': idx_ji, 'params': params}


def _output_block(pb, m, rbf, i, num_atoms):
    rbf_feat = rbf @ pb['rbf_w']
    atom_feat = jnp.zeros((num_atoms, m.shape[1]), m.dtype).at[i].add(m * rbf_feat)
    h = swish(atom_feat)
    h = swish(h @ pb['w1'] + pb['b1'])
    return h @ pb['w2'] + pb['b2']


def _forward(z, pos, i, j, idx_kj, idx_ji, params):
    num_atoms = z.shape[0]
    diff = pos[i] - pos[j]
    dist = jnp.sqrt(jnp.sum(diff * diff, axis=1))
    pos_i = pos[i[idx_ji]]
    pos_j = pos[j[idx_ji]]
    pos_k = pos[j[idx_kj]]
    v1 = pos_i - pos_j
    v2 = pos_k - pos_j
    dot = jnp.sum(v1 * v2, axis=1)
    nrm = jnp.sqrt(jnp.sum(v1 * v1, axis=1) + 1e-12) * jnp.sqrt(jnp.sum(v2 * v2, axis=1) + 1e-12)
    angle = jnp.arccos(jnp.clip(dot / (nrm + 1e-7), -1.0 + 1e-6, 1.0 - 1e-6))
    ds = dist / CUTOFF
    rbf = envelope(ds)[:, None] * (jnp.sin(params['freq'][None, :] * ds[:, None]) / dist[:, None])
    bz = jnp.arange(1, R + 1, dtype=jnp.float32) * np.pi
    bfm = jnp.arange(S, dtype=jnp.float32) * (S - 1) * np.pi
    bw = bz[None, :] + bfm[:, None]
    shw = jnp.arange(S, dtype=jnp.float32)
    dk = ds[idx_kj]
    bessel_term = jnp.sin(bw[None, :, :] * dk[:, None, None])
    sph_term = jnp.cos(shw[None, :] * angle[:, None])[:, :, None]
    sbf = envelope(dk)[:, None, None] * bessel_term * sph_term
    sbf_flat = sbf.reshape(sbf.shape[0], -1)
    emb = params['emb']
    m = emb['atom'][z[i]] * emb['atom'][z[j]] * swish(rbf @ emb['rbf_w'] + emb['rbf_b'])
    out = _output_block(params['out'][0], m, rbf, i, num_atoms)
    for blk in range(NUM_BLOCKS):
        ib = params['inter'][blk]
        _unused = swish(rbf @ ib['rbf_w'])  # computed-but-unused in the torch module; kept for faithfulness
        sf = swish(sbf_flat @ ib['sbf_w'] + ib['sbf_b'])
        mkj = swish(m @ ib['m_w'] + ib['m_b'])
        x2 = mkj[idx_kj]
        bil = jnp.broadcast_to(ib['bil_b'], (x2.shape[0], F))
        for ii in range(8):
            bil = bil + sf[:, ii][:, None] * (x2 @ ib['bil_w'][:, ii, :].T)
        agg = jnp.zeros_like(m).at[idx_ji].add(bil)
        m = m + swish(agg @ ib['down_w'] + ib['down_b'])
        for rbk in ib['res']:
            m = m + (swish(m @ rbk['w1'] + rbk['b1']) @ rbk['w2'] + rbk['b2'])
        out = out + _output_block(params['out'][blk + 1], m, rbf, i, num_atoms)
    return jnp.sum(out)


def reference(z, pos, i, j, idx_kj, idx_ji, params):
    return _forward(z, pos, i, j, idx_kj, idx_ji, params)

if __name__ == "__main__":
    import jax
    _d = setup_inputs()
    print(jax.jit(kernel)(*tuple(_d.values())))

</pallas_src>

<mosaic_0001>
#map = affine_map<(d0, d1) -> (0)>
module attributes {stable_mosaic.version = 14 : i64} {
  func.func @k(%arg0: i32, %arg1: i32, %arg2: memref<10000xf32, #tpu.memory_space<hbm>>, %arg3: memref<10000xf32, #tpu.memory_space<hbm>>, %arg4: memref<10000xf32, #tpu.memory_space<hbm>>, %arg5: memref<160000xi32, #tpu.memory_space<hbm>>, %arg6: memref<160000xi32, #tpu.memory_space<hbm>>, %arg7: memref<160000xi32, #tpu.memory_space<hbm>>, %arg8: memref<160000xi32, #tpu.memory_space<hbm>>, %arg9: memref<160000xf32, #tpu.memory_space<hbm>>, %arg10: memref<160000xf32, #tpu.memory_space<hbm>>, %arg11: memref<160000xf32, #tpu.memory_space<hbm>>, %arg12: memref<160000xf32, #tpu.memory_space<hbm>>, %arg13: memref<160000xf32, #tpu.memory_space<hbm>>, %arg14: memref<10000xf32, #tpu.memory_space<vmem>>, %arg15: memref<10000xf32, #tpu.memory_space<vmem>>, %arg16: memref<10000xf32, #tpu.memory_space<vmem>>, %arg17: memref<5000xi32, #tpu.memory_space<vmem>>, %arg18: memref<5000xi32, #tpu.memory_space<vmem>>, %arg19: memref<5000xi32, #tpu.memory_space<vmem>>, %arg20: memref<5000xi32, #tpu.memory_space<vmem>>, %arg21: memref<5000xi32, #tpu.memory_space<vmem>>, %arg22: memref<5000xf32, #tpu.memory_space<vmem>>, %arg23: memref<5000xf32, #tpu.memory_space<vmem>>, %arg24: memref<5000xf32, #tpu.memory_space<vmem>>, %arg25: memref<5000xf32, #tpu.memory_space<vmem>>, %arg26: memref<!tpu.dma_semaphore, #tpu.memory_space<semaphore_mem>>) attributes {dimension_semantics = [#tpu.dimension_semantics<core_parallel>, #tpu.dimension_semantics<subcore_parallel>], iteration_bounds = array<i64: 2, 16>, scalar_prefetch = 0 : i64, scratch_operands = 13 : i64, tpu.core_type = #tpu.core_type<sc_vector_subcore>, window_params = [{transform_indices = #map}, {transform_indices = #map}, {transform_indices = #map}, {transform_indices = #map}, {transform_indices = #map}, {transform_indices = #map}, {transform_indices = #map}, {transform_indices = #map}, {transform_indices = #map}, {transform_indices = #map}, {transform_indices = #map}, {transform_indices = #map}]} {
    %mul3A = arith.constant 16 : i32
    %mul3A_0 = arith.muli %arg0, %mul3A : i32
    %add3A = arith.addi %mul3A_0, %arg1 : i32
    %mul3A_1 = arith.constant 5000 : i32
    %mul3A_2 = arith.muli %add3A, %mul3A_1 : i32
    "tpu.region"() ({
      %run_scoped3A = tpu.sem_alloc : memref<!tpu.dma_semaphore, #tpu.memory_space<semaphore_mem>>
      tpu.enqueue_dma source(%arg2 : memref<10000xf32, #tpu.memory_space<hbm>>) target(%arg14 : memref<10000xf32, #tpu.memory_space<vmem>>) target_semaphore(%run_scoped3A : memref<!tpu.dma_semaphore, #tpu.memory_space<semaphore_mem>>)
      tpu.wait_dma2 semaphore(%run_scoped3A : memref<!tpu.dma_semaphore, #tpu.memory_space<semaphore_mem>>) src(%arg2 : memref<10000xf32, #tpu.memory_space<hbm>>) dst(%arg14 : memref<10000xf32, #tpu.memory_space<vmem>>)
      tpu.yield
    }) : () -> ()
    "tpu.region"() ({
      %run_scoped3A = tpu.sem_alloc : memref<!tpu.dma_semaphore, #tpu.memory_space<semaphore_mem>>
      tpu.enqueue_dma source(%arg3 : memref<10000xf32, #tpu.memory_space<hbm>>) target(%arg15 : memref<10000xf32, #tpu.memory_space<vmem>>) target_semaphore(%run_scoped3A : memref<!tpu.dma_semaphore, #tpu.memory_space<semaphore_mem>>)
      tpu.wait_dma2 semaphore(%run_scoped3A : memref<!tpu.dma_semaphore, #tpu.memory_space<semaphore_mem>>) src(%arg3 : memref<10000xf32, #tpu.memory_space<hbm>>) dst(%arg15 : memref<10000xf32, #tpu.memory_space<vmem>>)
      tpu.yield
    }) : () -> ()
    "tpu.region"() ({
      %run_scoped3A = tpu.sem_alloc : memref<!tpu.dma_semaphore, #tpu.memory_space<semaphore_mem>>
      tpu.enqueue_dma source(%arg4 : memref<10000xf32, #tpu.memory_space<hbm>>) target(%arg16 : memref<10000xf32, #tpu.memory_space<vmem>>) target_semaphore(%run_scoped3A : memref<!tpu.dma_semaphore, #tpu.memory_space<semaphore_mem>>)
      tpu.wait_dma2 semaphore(%run_scoped3A : memref<!tpu.dma_semaphore, #tpu.memory_space<semaphore_mem>>) src(%arg4 : memref<10000xf32, #tpu.memory_space<hbm>>) dst(%arg16 : memref<10000xf32, #tpu.memory_space<vmem>>)
      tpu.yield
    }) : () -> ()
    "tpu.region"() ({
      %run_scoped3A = tpu.sem_alloc : memref<!tpu.dma_semaphore, #tpu.memory_space<semaphore_mem>>
      %dma_start3A_23 = tpu.memref_slice %arg8[%mul3A_2] : memref<160000xi32, #tpu.memory_space<hbm>> -> memref<5000xi32, #tpu.memory_space<hbm>>
      %dma_start3A_24 = tpu.memref_slice %arg8[%mul3A_2] : memref<160000xi32, #tpu.memory_space<hbm>> -> memref<5000xi32, #tpu.memory_space<hbm>>
      tpu.enqueue_dma source(%dma_start3A_24 : memref<5000xi32, #tpu.memory_space<hbm>>) target(%arg17 : memref<5000xi32, #tpu.memory_space<vmem>>) target_semaphore(%run_scoped3A : memref<!tpu.dma_semaphore, #tpu.memory_space<semaphore_mem>>)
      %dma_wait3A_25 = tpu.memref_slice %arg8[%mul3A_2] : memref<160000xi32, #tpu.memory_space<hbm>> -> memref<5000xi32, #tpu.memory_space<hbm>>
      %dma_wait3A_26 = tpu.memref_slice %arg8[%mul3A_2] : memref<160000xi32, #tpu.memory_space<hbm>> -> memref<5000xi32, #tpu.memory_space<hbm>>
      tpu.wait_dma2 semaphore(%run_scoped3A : memref<!tpu.dma_semaphore, #tpu.memory_space<semaphore_mem>>) src(%dma_wait3A_26 : memref<5000xi32, #tpu.memory_space<hbm>>) dst(%arg17 : memref<5000xi32, #tpu.memory_space<vmem>>)
      tpu.yield
    }) : () -> ()
    "tpu.region"() ({
      %run_scoped3A = tpu.sem_alloc : memref<!tpu.dma_semaphore, #tpu.memory_space<semaphore_mem>>
      %dma_start3A_23 = tpu.memref_slice %arg7[%mul3A_2] : memref<160000xi32, #tpu.memory_space<hbm>> -> memref<5000xi32, #tpu.memory_space<hbm>>
      %dma_start3A_24 = tpu.memref_slice %arg7[%mul3A_2] : memref<160000xi32, #tpu.memory_space<hbm>> -> memref<5000xi32, #tpu.memory_space<hbm>>
      tpu.enqueue_dma source(%dma_start3A_24 : memref<5000xi32, #tpu.memory_space<hbm>>) target(%arg18 : memref<5000xi32, #tpu.memory_space<vmem>>) target_semaphore(%run_scoped3A : memref<!tpu.dma_semaphore, #tpu.memory_space<semaphore_mem>>)
      %dma_wait3A_25 = tpu.memref_slice %arg7[%mul3A_2] : memref<160000xi32, #tpu.memory_space<hbm>> -> memref<5000xi32, #tpu.memory_space<hbm>>
      %dma_wait3A_26 = tpu.memref_slice %arg7[%mul3A_2] : memref<160000xi32, #tpu.memory_space<hbm>> -> memref<5000xi32, #tpu.memory_space<hbm>>
      tpu.wait_dma2 semaphore(%run_scoped3A : memref<!tpu.dma_semaphore, #tpu.memory_space<semaphore_mem>>) src(%dma_wait3A_26 : memref<5000xi32, #tpu.memory_space<hbm>>) dst(%arg18 : memref<5000xi32, #tpu.memory_space<vmem>>)
      tpu.yield
    }) : () -> ()
    %dma_start3A = arith.constant 0 : i32
    %dma_start3A_3 = tpu.memref_slice %arg5[%dma_start3A] : memref<160000xi32, #tpu.memory_space<hbm>> -> memref<160000xi32, #tpu.memory_space<hbm>>
    tpu.enqueue_indirect_dma source(%dma_start3A_3 : memref<160000xi32, #tpu.memory_space<hbm>>) target(%arg19 : memref<5000xi32, #tpu.memory_space<vmem>>) offsets(%arg17 : memref<5000xi32, #tpu.memory_space<vmem>>) semaphore(%arg26 : memref<!tpu.dma_semaphore, #tpu.memory_space<semaphore_mem>>)
    %dma_wait3A = arith.constant 0 : i32
    %dma_wait3A_4 = tpu.memref_slice %arg5[%dma_wait3A] : memref<160000xi32, #tpu.memory_space<hbm>> -> memref<160000xi32, #tpu.memory_space<hbm>>
    tpu.wait_indirect_dma semaphore(%arg26 : memref<!tpu.dma_semaphore, #tpu.memory_space<semaphore_mem>>) src(%dma_wait3A_4 : memref<160000xi32, #tpu.memory_space<hbm>>) dst(%arg19 : memref<5000xi32, #tpu.memory_space<vmem>>)
    %dma_start3A_5 = arith.constant 0 : i32
    %dma_start3A_6 = tpu.memref_slice %arg6[%dma_start3A_5] : memref<160000xi32, #tpu.memory_space<hbm>> -> memref<160000xi32, #tpu.memory_space<hbm>>
    tpu.enqueue_indirect_dma source(%dma_start3A_6 : memref<160000xi32, #tpu.memory_space<hbm>>) target(%arg20 : memref<5000xi32, #tpu.memory_space<vmem>>) offsets(%arg17 : memref<5000xi32, #tpu.memory_space<vmem>>) semaphore(%arg26 : memref<!tpu.dma_semaphore, #tpu.memory_space<semaphore_mem>>)
    %dma_wait3A_7 = arith.constant 0 : i32
    %dma_wait3A_8 = tpu.memref_slice %arg6[%dma_wait3A_7] : memref<160000xi32, #tpu.memory_space<hbm>> -> memref<160000xi32, #tpu.memory_space<hbm>>
    tpu.wait_indirect_dma semaphore(%arg26 : memref<!tpu.dma_semaphore, #tpu.memory_space<semaphore_mem>>) src(%dma_wait3A_8 : memref<160000xi32, #tpu.memory_space<hbm>>) dst(%arg20 : memref<5000xi32, #tpu.memory_space<vmem>>)
    %dma_start3A_9 = arith.constant 0 : i32
    %dma_start3A_10 = tpu.memref_slice %arg6[%dma_start3A_9] : memref<160000xi32, #tpu.memory_space<hbm>> -> memref<160000xi32, #tpu.memory_space<hbm>>
    tpu.enqueue_indirect_dma source(%dma_start3A_10 : memref<160000xi32, #tpu.memory_space<hbm>>) target(%arg21 : memref<5000xi32, #tpu.memory_space<vmem>>) offsets(%arg18 : memref<5000xi32, #tpu.memory_space<vmem>>) semaphore(%arg26 : memref<!tpu.dma_semaphore, #tpu.memory_space<semaphore_mem>>)
    %dma_wait3A_11 = arith.constant 0 : i32
    %dma_wait3A_12 = tpu.memref_slice %arg6[%dma_wait3A_11] : memref<160000xi32, #tpu.memory_space<hbm>> -> memref<160000xi32, #tpu.memory_space<hbm>>
    tpu.wait_indirect_dma semaphore(%arg26 : memref<!tpu.dma_semaphore, #tpu.memory_space<semaphore_mem>>) src(%dma_wait3A_12 : memref<160000xi32, #tpu.memory_space<hbm>>) dst(%arg21 : memref<5000xi32, #tpu.memory_space<vmem>>)
    %dma_start3A_13 = arith.constant 0 : i32
    %dma_start3A_14 = tpu.memref_slice %arg9[%dma_start3A_13] : memref<160000xf32, #tpu.memory_space<hbm>> -> memref<160000xf32, #tpu.memory_space<hbm>>
    tpu.enqueue_indirect_dma source(%dma_start3A_14 : memref<160000xf32, #tpu.memory_space<hbm>>) target(%arg22 : memref<5000xf32, #tpu.memory_space<vmem>>) offsets(%arg18 : memref<5000xi32, #tpu.memory_space<vmem>>) semaphore(%arg26 : memref<!tpu.dma_semaphore, #tpu.memory_space<semaphore_mem>>)
    %dma_wait3A_15 = arith.constant 0 : i32
    %dma_wait3A_16 = tpu.memref_slice %arg9[%dma_wait3A_15] : memref<160000xf32, #tpu.memory_space<hbm>> -> memref<160000xf32, #tpu.memory_space<hbm>>
    tpu.wait_indirect_dma semaphore(%arg26 : memref<!tpu.dma_semaphore, #tpu.memory_space<semaphore_mem>>) src(%dma_wait3A_16 : memref<160000xf32, #tpu.memory_space<hbm>>) dst(%arg22 : memref<5000xf32, #tpu.memory_space<vmem>>)
    %scan3A = arith.constant 0 : i32
    %scan3A_17 = arith.constant 0 : i32
    %scan3A_18 = arith.constant 313 : i32
    %scan3A_19 = arith.addi %scan3A_17, %scan3A_18 : i32
    %scan3A_20 = arith.constant 1 : i32
    %scan3A_21 = scf.for %scan3A_23 = %scan3A_17 to %scan3A_19 step %scan3A_20 iter_args(%scan3A_24 = %scan3A) -> (i32)  : i32 {
      %mul3A_25 = arith.constant 16 : i32
      %mul3A_26 = arith.muli %scan3A_23, %mul3A_25 : i32
      %min3A = arith.constant 4984 : i32
      %min3A_27 = arith.minsi %mul3A_26, %min3A : i32
      %get3A = arith.index_cast %min3A_27 : i32 to index
      %get3A_28 = tpu.vector_load %arg19[%get3A] {strides = array<i32>} : memref<5000xi32, #tpu.memory_space<vmem>>, vector<16xi32>,
      %get3A_29 = arith.index_cast %min3A_27 : i32 to index
      %get3A_30 = tpu.vector_load %arg20[%get3A_29] {strides = array<i32>} : memref<5000xi32, #tpu.memory_space<vmem>>, vector<16xi32>,
      %get3A_31 = arith.index_cast %min3A_27 : i32 to index
      %get3A_32 = tpu.vector_load %arg21[%get3A_31] {strides = array<i32>} : memref<5000xi32, #tpu.memory_space<vmem>>, vector<16xi32>,
      %gather3A = tpu.vector_load_idx %arg14[%get3A_30] : memref<10000xf32, #tpu.memory_space<vmem>>[vector<16xi32>], vector<16xf32>,
      %gather3A_33 = tpu.vector_load_idx %arg15[%get3A_30] : memref<10000xf32, #tpu.memory_space<vmem>>[vector<16xi32>], vector<16xf32>,
      %gather3A_34 = tpu.vector_load_idx %arg16[%get3A_30] : memref<10000xf32, #tpu.memory_space<vmem>>[vector<16xi32>], vector<16xf32>,
      %gather3A_35 = tpu.vector_load_idx %arg14[%get3A_28] : memref<10000xf32, #tpu.memory_space<vmem>>[vector<16xi32>], vector<16xf32>,
      %sub3A = arith.subf %gather3A_35, %gather3A : vector<16xf32>
      %gather3A_36 = tpu.vector_load_idx %arg15[%get3A_28] : memref<10000xf32, #tpu.memory_space<vmem>>[vector<16xi32>], vector<16xf32>,
      %sub3A_37 = arith.subf %gather3A_36, %gather3A_33 : vector<16xf32>
      %gather3A_38 = tpu.vector_load_idx %arg16[%get3A_28] : memref<10000xf32, #tpu.memory_space<vmem>>[vector<16xi32>], vector<16xf32>,
      %sub3A_39 = arith.subf %gather3A_38, %gather3A_34 : vector<16xf32>
      %gather3A_40 = tpu.vector_load_idx %arg14[%get3A_32] : memref<10000xf32, #tpu.memory_space<vmem>>[vector<16xi32>], vector<16xf32>,
      %sub3A_41 = arith.subf %gather3A_40, %gather3A : vector<16xf32>
      %gather3A_42 = tpu.vector_load_idx %arg15[%get3A_32] : memref<10000xf32, #tpu.memory_space<vmem>>[vector<16xi32>], vector<16xf32>,
      %sub3A_43 = arith.subf %gather3A_42, %gather3A_33 : vector<16xf32>
      %gather3A_44 = tpu.vector_load_idx %arg16[%get3A_32] : memref<10000xf32, #tpu.memory_space<vmem>>[vector<16xi32>], vector<16xf32>,
      %sub3A_45 = arith.subf %gather3A_44, %gather3A_34 : vector<16xf32>
      %mul3A_46 = arith.mulf %sub3A, %sub3A_41 : vector<16xf32>
      %mul3A_47 = arith.mulf %sub3A_37, %sub3A_43 : vector<16xf32>
      %add3A_48 = arith.addf %mul3A_46, %mul3A_47 : vector<16xf32>
      %mul3A_49 = arith.mulf %sub3A_39, %sub3A_45 : vector<16xf32>
      %add3A_50 = arith.addf %add3A_48, %mul3A_49 : vector<16xf32>
      %swap3A = arith.index_cast %min3A_27 : i32 to index
      %swap3A_51 = tpu.vector_load %arg23[%swap3A] {strides = array<i32>} : memref<5000xf32, #tpu.memory_space<vmem>>, vector<16xf32>,
      tpu.vector_store %arg23[%swap3A], %add3A_50 {strides = array<i32>} : memref<5000xf32, #tpu.memory_space<vmem>>, vector<16xf32>,
      %mul3A_52 = arith.mulf %sub3A, %sub3A : vector<16xf32>
      %mul3A_53 = arith.mulf %sub3A_37, %sub3A_37 : vector<16xf32>
      %add3A_54 = arith.addf %mul3A_52, %mul3A_53 : vector<16xf32>
      %mul3A_55 = arith.mulf %sub3A_39, %sub3A_39 : vector<16xf32>
      %add3A_56 = arith.addf %add3A_54, %mul3A_55 : vector<16xf32>
      %swap3A_57 = arith.index_cast %min3A_27 : i32 to index
      %swap3A_58 = tpu.vector_load %arg24[%swap3A_57] {strides = array<i32>} : memref<5000xf32, #tpu.memory_space<vmem>>, vector<16xf32>,
      tpu.vector_store %arg24[%swap3A_57], %add3A_56 {strides = array<i32>} : memref<5000xf32, #tpu.memory_space<vmem>>, vector<16xf32>,
      %mul3A_59 = arith.mulf %sub3A_41, %sub3A_41 : vector<16xf32>
      %mul3A_60 = arith.mulf %sub3A_43, %sub3A_43 : vector<16xf32>
      %add3A_61 = arith.addf %mul3A_59, %mul3A_60 : vector<16xf32>
      %mul3A_62 = arith.mulf %sub3A_45, %sub3A_45 : vector<16xf32>
      %add3A_63 = arith.addf %add3A_61, %mul3A_62 : vector<16xf32>
      %swap3A_64 = arith.index_cast %min3A_27 : i32 to index
      %swap3A_65 = tpu.vector_load %arg25[%swap3A_64] {strides = array<i32>} : memref<5000xf32, #tpu.memory_space<vmem>>, vector<16xf32>,
      tpu.vector_store %arg25[%swap3A_64], %add3A_63 {strides = array<i32>} : memref<5000xf32, #tpu.memory_space<vmem>>, vector<16xf32>,
      %scan3A_66 = arith.constant 0 : i32
      scf.yield %scan3A_66 : i32
    }
    %scan3A_22 = arith.constant 313 : i32
    "tpu.region"() ({
      %run_scoped3A = tpu.sem_alloc : memref<!tpu.dma_semaphore, #tpu.memory_space<semaphore_mem>>
      %dma_start3A_23 = tpu.memref_slice %arg10[%mul3A_2] : memref<160000xf32, #tpu.memory_space<hbm>> -> memref<5000xf32, #tpu.memory_space<hbm>>
      %dma_start3A_24 = tpu.memref_slice %arg10[%mul3A_2] : memref<160000xf32, #tpu.memory_space<hbm>> -> memref<5000xf32, #tpu.memory_space<hbm>>
      tpu.enqueue_dma source(%arg23 : memref<5000xf32, #tpu.memory_space<vmem>>) target(%dma_start3A_24 : memref<5000xf32, #tpu.memory_space<hbm>>) target_semaphore(%run_scoped3A : memref<!tpu.dma_semaphore, #tpu.memory_space<semaphore_mem>>)
      %dma_wait3A_25 = tpu.memref_slice %arg10[%mul3A_2] : memref<160000xf32, #tpu.memory_space<hbm>> -> memref<5000xf32, #tpu.memory_space<hbm>>
      %dma_wait3A_26 = tpu.memref_slice %arg10[%mul3A_2] : memref<160000xf32, #tpu.memory_space<hbm>> -> memref<5000xf32, #tpu.memory_space<hbm>>
      tpu.wait_dma2 semaphore(%run_scoped3A : memref<!tpu.dma_semaphore, #tpu.memory_space<semaphore_mem>>) src(%arg23 : memref<5000xf32, #tpu.memory_space<vmem>>) dst(%dma_wait3A_26 : memref<5000xf32, #tpu.memory_space<hbm>>)
      tpu.yield
    }) : () -> ()
    "tpu.region"() ({
      %run_scoped3A = tpu.sem_alloc : memref<!tpu.dma_semaphore, #tpu.memory_space<semaphore_mem>>
      %dma_start3A_23 = tpu.memref_slice %arg11[%mul3A_2] : memref<160000xf32, #tpu.memory_space<hbm>> -> memref<5000xf32, #tpu.memory_space<hbm>>
      %dma_start3A_24 = tpu.memref_slice %arg11[%mul3A_2] : memref<160000xf32, #tpu.memory_space<hbm>> -> memref<5000xf32, #tpu.memory_space<hbm>>
      tpu.enqueue_dma source(%arg24 : memref<5000xf32, #tpu.memory_space<vmem>>) target(%dma_start3A_24 : memref<5000xf32, #tpu.memory_space<hbm>>) target_semaphore(%run_scoped3A : memref<!tpu.dma_semaphore, #tpu.memory_space<semaphore_mem>>)
      %dma_wait3A_25 = tpu.memref_slice %arg11[%mul3A_2] : memref<160000xf32, #tpu.memory_space<hbm>> -> memref<5000xf32, #tpu.memory_space<hbm>>
      %dma_wait3A_26 = tpu.memref_slice %arg11[%mul3A_2] : memref<160000xf32, #tpu.memory_space<hbm>> -> memref<5000xf32, #tpu.memory_space<hbm>>
      tpu.wait_dma2 semaphore(%run_scoped3A : memref<!tpu.dma_semaphore, #tpu.memory_space<semaphore_mem>>) src(%arg24 : memref<5000xf32, #tpu.memory_space<vmem>>) dst(%dma_wait3A_26 : memref<5000xf32, #tpu.memory_space<hbm>>)
      tpu.yield
    }) : () -> ()
    "tpu.region"() ({
      %run_scoped3A = tpu.sem_alloc : memref<!tpu.dma_semaphore, #tpu.memory_space<semaphore_mem>>
      %dma_start3A_23 = tpu.memref_slice %arg12[%mul3A_2] : memref<160000xf32, #tpu.memory_space<hbm>> -> memref<5000xf32, #tpu.memory_space<hbm>>
      %dma_start3A_24 = tpu.memref_slice %arg12[%mul3A_2] : memref<160000xf32, #tpu.memory_space<hbm>> -> memref<5000xf32, #tpu.memory_space<hbm>>
      tpu.enqueue_dma source(%arg25 : memref<5000xf32, #tpu.memory_space<vmem>>) target(%dma_start3A_24 : memref<5000xf32, #tpu.memory_space<hbm>>) target_semaphore(%run_scoped3A : memref<!tpu.dma_semaphore, #tpu.memory_space<semaphore_mem>>)
      %dma_wait3A_25 = tpu.memref_slice %arg12[%mul3A_2] : memref<160000xf32, #tpu.memory_space<hbm>> -> memref<5000xf32, #tpu.memory_space<hbm>>
      %dma_wait3A_26 = tpu.memref_slice %arg12[%mul3A_2] : memref<160000xf32, #tpu.memory_space<hbm>> -> memref<5000xf32, #tpu.memory_space<hbm>>
      tpu.wait_dma2 semaphore(%run_scoped3A : memref<!tpu.dma_semaphore, #tpu.memory_space<semaphore_mem>>) src(%arg25 : memref<5000xf32, #tpu.memory_space<vmem>>) dst(%dma_wait3A_26 : memref<5000xf32, #tpu.memory_space<hbm>>)
      tpu.yield
    }) : () -> ()
    "tpu.region"() ({
      %run_scoped3A = tpu.sem_alloc : memref<!tpu.dma_semaphore, #tpu.memory_space<semaphore_mem>>
      %dma_start3A_23 = tpu.memref_slice %arg13[%mul3A_2] : memref<160000xf32, #tpu.memory_space<hbm>> -> memref<5000xf32, #tpu.memory_space<hbm>>
      %dma_start3A_24 = tpu.memref_slice %arg13[%mul3A_2] : memref<160000xf32, #tpu.memory_space<hbm>> -> memref<5000xf32, #tpu.memory_space<hbm>>
      tpu.enqueue_dma source(%arg22 : memref<5000xf32, #tpu.memory_space<vmem>>) target(%dma_start3A_24 : memref<5000xf32, #tpu.memory_space<hbm>>) target_semaphore(%run_scoped3A : memref<!tpu.dma_semaphore, #tpu.memory_space<semaphore_mem>>)
      %dma_wait3A_25 = tpu.memref_slice %arg13[%mul3A_2] : memref<160000xf32, #tpu.memory_space<hbm>> -> memref<5000xf32, #tpu.memory_space<hbm>>
      %dma_wait3A_26 = tpu.memref_slice %arg13[%mul3A_2] : memref<160000xf32, #tpu.memory_space<hbm>> -> memref<5000xf32, #tpu.memory_space<hbm>>
      tpu.wait_dma2 semaphore(%run_scoped3A : memref<!tpu.dma_semaphore, #tpu.memory_space<semaphore_mem>>) src(%arg22 : memref<5000xf32, #tpu.memory_space<vmem>>) dst(%dma_wait3A_26 : memref<5000xf32, #tpu.memory_space<hbm>>)
      tpu.yield
    }) : () -> ()
    return
  }
}

#map = affine_map<(d0, d1) -> (0)>
module attributes {stable_mosaic.version = 14 : i64} {
  func.func @k(%arg0: i32, %arg1: i32, %arg2: memref<10000xf32, #tpu.memory_space<hbm>>, %arg3: memref<10000xf32, #tpu.memory_space<hbm>>, %arg4: memref<10000xf32, #tpu.memory_space<hbm>>, %arg5: memref<160000xi32, #tpu.memory_space<hbm>>, %arg6: memref<160000xi32, #tpu.memory_space<hbm>>, %arg7: memref<160000xf32, #tpu.memory_space<hbm>>, %arg8: memref<10000xf32, #tpu.memory_space<vmem>>, %arg9: memref<10000xf32, #tpu.memory_space<vmem>>, %arg10: memref<10000xf32, #tpu.memory_space<vmem>>, %arg11: memref<5000xi32, #tpu.memory_space<vmem>>, %arg12: memref<5000xi32, #tpu.memory_space<vmem>>, %arg13: memref<5000xf32, #tpu.memory_space<vmem>>) attributes {dimension_semantics = [#tpu.dimension_semantics<core_parallel>, #tpu.dimension_semantics<subcore_parallel>], iteration_bounds = array<i64: 2, 16>, scalar_prefetch = 0 : i64, scratch_operands = 6 : i64, tpu.core_type = #tpu.core_type<sc_vector_subcore>, window_params = [{transform_indices = #map}, {transform_indices = #map}, {transform_indices = #map}, {transform_indices = #map}, {transform_indices = #map}, {transform_indices = #map}]} {
    %mul3A = arith.constant 16 : i32
    %mul3A_0 = arith.muli %arg0, %mul3A : i32
    %add3A = arith.addi %mul3A_0, %arg1 : i32
    %mul3A_1 = arith.constant 5000 : i32
    %mul3A_2 = arith.muli %add3A, %mul3A_1 : i32
    "tpu.region"() ({
      %run_scoped3A = tpu.sem_alloc : memref<!tpu.dma_semaphore, #tpu.memory_space<semaphore_mem>>
      tpu.enqueue_dma source(%arg2 : memref<10000xf32, #tpu.memory_space<hbm>>) target(%arg8 : memref<10000xf32, #tpu.memory_space<vmem>>) target_semaphore(%run_scoped3A : memref<!tpu.dma_semaphore, #tpu.memory_space<semaphore_mem>>)
      tpu.wait_dma2 semaphore(%run_scoped3A : memref<!tpu.dma_semaphore, #tpu.memory_space<semaphore_mem>>) src(%arg2 : memref<10000xf32, #tpu.memory_space<hbm>>) dst(%arg8 : memref<10000xf32, #tpu.memory_space<vmem>>)
      tpu.yield
    }) : () -> ()
    "tpu.region"() ({
      %run_scoped3A = tpu.sem_alloc : memref<!tpu.dma_semaphore, #tpu.memory_space<semaphore_mem>>
      tpu.enqueue_dma source(%arg3 : memref<10000xf32, #tpu.memory_space<hbm>>) target(%arg9 : memref<10000xf32, #tpu.memory_space<vmem>>) target_semaphore(%run_scoped3A : memref<!tpu.dma_semaphore, #tpu.memory_space<semaphore_mem>>)
      tpu.wait_dma2 semaphore(%run_scoped3A : memref<!tpu.dma_semaphore, #tpu.memory_space<semaphore_mem>>) src(%arg3 : memref<10000xf32, #tpu.memory_space<hbm>>) dst(%arg9 : memref<10000xf32, #tpu.memory_space<vmem>>)
      tpu.yield
    }) : () -> ()
    "tpu.region"() ({
      %run_scoped3A = tpu.sem_alloc : memref<!tpu.dma_semaphore, #tpu.memory_space<semaphore_mem>>
      tpu.enqueue_dma source(%arg4 : memref<10000xf32, #tpu.memory_space<hbm>>) target(%arg10 : memref<10000xf32, #tpu.memory_space<vmem>>) target_semaphore(%run_scoped3A : memref<!tpu.dma_semaphore, #tpu.memory_space<semaphore_mem>>)
      tpu.wait_dma2 semaphore(%run_scoped3A : memref<!tpu.dma_semaphore, #tpu.memory_space<semaphore_mem>>) src(%arg4 : memref<10000xf32, #tpu.memory_space<hbm>>) dst(%arg10 : memref<10000xf32, #tpu.memory_space<vmem>>)
      tpu.yield
    }) : () -> ()
    "tpu.region"() ({
      %run_scoped3A = tpu.sem_alloc : memref<!tpu.dma_semaphore, #tpu.memory_space<semaphore_mem>>
      %dma_start3A = tpu.memref_slice %arg5[%mul3A_2] : memref<160000xi32, #tpu.memory_space<hbm>> -> memref<5000xi32, #tpu.memory_space<hbm>>
      %dma_start3A_9 = tpu.memref_slice %arg5[%mul3A_2] : memref<160000xi32, #tpu.memory_space<hbm>> -> memref<5000xi32, #tpu.memory_space<hbm>>
      tpu.enqueue_dma source(%dma_start3A_9 : memref<5000xi32, #tpu.memory_space<hbm>>) target(%arg11 : memref<5000xi32, #tpu.memory_space<vmem>>) target_semaphore(%run_scoped3A : memref<!tpu.dma_semaphore, #tpu.memory_space<semaphore_mem>>)
      %dma_wait3A = tpu.memref_slice %arg5[%mul3A_2] : memref<160000xi32, #tpu.memory_space<hbm>> -> memref<5000xi32, #tpu.memory_space<hbm>>
      %dma_wait3A_10 = tpu.memref_slice %arg5[%mul3A_2] : memref<160000xi32, #tpu.memory_space<hbm>> -> memref<5000xi32, #tpu.memory_space<hbm>>
      tpu.wait_dma2 semaphore(%run_scoped3A : memref<!tpu.dma_semaphore, #tpu.memory_space<semaphore_mem>>) src(%dma_wait3A_10 : memref<5000xi32, #tpu.memory_space<hbm>>) dst(%arg11 : memref<5000xi32, #tpu.memory_space<vmem>>)
      tpu.yield
    }) : () -> ()
    "tpu.region"() ({
      %run_scoped3A = tpu.sem_alloc : memref<!tpu.dma_semaphore, #tpu.memory_space<semaphore_mem>>
      %dma_start3A = tpu.memref_slice %arg6[%mul3A_2] : memref<160000xi32, #tpu.memory_space<hbm>> -> memref<5000xi32, #tpu.memory_space<hbm>>
      %dma_start3A_9 = tpu.memref_slice %arg6[%mul3A_2] : memref<160000xi32, #tpu.memory_space<hbm>> -> memref<5000xi32, #tpu.memory_space<hbm>>
      tpu.enqueue_dma source(%dma_start3A_9 : memref<5000xi32, #tpu.memory_space<hbm>>) target(%arg12 : memref<5000xi32, #tpu.memory_space<vmem>>) target_semaphore(%run_scoped3A : memref<!tpu.dma_semaphore, #tpu.memory_space<semaphore_mem>>)
      %dma_wait3A = tpu.memref_slice %arg6[%mul3A_2] : memref<160000xi32, #tpu.memory_space<hbm>> -> memref<5000xi32, #tpu.memory_space<hbm>>
      %dma_wait3A_10 = tpu.memref_slice %arg6[%mul3A_2] : memref<160000xi32, #tpu.memory_space<hbm>> -> memref<5000xi32, #tpu.memory_space<hbm>>
      tpu.wait_dma2 semaphore(%run_scoped3A : memref<!tpu.dma_semaphore, #tpu.memory_space<semaphore_mem>>) src(%dma_wait3A_10 : memref<5000xi32, #tpu.memory_space<hbm>>) dst(%arg12 : memref<5000xi32, #tpu.memory_space<vmem>>)
      tpu.yield
    }) : () -> ()
    %scan3A = arith.constant 0 : i32
    %scan3A_3 = arith.constant 0 : i32
    %scan3A_4 = arith.constant 313 : i32
    %scan3A_5 = arith.addi %scan3A_3, %scan3A_4 : i32
    %scan3A_6 = arith.constant 1 : i32
    %scan3A_7 = scf.for %scan3A_9 = %scan3A_3 to %scan3A_5 step %scan3A_6 iter_args(%scan3A_10 = %scan3A) -> (i32)  : i32 {
      %mul3A_11 = arith.constant 16 : i32
      %mul3A_12 = arith.muli %scan3A_9, %mul3A_11 : i32
      %min3A = arith.constant 4984 : i32
      %min3A_13 = arith.minsi %mul3A_12, %min3A : i32
      %get3A = arith.index_cast %min3A_13 : i32 to index
      %get3A_14 = tpu.vector_load %arg11[%get3A] {strides = array<i32>} : memref<5000xi32, #tpu.memory_space<vmem>>, vector<16xi32>,
      %get3A_15 = arith.index_cast %min3A_13 : i32 to index
      %get3A_16 = tpu.vector_load %arg12[%get3A_15] {strides = array<i32>} : memref<5000xi32, #tpu.memory_space<vmem>>, vector<16xi32>,
      %gather3A = tpu.vector_load_idx %arg8[%get3A_14] : memref<10000xf32, #tpu.memory_space<vmem>>[vector<16xi32>], vector<16xf32>,
      %gather3A_17 = tpu.vector_load_idx %arg8[%get3A_16] : memref<10000xf32, #tpu.memory_space<vmem>>[vector<16xi32>], vector<16xf32>,
      %sub3A = arith.subf %gather3A, %gather3A_17 : vector<16xf32>
      %gather3A_18 = tpu.vector_load_idx %arg9[%get3A_14] : memref<10000xf32, #tpu.memory_space<vmem>>[vector<16xi32>], vector<16xf32>,
      %gather3A_19 = tpu.vector_load_idx %arg9[%get3A_16] : memref<10000xf32, #tpu.memory_space<vmem>>[vector<16xi32>], vector<16xf32>,
      %sub3A_20 = arith.subf %gather3A_18, %gather3A_19 : vector<16xf32>
      %gather3A_21 = tpu.vector_load_idx %arg10[%get3A_14] : memref<10000xf32, #tpu.memory_space<vmem>>[vector<16xi32>], vector<16xf32>,
      %gather3A_22 = tpu.vector_load_idx %arg10[%get3A_16] : memref<10000xf32, #tpu.memory_space<vmem>>[vector<16xi32>], vector<16xf32>,
      %sub3A_23 = arith.subf %gather3A_21, %gather3A_22 : vector<16xf32>
      %mul3A_24 = arith.mulf %sub3A, %sub3A : vector<16xf32>
      %mul3A_25 = arith.mulf %sub3A_20, %sub3A_20 : vector<16xf32>
      %add3A_26 = arith.addf %mul3A_24, %mul3A_25 : vector<16xf32>
      %mul3A_27 = arith.mulf %sub3A_23, %sub3A_23 : vector<16xf32>
      %add3A_28 = arith.addf %add3A_26, %mul3A_27 : vector<16xf32>
      %swap3A = arith.index_cast %min3A_13 : i32 to index
      %swap3A_29 = tpu.vector_load %arg13[%swap3A] {strides = array<i32>} : memref<5000xf32, #tpu.memory_space<vmem>>, vector<16xf32>,
      tpu.vector_store %arg13[%swap3A], %add3A_28 {strides = array<i32>} : memref<5000xf32, #tpu.memory_space<vmem>>, vector<16xf32>,
      %scan3A_30 = arith.constant 0 : i32
      scf.yield %scan3A_30 : i32
    }
    %scan3A_8 = arith.constant 313 : i32
    "tpu.region"() ({
      %run_scoped3A = tpu.sem_alloc : memref<!tpu.dma_semaphore, #tpu.memory_space<semaphore_mem>>
      %dma_start3A = tpu.memref_slice %arg7[%mul3A_2] : memref<160000xf32, #tpu.memory_space<hbm>> -> memref<5000xf32, #tpu.memory_space<hbm>>
      %dma_start3A_9 = tpu.memref_slice %arg7[%mul3A_2] : memref<160000xf32, #tpu.memory_space<hbm>> -> memref<5000xf32, #tpu.memory_space<hbm>>
      tpu.enqueue_dma source(%arg13 : memref<5000xf32, #tpu.memory_space<vmem>>) target(%dma_start3A_9 : memref<5000xf32, #tpu.memory_space<hbm>>) target_semaphore(%run_scoped3A : memref<!tpu.dma_semaphore, #tpu.memory_space<semaphore_mem>>)
      %dma_wait3A = tpu.memref_slice %arg7[%mul3A_2] : memref<160000xf32, #tpu.memory_space<hbm>> -> memref<5000xf32, #tpu.memory_space<hbm>>
      %dma_wait3A_10 = tpu.memref_slice %arg7[%mul3A_2] : memref<160000xf32, #tpu.memory_space<hbm>> -> memref<5000xf32, #tpu.memory_space<hbm>>
      tpu.wait_dma2 semaphore(%run_scoped3A : memref<!tpu.dma_semaphore, #tpu.memory_space<semaphore_mem>>) src(%arg13 : memref<5000xf32, #tpu.memory_space<vmem>>) dst(%dma_wait3A_10 : memref<5000xf32, #tpu.memory_space<hbm>>)
      tpu.yield
    }) : () -> ()
    return
  }
}

#map = affine_map<(d0, d1) -> (0, 0)>
#map1 = affine_map<(d0, d1) -> (0)>
module attributes {stable_mosaic.version = 14 : i64} {
  func.func @k(%arg0: i32, %arg1: i32, %arg2: memref<160000x128xf32, #tpu.memory_space<hbm>>, %arg3: memref<160000xi32, #tpu.memory_space<hbm>>, %arg4: memref<160000x128xf32, #tpu.memory_space<hbm>>, %arg5: memref<10000xi32, #tpu.memory_space<vmem>>, %arg6: memref<10144xi32, #tpu.memory_space<vmem>>, %arg7: memref<64x128xf32, #tpu.memory_space<vmem>>, %arg8: memref<16x128xf32, #tpu.memory_space<vmem>>, %arg9: memref<8192x128xf32, #tpu.memory_space<vmem_shared>>, %arg10: memref<!tpu.dma_semaphore, #tpu.memory_space<semaphore_mem>>, %arg11: memref<!tpu.dma_semaphore, #tpu.memory_space<semaphore_mem>>) attributes {dimension_semantics = [#tpu.dimension_semantics<core_parallel>, #tpu.dimension_semantics<subcore_parallel>], iteration_bounds = array<i64: 2, 16>, scalar_prefetch = 0 : i64, scratch_operands = 7 : i64, tpu.core_type = #tpu.core_type<sc_vector_subcore>, window_params = [{transform_indices = #map}, {transform_indices = #map1}, {transform_indices = #map}]} {
    %mul3A = arith.constant 10000 : i32
    %mul3A_0 = arith.muli %arg1, %mul3A : i32
    "tpu.region"() ({
      %run_scoped3A = tpu.sem_alloc : memref<!tpu.dma_semaphore, #tpu.memory_space<semaphore_mem>>
      %dma_start3A = tpu.memref_slice %arg3[%mul3A_0] : memref<160000xi32, #tpu.memory_space<hbm>> -> memref<10000xi32, #tpu.memory_space<hbm>>
      %dma_start3A_14 = tpu.memref_slice %arg3[%mul3A_0] : memref<160000xi32, #tpu.memory_space<hbm>> -> memref<10000xi32, #tpu.memory_space<hbm>>
      tpu.enqueue_dma source(%dma_start3A_14 : memref<10000xi32, #tpu.memory_space<hbm>>) target(%arg5 : memref<10000xi32, #tpu.memory_space<vmem>>) target_semaphore(%run_scoped3A : memref<!tpu.dma_semaphore, #tpu.memory_space<semaphore_mem>>)
      %dma_wait3A = tpu.memref_slice %arg3[%mul3A_0] : memref<160000xi32, #tpu.memory_space<hbm>> -> memref<10000xi32, #tpu.memory_space<hbm>>
      %dma_wait3A_15 = tpu.memref_slice %arg3[%mul3A_0] : memref<160000xi32, #tpu.memory_space<hbm>> -> memref<10000xi32, #tpu.memory_space<hbm>>
      tpu.wait_dma2 semaphore(%run_scoped3A : memref<!tpu.dma_semaphore, #tpu.memory_space<semaphore_mem>>) src(%dma_wait3A_15 : memref<10000xi32, #tpu.memory_space<hbm>>) dst(%arg5 : memref<10000xi32, #tpu.memory_space<vmem>>)
      tpu.yield
    }) : () -> ()
    %scan3A = arith.constant 0 : i32
    %scan3A_1 = arith.constant 0 : i32
    %scan3A_2 = arith.constant 16 : i32
    %scan3A_3 = arith.addi %scan3A_1, %scan3A_2 : i32
    %scan3A_4 = arith.constant 1 : i32
    %scan3A_5 = scf.for %scan3A_14 = %scan3A_1 to %scan3A_3 step %scan3A_4 iter_args(%scan3A_15 = %scan3A) -> (i32)  : i32 {
      %broadcast_in_dim3A = arith.constant 0.000000e+00 : f32
      %broadcast_in_dim3A_16 = vector.broadcast %broadcast_in_dim3A : f32 to vector<16xf32>
      %swap3A = arith.index_cast %scan3A_14 : i32 to index
      %swap3A_17 = arith.constant 0 : index
      %swap3A_18 = tpu.vector_load %arg8[%swap3A, %swap3A_17] {strides = array<i32>} : memref<16x128xf32, #tpu.memory_space<vmem>>, vector<16xf32>,
      tpu.vector_store %arg8[%swap3A, %swap3A_17], %broadcast_in_dim3A_16 {strides = array<i32>} : memref<16x128xf32, #tpu.memory_space<vmem>>, vector<16xf32>,
      %broadcast_in_dim3A_19 = arith.constant 0.000000e+00 : f32
      %broadcast_in_dim3A_20 = vector.broadcast %broadcast_in_dim3A_19 : f32 to vector<16xf32>
      %swap3A_21 = arith.index_cast %scan3A_14 : i32 to index
      %swap3A_22 = arith.constant 16 : index
      %swap3A_23 = tpu.vector_load %arg8[%swap3A_21, %swap3A_22] {strides = array<i32>} : memref<16x128xf32, #tpu.memory_space<vmem>>, vector<16xf32>,
      tpu.vector_store %arg8[%swap3A_21, %swap3A_22], %broadcast_in_dim3A_20 {strides = array<i32>} : memref<16x128xf32, #tpu.memory_space<vmem>>, vector<16xf32>,
      %broadcast_in_dim3A_24 = arith.constant 0.000000e+00 : f32
      %broadcast_in_dim3A_25 = vector.broadcast %broadcast_in_dim3A_24 : f32 to vector<16xf32>
      %swap3A_26 = arith.index_cast %scan3A_14 : i32 to index
      %swap3A_27 = arith.constant 32 : index
      %swap3A_28 = tpu.vector_load %arg8[%swap3A_26, %swap3A_27] {strides = array<i32>} : memref<16x128xf32, #tpu.memory_space<vmem>>, vector<16xf32>,
      tpu.vector_store %arg8[%swap3A_26, %swap3A_27], %broadcast_in_dim3A_25 {strides = array<i32>} : memref<16x128xf32, #tpu.memory_space<vmem>>, vector<16xf32>,
      %broadcast_in_dim3A_29 = arith.constant 0.000000e+00 : f32
      %broadcast_in_dim3A_30 = vector.broadcast %broadcast_in_dim3A_29 : f32 to vector<16xf32>
      %swap3A_31 = arith.index_cast %scan3A_14 : i32 to index
      %swap3A_32 = arith.constant 48 : index
      %swap3A_33 = tpu.vector_load %arg8[%swap3A_31, %swap3A_32] {strides = array<i32>} : memref<16x128xf32, #tpu.memory_space<vmem>>, vector<16xf32>,
      tpu.vector_store %arg8[%swap3A_31, %swap3A_32], %broadcast_in_dim3A_30 {strides = array<i32>} : memref<16x128xf32, #tpu.memory_space<vmem>>, vector<16xf32>,
      %broadcast_in_dim3A_34 = arith.constant 0.000000e+00 : f32
      %broadcast_in_dim3A_35 = vector.broadcast %broadcast_in_dim3A_34 : f32 to vector<16xf32>
      %swap3A_36 = arith.index_cast %scan3A_14 : i32 to index
      %swap3A_37 = arith.constant 64 : index
      %swap3A_38 = tpu.vector_load %arg8[%swap3A_36, %swap3A_37] {strides = array<i32>} : memref<16x128xf32, #tpu.memory_space<vmem>>, vector<16xf32>,
      tpu.vector_store %arg8[%swap3A_36, %swap3A_37], %broadcast_in_dim3A_35 {strides = array<i32>} : memref<16x128xf32, #tpu.memory_space<vmem>>, vector<16xf32>,
      %broadcast_in_dim3A_39 = arith.constant 0.000000e+00 : f32
      %broadcast_in_dim3A_40 = vector.broadcast %broadcast_in_dim3A_39 : f32 to vector<16xf32>
      %swap3A_41 = arith.index_cast %scan3A_14 : i32 to index
      %swap3A_42 = arith.constant 80 : index
      %swap3A_43 = tpu.vector_load %arg8[%swap3A_41, %swap3A_42] {strides = array<i32>} : memref<16x128xf32, #tpu.memory_space<vmem>>, vector<16xf32>,
      tpu.vector_store %arg8[%swap3A_41, %swap3A_42], %broadcast_in_dim3A_40 {strides = array<i32>} : memref<16x128xf32, #tpu.memory_space<vmem>>, vector<16xf32>,
      %broadcast_in_dim3A_44 = arith.constant 0.000000e+00 : f32
      %broadcast_in_dim3A_45 = vector.broadcast %broadcast_in_dim3A_44 : f32 to vector<16xf32>
      %swap3A_46 = arith.index_cast %scan3A_14 : i32 to index
      %swap3A_47 = arith.constant 96 : index
      %swap3A_48 = tpu.vector_load %arg8[%swap3A_46, %swap3A_47] {strides = array<i32>} : memref<16x128xf32, #tpu.memory_space<vmem>>, vector<16xf32>,
      tpu.vector_store %arg8[%swap3A_46, %swap3A_47], %broadcast_in_dim3A_45 {strides = array<i32>} : memref<16x128xf32, #tpu.memory_space<vmem>>, vector<16xf32>,
      %broadcast_in_dim3A_49 = arith.constant 0.000000e+00 : f32
      %broadcast_in_dim3A_50 = vector.broadcast %broadcast_in_dim3A_49 : f32 to vector<16xf32>
      %swap3A_51 = arith.index_cast %scan3A_14 : i32 to index
      %swap3A_52 = arith.constant 112 : index
      %swap3A_53 = tpu.vector_load %arg8[%swap3A_51, %swap3A_52] {strides = array<i32>} : memref<16x128xf32, #tpu.memory_space<vmem>>, vector<16xf32>,
      tpu.vector_store %arg8[%swap3A_51, %swap3A_52], %broadcast_in_dim3A_50 {strides = array<i32>} : memref<16x128xf32, #tpu.memory_space<vmem>>, vector<16xf32>,
      %scan3A_54 = arith.constant 0 : i32
      scf.yield %scan3A_54 : i32
    }
    %scan3A_6 = arith.constant 16 : i32
    %scan3A_7 = arith.constant 0 : i32
    %scan3A_8 = arith.constant 0 : i32
    %scan3A_9 = arith.constant 10 : i32
    %scan3A_10 = arith.addi %scan3A_8, %scan3A_9 : i32
    %scan3A_11 = arith.constant 1 : i32
    %scan3A_12 = scf.for %scan3A_14 = %scan3A_8 to %scan3A_10 step %scan3A_11 iter_args(%scan3A_15 = %scan3A_7) -> (i32)  : i32 {
      %mul3A_16 = arith.constant 80000 : i32
      %mul3A_17 = arith.muli %arg0, %mul3A_16 : i32
      %mul3A_18 = arith.constant 8000 : i32
      %mul3A_19 = arith.muli %scan3A_14, %mul3A_18 : i32
      %add3A = arith.addi %mul3A_17, %mul3A_19 : i32
      %scan3A_20 = arith.constant 0 : i32
      %scan3A_21 = arith.constant 0 : i32
      %scan3A_22 = arith.constant 32 : i32
      %scan3A_23 = arith.addi %scan3A_21, %scan3A_22 : i32
      %scan3A_24 = arith.constant 1 : i32
      %scan3A_25 = scf.for %scan3A_114 = %scan3A_21 to %scan3A_23 step %scan3A_24 iter_args(%scan3A_115 = %scan3A_20) -> (i32)  : i32 {
        %mul3A_116 = arith.constant 512 : i32
        %mul3A_117 = arith.muli %arg1, %mul3A_116 : i32
        %mul3A_118 = arith.constant 16 : i32
        %mul3A_119 = arith.muli %scan3A_114, %mul3A_118 : i32
        %add3A_120 = arith.addi %mul3A_117, %mul3A_119 : i32
        %multiple_of3A = tpu.assume_multiple %add3A_120, 8 : i32
        "tpu.region"() ({
          %run_scoped3A = tpu.sem_alloc : memref<!tpu.dma_semaphore, #tpu.memory_space<semaphore_mem>>
          %dma_start3A = arith.constant 0 : i32
          %dma_start3A_122 = tpu.memref_slice %arg9[%multiple_of3A, %dma_start3A] : memref<8192x128xf32, #tpu.memory_space<vmem_shared>> -> memref<16x128xf32, #tpu.memory_space<vmem_shared>>
          %dma_start3A_123 = arith.constant 0 : i32
          %dma_start3A_124 = tpu.memref_slice %arg9[%multiple_of3A, %dma_start3A_123] : memref<8192x128xf32, #tpu.memory_space<vmem_shared>> -> memref<16x128xf32, #tpu.memory_space<vmem_shared>>
          tpu.enqueue_dma source(%arg8 : memref<16x128xf32, #tpu.memory_space<vmem>>) target(%dma_start3A_124 : memref<16x128xf32, #tpu.memory_space<vmem_shared>>) target_semaphore(%run_scoped3A : memref<!tpu.dma_semaphore, #tpu.memory_space<semaphore_mem>>)
          %dma_wait3A = arith.constant 0 : i32
          %dma_wait3A_125 = tpu.memref_slice %arg9[%multiple_of3A, %dma_wait3A] : memref<8192x128xf32, #tpu.memory_space<vmem_shared>> -> memref<16x128xf32, #tpu.memory_space<vmem_shared>>
          %dma_wait3A_126 = arith.constant 0 : i32
          %dma_wait3A_127 = tpu.memref_slice %arg9[%multiple_of3A, %dma_wait3A_126] : memref<8192x128xf32, #tpu.memory_space<vmem_shared>> -> memref<16x128xf32, #tpu.memory_space<vmem_shared>>
          tpu.wait_dma2 semaphore(%run_scoped3A : memref<!tpu.dma_semaphore, #tpu.memory_space<semaphore_mem>>) src(%arg8 : memref<16x128xf32, #tpu.memory_space<vmem>>) dst(%dma_wait3A_127 : memref<16x128xf32, #tpu.memory_space<vmem_shared>>)
          tpu.yield
        }) : () -> ()
        %scan3A_121 = arith.constant 0 : i32
        scf.yield %scan3A_121 : i32
      }
      %scan3A_26 = arith.constant 32 : i32
      %barrier3A = arith.constant 0 : index
      tpu.barrier barrier_id(%barrier3A)
      %scan3A_27 = arith.constant 0 : i32
      %scan3A_28 = arith.constant 0 : i32
      %scan3A_29 = arith.constant 625 : i32
      %scan3A_30 = arith.addi %scan3A_28, %scan3A_29 : i32
      %scan3A_31 = arith.constant 1 : i32
      %scan3A_32 = scf.for %scan3A_114 = %scan3A_28 to %scan3A_30 step %scan3A_31 iter_args(%scan3A_115 = %scan3A_27) -> (i32)  : i32 {
        %mul3A_116 = arith.constant 16 : i32
        %mul3A_117 = arith.muli %scan3A_114, %mul3A_116 : i32
        %get3A = arith.index_cast %mul3A_117 : i32 to index
        %get3A_118 = tpu.vector_load %arg5[%get3A] {strides = array<i32>} : memref<10000xi32, #tpu.memory_space<vmem>>, vector<16xi32>,
        %sub3A_119 = vector.broadcast %add3A : i32 to vector<16xi32>
        %sub3A_120 = arith.subi %get3A_118, %sub3A_119 : vector<16xi32>
        %ge3A = arith.constant 0 : i32
        %ge3A_121 = vector.broadcast %ge3A : i32 to vector<16xi32>
        %ge3A_122 = arith.cmpi sge, %sub3A_120, %ge3A_121 : vector<16xi32>
        %lt3A_123 = arith.constant 8000 : i32
        %lt3A_124 = vector.broadcast %lt3A_123 : i32 to vector<16xi32>
        %lt3A_125 = arith.cmpi slt, %sub3A_120, %lt3A_124 : vector<16xi32>
        %and3A_126 = arith.andi %ge3A_122, %lt3A_125 : vector<16xi1>
        %iota3A = tpu.iota {dimensions = array<i32: 0>} : vector<16xi32>
        %mul3A_127 = arith.constant 16 : i32
        %mul3A_128 = arith.muli %scan3A_114, %mul3A_127 : i32
        %add3A_129 = arith.addi %mul3A_0, %mul3A_128 : i32
        %add3A_130 = vector.broadcast %add3A_129 : i32 to vector<16xi32>
        %add3A_131 = arith.addi %iota3A, %add3A_130 : vector<16xi32>
        %shift_left3A = arith.constant 13 : i32
        %shift_left3A_132 = vector.broadcast %shift_left3A : i32 to vector<16xi32>
        %shift_left3A_133 = arith.shli %add3A_131, %shift_left3A_132 : vector<16xi32>
        %or3A = arith.ori %shift_left3A_133, %sub3A_120 : vector<16xi32>
        %swap3A_134 = arith.index_cast %scan3A_115 : i32 to index
        %swap3A_135 = tpu.vector_load %arg6[%swap3A_134] masked %and3A_126 {strides = array<i32>} : memref<10144xi32, #tpu.memory_space<vmem>>, vector<16xi32>, vector<16xi1>
        tpu.vector_store %arg6[%swap3A_134], %or3A masked %and3A_126 {strides = array<i32>} : memref<10144xi32, #tpu.memory_space<vmem>>, vector<16xi32>, vector<16xi1>
        %jit3A_136 = arith.constant 1 : i32
        %jit3A_137 = arith.constant 0 : i32
        %broadcast_in_dim3A_138 = vector.broadcast %jit3A_136 : i32 to vector<16xi32>
        %broadcast_in_dim3A_139 = vector.broadcast %jit3A_137 : i32 to vector<16xi32>
        %select_n3A_140 = arith.select %and3A_126, %broadcast_in_dim3A_138, %broadcast_in_dim3A_139 : vector<16xi1>, vector<16xi32>
        %reduce_sum3A = arith.constant true
        %reduce_sum3A_141 = vector.broadcast %reduce_sum3A : i1 to vector<16xi1>
        %reduce_sum3A_142 = tpu.scan <sum>, %select_n3A_140 masked %reduce_sum3A_141 : vector<16xi32>, vector<16xi1> -> vector<16xi32>
        %reduce_sum3A_143 = vector.extract %reduce_sum3A_142[15] : i32 from vector<16xi32>
        %add3A_144 = arith.addi %scan3A_115, %reduce_sum3A_143 : i32
        scf.yield %add3A_144 : i32
      }
      %scan3A_33 = arith.constant 625 : i32
      %broadcast_in_dim3A = arith.constant 8000 : i32
      %broadcast_in_dim3A_34 = vector.broadcast %broadcast_in_dim3A : i32 to vector<16xi32>
      %add3A_35 = arith.constant 0 : i32
      %add3A_36 = arith.addi %scan3A_32, %add3A_35 : i32
      %swap3A = arith.index_cast %add3A_36 : i32 to index
      %swap3A_37 = tpu.vector_load %arg6[%swap3A] {strides = array<i32>} : memref<10144xi32, #tpu.memory_space<vmem>>, vector<16xi32>,
      tpu.vector_store %arg6[%swap3A], %broadcast_in_dim3A_34 {strides = array<i32>} : memref<10144xi32, #tpu.memory_space<vmem>>, vector<16xi32>,
      %broadcast_in_dim3A_38 = arith.constant 8000 : i32
      %broadcast_in_dim3A_39 = vector.broadcast %broadcast_in_dim3A_38 : i32 to vector<16xi32>
      %add3A_40 = arith.constant 16 : i32
      %add3A_41 = arith.addi %scan3A_32, %add3A_40 : i32
      %swap3A_42 = arith.index_cast %add3A_41 : i32 to index
      %swap3A_43 = tpu.vector_load %arg6[%swap3A_42] {strides = array<i32>} : memref<10144xi32, #tpu.memory_space<vmem>>, vector<16xi32>,
      tpu.vector_store %arg6[%swap3A_42], %broadcast_in_dim3A_39 {strides = array<i32>} : memref<10144xi32, #tpu.memory_space<vmem>>, vector<16xi32>,
      %broadcast_in_dim3A_44 = arith.constant 8000 : i32
      %broadcast_in_dim3A_45 = vector.broadcast %broadcast_in_dim3A_44 : i32 to vector<16xi32>
      %add3A_46 = arith.constant 32 : i32
      %add3A_47 = arith.addi %scan3A_32, %add3A_46 : i32
      %swap3A_48 = arith.index_cast %add3A_47 : i32 to index
      %swap3A_49 = tpu.vector_load %arg6[%swap3A_48] {strides = array<i32>} : memref<10144xi32, #tpu.memory_space<vmem>>, vector<16xi32>,
      tpu.vector_store %arg6[%swap3A_48], %broadcast_in_dim3A_45 {strides = array<i32>} : memref<10144xi32, #tpu.memory_space<vmem>>, vector<16xi32>,
      %broadcast_in_dim3A_50 = arith.constant 8000 : i32
      %broadcast_in_dim3A_51 = vector.broadcast %broadcast_in_dim3A_50 : i32 to vector<16xi32>
      %add3A_52 = arith.constant 48 : i32
      %add3A_53 = arith.addi %scan3A_32, %add3A_52 : i32
      %swap3A_54 = arith.index_cast %add3A_53 : i32 to index
      %swap3A_55 = tpu.vector_load %arg6[%swap3A_54] {strides = array<i32>} : memref<10144xi32, #tpu.memory_space<vmem>>, vector<16xi32>,
      tpu.vector_store %arg6[%swap3A_54], %broadcast_in_dim3A_51 {strides = array<i32>} : memref<10144xi32, #tpu.memory_space<vmem>>, vector<16xi32>,
      %broadcast_in_dim3A_56 = arith.constant 8000 : i32
      %broadcast_in_dim3A_57 = vector.broadcast %broadcast_in_dim3A_56 : i32 to vector<16xi32>
      %add3A_58 = arith.constant 64 : i32
      %add3A_59 = arith.addi %scan3A_32, %add3A_58 : i32
      %swap3A_60 = arith.index_cast %add3A_59 : i32 to index
      %swap3A_61 = tpu.vector_load %arg6[%swap3A_60] {strides = array<i32>} : memref<10144xi32, #tpu.memory_space<vmem>>, vector<16xi32>,
      tpu.vector_store %arg6[%swap3A_60], %broadcast_in_dim3A_57 {strides = array<i32>} : memref<10144xi32, #tpu.memory_space<vmem>>, vector<16xi32>,
      %broadcast_in_dim3A_62 = arith.constant 8000 : i32
      %broadcast_in_dim3A_63 = vector.broadcast %broadcast_in_dim3A_62 : i32 to vector<16xi32>
      %add3A_64 = arith.constant 80 : i32
      %add3A_65 = arith.addi %scan3A_32, %add3A_64 : i32
      %swap3A_66 = arith.index_cast %add3A_65 : i32 to index
      %swap3A_67 = tpu.vector_load %arg6[%swap3A_66] {strides = array<i32>} : memref<10144xi32, #tpu.memory_space<vmem>>, vector<16xi32>,
      tpu.vector_store %arg6[%swap3A_66], %broadcast_in_dim3A_63 {strides = array<i32>} : memref<10144xi32, #tpu.memory_space<vmem>>, vector<16xi32>,
      %broadcast_in_dim3A_68 = arith.constant 8000 : i32
      %broadcast_in_dim3A_69 = vector.broadcast %broadcast_in_dim3A_68 : i32 to vector<16xi32>
      %add3A_70 = arith.constant 96 : i32
      %add3A_71 = arith.addi %scan3A_32, %add3A_70 : i32
      %swap3A_72 = arith.index_cast %add3A_71 : i32 to index
      %swap3A_73 = tpu.vector_load %arg6[%swap3A_72] {strides = array<i32>} : memref<10144xi32, #tpu.memory_space<vmem>>, vector<16xi32>,
      tpu.vector_store %arg6[%swap3A_72], %broadcast_in_dim3A_69 {strides = array<i32>} : memref<10144xi32, #tpu.memory_space<vmem>>, vector<16xi32>,
      %broadcast_in_dim3A_74 = arith.constant 8000 : i32
      %broadcast_in_dim3A_75 = vector.broadcast %broadcast_in_dim3A_74 : i32 to vector<16xi32>
      %add3A_76 = arith.constant 112 : i32
      %add3A_77 = arith.addi %scan3A_32, %add3A_76 : i32
      %swap3A_78 = arith.index_cast %add3A_77 : i32 to index
      %swap3A_79 = tpu.vector_load %arg6[%swap3A_78] {strides = array<i32>} : memref<10144xi32, #tpu.memory_space<vmem>>, vector<16xi32>,
      tpu.vector_store %arg6[%swap3A_78], %broadcast_in_dim3A_75 {strides = array<i32>} : memref<10144xi32, #tpu.memory_space<vmem>>, vector<16xi32>,
      %add3A_80 = arith.constant 15 : i32
      %add3A_81 = arith.addi %scan3A_32, %add3A_80 : i32
      %jit3A = arith.constant 16 : i32
      %div3A = arith.divsi %add3A_81, %jit3A : i32
      %sign3A = arith.constant 0 : i32
      %sign3A_82 = arith.cmpi sgt, %add3A_81, %sign3A : i32
      %sign3A_83 = arith.extui %sign3A_82 : i1 to i32
      %sign3A_84 = arith.constant 0 : i32
      %sign3A_85 = arith.cmpi slt, %add3A_81, %sign3A_84 : i32
      %sign3A_86 = arith.extui %sign3A_85 : i1 to i32
      %sign3A_87 = arith.subi %sign3A_83, %sign3A_86 : i32
      %sign3A_88 = arith.constant 0 : i32
      %sign3A_89 = arith.cmpi sgt, %jit3A, %sign3A_88 : i32
      %sign3A_90 = arith.extui %sign3A_89 : i1 to i32
      %sign3A_91 = arith.constant 0 : i32
      %sign3A_92 = arith.cmpi slt, %jit3A, %sign3A_91 : i32
      %sign3A_93 = arith.extui %sign3A_92 : i1 to i32
      %sign3A_94 = arith.subi %sign3A_90, %sign3A_93 : i32
      %ne3A = arith.cmpi ne, %sign3A_87, %sign3A_94 : i32
      %rem3A = arith.remsi %add3A_81, %jit3A : i32
      %ne3A_95 = arith.constant 0 : i32
      %ne3A_96 = arith.cmpi ne, %rem3A, %ne3A_95 : i32
      %and3A = arith.andi %ne3A, %ne3A_96 : i1
      %sub3A = arith.constant 1 : i32
      %sub3A_97 = arith.subi %div3A, %sub3A : i32
      %select_n3A = arith.select %and3A, %sub3A_97, %div3A : i32
      %while3A = arith.constant 0 : i32
      %while3A_98 = arith.constant 0 : i32
      %while3A_99 = arith.subi %select_n3A, %while3A : i32
      %while3A_100 = arith.addi %while3A, %while3A_99 : i32
      %while3A_101 = arith.constant 1 : i32
      %while3A_102 = arith.divsi %while3A_99, %while3A_101 : i32
      %while3A_103 = arith.muli %while3A_102, %while3A_101 : i32
      %while3A_104 = arith.addi %while3A, %while3A_103 : i32
      %while3A_105 = arith.constant 1 : i32
      %while3A_106 = scf.for %while3A_114 = %while3A to %while3A_104 step %while3A_105 iter_args(%while3A_115 = %while3A_98) -> (i32)  : i32 {
        %mul3A_116 = arith.constant 16 : i32
        %mul3A_117 = arith.muli %while3A_114, %mul3A_116 : i32
        %get3A = arith.index_cast %mul3A_117 : i32 to index
        %get3A_118 = tpu.vector_load %arg6[%get3A] {strides = array<i32>} : memref<10144xi32, #tpu.memory_space<vmem>>, vector<16xi32>,
        %shift_right_logical3A = arith.constant 13 : i32
        %shift_right_logical3A_119 = vector.broadcast %shift_right_logical3A : i32 to vector<16xi32>
        %shift_right_logical3A_120 = arith.shrui %get3A_118, %shift_right_logical3A_119 : vector<16xi32>
        %and3A_121 = arith.constant 8191 : i32
        %and3A_122 = vector.broadcast %and3A_121 : i32 to vector<16xi32>
        %and3A_123 = arith.andi %get3A_118, %and3A_122 : vector<16xi32>
        %dma_start3A = arith.constant 0 : i32
        %dma_start3A_124 = arith.constant 0 : i32
        %dma_start3A_125 = tpu.memref_slice %arg7[%dma_start3A, %dma_start3A_124] : memref<64x128xf32, #tpu.memory_space<vmem>> -> memref<16x128xf32, #tpu.memory_space<vmem>>
        %dma_start3A_126 = arith.constant 0 : i32
        %dma_start3A_127 = arith.constant 0 : i32
        %dma_start3A_128 = tpu.memref_slice %arg2[%dma_start3A_126, %dma_start3A_127] : memref<160000x128xf32, #tpu.memory_space<hbm>> -> memref<160000x128xf32, #tpu.memory_space<hbm>>
        tpu.enqueue_indirect_dma source(%dma_start3A_128 : memref<160000x128xf32, #tpu.memory_space<hbm>>) target(%dma_start3A_125 : memref<16x128xf32, #tpu.memory_space<vmem>>) offsets(%shift_right_logical3A_120 : vector<16xi32>) semaphore(%arg10 : memref<!tpu.dma_semaphore, #tpu.memory_space<semaphore_mem>>)
        %dma_wait3A = arith.constant 0 : i32
        %dma_wait3A_129 = arith.constant 0 : i32
        %dma_wait3A_130 = tpu.memref_slice %arg7[%dma_wait3A, %dma_wait3A_129] : memref<64x128xf32, #tpu.memory_space<vmem>> -> memref<16x128xf32, #tpu.memory_space<vmem>>
        %dma_wait3A_131 = arith.constant 0 : i32
        %dma_wait3A_132 = arith.constant 0 : i32
        %dma_wait3A_133 = tpu.memref_slice %arg2[%dma_wait3A_131, %dma_wait3A_132] : memref<160000x128xf32, #tpu.memory_space<hbm>> -> memref<160000x128xf32, #tpu.memory_space<hbm>>
        tpu.wait_indirect_dma semaphore(%arg10 : memref<!tpu.dma_semaphore, #tpu.memory_space<semaphore_mem>>) src(%dma_wait3A_133 : memref<160000x128xf32, #tpu.memory_space<hbm>>) dst(%dma_wait3A_130 : memref<16x128xf32, #tpu.memory_space<vmem>>)
        "tpu.region"() ({
          %run_scoped3A = tpu.sem_alloc : memref<!tpu.dma_semaphore, #tpu.memory_space<semaphore_mem>>
          %dma_start3A_135 = arith.constant 0 : i32
          %dma_start3A_136 = arith.constant 0 : i32
          %dma_start3A_137 = tpu.memref_slice %arg7[%dma_start3A_135, %dma_start3A_136] : memref<64x128xf32, #tpu.memory_space<vmem>> -> memref<16x128xf32, #tpu.memory_space<vmem>>
          %dma_start3A_138 = arith.constant 0 : i32
          %dma_start3A_139 = arith.constant 0 : i32
          %dma_start3A_140 = tpu.memref_slice %arg9[%dma_start3A_138, %dma_start3A_139] : memref<8192x128xf32, #tpu.memory_space<vmem_shared>> -> memref<8192x128xf32, #tpu.memory_space<vmem_shared>>
          tpu.enqueue_indirect_dma source(%dma_start3A_137 : memref<16x128xf32, #tpu.memory_space<vmem>>) target(%dma_start3A_140 : memref<8192x128xf32, #tpu.memory_space<vmem_shared>>) offsets(%and3A_123 : vector<16xi32>) semaphore(%run_scoped3A : memref<!tpu.dma_semaphore, #tpu.memory_space<semaphore_mem>>) {add = true}
          %dma_wait3A_141 = arith.constant 0 : i32
          %dma_wait3A_142 = arith.constant 0 : i32
          %dma_wait3A_143 = tpu.memref_slice %arg7[%dma_wait3A_141, %dma_wait3A_142] : memref<64x128xf32, #tpu.memory_space<vmem>> -> memref<16x128xf32, #tpu.memory_space<vmem>>
          %dma_wait3A_144 = arith.constant 0 : i32
          %dma_wait3A_145 = arith.constant 0 : i32
          %dma_wait3A_146 = tpu.memref_slice %arg9[%dma_wait3A_144, %dma_wait3A_145] : memref<8192x128xf32, #tpu.memory_space<vmem_shared>> -> memref<8192x128xf32, #tpu.memory_space<vmem_shared>>
          tpu.wait_indirect_dma semaphore(%run_scoped3A : memref<!tpu.dma_semaphore, #tpu.memory_space<semaphore_mem>>) src(%dma_wait3A_143 : memref<16x128xf32, #tpu.memory_space<vmem>>) dst(%dma_wait3A_146 : memref<8192x128xf32, #tpu.memory_space<vmem_shared>>)
          tpu.yield
        }) : () -> ()
        %while3A_134 = arith.constant 0 : i32
        scf.yield %while3A_134 : i32
      }
      %while3A_107 = arith.constant 1 : i32
      %while3A_108 = scf.for %while3A_114 = %while3A_104 to %while3A_100 step %while3A_107 iter_args(%while3A_115 = %while3A_106) -> (i32)  : i32 {
        %mul3A_116 = arith.constant 16 : i32
        %mul3A_117 = arith.muli %while3A_114, %mul3A_116 : i32
        %get3A = arith.index_cast %mul3A_117 : i32 to index
        %get3A_118 = tpu.vector_load %arg6[%get3A] {strides = array<i32>} : memref<10144xi32, #tpu.memory_space<vmem>>, vector<16xi32>,
        %shift_right_logical3A = arith.constant 13 : i32
        %shift_right_logical3A_119 = vector.broadcast %shift_right_logical3A : i32 to vector<16xi32>
        %shift_right_logical3A_120 = arith.shrui %get3A_118, %shift_right_logical3A_119 : vector<16xi32>
        %and3A_121 = arith.constant 8191 : i32
        %and3A_122 = vector.broadcast %and3A_121 : i32 to vector<16xi32>
        %and3A_123 = arith.andi %get3A_118, %and3A_122 : vector<16xi32>
        %dma_start3A = arith.constant 0 : i32
        %dma_start3A_124 = arith.constant 0 : i32
        %dma_start3A_125 = tpu.memref_slice %arg7[%dma_start3A, %dma_start3A_124] : memref<64x128xf32, #tpu.memory_space<vmem>> -> memref<16x128xf32, #tpu.memory_space<vmem>>
        %dma_start3A_126 = arith.constant 0 : i32
        %dma_start3A_127 = arith.constant 0 : i32
        %dma_start3A_128 = tpu.memref_slice %arg2[%dma_start3A_126, %dma_start3A_127] : memref<160000x128xf32, #tpu.memory_space<hbm>> -> memref<160000x128xf32, #tpu.memory_space<hbm>>
        tpu.enqueue_indirect_dma source(%dma_start3A_128 : memref<160000x128xf32, #tpu.memory_space<hbm>>) target(%dma_start3A_125 : memref<16x128xf32, #tpu.memory_space<vmem>>) offsets(%shift_right_logical3A_120 : vector<16xi32>) semaphore(%arg10 : memref<!tpu.dma_semaphore, #tpu.memory_space<semaphore_mem>>)
        %dma_wait3A = arith.constant 0 : i32
        %dma_wait3A_129 = arith.constant 0 : i32
        %dma_wait3A_130 = tpu.memref_slice %arg7[%dma_wait3A, %dma_wait3A_129] : memref<64x128xf32, #tpu.memory_space<vmem>> -> memref<16x128xf32, #tpu.memory_space<vmem>>
        %dma_wait3A_131 = arith.constant 0 : i32
        %dma_wait3A_132 = arith.constant 0 : i32
        %dma_wait3A_133 = tpu.memref_slice %arg2[%dma_wait3A_131, %dma_wait3A_132] : memref<160000x128xf32, #tpu.memory_space<hbm>> -> memref<160000x128xf32, #tpu.memory_space<hbm>>
        tpu.wait_indirect_dma semaphore(%arg10 : memref<!tpu.dma_semaphore, #tpu.memory_space<semaphore_mem>>) src(%dma_wait3A_133 : memref<160000x128xf32, #tpu.memory_space<hbm>>) dst(%dma_wait3A_130 : memref<16x128xf32, #tpu.memory_space<vmem>>)
        "tpu.region"() ({
          %run_scoped3A = tpu.sem_alloc : memref<!tpu.dma_semaphore, #tpu.memory_space<semaphore_mem>>
          %dma_start3A_135 = arith.constant 0 : i32
          %dma_start3A_136 = arith.constant 0 : i32
          %dma_start3A_137 = tpu.memref_slice %arg7[%dma_start3A_135, %dma_start3A_136] : memref<64x128xf32, #tpu.memory_space<vmem>> -> memref<16x128xf32, #tpu.memory_space<vmem>>
          %dma_start3A_138 = arith.constant 0 : i32
          %dma_start3A_139 = arith.constant 0 : i32
          %dma_start3A_140 = tpu.memref_slice %arg9[%dma_start3A_138, %dma_start3A_139] : memref<8192x128xf32, #tpu.memory_space<vmem_shared>> -> memref<8192x128xf32, #tpu.memory_space<vmem_shared>>
          tpu.enqueue_indirect_dma source(%dma_start3A_137 : memref<16x128xf32, #tpu.memory_space<vmem>>) target(%dma_start3A_140 : memref<8192x128xf32, #tpu.memory_space<vmem_shared>>) offsets(%and3A_123 : vector<16xi32>) semaphore(%run_scoped3A : memref<!tpu.dma_semaphore, #tpu.memory_space<semaphore_mem>>) {add = true}
          %dma_wait3A_141 = arith.constant 0 : i32
          %dma_wait3A_142 = arith.constant 0 : i32
          %dma_wait3A_143 = tpu.memref_slice %arg7[%dma_wait3A_141, %dma_wait3A_142] : memref<64x128xf32, #tpu.memory_space<vmem>> -> memref<16x128xf32, #tpu.memory_space<vmem>>
          %dma_wait3A_144 = arith.constant 0 : i32
          %dma_wait3A_145 = arith.constant 0 : i32
          %dma_wait3A_146 = tpu.memref_slice %arg9[%dma_wait3A_144, %dma_wait3A_145] : memref<8192x128xf32, #tpu.memory_space<vmem_shared>> -> memref<8192x128xf32, #tpu.memory_space<vmem_shared>>
          tpu.wait_indirect_dma semaphore(%run_scoped3A : memref<!tpu.dma_semaphore, #tpu.memory_space<semaphore_mem>>) src(%dma_wait3A_143 : memref<16x128xf32, #tpu.memory_space<vmem>>) dst(%dma_wait3A_146 : memref<8192x128xf32, #tpu.memory_space<vmem_shared>>)
          tpu.yield
        }) : () -> ()
        %while3A_134 = arith.constant 0 : i32
        scf.yield %while3A_134 : i32
      }
      %barrier3A_109 = arith.constant 0 : index
      tpu.barrier barrier_id(%barrier3A_109)
      %lt3A = arith.constant 8 : i32
      %lt3A_110 = arith.cmpi slt, %arg1, %lt3A : i32
      %convert_element_type3A = arith.extui %lt3A_110 : i1 to i32
      %cond3A = arith.constant 0 : i32
      %cond3A_111 = arith.cmpi ne, %convert_element_type3A, %cond3A : i32
      scf.if %cond3A_111 {
        %mul3A_114 = arith.constant 1000 : i32
        %mul3A_115 = arith.muli %arg1, %mul3A_114 : i32
        %multiple_of3A = tpu.assume_multiple %mul3A_115, 8 : i32
        %mul3A_116 = arith.constant 1000 : i32
        %mul3A_117 = arith.muli %arg1, %mul3A_116 : i32
        %add3A_118 = arith.addi %add3A, %mul3A_117 : i32
        %multiple_of3A_119 = tpu.assume_multiple %add3A_118, 8 : i32
        "tpu.region"() ({
          %run_scoped3A = tpu.sem_alloc : memref<!tpu.dma_semaphore, #tpu.memory_space<semaphore_mem>>
          %dma_start3A = arith.constant 0 : i32
          %dma_start3A_120 = tpu.memref_slice %arg4[%multiple_of3A_119, %dma_start3A] : memref<160000x128xf32, #tpu.memory_space<hbm>> -> memref<1000x128xf32, #tpu.memory_space<hbm>>
          %dma_start3A_121 = arith.constant 0 : i32
          %dma_start3A_122 = tpu.memref_slice %arg9[%multiple_of3A, %dma_start3A_121] : memref<8192x128xf32, #tpu.memory_space<vmem_shared>> -> memref<1000x128xf32, #tpu.memory_space<vmem_shared>>
          tpu.enqueue_dma source(%dma_start3A_122 : memref<1000x128xf32, #tpu.memory_space<vmem_shared>>) target(%dma_start3A_120 : memref<1000x128xf32, #tpu.memory_space<hbm>>) target_semaphore(%run_scoped3A : memref<!tpu.dma_semaphore, #tpu.memory_space<semaphore_mem>>)
          %dma_wait3A = arith.constant 0 : i32
          %dma_wait3A_123 = tpu.memref_slice %arg4[%multiple_of3A_119, %dma_wait3A] : memref<160000x128xf32, #tpu.memory_space<hbm>> -> memref<1000x128xf32, #tpu.memory_space<hbm>>
          %dma_wait3A_124 = arith.constant 0 : i32
          %dma_wait3A_125 = tpu.memref_slice %arg9[%multiple_of3A, %dma_wait3A_124] : memref<8192x128xf32, #tpu.memory_space<vmem_shared>> -> memref<1000x128xf32, #tpu.memory_space<vmem_shared>>
          tpu.wait_dma2 semaphore(%run_scoped3A : memref<!tpu.dma_semaphore, #tpu.memory_space<semaphore_mem>>) src(%dma_wait3A_125 : memref<1000x128xf32, #tpu.memory_space<vmem_shared>>) dst(%dma_wait3A_123 : memref<1000x128xf32, #tpu.memory_space<hbm>>)
          tpu.yield
        }) : () -> ()
      } else {
      }
      %barrier3A_112 = arith.constant 0 : index
      tpu.barrier barrier_id(%barrier3A_112)
      %scan3A_113 = arith.constant 0 : i32
      scf.yield %scan3A_113 : i32
    }
    %scan3A_13 = arith.constant 10 : i32
    return
  }
}

#map = affine_map<(d0, d1) -> (0, 0)>
#map1 = affine_map<(d0, d1) -> (0)>
module attributes {stable_mosaic.version = 14 : i64} {
  func.func @k(%arg0: i32, %arg1: i32, %arg2: memref<160000x128xf32, #tpu.memory_space<hbm>>, %arg3: memref<160000xi32, #tpu.memory_space<hbm>>, %arg4: memref<160000x128xf32, #tpu.memory_space<hbm>>, %arg5: memref<200xi32, #tpu.memory_space<vmem>>, %arg6: memref<200x128xf32, #tpu.memory_space<vmem>>, %arg7: memref<!tpu.dma_semaphore, #tpu.memory_space<semaphore_mem>>) attributes {dimension_semantics = [#tpu.dimension_semantics<core_parallel>, #tpu.dimension_semantics<subcore_parallel>], iteration_bounds = array<i64: 2, 16>, scalar_prefetch = 0 : i64, scratch_operands = 3 : i64, tpu.core_type = #tpu.core_type<sc_vector_subcore>, window_params = [{transform_indices = #map}, {transform_indices = #map1}, {transform_indices = #map}]} {
    %mul3A = arith.constant 16 : i32
    %mul3A_0 = arith.muli %arg0, %mul3A : i32
    %add3A = arith.addi %mul3A_0, %arg1 : i32
    %mul3A_1 = arith.constant 5000 : i32
    %mul3A_2 = arith.muli %add3A, %mul3A_1 : i32
    %scan3A = arith.constant 0 : i32
    %scan3A_3 = arith.constant 0 : i32
    %scan3A_4 = arith.constant 25 : i32
    %scan3A_5 = arith.addi %scan3A_3, %scan3A_4 : i32
    %scan3A_6 = arith.constant 1 : i32
    %scan3A_7 = scf.for %scan3A_9 = %scan3A_3 to %scan3A_5 step %scan3A_6 iter_args(%scan3A_10 = %scan3A) -> (i32)  : i32 {
      %mul3A_11 = arith.constant 200 : i32
      %mul3A_12 = arith.muli %scan3A_9, %mul3A_11 : i32
      %add3A_13 = arith.addi %mul3A_2, %mul3A_12 : i32
      %multiple_of3A = tpu.assume_multiple %add3A_13, 8 : i32
      "tpu.region"() ({
        %run_scoped3A = tpu.sem_alloc : memref<!tpu.dma_semaphore, #tpu.memory_space<semaphore_mem>>
        %dma_start3A_19 = tpu.memref_slice %arg3[%multiple_of3A] : memref<160000xi32, #tpu.memory_space<hbm>> -> memref<200xi32, #tpu.memory_space<hbm>>
        %dma_start3A_20 = tpu.memref_slice %arg3[%multiple_of3A] : memref<160000xi32, #tpu.memory_space<hbm>> -> memref<200xi32, #tpu.memory_space<hbm>>
        tpu.enqueue_dma source(%dma_start3A_20 : memref<200xi32, #tpu.memory_space<hbm>>) target(%arg5 : memref<200xi32, #tpu.memory_space<vmem>>) target_semaphore(%run_scoped3A : memref<!tpu.dma_semaphore, #tpu.memory_space<semaphore_mem>>)
        %dma_wait3A_21 = tpu.memref_slice %arg3[%multiple_of3A] : memref<160000xi32, #tpu.memory_space<hbm>> -> memref<200xi32, #tpu.memory_space<hbm>>
        %dma_wait3A_22 = tpu.memref_slice %arg3[%multiple_of3A] : memref<160000xi32, #tpu.memory_space<hbm>> -> memref<200xi32, #tpu.memory_space<hbm>>
        tpu.wait_dma2 semaphore(%run_scoped3A : memref<!tpu.dma_semaphore, #tpu.memory_space<semaphore_mem>>) src(%dma_wait3A_22 : memref<200xi32, #tpu.memory_space<hbm>>) dst(%arg5 : memref<200xi32, #tpu.memory_space<vmem>>)
        tpu.yield
      }) : () -> ()
      %dma_start3A = arith.constant 0 : i32
      %dma_start3A_14 = arith.constant 0 : i32
      %dma_start3A_15 = tpu.memref_slice %arg2[%dma_start3A, %dma_start3A_14] : memref<160000x128xf32, #tpu.memory_space<hbm>> -> memref<160000x128xf32, #tpu.memory_space<hbm>>
      tpu.enqueue_indirect_dma source(%dma_start3A_15 : memref<160000x128xf32, #tpu.memory_space<hbm>>) target(%arg6 : memref<200x128xf32, #tpu.memory_space<vmem>>) offsets(%arg5 : memref<200xi32, #tpu.memory_space<vmem>>) semaphore(%arg7 : memref<!tpu.dma_semaphore, #tpu.memory_space<semaphore_mem>>)
      %dma_wait3A = arith.constant 0 : i32
      %dma_wait3A_16 = arith.constant 0 : i32
      %dma_wait3A_17 = tpu.memref_slice %arg2[%dma_wait3A, %dma_wait3A_16] : memref<160000x128xf32, #tpu.memory_space<hbm>> -> memref<160000x128xf32, #tpu.memory_space<hbm>>
      tpu.wait_indirect_dma semaphore(%arg7 : memref<!tpu.dma_semaphore, #tpu.memory_space<semaphore_mem>>) src(%dma_wait3A_17 : memref<160000x128xf32, #tpu.memory_space<hbm>>) dst(%arg6 : memref<200x128xf32, #tpu.memory_space<vmem>>)
      "tpu.region"() ({
        %run_scoped3A = tpu.sem_alloc : memref<!tpu.dma_semaphore, #tpu.memory_space<semaphore_mem>>
        %dma_start3A_19 = arith.constant 0 : i32
        %dma_start3A_20 = tpu.memref_slice %arg4[%multiple_of3A, %dma_start3A_19] : memref<160000x128xf32, #tpu.memory_space<hbm>> -> memref<200x128xf32, #tpu.memory_space<hbm>>
        %dma_start3A_21 = arith.constant 0 : i32
        %dma_start3A_22 = tpu.memref_slice %arg4[%multiple_of3A, %dma_start3A_21] : memref<160000x128xf32, #tpu.memory_space<hbm>> -> memref<200x128xf32, #tpu.memory_space<hbm>>
        tpu.enqueue_dma source(%arg6 : memref<200x128xf32, #tpu.memory_space<vmem>>) target(%dma_start3A_22 : memref<200x128xf32, #tpu.memory_space<hbm>>) target_semaphore(%run_scoped3A : memref<!tpu.dma_semaphore, #tpu.memory_space<semaphore_mem>>)
        %dma_wait3A_23 = arith.constant 0 : i32
        %dma_wait3A_24 = tpu.memref_slice %arg4[%multiple_of3A, %dma_wait3A_23] : memref<160000x128xf32, #tpu.memory_space<hbm>> -> memref<200x128xf32, #tpu.memory_space<hbm>>
        %dma_wait3A_25 = arith.constant 0 : i32
        %dma_wait3A_26 = tpu.memref_slice %arg4[%multiple_of3A, %dma_wait3A_25] : memref<160000x128xf32, #tpu.memory_space<hbm>> -> memref<200x128xf32, #tpu.memory_space<hbm>>
        tpu.wait_dma2 semaphore(%run_scoped3A : memref<!tpu.dma_semaphore, #tpu.memory_space<semaphore_mem>>) src(%arg6 : memref<200x128xf32, #tpu.memory_space<vmem>>) dst(%dma_wait3A_26 : memref<200x128xf32, #tpu.memory_space<hbm>>)
        tpu.yield
      }) : () -> ()
      %scan3A_18 = arith.constant 0 : i32
      scf.yield %scan3A_18 : i32
    }
    %scan3A_8 = arith.constant 25 : i32
    return
  }
}

#map = affine_map<(d0, d1) -> (0, 0)>
#map1 = affine_map<(d0, d1) -> (0)>
module attributes {stable_mosaic.version = 14 : i64} {
  func.func @k(%arg0: i32, %arg1: i32, %arg2: memref<160000x128xf32, #tpu.memory_space<hbm>>, %arg3: memref<160000xi32, #tpu.memory_space<hbm>>, %arg4: memref<160000x128xf32, #tpu.memory_space<hbm>>, %arg5: memref<200xi32, #tpu.memory_space<vmem>>, %arg6: memref<200x128xf32, #tpu.memory_space<vmem>>, %arg7: memref<!tpu.dma_semaphore, #tpu.memory_space<semaphore_mem>>) attributes {dimension_semantics = [#tpu.dimension_semantics<core_parallel>, #tpu.dimension_semantics<subcore_parallel>], iteration_bounds = array<i64: 2, 16>, scalar_prefetch = 0 : i64, scratch_operands = 3 : i64, tpu.core_type = #tpu.core_type<sc_vector_subcore>, window_params = [{transform_indices = #map}, {transform_indices = #map1}, {transform_indices = #map}]} {
    %mul3A = arith.constant 16 : i32
    %mul3A_0 = arith.muli %arg0, %mul3A : i32
    %add3A = arith.addi %mul3A_0, %arg1 : i32
    %mul3A_1 = arith.constant 5000 : i32
    %mul3A_2 = arith.muli %add3A, %mul3A_1 : i32
    %scan3A = arith.constant 0 : i32
    %scan3A_3 = arith.constant 0 : i32
    %scan3A_4 = arith.constant 25 : i32
    %scan3A_5 = arith.addi %scan3A_3, %scan3A_4 : i32
    %scan3A_6 = arith.constant 1 : i32
    %scan3A_7 = scf.for %scan3A_9 = %scan3A_3 to %scan3A_5 step %scan3A_6 iter_args(%scan3A_10 = %scan3A) -> (i32)  : i32 {
      %mul3A_11 = arith.constant 200 : i32
      %mul3A_12 = arith.muli %scan3A_9, %mul3A_11 : i32
      %add3A_13 = arith.addi %mul3A_2, %mul3A_12 : i32
      %multiple_of3A = tpu.assume_multiple %add3A_13, 8 : i32
      "tpu.region"() ({
        %run_scoped3A = tpu.sem_alloc : memref<!tpu.dma_semaphore, #tpu.memory_space<semaphore_mem>>
        %dma_start3A_19 = tpu.memref_slice %arg3[%multiple_of3A] : memref<160000xi32, #tpu.memory_space<hbm>> -> memref<200xi32, #tpu.memory_space<hbm>>
        %dma_start3A_20 = tpu.memref_slice %arg3[%multiple_of3A] : memref<160000xi32, #tpu.memory_space<hbm>> -> memref<200xi32, #tpu.memory_space<hbm>>
        tpu.enqueue_dma source(%dma_start3A_20 : memref<200xi32, #tpu.memory_space<hbm>>) target(%arg5 : memref<200xi32, #tpu.memory_space<vmem>>) target_semaphore(%run_scoped3A : memref<!tpu.dma_semaphore, #tpu.memory_space<semaphore_mem>>)
        %dma_wait3A_21 = tpu.memref_slice %arg3[%multiple_of3A] : memref<160000xi32, #tpu.memory_space<hbm>> -> memref<200xi32, #tpu.memory_space<hbm>>
        %dma_wait3A_22 = tpu.memref_slice %arg3[%multiple_of3A] : memref<160000xi32, #tpu.memory_space<hbm>> -> memref<200xi32, #tpu.memory_space<hbm>>
        tpu.wait_dma2 semaphore(%run_scoped3A : memref<!tpu.dma_semaphore, #tpu.memory_space<semaphore_mem>>) src(%dma_wait3A_22 : memref<200xi32, #tpu.memory_space<hbm>>) dst(%arg5 : memref<200xi32, #tpu.memory_space<vmem>>)
        tpu.yield
      }) : () -> ()
      %dma_start3A = arith.constant 0 : i32
      %dma_start3A_14 = arith.constant 0 : i32
      %dma_start3A_15 = tpu.memref_slice %arg2[%dma_start3A, %dma_start3A_14] : memref<160000x128xf32, #tpu.memory_space<hbm>> -> memref<160000x128xf32, #tpu.memory_space<hbm>>
      tpu.enqueue_indirect_dma source(%dma_start3A_15 : memref<160000x128xf32, #tpu.memory_space<hbm>>) target(%arg6 : memref<200x128xf32, #tpu.memory_space<vmem>>) offsets(%arg5 : memref<200xi32, #tpu.memory_space<vmem>>) semaphore(%arg7 : memref<!tpu.dma_semaphore, #tpu.memory_space<semaphore_mem>>)
      %dma_wait3A = arith.constant 0 : i32
      %dma_wait3A_16 = arith.constant 0 : i32
      %dma_wait3A_17 = tpu.memref_slice %arg2[%dma_wait3A, %dma_wait3A_16] : memref<160000x128xf32, #tpu.memory_space<hbm>> -> memref<160000x128xf32, #tpu.memory_space<hbm>>
      tpu.wait_indirect_dma semaphore(%arg7 : memref<!tpu.dma_semaphore, #tpu.memory_space<semaphore_mem>>) src(%dma_wait3A_17 : memref<160000x128xf32, #tpu.memory_space<hbm>>) dst(%arg6 : memref<200x128xf32, #tpu.memory_space<vmem>>)
      "tpu.region"() ({
        %run_scoped3A = tpu.sem_alloc : memref<!tpu.dma_semaphore, #tpu.memory_space<semaphore_mem>>
        %dma_start3A_19 = arith.constant 0 : i32
        %dma_start3A_20 = tpu.memref_slice %arg4[%multiple_of3A, %dma_start3A_19] : memref<160000x128xf32, #tpu.memory_space<hbm>> -> memref<200x128xf32, #tpu.memory_space<hbm>>
        %dma_start3A_21 = arith.constant 0 : i32
        %dma_start3A_22 = tpu.memref_slice %arg4[%multiple_of3A, %dma_start3A_21] : memref<160000x128xf32, #tpu.memory_space<hbm>> -> memref<200x128xf32, #tpu.memory_space<hbm>>
        tpu.enqueue_dma source(%arg6 : memref<200x128xf32, #tpu.memory_space<vmem>>) target(%dma_start3A_22 : memref<200x128xf32, #tpu.memory_space<hbm>>) target_semaphore(%run_scoped3A : memref<!tpu.dma_semaphore, #tpu.memory_space<semaphore_mem>>)
        %dma_wait3A_23 = arith.constant 0 : i32
        %dma_wait3A_24 = tpu.memref_slice %arg4[%multiple_of3A, %dma_wait3A_23] : memref<160000x128xf32, #tpu.memory_space<hbm>> -> memref<200x128xf32, #tpu.memory_space<hbm>>
        %dma_wait3A_25 = arith.constant 0 : i32
        %dma_wait3A_26 = tpu.memref_slice %arg4[%multiple_of3A, %dma_wait3A_25] : memref<160000x128xf32, #tpu.memory_space<hbm>> -> memref<200x128xf32, #tpu.memory_space<hbm>>
        tpu.wait_dma2 semaphore(%run_scoped3A : memref<!tpu.dma_semaphore, #tpu.memory_space<semaphore_mem>>) src(%arg6 : memref<200x128xf32, #tpu.memory_space<vmem>>) dst(%dma_wait3A_26 : memref<200x128xf32, #tpu.memory_space<hbm>>)
        tpu.yield
      }) : () -> ()
      %scan3A_18 = arith.constant 0 : i32
      scf.yield %scan3A_18 : i32
    }
    %scan3A_8 = arith.constant 25 : i32
    return
  }
}

#map = affine_map<(d0, d1) -> (0, 0)>
#map1 = affine_map<(d0, d1) -> (0)>
module attributes {stable_mosaic.version = 14 : i64} {
  func.func @k(%arg0: i32, %arg1: i32, %arg2: memref<160000x128xf32, #tpu.memory_space<hbm>>, %arg3: memref<160000xi32, #tpu.memory_space<hbm>>, %arg4: memref<160000x128xf32, #tpu.memory_space<hbm>>, %arg5: memref<10000xi32, #tpu.memory_space<vmem>>, %arg6: memref<10144xi32, #tpu.memory_space<vmem>>, %arg7: memref<64x128xf32, #tpu.memory_space<vmem>>, %arg8: memref<16x128xf32, #tpu.memory_space<vmem>>, %arg9: memref<8192x128xf32, #tpu.memory_space<vmem_shared>>, %arg10: memref<!tpu.dma_semaphore, #tpu.memory_space<semaphore_mem>>, %arg11: memref<!tpu.dma_semaphore, #tpu.memory_space<semaphore_mem>>) attributes {dimension_semantics = [#tpu.dimension_semantics<core_parallel>, #tpu.dimension_semantics<subcore_parallel>], iteration_bounds = array<i64: 2, 16>, scalar_prefetch = 0 : i64, scratch_operands = 7 : i64, tpu.core_type = #tpu.core_type<sc_vector_subcore>, window_params = [{transform_indices = #map}, {transform_indices = #map1}, {transform_indices = #map}]} {
    %mul3A = arith.constant 10000 : i32
    %mul3A_0 = arith.muli %arg1, %mul3A : i32
    "tpu.region"() ({
      %run_scoped3A = tpu.sem_alloc : memref<!tpu.dma_semaphore, #tpu.memory_space<semaphore_mem>>
      %dma_start3A = tpu.memref_slice %arg3[%mul3A_0] : memref<160000xi32, #tpu.memory_space<hbm>> -> memref<10000xi32, #tpu.memory_space<hbm>>
      %dma_start3A_14 = tpu.memref_slice %arg3[%mul3A_0] : memref<160000xi32, #tpu.memory_space<hbm>> -> memref<10000xi32, #tpu.memory_space<hbm>>
      tpu.enqueue_dma source(%dma_start3A_14 : memref<10000xi32, #tpu.memory_space<hbm>>) target(%arg5 : memref<10000xi32, #tpu.memory_space<vmem>>) target_semaphore(%run_scoped3A : memref<!tpu.dma_semaphore, #tpu.memory_space<semaphore_mem>>)
      %dma_wait3A = tpu.memref_slice %arg3[%mul3A_0] : memref<160000xi32, #tpu.memory_space<hbm>> -> memref<10000xi32, #tpu.memory_space<hbm>>
      %dma_wait3A_15 = tpu.memref_slice %arg3[%mul3A_0] : memref<160000xi32, #tpu.memory_space<hbm>> -> memref<10000xi32, #tpu.memory_space<hbm>>
      tpu.wait_dma2 semaphore(%run_scoped3A : memref<!tpu.dma_semaphore, #tpu.memory_space<semaphore_mem>>) src(%dma_wait3A_15 : memref<10000xi32, #tpu.memory_space<hbm>>) dst(%arg5 : memref<10000xi32, #tpu.memory_space<vmem>>)
      tpu.yield
    }) : () -> ()
    %scan3A = arith.constant 0 : i32
    %scan3A_1 = arith.constant 0 : i32
    %scan3A_2 = arith.constant 16 : i32
    %scan3A_3 = arith.addi %scan3A_1, %scan3A_2 : i32
    %scan3A_4 = arith.constant 1 : i32
    %scan3A_5 = scf.for %scan3A_14 = %scan3A_1 to %scan3A_3 step %scan3A_4 iter_args(%scan3A_15 = %scan3A) -> (i32)  : i32 {
      %broadcast_in_dim3A = arith.constant 0.000000e+00 : f32
      %broadcast_in_dim3A_16 = vector.broadcast %broadcast_in_dim3A : f32 to vector<16xf32>
      %swap3A = arith.index_cast %scan3A_14 : i32 to index
      %swap3A_17 = arith.constant 0 : index
      %swap3A_18 = tpu.vector_load %arg8[%swap3A, %swap3A_17] {strides = array<i32>} : memref<16x128xf32, #tpu.memory_space<vmem>>, vector<16xf32>,
      tpu.vector_store %arg8[%swap3A, %swap3A_17], %broadcast_in_dim3A_16 {strides = array<i32>} : memref<16x128xf32, #tpu.memory_space<vmem>>, vector<16xf32>,
      %broadcast_in_dim3A_19 = arith.constant 0.000000e+00 : f32
      %broadcast_in_dim3A_20 = vector.broadcast %broadcast_in_dim3A_19 : f32 to vector<16xf32>
      %swap3A_21 = arith.index_cast %scan3A_14 : i32 to index
      %swap3A_22 = arith.constant 16 : index
      %swap3A_23 = tpu.vector_load %arg8[%swap3A_21, %swap3A_22] {strides = array<i32>} : memref<16x128xf32, #tpu.memory_space<vmem>>, vector<16xf32>,
      tpu.vector_store %arg8[%swap3A_21, %swap3A_22], %broadcast_in_dim3A_20 {strides = array<i32>} : memref<16x128xf32, #tpu.memory_space<vmem>>, vector<16xf32>,
      %broadcast_in_dim3A_24 = arith.constant 0.000000e+00 : f32
      %broadcast_in_dim3A_25 = vector.broadcast %broadcast_in_dim3A_24 : f32 to vector<16xf32>
      %swap3A_26 = arith.index_cast %scan3A_14 : i32 to index
      %swap3A_27 = arith.constant 32 : index
      %swap3A_28 = tpu.vector_load %arg8[%swap3A_26, %swap3A_27] {strides = array<i32>} : memref<16x128xf32, #tpu.memory_space<vmem>>, vector<16xf32>,
      tpu.vector_store %arg8[%swap3A_26, %swap3A_27], %broadcast_in_dim3A_25 {strides = array<i32>} : memref<16x128xf32, #tpu.memory_space<vmem>>, vector<16xf32>,
      %broadcast_in_dim3A_29 = arith.constant 0.000000e+00 : f32
      %broadcast_in_dim3A_30 = vector.broadcast %broadcast_in_dim3A_29 : f32 to vector<16xf32>
      %swap3A_31 = arith.index_cast %scan3A_14 : i32 to index
      %swap3A_32 = arith.constant 48 : index
      %swap3A_33 = tpu.vector_load %arg8[%swap3A_31, %swap3A_32] {strides = array<i32>} : memref<16x128xf32, #tpu.memory_space<vmem>>, vector<16xf32>,
      tpu.vector_store %arg8[%swap3A_31, %swap3A_32], %broadcast_in_dim3A_30 {strides = array<i32>} : memref<16x128xf32, #tpu.memory_space<vmem>>, vector<16xf32>,
      %broadcast_in_dim3A_34 = arith.constant 0.000000e+00 : f32
      %broadcast_in_dim3A_35 = vector.broadcast %broadcast_in_dim3A_34 : f32 to vector<16xf32>
      %swap3A_36 = arith.index_cast %scan3A_14 : i32 to index
      %swap3A_37 = arith.constant 64 : index
      %swap3A_38 = tpu.vector_load %arg8[%swap3A_36, %swap3A_37] {strides = array<i32>} : memref<16x128xf32, #tpu.memory_space<vmem>>, vector<16xf32>,
      tpu.vector_store %arg8[%swap3A_36, %swap3A_37], %broadcast_in_dim3A_35 {strides = array<i32>} : memref<16x128xf32, #tpu.memory_space<vmem>>, vector<16xf32>,
      %broadcast_in_dim3A_39 = arith.constant 0.000000e+00 : f32
      %broadcast_in_dim3A_40 = vector.broadcast %broadcast_in_dim3A_39 : f32 to vector<16xf32>
      %swap3A_41 = arith.index_cast %scan3A_14 : i32 to index
      %swap3A_42 = arith.constant 80 : index
      %swap3A_43 = tpu.vector_load %arg8[%swap3A_41, %swap3A_42] {strides = array<i32>} : memref<16x128xf32, #tpu.memory_space<vmem>>, vector<16xf32>,
      tpu.vector_store %arg8[%swap3A_41, %swap3A_42], %broadcast_in_dim3A_40 {strides = array<i32>} : memref<16x128xf32, #tpu.memory_space<vmem>>, vector<16xf32>,
      %broadcast_in_dim3A_44 = arith.constant 0.000000e+00 : f32
      %broadcast_in_dim3A_45 = vector.broadcast %broadcast_in_dim3A_44 : f32 to vector<16xf32>
      %swap3A_46 = arith.index_cast %scan3A_14 : i32 to index
      %swap3A_47 = arith.constant 96 : index
      %swap3A_48 = tpu.vector_load %arg8[%swap3A_46, %swap3A_47] {strides = array<i32>} : memref<16x128xf32, #tpu.memory_space<vmem>>, vector<16xf32>,
      tpu.vector_store %arg8[%swap3A_46, %swap3A_47], %broadcast_in_dim3A_45 {strides = array<i32>} : memref<16x128xf32, #tpu.memory_space<vmem>>, vector<16xf32>,
      %broadcast_in_dim3A_49 = arith.constant 0.000000e+00 : f32
      %broadcast_in_dim3A_50 = vector.broadcast %broadcast_in_dim3A_49 : f32 to vector<16xf32>
      %swap3A_51 = arith.index_cast %scan3A_14 : i32 to index
      %swap3A_52 = arith.constant 112 : index
      %swap3A_53 = tpu.vector_load %arg8[%swap3A_51, %swap3A_52] {strides = array<i32>} : memref<16x128xf32, #tpu.memory_space<vmem>>, vector<16xf32>,
      tpu.vector_store %arg8[%swap3A_51, %swap3A_52], %broadcast_in_dim3A_50 {strides = array<i32>} : memref<16x128xf32, #tpu.memory_space<vmem>>, vector<16xf32>,
      %scan3A_54 = arith.constant 0 : i32
      scf.yield %scan3A_54 : i32
    }
    %scan3A_6 = arith.constant 16 : i32
    %scan3A_7 = arith.constant 0 : i32
    %scan3A_8 = arith.constant 0 : i32
    %scan3A_9 = arith.constant 10 : i32
    %scan3A_10 = arith.addi %scan3A_8, %scan3A_9 : i32
    %scan3A_11 = arith.constant 1 : i32
    %scan3A_12 = scf.for %scan3A_14 = %scan3A_8 to %scan3A_10 step %scan3A_11 iter_args(%scan3A_15 = %scan3A_7) -> (i32)  : i32 {
      %mul3A_16 = arith.constant 80000 : i32
      %mul3A_17 = arith.muli %arg0, %mul3A_16 : i32
      %mul3A_18 = arith.constant 8000 : i32
      %mul3A_19 = arith.muli %scan3A_14, %mul3A_18 : i32
      %add3A = arith.addi %mul3A_17, %mul3A_19 : i32
      %scan3A_20 = arith.constant 0 : i32
      %scan3A_21 = arith.constant 0 : i32
      %scan3A_22 = arith.constant 32 : i32
      %scan3A_23 = arith.addi %scan3A_21, %scan3A_22 : i32
      %scan3A_24 = arith.constant 1 : i32
      %scan3A_25 = scf.for %scan3A_114 = %scan3A_21 to %scan3A_23 step %scan3A_24 iter_args(%scan3A_115 = %scan3A_20) -> (i32)  : i32 {
        %mul3A_116 = arith.constant 512 : i32
        %mul3A_117 = arith.muli %arg1, %mul3A_116 : i32
        %mul3A_118 = arith.constant 16 : i32
        %mul3A_119 = arith.muli %scan3A_114, %mul3A_118 : i32
        %add3A_120 = arith.addi %mul3A_117, %mul3A_119 : i32
        %multiple_of3A = tpu.assume_multiple %add3A_120, 8 : i32
        "tpu.region"() ({
          %run_scoped3A = tpu.sem_alloc : memref<!tpu.dma_semaphore, #tpu.memory_space<semaphore_mem>>
          %dma_start3A = arith.constant 0 : i32
          %dma_start3A_122 = tpu.memref_slice %arg9[%multiple_of3A, %dma_start3A] : memref<8192x128xf32, #tpu.memory_space<vmem_shared>> -> memref<16x128xf32, #tpu.memory_space<vmem_shared>>
          %dma_start3A_123 = arith.constant 0 : i32
          %dma_start3A_124 = tpu.memref_slice %arg9[%multiple_of3A, %dma_start3A_123] : memref<8192x128xf32, #tpu.memory_space<vmem_shared>> -> memref<16x128xf32, #tpu.memory_space<vmem_shared>>
          tpu.enqueue_dma source(%arg8 : memref<16x128xf32, #tpu.memory_space<vmem>>) target(%dma_start3A_124 : memref<16x128xf32, #tpu.memory_space<vmem_shared>>) target_semaphore(%run_scoped3A : memref<!tpu.dma_semaphore, #tpu.memory_space<semaphore_mem>>)
          %dma_wait3A = arith.constant 0 : i32
          %dma_wait3A_125 = tpu.memref_slice %arg9[%multiple_of3A, %dma_wait3A] : memref<8192x128xf32, #tpu.memory_space<vmem_shared>> -> memref<16x128xf32, #tpu.memory_space<vmem_shared>>
          %dma_wait3A_126 = arith.constant 0 : i32
          %dma_wait3A_127 = tpu.memref_slice %arg9[%multiple_of3A, %dma_wait3A_126] : memref<8192x128xf32, #tpu.memory_space<vmem_shared>> -> memref<16x128xf32, #tpu.memory_space<vmem_shared>>
          tpu.wait_dma2 semaphore(%run_scoped3A : memref<!tpu.dma_semaphore, #tpu.memory_space<semaphore_mem>>) src(%arg8 : memref<16x128xf32, #tpu.memory_space<vmem>>) dst(%dma_wait3A_127 : memref<16x128xf32, #tpu.memory_space<vmem_shared>>)
          tpu.yield
        }) : () -> ()
        %scan3A_121 = arith.constant 0 : i32
        scf.yield %scan3A_121 : i32
      }
      %scan3A_26 = arith.constant 32 : i32
      %barrier3A = arith.constant 0 : index
      tpu.barrier barrier_id(%barrier3A)
      %scan3A_27 = arith.constant 0 : i32
      %scan3A_28 = arith.constant 0 : i32
      %scan3A_29 = arith.constant 625 : i32
      %scan3A_30 = arith.addi %scan3A_28, %scan3A_29 : i32
      %scan3A_31 = arith.constant 1 : i32
      %scan3A_32 = scf.for %scan3A_114 = %scan3A_28 to %scan3A_30 step %scan3A_31 iter_args(%scan3A_115 = %scan3A_27) -> (i32)  : i32 {
        %mul3A_116 = arith.constant 16 : i32
        %mul3A_117 = arith.muli %scan3A_114, %mul3A_116 : i32
        %get3A = arith.index_cast %mul3A_117 : i32 to index
        %get3A_118 = tpu.vector_load %arg5[%get3A] {strides = array<i32>} : memref<10000xi32, #tpu.memory_space<vmem>>, vector<16xi32>,
        %sub3A_119 = vector.broadcast %add3A : i32 to vector<16xi32>
        %sub3A_120 = arith.subi %get3A_118, %sub3A_119 : vector<16xi32>
        %ge3A = arith.constant 0 : i32
        %ge3A_121 = vector.broadcast %ge3A : i32 to vector<16xi32>
        %ge3A_122 = arith.cmpi sge, %sub3A_120, %ge3A_121 : vector<16xi32>
        %lt3A_123 = arith.constant 8000 : i32
        %lt3A_124 = vector.broadcast %lt3A_123 : i32 to vector<16xi32>
        %lt3A_125 = arith.cmpi slt, %sub3A_120, %lt3A_124 : vector<16xi32>
        %and3A_126 = arith.andi %ge3A_122, %lt3A_125 : vector<16xi1>
        %iota3A = tpu.iota {dimensions = array<i32: 0>} : vector<16xi32>
        %mul3A_127 = arith.constant 16 : i32
        %mul3A_128 = arith.muli %scan3A_114, %mul3A_127 : i32
        %add3A_129 = arith.addi %mul3A_0, %mul3A_128 : i32
        %add3A_130 = vector.broadcast %add3A_129 : i32 to vector<16xi32>
        %add3A_131 = arith.addi %iota3A, %add3A_130 : vector<16xi32>
        %shift_left3A = arith.constant 13 : i32
        %shift_left3A_132 = vector.broadcast %shift_left3A : i32 to vector<16xi32>
        %shift_left3A_133 = arith.shli %add3A_131, %shift_left3A_132 : vector<16xi32>
        %or3A = arith.ori %shift_left3A_133, %sub3A_120 : vector<16xi32>
        %swap3A_134 = arith.index_cast %scan3A_115 : i32 to index
        %swap3A_135 = tpu.vector_load %arg6[%swap3A_134] masked %and3A_126 {strides = array<i32>} : memref<10144xi32, #tpu.memory_space<vmem>>, vector<16xi32>, vector<16xi1>
        tpu.vector_store %arg6[%swap3A_134], %or3A masked %and3A_126 {strides = array<i32>} : memref<10144xi32, #tpu.memory_space<vmem>>, vector<16xi32>, vector<16xi1>
        %jit3A_136 = arith.constant 1 : i32
        %jit3A_137 = arith.constant 0 : i32
        %broadcast_in_dim3A_138 = vector.broadcast %jit3A_136 : i32 to vector<16xi32>
        %broadcast_in_dim3A_139 = vector.broadcast %jit3A_137 : i32 to vector<16xi32>
        %select_n3A_140 = arith.select %and3A_126, %broadcast_in_dim3A_138, %broadcast_in_dim3A_139 : vector<16xi1>, vector<16xi32>
        %reduce_sum3A = arith.constant true
        %reduce_sum3A_141 = vector.broadcast %reduce_sum3A : i1 to vector<16xi1>
        %reduce_sum3A_142 = tpu.scan <sum>, %select_n3A_140 masked %reduce_sum3A_141 : vector<16xi32>, vector<16xi1> -> vector<16xi32>
        %reduce_sum3A_143 = vector.extract %reduce_sum3A_142[15] : i32 from vector<16xi32>
        %add3A_144 = arith.addi %scan3A_115, %reduce_sum3A_143 : i32
        scf.yield %add3A_144 : i32
      }
      %scan3A_33 = arith.constant 625 : i32
      %broadcast_in_dim3A = arith.constant 8000 : i32
      %broadcast_in_dim3A_34 = vector.broadcast %broadcast_in_dim3A : i32 to vector<16xi32>
      %add3A_35 = arith.constant 0 : i32
      %add3A_36 = arith.addi %scan3A_32, %add3A_35 : i32
      %swap3A = arith.index_cast %add3A_36 : i32 to index
      %swap3A_37 = tpu.vector_load %arg6[%swap3A] {strides = array<i32>} : memref<10144xi32, #tpu.memory_space<vmem>>, vector<16xi32>,
      tpu.vector_store %arg6[%swap3A], %broadcast_in_dim3A_34 {strides = array<i32>} : memref<10144xi32, #tpu.memory_space<vmem>>, vector<16xi32>,
      %broadcast_in_dim3A_38 = arith.constant 8000 : i32
      %broadcast_in_dim3A_39 = vector.broadcast %broadcast_in_dim3A_38 : i32 to vector<16xi32>
      %add3A_40 = arith.constant 16 : i32
      %add3A_41 = arith.addi %scan3A_32, %add3A_40 : i32
      %swap3A_42 = arith.index_cast %add3A_41 : i32 to index
      %swap3A_43 = tpu.vector_load %arg6[%swap3A_42] {strides = array<i32>} : memref<10144xi32, #tpu.memory_space<vmem>>, vector<16xi32>,
      tpu.vector_store %arg6[%swap3A_42], %broadcast_in_dim3A_39 {strides = array<i32>} : memref<10144xi32, #tpu.memory_space<vmem>>, vector<16xi32>,
      %broadcast_in_dim3A_44 = arith.constant 8000 : i32
      %broadcast_in_dim3A_45 = vector.broadcast %broadcast_in_dim3A_44 : i32 to vector<16xi32>
      %add3A_46 = arith.constant 32 : i32
      %add3A_47 = arith.addi %scan3A_32, %add3A_46 : i32
      %swap3A_48 = arith.index_cast %add3A_47 : i32 to index
      %swap3A_49 = tpu.vector_load %arg6[%swap3A_48] {strides = array<i32>} : memref<10144xi32, #tpu.memory_space<vmem>>, vector<16xi32>,
      tpu.vector_store %arg6[%swap3A_48], %broadcast_in_dim3A_45 {strides = array<i32>} : memref<10144xi32, #tpu.memory_space<vmem>>, vector<16xi32>,
      %broadcast_in_dim3A_50 = arith.constant 8000 : i32
      %broadcast_in_dim3A_51 = vector.broadcast %broadcast_in_dim3A_50 : i32 to vector<16xi32>
      %add3A_52 = arith.constant 48 : i32
      %add3A_53 = arith.addi %scan3A_32, %add3A_52 : i32
      %swap3A_54 = arith.index_cast %add3A_53 : i32 to index
      %swap3A_55 = tpu.vector_load %arg6[%swap3A_54] {strides = array<i32>} : memref<10144xi32, #tpu.memory_space<vmem>>, vector<16xi32>,
      tpu.vector_store %arg6[%swap3A_54], %broadcast_in_dim3A_51 {strides = array<i32>} : memref<10144xi32, #tpu.memory_space<vmem>>, vector<16xi32>,
      %broadcast_in_dim3A_56 = arith.constant 8000 : i32
      %broadcast_in_dim3A_57 = vector.broadcast %broadcast_in_dim3A_56 : i32 to vector<16xi32>
      %add3A_58 = arith.constant 64 : i32
      %add3A_59 = arith.addi %scan3A_32, %add3A_58 : i32
      %swap3A_60 = arith.index_cast %add3A_59 : i32 to index
      %swap3A_61 = tpu.vector_load %arg6[%swap3A_60] {strides = array<i32>} : memref<10144xi32, #tpu.memory_space<vmem>>, vector<16xi32>,
      tpu.vector_store %arg6[%swap3A_60], %broadcast_in_dim3A_57 {strides = array<i32>} : memref<10144xi32, #tpu.memory_space<vmem>>, vector<16xi32>,
      %broadcast_in_dim3A_62 = arith.constant 8000 : i32
      %broadcast_in_dim3A_63 = vector.broadcast %broadcast_in_dim3A_62 : i32 to vector<16xi32>
      %add3A_64 = arith.constant 80 : i32
      %add3A_65 = arith.addi %scan3A_32, %add3A_64 : i32
      %swap3A_66 = arith.index_cast %add3A_65 : i32 to index
      %swap3A_67 = tpu.vector_load %arg6[%swap3A_66] {strides = array<i32>} : memref<10144xi32, #tpu.memory_space<vmem>>, vector<16xi32>,
      tpu.vector_store %arg6[%swap3A_66], %broadcast_in_dim3A_63 {strides = array<i32>} : memref<10144xi32, #tpu.memory_space<vmem>>, vector<16xi32>,
      %broadcast_in_dim3A_68 = arith.constant 8000 : i32
      %broadcast_in_dim3A_69 = vector.broadcast %broadcast_in_dim3A_68 : i32 to vector<16xi32>
      %add3A_70 = arith.constant 96 : i32
      %add3A_71 = arith.addi %scan3A_32, %add3A_70 : i32
      %swap3A_72 = arith.index_cast %add3A_71 : i32 to index
      %swap3A_73 = tpu.vector_load %arg6[%swap3A_72] {strides = array<i32>} : memref<10144xi32, #tpu.memory_space<vmem>>, vector<16xi32>,
      tpu.vector_store %arg6[%swap3A_72], %broadcast_in_dim3A_69 {strides = array<i32>} : memref<10144xi32, #tpu.memory_space<vmem>>, vector<16xi32>,
      %broadcast_in_dim3A_74 = arith.constant 8000 : i32
      %broadcast_in_dim3A_75 = vector.broadcast %broadcast_in_dim3A_74 : i32 to vector<16xi32>
      %add3A_76 = arith.constant 112 : i32
      %add3A_77 = arith.addi %scan3A_32, %add3A_76 : i32
      %swap3A_78 = arith.index_cast %add3A_77 : i32 to index
      %swap3A_79 = tpu.vector_load %arg6[%swap3A_78] {strides = array<i32>} : memref<10144xi32, #tpu.memory_space<vmem>>, vector<16xi32>,
      tpu.vector_store %arg6[%swap3A_78], %broadcast_in_dim3A_75 {strides = array<i32>} : memref<10144xi32, #tpu.memory_space<vmem>>, vector<16xi32>,
      %add3A_80 = arith.constant 15 : i32
      %add3A_81 = arith.addi %scan3A_32, %add3A_80 : i32
      %jit3A = arith.constant 16 : i32
      %div3A = arith.divsi %add3A_81, %jit3A : i32
      %sign3A = arith.constant 0 : i32
      %sign3A_82 = arith.cmpi sgt, %add3A_81, %sign3A : i32
      %sign3A_83 = arith.extui %sign3A_82 : i1 to i32
      %sign3A_84 = arith.constant 0 : i32
      %sign3A_85 = arith.cmpi slt, %add3A_81, %sign3A_84 : i32
      %sign3A_86 = arith.extui %sign3A_85 : i1 to i32
      %sign3A_87 = arith.subi %sign3A_83, %sign3A_86 : i32
      %sign3A_88 = arith.constant 0 : i32
      %sign3A_89 = arith.cmpi sgt, %jit3A, %sign3A_88 : i32
      %sign3A_90 = arith.extui %sign3A_89 : i1 to i32
      %sign3A_91 = arith.constant 0 : i32
      %sign3A_92 = arith.cmpi slt, %jit3A, %sign3A_91 : i32
      %sign3A_93 = arith.extui %sign3A_92 : i1 to i32
      %sign3A_94 = arith.subi %sign3A_90, %sign3A_93 : i32
      %ne3A = arith.cmpi ne, %sign3A_87, %sign3A_94 : i32
      %rem3A = arith.remsi %add3A_81, %jit3A : i32
      %ne3A_95 = arith.constant 0 : i32
      %ne3A_96 = arith.cmpi ne, %rem3A, %ne3A_95 : i32
      %and3A = arith.andi %ne3A, %ne3A_96 : i1
      %sub3A = arith.constant 1 : i32
      %sub3A_97 = arith.subi %div3A, %sub3A : i32
      %select_n3A = arith.select %and3A, %sub3A_97, %div3A : i32
      %while3A = arith.constant 0 : i32
      %while3A_98 = arith.constant 0 : i32
      %while3A_99 = arith.subi %select_n3A, %while3A : i32
      %while3A_100 = arith.addi %while3A, %while3A_99 : i32
      %while3A_101 = arith.constant 1 : i32
      %while3A_102 = arith.divsi %while3A_99, %while3A_101 : i32
      %while3A_103 = arith.muli %while3A_102, %while3A_101 : i32
      %while3A_104 = arith.addi %while3A, %while3A_103 : i32
      %while3A_105 = arith.constant 1 : i32
      %while3A_106 = scf.for %while3A_114 = %while3A to %while3A_104 step %while3A_105 iter_args(%while3A_115 = %while3A_98) -> (i32)  : i32 {
        %mul3A_116 = arith.constant 16 : i32
        %mul3A_117 = arith.muli %while3A_114, %mul3A_116 : i32
        %get3A = arith.index_cast %mul3A_117 : i32 to index
        %get3A_118 = tpu.vector_load %arg6[%get3A] {strides = array<i32>} : memref<10144xi32, #tpu.memory_space<vmem>>, vector<16xi32>,
        %shift_right_logical3A = arith.constant 13 : i32
        %shift_right_logical3A_119 = vector.broadcast %shift_right_logical3A : i32 to vector<16xi32>
        %shift_right_logical3A_120 = arith.shrui %get3A_118, %shift_right_logical3A_119 : vector<16xi32>
        %and3A_121 = arith.constant 8191 : i32
        %and3A_122 = vector.broadcast %and3A_121 : i32 to vector<16xi32>
        %and3A_123 = arith.andi %get3A_118, %and3A_122 : vector<16xi32>
        %dma_start3A = arith.constant 0 : i32
        %dma_start3A_124 = arith.constant 0 : i32
        %dma_start3A_125 = tpu.memref_slice %arg7[%dma_start3A, %dma_start3A_124] : memref<64x128xf32, #tpu.memory_space<vmem>> -> memref<16x128xf32, #tpu.memory_space<vmem>>
        %dma_start3A_126 = arith.constant 0 : i32
        %dma_start3A_127 = arith.constant 0 : i32
        %dma_start3A_128 = tpu.memref_slice %arg2[%dma_start3A_126, %dma_start3A_127] : memref<160000x128xf32, #tpu.memory_space<hbm>> -> memref<160000x128xf32, #tpu.memory_space<hbm>>
        tpu.enqueue_indirect_dma source(%dma_start3A_128 : memref<160000x128xf32, #tpu.memory_space<hbm>>) target(%dma_start3A_125 : memref<16x128xf32, #tpu.memory_space<vmem>>) offsets(%shift_right_logical3A_120 : vector<16xi32>) semaphore(%arg10 : memref<!tpu.dma_semaphore, #tpu.memory_space<semaphore_mem>>)
        %dma_wait3A = arith.constant 0 : i32
        %dma_wait3A_129 = arith.constant 0 : i32
        %dma_wait3A_130 = tpu.memref_slice %arg7[%dma_wait3A, %dma_wait3A_129] : memref<64x128xf32, #tpu.memory_space<vmem>> -> memref<16x128xf32, #tpu.memory_space<vmem>>
        %dma_wait3A_131 = arith.constant 0 : i32
        %dma_wait3A_132 = arith.constant 0 : i32
        %dma_wait3A_133 = tpu.memref_slice %arg2[%dma_wait3A_131, %dma_wait3A_132] : memref<160000x128xf32, #tpu.memory_space<hbm>> -> memref<160000x128xf32, #tpu.memory_space<hbm>>
        tpu.wait_indirect_dma semaphore(%arg10 : memref<!tpu.dma_semaphore, #tpu.memory_space<semaphore_mem>>) src(%dma_wait3A_133 : memref<160000x128xf32, #tpu.memory_space<hbm>>) dst(%dma_wait3A_130 : memref<16x128xf32, #tpu.memory_space<vmem>>)
        "tpu.region"() ({
          %run_scoped3A = tpu.sem_alloc : memref<!tpu.dma_semaphore, #tpu.memory_space<semaphore_mem>>
          %dma_start3A_135 = arith.constant 0 : i32
          %dma_start3A_136 = arith.constant 0 : i32
          %dma_start3A_137 = tpu.memref_slice %arg7[%dma_start3A_135, %dma_start3A_136] : memref<64x128xf32, #tpu.memory_space<vmem>> -> memref<16x128xf32, #tpu.memory_space<vmem>>
          %dma_start3A_138 = arith.constant 0 : i32
          %dma_start3A_139 = arith.constant 0 : i32
          %dma_start3A_140 = tpu.memref_slice %arg9[%dma_start3A_138, %dma_start3A_139] : memref<8192x128xf32, #tpu.memory_space<vmem_shared>> -> memref<8192x128xf32, #tpu.memory_space<vmem_shared>>
          tpu.enqueue_indirect_dma source(%dma_start3A_137 : memref<16x128xf32, #tpu.memory_space<vmem>>) target(%dma_start3A_140 : memref<8192x128xf32, #tpu.memory_space<vmem_shared>>) offsets(%and3A_123 : vector<16xi32>) semaphore(%run_scoped3A : memref<!tpu.dma_semaphore, #tpu.memory_space<semaphore_mem>>) {add = true}
          %dma_wait3A_141 = arith.constant 0 : i32
          %dma_wait3A_142 = arith.constant 0 : i32
          %dma_wait3A_143 = tpu.memref_slice %arg7[%dma_wait3A_141, %dma_wait3A_142] : memref<64x128xf32, #tpu.memory_space<vmem>> -> memref<16x128xf32, #tpu.memory_space<vmem>>
          %dma_wait3A_144 = arith.constant 0 : i32
          %dma_wait3A_145 = arith.constant 0 : i32
          %dma_wait3A_146 = tpu.memref_slice %arg9[%dma_wait3A_144, %dma_wait3A_145] : memref<8192x128xf32, #tpu.memory_space<vmem_shared>> -> memref<8192x128xf32, #tpu.memory_space<vmem_shared>>
          tpu.wait_indirect_dma semaphore(%run_scoped3A : memref<!tpu.dma_semaphore, #tpu.memory_space<semaphore_mem>>) src(%dma_wait3A_143 : memref<16x128xf32, #tpu.memory_space<vmem>>) dst(%dma_wait3A_146 : memref<8192x128xf32, #tpu.memory_space<vmem_shared>>)
          tpu.yield
        }) : () -> ()
        %while3A_134 = arith.constant 0 : i32
        scf.yield %while3A_134 : i32
      }
      %while3A_107 = arith.constant 1 : i32
      %while3A_108 = scf.for %while3A_114 = %while3A_104 to %while3A_100 step %while3A_107 iter_args(%while3A_115 = %while3A_106) -> (i32)  : i32 {
        %mul3A_116 = arith.constant 16 : i32
        %mul3A_117 = arith.muli %while3A_114, %mul3A_116 : i32
        %get3A = arith.index_cast %mul3A_117 : i32 to index
        %get3A_118 = tpu.vector_load %arg6[%get3A] {strides = array<i32>} : memref<10144xi32, #tpu.memory_space<vmem>>, vector<16xi32>,
        %shift_right_logical3A = arith.constant 13 : i32
        %shift_right_logical3A_119 = vector.broadcast %shift_right_logical3A : i32 to vector<16xi32>
        %shift_right_logical3A_120 = arith.shrui %get3A_118, %shift_right_logical3A_119 : vector<16xi32>
        %and3A_121 = arith.constant 8191 : i32
        %and3A_122 = vector.broadcast %and3A_121 : i32 to vector<16xi32>
        %and3A_123 = arith.andi %get3A_118, %and3A_122 : vector<16xi32>
        %dma_start3A = arith.constant 0 : i32
        %dma_start3A_124 = arith.constant 0 : i32
        %dma_start3A_125 = tpu.memref_slice %arg7[%dma_start3A, %dma_start3A_124] : memref<64x128xf32, #tpu.memory_space<vmem>> -> memref<16x128xf32, #tpu.memory_space<vmem>>
        %dma_start3A_126 = arith.constant 0 : i32
        %dma_start3A_127 = arith.constant 0 : i32
        %dma_start3A_128 = tpu.memref_slice %arg2[%dma_start3A_126, %dma_start3A_127] : memref<160000x128xf32, #tpu.memory_space<hbm>> -> memref<160000x128xf32, #tpu.memory_space<hbm>>
        tpu.enqueue_indirect_dma source(%dma_start3A_128 : memref<160000x128xf32, #tpu.memory_space<hbm>>) target(%dma_start3A_125 : memref<16x128xf32, #tpu.memory_space<vmem>>) offsets(%shift_right_logical3A_120 : vector<16xi32>) semaphore(%arg10 : memref<!tpu.dma_semaphore, #tpu.memory_space<semaphore_mem>>)
        %dma_wait3A = arith.constant 0 : i32
        %dma_wait3A_129 = arith.constant 0 : i32
        %dma_wait3A_130 = tpu.memref_slice %arg7[%dma_wait3A, %dma_wait3A_129] : memref<64x128xf32, #tpu.memory_space<vmem>> -> memref<16x128xf32, #tpu.memory_space<vmem>>
        %dma_wait3A_131 = arith.constant 0 : i32
        %dma_wait3A_132 = arith.constant 0 : i32
        %dma_wait3A_133 = tpu.memref_slice %arg2[%dma_wait3A_131, %dma_wait3A_132] : memref<160000x128xf32, #tpu.memory_space<hbm>> -> memref<160000x128xf32, #tpu.memory_space<hbm>>
        tpu.wait_indirect_dma semaphore(%arg10 : memref<!tpu.dma_semaphore, #tpu.memory_space<semaphore_mem>>) src(%dma_wait3A_133 : memref<160000x128xf32, #tpu.memory_space<hbm>>) dst(%dma_wait3A_130 : memref<16x128xf32, #tpu.memory_space<vmem>>)
        "tpu.region"() ({
          %run_scoped3A = tpu.sem_alloc : memref<!tpu.dma_semaphore, #tpu.memory_space<semaphore_mem>>
          %dma_start3A_135 = arith.constant 0 : i32
          %dma_start3A_136 = arith.constant 0 : i32
          %dma_start3A_137 = tpu.memref_slice %arg7[%dma_start3A_135, %dma_start3A_136] : memref<64x128xf32, #tpu.memory_space<vmem>> -> memref<16x128xf32, #tpu.memory_space<vmem>>
          %dma_start3A_138 = arith.constant 0 : i32
          %dma_start3A_139 = arith.constant 0 : i32
          %dma_start3A_140 = tpu.memref_slice %arg9[%dma_start3A_138, %dma_start3A_139] : memref<8192x128xf32, #tpu.memory_space<vmem_shared>> -> memref<8192x128xf32, #tpu.memory_space<vmem_shared>>
          tpu.enqueue_indirect_dma source(%dma_start3A_137 : memref<16x128xf32, #tpu.memory_space<vmem>>) target(%dma_start3A_140 : memref<8192x128xf32, #tpu.memory_space<vmem_shared>>) offsets(%and3A_123 : vector<16xi32>) semaphore(%run_scoped3A : memref<!tpu.dma_semaphore, #tpu.memory_space<semaphore_mem>>) {add = true}
          %dma_wait3A_141 = arith.constant 0 : i32
          %dma_wait3A_142 = arith.constant 0 : i32
          %dma_wait3A_143 = tpu.memref_slice %arg7[%dma_wait3A_141, %dma_wait3A_142] : memref<64x128xf32, #tpu.memory_space<vmem>> -> memref<16x128xf32, #tpu.memory_space<vmem>>
          %dma_wait3A_144 = arith.constant 0 : i32
          %dma_wait3A_145 = arith.constant 0 : i32
          %dma_wait3A_146 = tpu.memref_slice %arg9[%dma_wait3A_144, %dma_wait3A_145] : memref<8192x128xf32, #tpu.memory_space<vmem_shared>> -> memref<8192x128xf32, #tpu.memory_space<vmem_shared>>
          tpu.wait_indirect_dma semaphore(%run_scoped3A : memref<!tpu.dma_semaphore, #tpu.memory_space<semaphore_mem>>) src(%dma_wait3A_143 : memref<16x128xf32, #tpu.memory_space<vmem>>) dst(%dma_wait3A_146 : memref<8192x128xf32, #tpu.memory_space<vmem_shared>>)
          tpu.yield
        }) : () -> ()
        %while3A_134 = arith.constant 0 : i32
        scf.yield %while3A_134 : i32
      }
      %barrier3A_109 = arith.constant 0 : index
      tpu.barrier barrier_id(%barrier3A_109)
      %lt3A = arith.constant 8 : i32
      %lt3A_110 = arith.cmpi slt, %arg1, %lt3A : i32
      %convert_element_type3A = arith.extui %lt3A_110 : i1 to i32
      %cond3A = arith.constant 0 : i32
      %cond3A_111 = arith.cmpi ne, %convert_element_type3A, %cond3A : i32
      scf.if %cond3A_111 {
        %mul3A_114 = arith.constant 1000 : i32
        %mul3A_115 = arith.muli %arg1, %mul3A_114 : i32
        %multiple_of3A = tpu.assume_multiple %mul3A_115, 8 : i32
        %mul3A_116 = arith.constant 1000 : i32
        %mul3A_117 = arith.muli %arg1, %mul3A_116 : i32
        %add3A_118 = arith.addi %add3A, %mul3A_117 : i32
        %multiple_of3A_119 = tpu.assume_multiple %add3A_118, 8 : i32
        "tpu.region"() ({
          %run_scoped3A = tpu.sem_alloc : memref<!tpu.dma_semaphore, #tpu.memory_space<semaphore_mem>>
          %dma_start3A = arith.constant 0 : i32
          %dma_start3A_120 = tpu.memref_slice %arg4[%multiple_of3A_119, %dma_start3A] : memref<160000x128xf32, #tpu.memory_space<hbm>> -> memref<1000x128xf32, #tpu.memory_space<hbm>>
          %dma_start3A_121 = arith.constant 0 : i32
          %dma_start3A_122 = tpu.memref_slice %arg9[%multiple_of3A, %dma_start3A_121] : memref<8192x128xf32, #tpu.memory_space<vmem_shared>> -> memref<1000x128xf32, #tpu.memory_space<vmem_shared>>
          tpu.enqueue_dma source(%dma_start3A_122 : memref<1000x128xf32, #tpu.memory_space<vmem_shared>>) target(%dma_start3A_120 : memref<1000x128xf32, #tpu.memory_space<hbm>>) target_semaphore(%run_scoped3A : memref<!tpu.dma_semaphore, #tpu.memory_space<semaphore_mem>>)
          %dma_wait3A = arith.constant 0 : i32
          %dma_wait3A_123 = tpu.memref_slice %arg4[%multiple_of3A_119, %dma_wait3A] : memref<160000x128xf32, #tpu.memory_space<hbm>> -> memref<1000x128xf32, #tpu.memory_space<hbm>>
          %dma_wait3A_124 = arith.constant 0 : i32
          %dma_wait3A_125 = tpu.memref_slice %arg9[%multiple_of3A, %dma_wait3A_124] : memref<8192x128xf32, #tpu.memory_space<vmem_shared>> -> memref<1000x128xf32, #tpu.memory_space<vmem_shared>>
          tpu.wait_dma2 semaphore(%run_scoped3A : memref<!tpu.dma_semaphore, #tpu.memory_space<semaphore_mem>>) src(%dma_wait3A_125 : memref<1000x128xf32, #tpu.memory_space<vmem_shared>>) dst(%dma_wait3A_123 : memref<1000x128xf32, #tpu.memory_space<hbm>>)
          tpu.yield
        }) : () -> ()
      } else {
      }
      %barrier3A_112 = arith.constant 0 : index
      tpu.barrier barrier_id(%barrier3A_112)
      %scan3A_113 = arith.constant 0 : i32
      scf.yield %scan3A_113 : i32
    }
    %scan3A_13 = arith.constant 10 : i32
    return
  }
}

#map = affine_map<(d0, d1) -> (0, 0)>
#map1 = affine_map<(d0, d1) -> (0)>
#map2 = affine_map<(d0, d1) -> (0, 0, 0)>
module attributes {stable_mosaic.version = 14 : i64} {
  func.func @k(%arg0: i32, %arg1: i32, %arg2: memref<160000x128xf32, #tpu.memory_space<hbm>>, %arg3: memref<160000xi32, #tpu.memory_space<hbm>>, %arg4: memref<2x10240x128xf32, #tpu.memory_space<hbm>>, %arg5: memref<5000xi32, #tpu.memory_space<vmem>>, %arg6: memref<64x128xf32, #tpu.memory_space<vmem>>, %arg7: memref<64x128xf32, #tpu.memory_space<vmem>>, %arg8: memref<16x128xf32, #tpu.memory_space<vmem>>, %arg9: memref<10240x128xf32, #tpu.memory_space<vmem_shared>>, %arg10: memref<!tpu.dma_semaphore, #tpu.memory_space<semaphore_mem>>, %arg11: memref<!tpu.dma_semaphore, #tpu.memory_space<semaphore_mem>>, %arg12: memref<!tpu.dma_semaphore, #tpu.memory_space<semaphore_mem>>) attributes {dimension_semantics = [#tpu.dimension_semantics<core_parallel>, #tpu.dimension_semantics<subcore_parallel>], iteration_bounds = array<i64: 2, 16>, scalar_prefetch = 0 : i64, scratch_operands = 8 : i64, tpu.core_type = #tpu.core_type<sc_vector_subcore>, window_params = [{transform_indices = #map}, {transform_indices = #map1}, {transform_indices = #map2}]} {
    %mul3A = arith.constant 16 : i32
    %mul3A_0 = arith.muli %arg0, %mul3A : i32
    %add3A = arith.addi %mul3A_0, %arg1 : i32
    %mul3A_1 = arith.constant 5000 : i32
    %mul3A_2 = arith.muli %add3A, %mul3A_1 : i32
    "tpu.region"() ({
      %run_scoped3A = tpu.sem_alloc : memref<!tpu.dma_semaphore, #tpu.memory_space<semaphore_mem>>
      %dma_start3A = tpu.memref_slice %arg3[%mul3A_2] : memref<160000xi32, #tpu.memory_space<hbm>> -> memref<5000xi32, #tpu.memory_space<hbm>>
      %dma_start3A_36 = tpu.memref_slice %arg3[%mul3A_2] : memref<160000xi32, #tpu.memory_space<hbm>> -> memref<5000xi32, #tpu.memory_space<hbm>>
      tpu.enqueue_dma source(%dma_start3A_36 : memref<5000xi32, #tpu.memory_space<hbm>>) target(%arg5 : memref<5000xi32, #tpu.memory_space<vmem>>) target_semaphore(%run_scoped3A : memref<!tpu.dma_semaphore, #tpu.memory_space<semaphore_mem>>)
      %dma_wait3A = tpu.memref_slice %arg3[%mul3A_2] : memref<160000xi32, #tpu.memory_space<hbm>> -> memref<5000xi32, #tpu.memory_space<hbm>>
      %dma_wait3A_37 = tpu.memref_slice %arg3[%mul3A_2] : memref<160000xi32, #tpu.memory_space<hbm>> -> memref<5000xi32, #tpu.memory_space<hbm>>
      tpu.wait_dma2 semaphore(%run_scoped3A : memref<!tpu.dma_semaphore, #tpu.memory_space<semaphore_mem>>) src(%dma_wait3A_37 : memref<5000xi32, #tpu.memory_space<hbm>>) dst(%arg5 : memref<5000xi32, #tpu.memory_space<vmem>>)
      tpu.yield
    }) : () -> ()
    %scan3A = arith.constant 0 : i32
    %scan3A_3 = arith.constant 0 : i32
    %scan3A_4 = arith.constant 16 : i32
    %scan3A_5 = arith.addi %scan3A_3, %scan3A_4 : i32
    %scan3A_6 = arith.constant 1 : i32
    %scan3A_7 = scf.for %scan3A_36 = %scan3A_3 to %scan3A_5 step %scan3A_6 iter_args(%scan3A_37 = %scan3A) -> (i32)  : i32 {
      %broadcast_in_dim3A_38 = arith.constant 0.000000e+00 : f32
      %broadcast_in_dim3A_39 = vector.broadcast %broadcast_in_dim3A_38 : f32 to vector<16xf32>
      %swap3A = arith.index_cast %scan3A_36 : i32 to index
      %swap3A_40 = arith.constant 0 : index
      %swap3A_41 = tpu.vector_load %arg8[%swap3A, %swap3A_40] {strides = array<i32>} : memref<16x128xf32, #tpu.memory_space<vmem>>, vector<16xf32>,
      tpu.vector_store %arg8[%swap3A, %swap3A_40], %broadcast_in_dim3A_39 {strides = array<i32>} : memref<16x128xf32, #tpu.memory_space<vmem>>, vector<16xf32>,
      %broadcast_in_dim3A_42 = arith.constant 0.000000e+00 : f32
      %broadcast_in_dim3A_43 = vector.broadcast %broadcast_in_dim3A_42 : f32 to vector<16xf32>
      %swap3A_44 = arith.index_cast %scan3A_36 : i32 to index
      %swap3A_45 = arith.constant 16 : index
      %swap3A_46 = tpu.vector_load %arg8[%swap3A_44, %swap3A_45] {strides = array<i32>} : memref<16x128xf32, #tpu.memory_space<vmem>>, vector<16xf32>,
      tpu.vector_store %arg8[%swap3A_44, %swap3A_45], %broadcast_in_dim3A_43 {strides = array<i32>} : memref<16x128xf32, #tpu.memory_space<vmem>>, vector<16xf32>,
      %broadcast_in_dim3A_47 = arith.constant 0.000000e+00 : f32
      %broadcast_in_dim3A_48 = vector.broadcast %broadcast_in_dim3A_47 : f32 to vector<16xf32>
      %swap3A_49 = arith.index_cast %scan3A_36 : i32 to index
      %swap3A_50 = arith.constant 32 : index
      %swap3A_51 = tpu.vector_load %arg8[%swap3A_49, %swap3A_50] {strides = array<i32>} : memref<16x128xf32, #tpu.memory_space<vmem>>, vector<16xf32>,
      tpu.vector_store %arg8[%swap3A_49, %swap3A_50], %broadcast_in_dim3A_48 {strides = array<i32>} : memref<16x128xf32, #tpu.memory_space<vmem>>, vector<16xf32>,
      %broadcast_in_dim3A_52 = arith.constant 0.000000e+00 : f32
      %broadcast_in_dim3A_53 = vector.broadcast %broadcast_in_dim3A_52 : f32 to vector<16xf32>
      %swap3A_54 = arith.index_cast %scan3A_36 : i32 to index
      %swap3A_55 = arith.constant 48 : index
      %swap3A_56 = tpu.vector_load %arg8[%swap3A_54, %swap3A_55] {strides = array<i32>} : memref<16x128xf32, #tpu.memory_space<vmem>>, vector<16xf32>,
      tpu.vector_store %arg8[%swap3A_54, %swap3A_55], %broadcast_in_dim3A_53 {strides = array<i32>} : memref<16x128xf32, #tpu.memory_space<vmem>>, vector<16xf32>,
      %broadcast_in_dim3A_57 = arith.constant 0.000000e+00 : f32
      %broadcast_in_dim3A_58 = vector.broadcast %broadcast_in_dim3A_57 : f32 to vector<16xf32>
      %swap3A_59 = arith.index_cast %scan3A_36 : i32 to index
      %swap3A_60 = arith.constant 64 : index
      %swap3A_61 = tpu.vector_load %arg8[%swap3A_59, %swap3A_60] {strides = array<i32>} : memref<16x128xf32, #tpu.memory_space<vmem>>, vector<16xf32>,
      tpu.vector_store %arg8[%swap3A_59, %swap3A_60], %broadcast_in_dim3A_58 {strides = array<i32>} : memref<16x128xf32, #tpu.memory_space<vmem>>, vector<16xf32>,
      %broadcast_in_dim3A_62 = arith.constant 0.000000e+00 : f32
      %broadcast_in_dim3A_63 = vector.broadcast %broadcast_in_dim3A_62 : f32 to vector<16xf32>
      %swap3A_64 = arith.index_cast %scan3A_36 : i32 to index
      %swap3A_65 = arith.constant 80 : index
      %swap3A_66 = tpu.vector_load %arg8[%swap3A_64, %swap3A_65] {strides = array<i32>} : memref<16x128xf32, #tpu.memory_space<vmem>>, vector<16xf32>,
      tpu.vector_store %arg8[%swap3A_64, %swap3A_65], %broadcast_in_dim3A_63 {strides = array<i32>} : memref<16x128xf32, #tpu.memory_space<vmem>>, vector<16xf32>,
      %broadcast_in_dim3A_67 = arith.constant 0.000000e+00 : f32
      %broadcast_in_dim3A_68 = vector.broadcast %broadcast_in_dim3A_67 : f32 to vector<16xf32>
      %swap3A_69 = arith.index_cast %scan3A_36 : i32 to index
      %swap3A_70 = arith.constant 96 : index
      %swap3A_71 = tpu.vector_load %arg8[%swap3A_69, %swap3A_70] {strides = array<i32>} : memref<16x128xf32, #tpu.memory_space<vmem>>, vector<16xf32>,
      tpu.vector_store %arg8[%swap3A_69, %swap3A_70], %broadcast_in_dim3A_68 {strides = array<i32>} : memref<16x128xf32, #tpu.memory_space<vmem>>, vector<16xf32>,
      %broadcast_in_dim3A_72 = arith.constant 0.000000e+00 : f32
      %broadcast_in_dim3A_73 = vector.broadcast %broadcast_in_dim3A_72 : f32 to vector<16xf32>
      %swap3A_74 = arith.index_cast %scan3A_36 : i32 to index
      %swap3A_75 = arith.constant 112 : index
      %swap3A_76 = tpu.vector_load %arg8[%swap3A_74, %swap3A_75] {strides = array<i32>} : memref<16x128xf32, #tpu.memory_space<vmem>>, vector<16xf32>,
      tpu.vector_store %arg8[%swap3A_74, %swap3A_75], %broadcast_in_dim3A_73 {strides = array<i32>} : memref<16x128xf32, #tpu.memory_space<vmem>>, vector<16xf32>,
      %scan3A_77 = arith.constant 0 : i32
      scf.yield %scan3A_77 : i32
    }
    %scan3A_8 = arith.constant 16 : i32
    %scan3A_9 = arith.constant 0 : i32
    %scan3A_10 = arith.constant 0 : i32
    %scan3A_11 = arith.constant 40 : i32
    %scan3A_12 = arith.addi %scan3A_10, %scan3A_11 : i32
    %scan3A_13 = arith.constant 1 : i32
    %scan3A_14 = scf.for %scan3A_36 = %scan3A_10 to %scan3A_12 step %scan3A_13 iter_args(%scan3A_37 = %scan3A_9) -> (i32)  : i32 {
      %mul3A_38 = arith.constant 640 : i32
      %mul3A_39 = arith.muli %arg1, %mul3A_38 : i32
      %mul3A_40 = arith.constant 16 : i32
      %mul3A_41 = arith.muli %scan3A_36, %mul3A_40 : i32
      %add3A_42 = arith.addi %mul3A_39, %mul3A_41 : i32
      %multiple_of3A_43 = tpu.assume_multiple %add3A_42, 8 : i32
      "tpu.region"() ({
        %run_scoped3A = tpu.sem_alloc : memref<!tpu.dma_semaphore, #tpu.memory_space<semaphore_mem>>
        %dma_start3A = arith.constant 0 : i32
        %dma_start3A_45 = tpu.memref_slice %arg9[%multiple_of3A_43, %dma_start3A] : memref<10240x128xf32, #tpu.memory_space<vmem_shared>> -> memref<16x128xf32, #tpu.memory_space<vmem_shared>>
        %dma_start3A_46 = arith.constant 0 : i32
        %dma_start3A_47 = tpu.memref_slice %arg9[%multiple_of3A_43, %dma_start3A_46] : memref<10240x128xf32, #tpu.memory_space<vmem_shared>> -> memref<16x128xf32, #tpu.memory_space<vmem_shared>>
        tpu.enqueue_dma source(%arg8 : memref<16x128xf32, #tpu.memory_space<vmem>>) target(%dma_start3A_47 : memref<16x128xf32, #tpu.memory_space<vmem_shared>>) target_semaphore(%run_scoped3A : memref<!tpu.dma_semaphore, #tpu.memory_space<semaphore_mem>>)
        %dma_wait3A = arith.constant 0 : i32
        %dma_wait3A_48 = tpu.memref_slice %arg9[%multiple_of3A_43, %dma_wait3A] : memref<10240x128xf32, #tpu.memory_space<vmem_shared>> -> memref<16x128xf32, #tpu.memory_space<vmem_shared>>
        %dma_wait3A_49 = arith.constant 0 : i32
        %dma_wait3A_50 = tpu.memref_slice %arg9[%multiple_of3A_43, %dma_wait3A_49] : memref<10240x128xf32, #tpu.memory_space<vmem_shared>> -> memref<16x128xf32, #tpu.memory_space<vmem_shared>>
        tpu.wait_dma2 semaphore(%run_scoped3A : memref<!tpu.dma_semaphore, #tpu.memory_space<semaphore_mem>>) src(%arg8 : memref<16x128xf32, #tpu.memory_space<vmem>>) dst(%dma_wait3A_50 : memref<16x128xf32, #tpu.memory_space<vmem_shared>>)
        tpu.yield
      }) : () -> ()
      %scan3A_44 = arith.constant 0 : i32
      scf.yield %scan3A_44 : i32
    }
    %scan3A_15 = arith.constant 40 : i32
    %barrier3A = arith.constant 0 : index
    tpu.barrier barrier_id(%barrier3A)
    %iota3A = tpu.iota {dimensions = array<i32: 0>} : vector<16xi32>
    %scan3A_16 = arith.constant 0 : i32
    %scan3A_17 = arith.constant 0 : i32
    %scan3A_18 = arith.constant 39 : i32
    %scan3A_19 = arith.addi %scan3A_17, %scan3A_18 : i32
    %scan3A_20 = arith.constant 1 : i32
    %scan3A_21 = scf.for %scan3A_36 = %scan3A_17 to %scan3A_19 step %scan3A_20 iter_args(%scan3A_37 = %scan3A_16) -> (i32)  : i32 {
      %mul3A_38 = arith.constant 128 : i32
      %mul3A_39 = arith.muli %scan3A_36, %mul3A_38 : i32
      %add3A_40 = arith.constant 64 : i32
      %add3A_41 = arith.addi %mul3A_39, %add3A_40 : i32
      %add3A_42 = arith.addi %mul3A_2, %mul3A_39 : i32
      %multiple_of3A_43 = tpu.assume_multiple %add3A_42, 8 : i32
      %dma_start3A = arith.constant 0 : i32
      %dma_start3A_44 = tpu.memref_slice %arg2[%multiple_of3A_43, %dma_start3A] : memref<160000x128xf32, #tpu.memory_space<hbm>> -> memref<64x128xf32, #tpu.memory_space<hbm>>
      %dma_start3A_45 = arith.constant 0 : i32
      %dma_start3A_46 = tpu.memref_slice %arg2[%multiple_of3A_43, %dma_start3A_45] : memref<160000x128xf32, #tpu.memory_space<hbm>> -> memref<64x128xf32, #tpu.memory_space<hbm>>
      tpu.enqueue_dma source(%dma_start3A_46 : memref<64x128xf32, #tpu.memory_space<hbm>>) target(%arg6 : memref<64x128xf32, #tpu.memory_space<vmem>>) target_semaphore(%arg10 : memref<!tpu.dma_semaphore, #tpu.memory_space<semaphore_mem>>)
      %add3A_47 = arith.addi %mul3A_2, %add3A_41 : i32
      %multiple_of3A_48 = tpu.assume_multiple %add3A_47, 8 : i32
      %dma_start3A_49 = arith.constant 0 : i32
      %dma_start3A_50 = tpu.memref_slice %arg2[%multiple_of3A_48, %dma_start3A_49] : memref<160000x128xf32, #tpu.memory_space<hbm>> -> memref<64x128xf32, #tpu.memory_space<hbm>>
      %dma_start3A_51 = arith.constant 0 : i32
      %dma_start3A_52 = tpu.memref_slice %arg2[%multiple_of3A_48, %dma_start3A_51] : memref<160000x128xf32, #tpu.memory_space<hbm>> -> memref<64x128xf32, #tpu.memory_space<hbm>>
      tpu.enqueue_dma source(%dma_start3A_52 : memref<64x128xf32, #tpu.memory_space<hbm>>) target(%arg7 : memref<64x128xf32, #tpu.memory_space<vmem>>) target_semaphore(%arg11 : memref<!tpu.dma_semaphore, #tpu.memory_space<semaphore_mem>>)
      %dma_wait3A = arith.constant 0 : i32
      %dma_wait3A_53 = tpu.memref_slice %arg2[%multiple_of3A_43, %dma_wait3A] : memref<160000x128xf32, #tpu.memory_space<hbm>> -> memref<64x128xf32, #tpu.memory_space<hbm>>
      %dma_wait3A_54 = arith.constant 0 : i32
      %dma_wait3A_55 = tpu.memref_slice %arg2[%multiple_of3A_43, %dma_wait3A_54] : memref<160000x128xf32, #tpu.memory_space<hbm>> -> memref<64x128xf32, #tpu.memory_space<hbm>>
      tpu.wait_dma2 semaphore(%arg10 : memref<!tpu.dma_semaphore, #tpu.memory_space<semaphore_mem>>) src(%dma_wait3A_55 : memref<64x128xf32, #tpu.memory_space<hbm>>) dst(%arg6 : memref<64x128xf32, #tpu.memory_space<vmem>>)
      %add3A_56 = arith.constant 0 : i32
      %add3A_57 = arith.addi %mul3A_39, %add3A_56 : i32
      %get3A_58 = arith.index_cast %add3A_57 : i32 to index
      %get3A_59 = tpu.vector_load %arg5[%get3A_58] {strides = array<i32>} : memref<5000xi32, #tpu.memory_space<vmem>>, vector<16xi32>,
      %dma_start3A_60 = arith.constant 0 : i32
      %dma_start3A_61 = arith.constant 0 : i32
      %dma_start3A_62 = tpu.memref_slice %arg6[%dma_start3A_60, %dma_start3A_61] : memref<64x128xf32, #tpu.memory_space<vmem>> -> memref<16x128xf32, #tpu.memory_space<vmem>>
      %dma_start3A_63 = arith.constant 0 : i32
      %dma_start3A_64 = arith.constant 0 : i32
      %dma_start3A_65 = tpu.memref_slice %arg9[%dma_start3A_63, %dma_start3A_64] : memref<10240x128xf32, #tpu.memory_space<vmem_shared>> -> memref<10240x128xf32, #tpu.memory_space<vmem_shared>>
      tpu.enqueue_indirect_dma source(%dma_start3A_62 : memref<16x128xf32, #tpu.memory_space<vmem>>) target(%dma_start3A_65 : memref<10240x128xf32, #tpu.memory_space<vmem_shared>>) offsets(%get3A_59 : vector<16xi32>) semaphore(%arg12 : memref<!tpu.dma_semaphore, #tpu.memory_space<semaphore_mem>>) {add = true}
      %add3A_66 = arith.constant 16 : i32
      %add3A_67 = arith.addi %mul3A_39, %add3A_66 : i32
      %get3A_68 = arith.index_cast %add3A_67 : i32 to index
      %get3A_69 = tpu.vector_load %arg5[%get3A_68] {strides = array<i32>} : memref<5000xi32, #tpu.memory_space<vmem>>, vector<16xi32>,
      %dma_start3A_70 = arith.constant 16 : i32
      %dma_start3A_71 = arith.constant 0 : i32
      %dma_start3A_72 = tpu.memref_slice %arg6[%dma_start3A_70, %dma_start3A_71] : memref<64x128xf32, #tpu.memory_space<vmem>> -> memref<16x128xf32, #tpu.memory_space<vmem>>
      %dma_start3A_73 = arith.constant 0 : i32
      %dma_start3A_74 = arith.constant 0 : i32
      %dma_start3A_75 = tpu.memref_slice %arg9[%dma_start3A_73, %dma_start3A_74] : memref<10240x128xf32, #tpu.memory_space<vmem_shared>> -> memref<10240x128xf32, #tpu.memory_space<vmem_shared>>
      tpu.enqueue_indirect_dma source(%dma_start3A_72 : memref<16x128xf32, #tpu.memory_space<vmem>>) target(%dma_start3A_75 : memref<10240x128xf32, #tpu.memory_space<vmem_shared>>) offsets(%get3A_69 : vector<16xi32>) semaphore(%arg12 : memref<!tpu.dma_semaphore, #tpu.memory_space<semaphore_mem>>) {add = true}
      %add3A_76 = arith.constant 32 : i32
      %add3A_77 = arith.addi %mul3A_39, %add3A_76 : i32
      %get3A_78 = arith.index_cast %add3A_77 : i32 to index
      %get3A_79 = tpu.vector_load %arg5[%get3A_78] {strides = array<i32>} : memref<5000xi32, #tpu.memory_space<vmem>>, vector<16xi32>,
      %dma_start3A_80 = arith.constant 32 : i32
      %dma_start3A_81 = arith.constant 0 : i32
      %dma_start3A_82 = tpu.memref_slice %arg6[%dma_start3A_80, %dma_start3A_81] : memref<64x128xf32, #tpu.memory_space<vmem>> -> memref<16x128xf32, #tpu.memory_space<vmem>>
      %dma_start3A_83 = arith.constant 0 : i32
      %dma_start3A_84 = arith.constant 0 : i32
      %dma_start3A_85 = tpu.memref_slice %arg9[%dma_start3A_83, %dma_start3A_84] : memref<10240x128xf32, #tpu.memory_space<vmem_shared>> -> memref<10240x128xf32, #tpu.memory_space<vmem_shared>>
      tpu.enqueue_indirect_dma source(%dma_start3A_82 : memref<16x128xf32, #tpu.memory_space<vmem>>) target(%dma_start3A_85 : memref<10240x128xf32, #tpu.memory_space<vmem_shared>>) offsets(%get3A_79 : vector<16xi32>) semaphore(%arg12 : memref<!tpu.dma_semaphore, #tpu.memory_space<semaphore_mem>>) {add = true}
      %add3A_86 = arith.constant 48 : i32
      %add3A_87 = arith.addi %mul3A_39, %add3A_86 : i32
      %get3A_88 = arith.index_cast %add3A_87 : i32 to index
      %get3A_89 = tpu.vector_load %arg5[%get3A_88] {strides = array<i32>} : memref<5000xi32, #tpu.memory_space<vmem>>, vector<16xi32>,
      %dma_start3A_90 = arith.constant 48 : i32
      %dma_start3A_91 = arith.constant 0 : i32
      %dma_start3A_92 = tpu.memref_slice %arg6[%dma_start3A_90, %dma_start3A_91] : memref<64x128xf32, #tpu.memory_space<vmem>> -> memref<16x128xf32, #tpu.memory_space<vmem>>
      %dma_start3A_93 = arith.constant 0 : i32
      %dma_start3A_94 = arith.constant 0 : i32
      %dma_start3A_95 = tpu.memref_slice %arg9[%dma_start3A_93, %dma_start3A_94] : memref<10240x128xf32, #tpu.memory_space<vmem_shared>> -> memref<10240x128xf32, #tpu.memory_space<vmem_shared>>
      tpu.enqueue_indirect_dma source(%dma_start3A_92 : memref<16x128xf32, #tpu.memory_space<vmem>>) target(%dma_start3A_95 : memref<10240x128xf32, #tpu.memory_space<vmem_shared>>) offsets(%get3A_89 : vector<16xi32>) semaphore(%arg12 : memref<!tpu.dma_semaphore, #tpu.memory_space<semaphore_mem>>) {add = true}
      %dma_wait3A_96 = arith.constant 0 : i32
      %dma_wait3A_97 = tpu.memref_slice %arg2[%multiple_of3A_48, %dma_wait3A_96] : memref<160000x128xf32, #tpu.memory_space<hbm>> -> memref<64x128xf32, #tpu.memory_space<hbm>>
      %dma_wait3A_98 = arith.constant 0 : i32
      %dma_wait3A_99 = tpu.memref_slice %arg2[%multiple_of3A_48, %dma_wait3A_98] : memref<160000x128xf32, #tpu.memory_space<hbm>> -> memref<64x128xf32, #tpu.memory_space<hbm>>
      tpu.wait_dma2 semaphore(%arg11 : memref<!tpu.dma_semaphore, #tpu.memory_space<semaphore_mem>>) src(%dma_wait3A_99 : memref<64x128xf32, #tpu.memory_space<hbm>>) dst(%arg7 : memref<64x128xf32, #tpu.memory_space<vmem>>)
      %add3A_100 = arith.constant 0 : i32
      %add3A_101 = arith.addi %add3A_41, %add3A_100 : i32
      %get3A_102 = arith.index_cast %add3A_101 : i32 to index
      %get3A_103 = tpu.vector_load %arg5[%get3A_102] {strides = array<i32>} : memref<5000xi32, #tpu.memory_space<vmem>>, vector<16xi32>,
      %dma_start3A_104 = arith.constant 0 : i32
      %dma_start3A_105 = arith.constant 0 : i32
      %dma_start3A_106 = tpu.memref_slice %arg7[%dma_start3A_104, %dma_start3A_105] : memref<64x128xf32, #tpu.memory_space<vmem>> -> memref<16x128xf32, #tpu.memory_space<vmem>>
      %dma_start3A_107 = arith.constant 0 : i32
      %dma_start3A_108 = arith.constant 0 : i32
      %dma_start3A_109 = tpu.memref_slice %arg9[%dma_start3A_107, %dma_start3A_108] : memref<10240x128xf32, #tpu.memory_space<vmem_shared>> -> memref<10240x128xf32, #tpu.memory_space<vmem_shared>>
      tpu.enqueue_indirect_dma source(%dma_start3A_106 : memref<16x128xf32, #tpu.memory_space<vmem>>) target(%dma_start3A_109 : memref<10240x128xf32, #tpu.memory_space<vmem_shared>>) offsets(%get3A_103 : vector<16xi32>) semaphore(%arg12 : memref<!tpu.dma_semaphore, #tpu.memory_space<semaphore_mem>>) {add = true}
      %add3A_110 = arith.constant 16 : i32
      %add3A_111 = arith.addi %add3A_41, %add3A_110 : i32
      %get3A_112 = arith.index_cast %add3A_111 : i32 to index
      %get3A_113 = tpu.vector_load %arg5[%get3A_112] {strides = array<i32>} : memref<5000xi32, #tpu.memory_space<vmem>>, vector<16xi32>,
      %dma_start3A_114 = arith.constant 16 : i32
      %dma_start3A_115 = arith.constant 0 : i32
      %dma_start3A_116 = tpu.memref_slice %arg7[%dma_start3A_114, %dma_start3A_115] : memref<64x128xf32, #tpu.memory_space<vmem>> -> memref<16x128xf32, #tpu.memory_space<vmem>>
      %dma_start3A_117 = arith.constant 0 : i32
      %dma_start3A_118 = arith.constant 0 : i32
      %dma_start3A_119 = tpu.memref_slice %arg9[%dma_start3A_117, %dma_start3A_118] : memref<10240x128xf32, #tpu.memory_space<vmem_shared>> -> memref<10240x128xf32, #tpu.memory_space<vmem_shared>>
      tpu.enqueue_indirect_dma source(%dma_start3A_116 : memref<16x128xf32, #tpu.memory_space<vmem>>) target(%dma_start3A_119 : memref<10240x128xf32, #tpu.memory_space<vmem_shared>>) offsets(%get3A_113 : vector<16xi32>) semaphore(%arg12 : memref<!tpu.dma_semaphore, #tpu.memory_space<semaphore_mem>>) {add = true}
      %add3A_120 = arith.constant 32 : i32
      %add3A_121 = arith.addi %add3A_41, %add3A_120 : i32
      %get3A_122 = arith.index_cast %add3A_121 : i32 to index
      %get3A_123 = tpu.vector_load %arg5[%get3A_122] {strides = array<i32>} : memref<5000xi32, #tpu.memory_space<vmem>>, vector<16xi32>,
      %dma_start3A_124 = arith.constant 32 : i32
      %dma_start3A_125 = arith.constant 0 : i32
      %dma_start3A_126 = tpu.memref_slice %arg7[%dma_start3A_124, %dma_start3A_125] : memref<64x128xf32, #tpu.memory_space<vmem>> -> memref<16x128xf32, #tpu.memory_space<vmem>>
      %dma_start3A_127 = arith.constant 0 : i32
      %dma_start3A_128 = arith.constant 0 : i32
      %dma_start3A_129 = tpu.memref_slice %arg9[%dma_start3A_127, %dma_start3A_128] : memref<10240x128xf32, #tpu.memory_space<vmem_shared>> -> memref<10240x128xf32, #tpu.memory_space<vmem_shared>>
      tpu.enqueue_indirect_dma source(%dma_start3A_126 : memref<16x128xf32, #tpu.memory_space<vmem>>) target(%dma_start3A_129 : memref<10240x128xf32, #tpu.memory_space<vmem_shared>>) offsets(%get3A_123 : vector<16xi32>) semaphore(%arg12 : memref<!tpu.dma_semaphore, #tpu.memory_space<semaphore_mem>>) {add = true}
      %add3A_130 = arith.constant 48 : i32
      %add3A_131 = arith.addi %add3A_41, %add3A_130 : i32
      %get3A_132 = arith.index_cast %add3A_131 : i32 to index
      %get3A_133 = tpu.vector_load %arg5[%get3A_132] {strides = array<i32>} : memref<5000xi32, #tpu.memory_space<vmem>>, vector<16xi32>,
      %dma_start3A_134 = arith.constant 48 : i32
      %dma_start3A_135 = arith.constant 0 : i32
      %dma_start3A_136 = tpu.memref_slice %arg7[%dma_start3A_134, %dma_start3A_135] : memref<64x128xf32, #tpu.memory_space<vmem>> -> memref<16x128xf32, #tpu.memory_space<vmem>>
      %dma_start3A_137 = arith.constant 0 : i32
      %dma_start3A_138 = arith.constant 0 : i32
      %dma_start3A_139 = tpu.memref_slice %arg9[%dma_start3A_137, %dma_start3A_138] : memref<10240x128xf32, #tpu.memory_space<vmem_shared>> -> memref<10240x128xf32, #tpu.memory_space<vmem_shared>>
      tpu.enqueue_indirect_dma source(%dma_start3A_136 : memref<16x128xf32, #tpu.memory_space<vmem>>) target(%dma_start3A_139 : memref<10240x128xf32, #tpu.memory_space<vmem_shared>>) offsets(%get3A_133 : vector<16xi32>) semaphore(%arg12 : memref<!tpu.dma_semaphore, #tpu.memory_space<semaphore_mem>>) {add = true}
      %dma_wait3A_140 = arith.constant 0 : i32
      %dma_wait3A_141 = arith.constant 0 : i32
      %dma_wait3A_142 = tpu.memref_slice %arg6[%dma_wait3A_140, %dma_wait3A_141] : memref<64x128xf32, #tpu.memory_space<vmem>> -> memref<16x128xf32, #tpu.memory_space<vmem>>
      %dma_wait3A_143 = arith.constant 0 : i32
      %dma_wait3A_144 = arith.constant 0 : i32
      %dma_wait3A_145 = tpu.memref_slice %arg9[%dma_wait3A_143, %dma_wait3A_144] : memref<10240x128xf32, #tpu.memory_space<vmem_shared>> -> memref<10240x128xf32, #tpu.memory_space<vmem_shared>>
      tpu.wait_indirect_dma semaphore(%arg12 : memref<!tpu.dma_semaphore, #tpu.memory_space<semaphore_mem>>) src(%dma_wait3A_142 : memref<16x128xf32, #tpu.memory_space<vmem>>) dst(%dma_wait3A_145 : memref<10240x128xf32, #tpu.memory_space<vmem_shared>>)
      %dma_wait3A_146 = arith.constant 16 : i32
      %dma_wait3A_147 = arith.constant 0 : i32
      %dma_wait3A_148 = tpu.memref_slice %arg6[%dma_wait3A_146, %dma_wait3A_147] : memref<64x128xf32, #tpu.memory_space<vmem>> -> memref<16x128xf32, #tpu.memory_space<vmem>>
      %dma_wait3A_149 = arith.constant 0 : i32
      %dma_wait3A_150 = arith.constant 0 : i32
      %dma_wait3A_151 = tpu.memref_slice %arg9[%dma_wait3A_149, %dma_wait3A_150] : memref<10240x128xf32, #tpu.memory_space<vmem_shared>> -> memref<10240x128xf32, #tpu.memory_space<vmem_shared>>
      tpu.wait_indirect_dma semaphore(%arg12 : memref<!tpu.dma_semaphore, #tpu.memory_space<semaphore_mem>>) src(%dma_wait3A_148 : memref<16x128xf32, #tpu.memory_space<vmem>>) dst(%dma_wait3A_151 : memref<10240x128xf32, #tpu.memory_space<vmem_shared>>)
      %dma_wait3A_152 = arith.constant 32 : i32
      %dma_wait3A_153 = arith.constant 0 : i32
      %dma_wait3A_154 = tpu.memref_slice %arg6[%dma_wait3A_152, %dma_wait3A_153] : memref<64x128xf32, #tpu.memory_space<vmem>> -> memref<16x128xf32, #tpu.memory_space<vmem>>
      %dma_wait3A_155 = arith.constant 0 : i32
      %dma_wait3A_156 = arith.constant 0 : i32
      %dma_wait3A_157 = tpu.memref_slice %arg9[%dma_wait3A_155, %dma_wait3A_156] : memref<10240x128xf32, #tpu.memory_space<vmem_shared>> -> memref<10240x128xf32, #tpu.memory_space<vmem_shared>>
      tpu.wait_indirect_dma semaphore(%arg12 : memref<!tpu.dma_semaphore, #tpu.memory_space<semaphore_mem>>) src(%dma_wait3A_154 : memref<16x128xf32, #tpu.memory_space<vmem>>) dst(%dma_wait3A_157 : memref<10240x128xf32, #tpu.memory_space<vmem_shared>>)
      %dma_wait3A_158 = arith.constant 48 : i32
      %dma_wait3A_159 = arith.constant 0 : i32
      %dma_wait3A_160 = tpu.memref_slice %arg6[%dma_wait3A_158, %dma_wait3A_159] : memref<64x128xf32, #tpu.memory_space<vmem>> -> memref<16x128xf32, #tpu.memory_space<vmem>>
      %dma_wait3A_161 = arith.constant 0 : i32
      %dma_wait3A_162 = arith.constant 0 : i32
      %dma_wait3A_163 = tpu.memref_slice %arg9[%dma_wait3A_161, %dma_wait3A_162] : memref<10240x128xf32, #tpu.memory_space<vmem_shared>> -> memref<10240x128xf32, #tpu.memory_space<vmem_shared>>
      tpu.wait_indirect_dma semaphore(%arg12 : memref<!tpu.dma_semaphore, #tpu.memory_space<semaphore_mem>>) src(%dma_wait3A_160 : memref<16x128xf32, #tpu.memory_space<vmem>>) dst(%dma_wait3A_163 : memref<10240x128xf32, #tpu.memory_space<vmem_shared>>)
      %dma_wait3A_164 = arith.constant 0 : i32
      %dma_wait3A_165 = arith.constant 0 : i32
      %dma_wait3A_166 = tpu.memref_slice %arg7[%dma_wait3A_164, %dma_wait3A_165] : memref<64x128xf32, #tpu.memory_space<vmem>> -> memref<16x128xf32, #tpu.memory_space<vmem>>
      %dma_wait3A_167 = arith.constant 0 : i32
      %dma_wait3A_168 = arith.constant 0 : i32
      %dma_wait3A_169 = tpu.memref_slice %arg9[%dma_wait3A_167, %dma_wait3A_168] : memref<10240x128xf32, #tpu.memory_space<vmem_shared>> -> memref<10240x128xf32, #tpu.memory_space<vmem_shared>>
      tpu.wait_indirect_dma semaphore(%arg12 : memref<!tpu.dma_semaphore, #tpu.memory_space<semaphore_mem>>) src(%dma_wait3A_166 : memref<16x128xf32, #tpu.memory_space<vmem>>) dst(%dma_wait3A_169 : memref<10240x128xf32, #tpu.memory_space<vmem_shared>>)
      %dma_wait3A_170 = arith.constant 16 : i32
      %dma_wait3A_171 = arith.constant 0 : i32
      %dma_wait3A_172 = tpu.memref_slice %arg7[%dma_wait3A_170, %dma_wait3A_171] : memref<64x128xf32, #tpu.memory_space<vmem>> -> memref<16x128xf32, #tpu.memory_space<vmem>>
      %dma_wait3A_173 = arith.constant 0 : i32
      %dma_wait3A_174 = arith.constant 0 : i32
      %dma_wait3A_175 = tpu.memref_slice %arg9[%dma_wait3A_173, %dma_wait3A_174] : memref<10240x128xf32, #tpu.memory_space<vmem_shared>> -> memref<10240x128xf32, #tpu.memory_space<vmem_shared>>
      tpu.wait_indirect_dma semaphore(%arg12 : memref<!tpu.dma_semaphore, #tpu.memory_space<semaphore_mem>>) src(%dma_wait3A_172 : memref<16x128xf32, #tpu.memory_space<vmem>>) dst(%dma_wait3A_175 : memref<10240x128xf32, #tpu.memory_space<vmem_shared>>)
      %dma_wait3A_176 = arith.constant 32 : i32
      %dma_wait3A_177 = arith.constant 0 : i32
      %dma_wait3A_178 = tpu.memref_slice %arg7[%dma_wait3A_176, %dma_wait3A_177] : memref<64x128xf32, #tpu.memory_space<vmem>> -> memref<16x128xf32, #tpu.memory_space<vmem>>
      %dma_wait3A_179 = arith.constant 0 : i32
      %dma_wait3A_180 = arith.constant 0 : i32
      %dma_wait3A_181 = tpu.memref_slice %arg9[%dma_wait3A_179, %dma_wait3A_180] : memref<10240x128xf32, #tpu.memory_space<vmem_shared>> -> memref<10240x128xf32, #tpu.memory_space<vmem_shared>>
      tpu.wait_indirect_dma semaphore(%arg12 : memref<!tpu.dma_semaphore, #tpu.memory_space<semaphore_mem>>) src(%dma_wait3A_178 : memref<16x128xf32, #tpu.memory_space<vmem>>) dst(%dma_wait3A_181 : memref<10240x128xf32, #tpu.memory_space<vmem_shared>>)
      %dma_wait3A_182 = arith.constant 48 : i32
      %dma_wait3A_183 = arith.constant 0 : i32
      %dma_wait3A_184 = tpu.memref_slice %arg7[%dma_wait3A_182, %dma_wait3A_183] : memref<64x128xf32, #tpu.memory_space<vmem>> -> memref<16x128xf32, #tpu.memory_space<vmem>>
      %dma_wait3A_185 = arith.constant 0 : i32
      %dma_wait3A_186 = arith.constant 0 : i32
      %dma_wait3A_187 = tpu.memref_slice %arg9[%dma_wait3A_185, %dma_wait3A_186] : memref<10240x128xf32, #tpu.memory_space<vmem_shared>> -> memref<10240x128xf32, #tpu.memory_space<vmem_shared>>
      tpu.wait_indirect_dma semaphore(%arg12 : memref<!tpu.dma_semaphore, #tpu.memory_space<semaphore_mem>>) src(%dma_wait3A_184 : memref<16x128xf32, #tpu.memory_space<vmem>>) dst(%dma_wait3A_187 : memref<10240x128xf32, #tpu.memory_space<vmem_shared>>)
      %scan3A_188 = arith.constant 0 : i32
      scf.yield %scan3A_188 : i32
    }
    %scan3A_22 = arith.constant 39 : i32
    %add3A_23 = arith.constant 4984 : i32
    %add3A_24 = arith.addi %mul3A_2, %add3A_23 : i32
    %multiple_of3A = tpu.assume_multiple %add3A_24, 8 : i32
    "tpu.region"() ({
      %run_scoped3A = tpu.sem_alloc : memref<!tpu.dma_semaphore, #tpu.memory_space<semaphore_mem>>
      %dma_start3A = arith.constant 0 : i32
      %dma_start3A_36 = arith.constant 0 : i32
      %dma_start3A_37 = tpu.memref_slice %arg6[%dma_start3A, %dma_start3A_36] : memref<64x128xf32, #tpu.memory_space<vmem>> -> memref<16x128xf32, #tpu.memory_space<vmem>>
      %dma_start3A_38 = arith.constant 0 : i32
      %dma_start3A_39 = tpu.memref_slice %arg2[%multiple_of3A, %dma_start3A_38] : memref<160000x128xf32, #tpu.memory_space<hbm>> -> memref<16x128xf32, #tpu.memory_space<hbm>>
      %dma_start3A_40 = arith.constant 0 : i32
      %dma_start3A_41 = arith.constant 0 : i32
      %dma_start3A_42 = tpu.memref_slice %arg6[%dma_start3A_40, %dma_start3A_41] : memref<64x128xf32, #tpu.memory_space<vmem>> -> memref<16x128xf32, #tpu.memory_space<vmem>>
      %dma_start3A_43 = arith.constant 0 : i32
      %dma_start3A_44 = tpu.memref_slice %arg2[%multiple_of3A, %dma_start3A_43] : memref<160000x128xf32, #tpu.memory_space<hbm>> -> memref<16x128xf32, #tpu.memory_space<hbm>>
      tpu.enqueue_dma source(%dma_start3A_44 : memref<16x128xf32, #tpu.memory_space<hbm>>) target(%dma_start3A_42 : memref<16x128xf32, #tpu.memory_space<vmem>>) target_semaphore(%run_scoped3A : memref<!tpu.dma_semaphore, #tpu.memory_space<semaphore_mem>>)
      %dma_wait3A = arith.constant 0 : i32
      %dma_wait3A_45 = arith.constant 0 : i32
      %dma_wait3A_46 = tpu.memref_slice %arg6[%dma_wait3A, %dma_wait3A_45] : memref<64x128xf32, #tpu.memory_space<vmem>> -> memref<16x128xf32, #tpu.memory_space<vmem>>
      %dma_wait3A_47 = arith.constant 0 : i32
      %dma_wait3A_48 = tpu.memref_slice %arg2[%multiple_of3A, %dma_wait3A_47] : memref<160000x128xf32, #tpu.memory_space<hbm>> -> memref<16x128xf32, #tpu.memory_space<hbm>>
      %dma_wait3A_49 = arith.constant 0 : i32
      %dma_wait3A_50 = arith.constant 0 : i32
      %dma_wait3A_51 = tpu.memref_slice %arg6[%dma_wait3A_49, %dma_wait3A_50] : memref<64x128xf32, #tpu.memory_space<vmem>> -> memref<16x128xf32, #tpu.memory_space<vmem>>
      %dma_wait3A_52 = arith.constant 0 : i32
      %dma_wait3A_53 = tpu.memref_slice %arg2[%multiple_of3A, %dma_wait3A_52] : memref<160000x128xf32, #tpu.memory_space<hbm>> -> memref<16x128xf32, #tpu.memory_space<hbm>>
      tpu.wait_dma2 semaphore(%run_scoped3A : memref<!tpu.dma_semaphore, #tpu.memory_space<semaphore_mem>>) src(%dma_wait3A_53 : memref<16x128xf32, #tpu.memory_space<hbm>>) dst(%dma_wait3A_51 : memref<16x128xf32, #tpu.memory_space<vmem>>)
      tpu.yield
    }) : () -> ()
    %get3A = arith.constant 4984 : index
    %get3A_25 = tpu.vector_load %arg5[%get3A] {strides = array<i32>} : memref<5000xi32, #tpu.memory_space<vmem>>, vector<16xi32>,
    %lt3A = arith.constant 8 : i32
    %lt3A_26 = vector.broadcast %lt3A : i32 to vector<16xi32>
    %lt3A_27 = arith.cmpi slt, %iota3A, %lt3A_26 : vector<16xi32>
    %broadcast_in_dim3A = arith.constant 10000 : i32
    %broadcast_in_dim3A_28 = vector.broadcast %broadcast_in_dim3A : i32 to vector<16xi32>
    %select_n3A = arith.select %lt3A_27, %broadcast_in_dim3A_28, %get3A_25 : vector<16xi1>, vector<16xi32>
    "tpu.region"() ({
      %run_scoped3A = tpu.sem_alloc : memref<!tpu.dma_semaphore, #tpu.memory_space<semaphore_mem>>
      %dma_start3A = arith.constant 0 : i32
      %dma_start3A_36 = arith.constant 0 : i32
      %dma_start3A_37 = tpu.memref_slice %arg6[%dma_start3A, %dma_start3A_36] : memref<64x128xf32, #tpu.memory_space<vmem>> -> memref<16x128xf32, #tpu.memory_space<vmem>>
      %dma_start3A_38 = arith.constant 0 : i32
      %dma_start3A_39 = arith.constant 0 : i32
      %dma_start3A_40 = tpu.memref_slice %arg9[%dma_start3A_38, %dma_start3A_39] : memref<10240x128xf32, #tpu.memory_space<vmem_shared>> -> memref<10240x128xf32, #tpu.memory_space<vmem_shared>>
      tpu.enqueue_indirect_dma source(%dma_start3A_37 : memref<16x128xf32, #tpu.memory_space<vmem>>) target(%dma_start3A_40 : memref<10240x128xf32, #tpu.memory_space<vmem_shared>>) offsets(%select_n3A : vector<16xi32>) semaphore(%run_scoped3A : memref<!tpu.dma_semaphore, #tpu.memory_space<semaphore_mem>>) {add = true}
      %dma_wait3A = arith.constant 0 : i32
      %dma_wait3A_41 = arith.constant 0 : i32
      %dma_wait3A_42 = tpu.memref_slice %arg6[%dma_wait3A, %dma_wait3A_41] : memref<64x128xf32, #tpu.memory_space<vmem>> -> memref<16x128xf32, #tpu.memory_space<vmem>>
      %dma_wait3A_43 = arith.constant 0 : i32
      %dma_wait3A_44 = arith.constant 0 : i32
      %dma_wait3A_45 = tpu.memref_slice %arg9[%dma_wait3A_43, %dma_wait3A_44] : memref<10240x128xf32, #tpu.memory_space<vmem_shared>> -> memref<10240x128xf32, #tpu.memory_space<vmem_shared>>
      tpu.wait_indirect_dma semaphore(%run_scoped3A : memref<!tpu.dma_semaphore, #tpu.memory_space<semaphore_mem>>) src(%dma_wait3A_42 : memref<16x128xf32, #tpu.memory_space<vmem>>) dst(%dma_wait3A_45 : memref<10240x128xf32, #tpu.memory_space<vmem_shared>>)
      tpu.yield
    }) : () -> ()
    %barrier3A_29 = arith.constant 0 : index
    tpu.barrier barrier_id(%barrier3A_29)
    %mul3A_30 = arith.constant 640 : i32
    %mul3A_31 = arith.muli %arg1, %mul3A_30 : i32
    %multiple_of3A_32 = tpu.assume_multiple %mul3A_31, 8 : i32
    %mul3A_33 = arith.constant 640 : i32
    %mul3A_34 = arith.muli %arg1, %mul3A_33 : i32
    %multiple_of3A_35 = tpu.assume_multiple %mul3A_34, 8 : i32
    "tpu.region"() ({
      %run_scoped3A = tpu.sem_alloc : memref<!tpu.dma_semaphore, #tpu.memory_space<semaphore_mem>>
      %dma_start3A = arith.constant 0 : i32
      %dma_start3A_36 = tpu.memref_slice %arg4[%arg0, %multiple_of3A_35, %dma_start3A] : memref<2x10240x128xf32, #tpu.memory_space<hbm>> -> memref<1x640x128xf32, #tpu.memory_space<hbm>>
      %dma_start3A_37 = tpu.memref_squeeze %dma_start3A_36 : memref<1x640x128xf32, #tpu.memory_space<hbm>> -> memref<640x128xf32, #tpu.memory_space<hbm>>
      %dma_start3A_38 = arith.constant 0 : i32
      %dma_start3A_39 = tpu.memref_slice %arg9[%multiple_of3A_32, %dma_start3A_38] : memref<10240x128xf32, #tpu.memory_space<vmem_shared>> -> memref<640x128xf32, #tpu.memory_space<vmem_shared>>
      tpu.enqueue_dma source(%dma_start3A_39 : memref<640x128xf32, #tpu.memory_space<vmem_shared>>) target(%dma_start3A_37 : memref<640x128xf32, #tpu.memory_space<hbm>>) target_semaphore(%run_scoped3A : memref<!tpu.dma_semaphore, #tpu.memory_space<semaphore_mem>>)
      %dma_wait3A = arith.constant 0 : i32
      %dma_wait3A_40 = tpu.memref_slice %arg4[%arg0, %multiple_of3A_35, %dma_wait3A] : memref<2x10240x128xf32, #tpu.memory_space<hbm>> -> memref<1x640x128xf32, #tpu.memory_space<hbm>>
      %dma_wait3A_41 = tpu.memref_squeeze %dma_wait3A_40 : memref<1x640x128xf32, #tpu.memory_space<hbm>> -> memref<640x128xf32, #tpu.memory_space<hbm>>
      %dma_wait3A_42 = arith.constant 0 : i32
      %dma_wait3A_43 = tpu.memref_slice %arg9[%multiple_of3A_32, %dma_wait3A_42] : memref<10240x128xf32, #tpu.memory_space<vmem_shared>> -> memref<640x128xf32, #tpu.memory_space<vmem_shared>>
      tpu.wait_dma2 semaphore(%run_scoped3A : memref<!tpu.dma_semaphore, #tpu.memory_space<semaphore_mem>>) src(%dma_wait3A_43 : memref<640x128xf32, #tpu.memory_space<vmem_shared>>) dst(%dma_wait3A_41 : memref<640x128xf32, #tpu.memory_space<hbm>>)
      tpu.yield
    }) : () -> ()
    return
  }
}

#map = affine_map<(d0, d1) -> (0, 0)>
#map1 = affine_map<(d0, d1) -> (0)>
#map2 = affine_map<(d0, d1) -> (0, 0, 0)>
module attributes {stable_mosaic.version = 14 : i64} {
  func.func @k(%arg0: i32, %arg1: i32, %arg2: memref<160000x128xf32, #tpu.memory_space<hbm>>, %arg3: memref<160000xi32, #tpu.memory_space<hbm>>, %arg4: memref<2x10240x128xf32, #tpu.memory_space<hbm>>, %arg5: memref<5000xi32, #tpu.memory_space<vmem>>, %arg6: memref<64x128xf32, #tpu.memory_space<vmem>>, %arg7: memref<64x128xf32, #tpu.memory_space<vmem>>, %arg8: memref<16x128xf32, #tpu.memory_space<vmem>>, %arg9: memref<10240x128xf32, #tpu.memory_space<vmem_shared>>, %arg10: memref<!tpu.dma_semaphore, #tpu.memory_space<semaphore_mem>>, %arg11: memref<!tpu.dma_semaphore, #tpu.memory_space<semaphore_mem>>, %arg12: memref<!tpu.dma_semaphore, #tpu.memory_space<semaphore_mem>>) attributes {dimension_semantics = [#tpu.dimension_semantics<core_parallel>, #tpu.dimension_semantics<subcore_parallel>], iteration_bounds = array<i64: 2, 16>, scalar_prefetch = 0 : i64, scratch_operands = 8 : i64, tpu.core_type = #tpu.core_type<sc_vector_subcore>, window_params = [{transform_indices = #map}, {transform_indices = #map1}, {transform_indices = #map2}]} {
    %mul3A = arith.constant 16 : i32
    %mul3A_0 = arith.muli %arg0, %mul3A : i32
    %add3A = arith.addi %mul3A_0, %arg1 : i32
    %mul3A_1 = arith.constant 5000 : i32
    %mul3A_2 = arith.muli %add3A, %mul3A_1 : i32
    "tpu.region"() ({
      %run_scoped3A = tpu.sem_alloc : memref<!tpu.dma_semaphore, #tpu.memory_space<semaphore_mem>>
      %dma_start3A = tpu.memref_slice %arg3[%mul3A_2] : memref<160000xi32, #tpu.memory_space<hbm>> -> memref<5000xi32, #tpu.memory_space<hbm>>
      %dma_start3A_36 = tpu.memref_slice %arg3[%mul3A_2] : memref<160000xi32, #tpu.memory_space<hbm>> -> memref<5000xi32, #tpu.memory_space<hbm>>
      tpu.enqueue_dma source(%dma_start3A_36 : memref<5000xi32, #tpu.memory_space<hbm>>) target(%arg5 : memref<5000xi32, #tpu.memory_space<vmem>>) target_semaphore(%run_scoped3A : memref<!tpu.dma_semaphore, #tpu.memory_space<semaphore_mem>>)
      %dma_wait3A = tpu.memref_slice %arg3[%mul3A_2] : memref<160000xi32, #tpu.memory_space<hbm>> -> memref<5000xi32, #tpu.memory_space<hbm>>
      %dma_wait3A_37 = tpu.memref_slice %arg3[%mul3A_2] : memref<160000xi32, #tpu.memory_space<hbm>> -> memref<5000xi32, #tpu.memory_space<hbm>>
      tpu.wait_dma2 semaphore(%run_scoped3A : memref<!tpu.dma_semaphore, #tpu.memory_space<semaphore_mem>>) src(%dma_wait3A_37 : memref<5000xi32, #tpu.memory_space<hbm>>) dst(%arg5 : memref<5000xi32, #tpu.memory_space<vmem>>)
      tpu.yield
    }) : () -> ()
    %scan3A = arith.constant 0 : i32
    %scan3A_3 = arith.constant 0 : i32
    %scan3A_4 = arith.constant 16 : i32
    %scan3A_5 = arith.addi %scan3A_3, %scan3A_4 : i32
    %scan3A_6 = arith.constant 1 : i32
    %scan3A_7 = scf.for %scan3A_36 = %scan3A_3 to %scan3A_5 step %scan3A_6 iter_args(%scan3A_37 = %scan3A) -> (i32)  : i32 {
      %broadcast_in_dim3A_38 = arith.constant 0.000000e+00 : f32
      %broadcast_in_dim3A_39 = vector.broadcast %broadcast_in_dim3A_38 : f32 to vector<16xf32>
      %swap3A = arith.index_cast %scan3A_36 : i32 to index
      %swap3A_40 = arith.constant 0 : index
      %swap3A_41 = tpu.vector_load %arg8[%swap3A, %swap3A_40] {strides = array<i32>} : memref<16x128xf32, #tpu.memory_space<vmem>>, vector<16xf32>,
      tpu.vector_store %arg8[%swap3A, %swap3A_40], %broadcast_in_dim3A_39 {strides = array<i32>} : memref<16x128xf32, #tpu.memory_space<vmem>>, vector<16xf32>,
      %broadcast_in_dim3A_42 = arith.constant 0.000000e+00 : f32
      %broadcast_in_dim3A_43 = vector.broadcast %broadcast_in_dim3A_42 : f32 to vector<16xf32>
      %swap3A_44 = arith.index_cast %scan3A_36 : i32 to index
      %swap3A_45 = arith.constant 16 : index
      %swap3A_46 = tpu.vector_load %arg8[%swap3A_44, %swap3A_45] {strides = array<i32>} : memref<16x128xf32, #tpu.memory_space<vmem>>, vector<16xf32>,
      tpu.vector_store %arg8[%swap3A_44, %swap3A_45], %broadcast_in_dim3A_43 {strides = array<i32>} : memref<16x128xf32, #tpu.memory_space<vmem>>, vector<16xf32>,
      %broadcast_in_dim3A_47 = arith.constant 0.000000e+00 : f32
      %broadcast_in_dim3A_48 = vector.broadcast %broadcast_in_dim3A_47 : f32 to vector<16xf32>
      %swap3A_49 = arith.index_cast %scan3A_36 : i32 to index
      %swap3A_50 = arith.constant 32 : index
      %swap3A_51 = tpu.vector_load %arg8[%swap3A_49, %swap3A_50] {strides = array<i32>} : memref<16x128xf32, #tpu.memory_space<vmem>>, vector<16xf32>,
      tpu.vector_store %arg8[%swap3A_49, %swap3A_50], %broadcast_in_dim3A_48 {strides = array<i32>} : memref<16x128xf32, #tpu.memory_space<vmem>>, vector<16xf32>,
      %broadcast_in_dim3A_52 = arith.constant 0.000000e+00 : f32
      %broadcast_in_dim3A_53 = vector.broadcast %broadcast_in_dim3A_52 : f32 to vector<16xf32>
      %swap3A_54 = arith.index_cast %scan3A_36 : i32 to index
      %swap3A_55 = arith.constant 48 : index
      %swap3A_56 = tpu.vector_load %arg8[%swap3A_54, %swap3A_55] {strides = array<i32>} : memref<16x128xf32, #tpu.memory_space<vmem>>, vector<16xf32>,
      tpu.vector_store %arg8[%swap3A_54, %swap3A_55], %broadcast_in_dim3A_53 {strides = array<i32>} : memref<16x128xf32, #tpu.memory_space<vmem>>, vector<16xf32>,
      %broadcast_in_dim3A_57 = arith.constant 0.000000e+00 : f32
      %broadcast_in_dim3A_58 = vector.broadcast %broadcast_in_dim3A_57 : f32 to vector<16xf32>
      %swap3A_59 = arith.index_cast %scan3A_36 : i32 to index
      %swap3A_60 = arith.constant 64 : index
      %swap3A_61 = tpu.vector_load %arg8[%swap3A_59, %swap3A_60] {strides = array<i32>} : memref<16x128xf32, #tpu.memory_space<vmem>>, vector<16xf32>,
      tpu.vector_store %arg8[%swap3A_59, %swap3A_60], %broadcast_in_dim3A_58 {strides = array<i32>} : memref<16x128xf32, #tpu.memory_space<vmem>>, vector<16xf32>,
      %broadcast_in_dim3A_62 = arith.constant 0.000000e+00 : f32
      %broadcast_in_dim3A_63 = vector.broadcast %broadcast_in_dim3A_62 : f32 to vector<16xf32>
      %swap3A_64 = arith.index_cast %scan3A_36 : i32 to index
      %swap3A_65 = arith.constant 80 : index
      %swap3A_66 = tpu.vector_load %arg8[%swap3A_64, %swap3A_65] {strides = array<i32>} : memref<16x128xf32, #tpu.memory_space<vmem>>, vector<16xf32>,
      tpu.vector_store %arg8[%swap3A_64, %swap3A_65], %broadcast_in_dim3A_63 {strides = array<i32>} : memref<16x128xf32, #tpu.memory_space<vmem>>, vector<16xf32>,
      %broadcast_in_dim3A_67 = arith.constant 0.000000e+00 : f32
      %broadcast_in_dim3A_68 = vector.broadcast %broadcast_in_dim3A_67 : f32 to vector<16xf32>
      %swap3A_69 = arith.index_cast %scan3A_36 : i32 to index
      %swap3A_70 = arith.constant 96 : index
      %swap3A_71 = tpu.vector_load %arg8[%swap3A_69, %swap3A_70] {strides = array<i32>} : memref<16x128xf32, #tpu.memory_space<vmem>>, vector<16xf32>,
      tpu.vector_store %arg8[%swap3A_69, %swap3A_70], %broadcast_in_dim3A_68 {strides = array<i32>} : memref<16x128xf32, #tpu.memory_space<vmem>>, vector<16xf32>,
      %broadcast_in_dim3A_72 = arith.constant 0.000000e+00 : f32
      %broadcast_in_dim3A_73 = vector.broadcast %broadcast_in_dim3A_72 : f32 to vector<16xf32>
      %swap3A_74 = arith.index_cast %scan3A_36 : i32 to index
      %swap3A_75 = arith.constant 112 : index
      %swap3A_76 = tpu.vector_load %arg8[%swap3A_74, %swap3A_75] {strides = array<i32>} : memref<16x128xf32, #tpu.memory_space<vmem>>, vector<16xf32>,
      tpu.vector_store %arg8[%swap3A_74, %swap3A_75], %broadcast_in_dim3A_73 {strides = array<i32>} : memref<16x128xf32, #tpu.memory_space<vmem>>, vector<16xf32>,
      %scan3A_77 = arith.constant 0 : i32
      scf.yield %scan3A_77 : i32
    }
    %scan3A_8 = arith.constant 16 : i32
    %scan3A_9 = arith.constant 0 : i32
    %scan3A_10 = arith.constant 0 : i32
    %scan3A_11 = arith.constant 40 : i32
    %scan3A_12 = arith.addi %scan3A_10, %scan3A_11 : i32
    %scan3A_13 = arith.constant 1 : i32
    %scan3A_14 = scf.for %scan3A_36 = %scan3A_10 to %scan3A_12 step %scan3A_13 iter_args(%scan3A_37 = %scan3A_9) -> (i32)  : i32 {
      %mul3A_38 = arith.constant 640 : i32
      %mul3A_39 = arith.muli %arg1, %mul3A_38 : i32
      %mul3A_40 = arith.constant 16 : i32
      %mul3A_41 = arith.muli %scan3A_36, %mul3A_40 : i32
      %add3A_42 = arith.addi %mul3A_39, %mul3A_41 : i32
      %multiple_of3A_43 = tpu.assume_multiple %add3A_42, 8 : i32
      "tpu.region"() ({
        %run_scoped3A = tpu.sem_alloc : memref<!tpu.dma_semaphore, #tpu.memory_space<semaphore_mem>>
        %dma_start3A = arith.constant 0 : i32
        %dma_start3A_45 = tpu.memref_slice %arg9[%multiple_of3A_43, %dma_start3A] : memref<10240x128xf32, #tpu.memory_space<vmem_shared>> -> memref<16x128xf32, #tpu.memory_space<vmem_shared>>
        %dma_start3A_46 = arith.constant 0 : i32
        %dma_start3A_47 = tpu.memref_slice %arg9[%multiple_of3A_43, %dma_start3A_46] : memref<10240x128xf32, #tpu.memory_space<vmem_shared>> -> memref<16x128xf32, #tpu.memory_space<vmem_shared>>
        tpu.enqueue_dma source(%arg8 : memref<16x128xf32, #tpu.memory_space<vmem>>) target(%dma_start3A_47 : memref<16x128xf32, #tpu.memory_space<vmem_shared>>) target_semaphore(%run_scoped3A : memref<!tpu.dma_semaphore, #tpu.memory_space<semaphore_mem>>)
        %dma_wait3A = arith.constant 0 : i32
        %dma_wait3A_48 = tpu.memref_slice %arg9[%multiple_of3A_43, %dma_wait3A] : memref<10240x128xf32, #tpu.memory_space<vmem_shared>> -> memref<16x128xf32, #tpu.memory_space<vmem_shared>>
        %dma_wait3A_49 = arith.constant 0 : i32
        %dma_wait3A_50 = tpu.memref_slice %arg9[%multiple_of3A_43, %dma_wait3A_49] : memref<10240x128xf32, #tpu.memory_space<vmem_shared>> -> memref<16x128xf32, #tpu.memory_space<vmem_shared>>
        tpu.wait_dma2 semaphore(%run_scoped3A : memref<!tpu.dma_semaphore, #tpu.memory_space<semaphore_mem>>) src(%arg8 : memref<16x128xf32, #tpu.memory_space<vmem>>) dst(%dma_wait3A_50 : memref<16x128xf32, #tpu.memory_space<vmem_shared>>)
        tpu.yield
      }) : () -> ()
      %scan3A_44 = arith.constant 0 : i32
      scf.yield %scan3A_44 : i32
    }
    %scan3A_15 = arith.constant 40 : i32
    %barrier3A = arith.constant 0 : index
    tpu.barrier barrier_id(%barrier3A)
    %iota3A = tpu.iota {dimensions = array<i32: 0>} : vector<16xi32>
    %scan3A_16 = arith.constant 0 : i32
    %scan3A_17 = arith.constant 0 : i32
    %scan3A_18 = arith.constant 39 : i32
    %scan3A_19 = arith.addi %scan3A_17, %scan3A_18 : i32
    %scan3A_20 = arith.constant 1 : i32
    %scan3A_21 = scf.for %scan3A_36 = %scan3A_17 to %scan3A_19 step %scan3A_20 iter_args(%scan3A_37 = %scan3A_16) -> (i32)  : i32 {
      %mul3A_38 = arith.constant 128 : i32
      %mul3A_39 = arith.muli %scan3A_36, %mul3A_38 : i32
      %add3A_40 = arith.constant 64 : i32
      %add3A_41 = arith.addi %mul3A_39, %add3A_40 : i32
      %add3A_42 = arith.addi %mul3A_2, %mul3A_39 : i32
      %multiple_of3A_43 = tpu.assume_multiple %add3A_42, 8 : i32
      %dma_start3A = arith.constant 0 : i32
      %dma_start3A_44 = tpu.memref_slice %arg2[%multiple_of3A_43, %dma_start3A] : memref<160000x128xf32, #tpu.memory_space<hbm>> -> memref<64x128xf32, #tpu.memory_space<hbm>>
      %dma_start3A_45 = arith.constant 0 : i32
      %dma_start3A_46 = tpu.memref_slice %arg2[%multiple_of3A_43, %dma_start3A_45] : memref<160000x128xf32, #tpu.memory_space<hbm>> -> memref<64x128xf32, #tpu.memory_space<hbm>>
      tpu.enqueue_dma source(%dma_start3A_46 : memref<64x128xf32, #tpu.memory_space<hbm>>) target(%arg6 : memref<64x128xf32, #tpu.memory_space<vmem>>) target_semaphore(%arg10 : memref<!tpu.dma_semaphore, #tpu.memory_space<semaphore_mem>>)
      %add3A_47 = arith.addi %mul3A_2, %add3A_41 : i32
      %multiple_of3A_48 = tpu.assume_multiple %add3A_47, 8 : i32
      %dma_start3A_49 = arith.constant 0 : i32
      %dma_start3A_50 = tpu.memref_slice %arg2[%multiple_of3A_48, %dma_start3A_49] : memref<160000x128xf32, #tpu.memory_space<hbm>> -> memref<64x128xf32, #tpu.memory_space<hbm>>
      %dma_start3A_51 = arith.constant 0 : i32
      %dma_start3A_52 = tpu.memref_slice %arg2[%multiple_of3A_48, %dma_start3A_51] : memref<160000x128xf32, #tpu.memory_space<hbm>> -> memref<64x128xf32, #tpu.memory_space<hbm>>
      tpu.enqueue_dma source(%dma_start3A_52 : memref<64x128xf32, #tpu.memory_space<hbm>>) target(%arg7 : memref<64x128xf32, #tpu.memory_space<vmem>>) target_semaphore(%arg11 : memref<!tpu.dma_semaphore, #tpu.memory_space<semaphore_mem>>)
      %dma_wait3A = arith.constant 0 : i32
      %dma_wait3A_53 = tpu.memref_slice %arg2[%multiple_of3A_43, %dma_wait3A] : memref<160000x128xf32, #tpu.memory_space<hbm>> -> memref<64x128xf32, #tpu.memory_space<hbm>>
      %dma_wait3A_54 = arith.constant 0 : i32
      %dma_wait3A_55 = tpu.memref_slice %arg2[%multiple_of3A_43, %dma_wait3A_54] : memref<160000x128xf32, #tpu.memory_space<hbm>> -> memref<64x128xf32, #tpu.memory_space<hbm>>
      tpu.wait_dma2 semaphore(%arg10 : memref<!tpu.dma_semaphore, #tpu.memory_space<semaphore_mem>>) src(%dma_wait3A_55 : memref<64x128xf32, #tpu.memory_space<hbm>>) dst(%arg6 : memref<64x128xf32, #tpu.memory_space<vmem>>)
      %add3A_56 = arith.constant 0 : i32
      %add3A_57 = arith.addi %mul3A_39, %add3A_56 : i32
      %get3A_58 = arith.index_cast %add3A_57 : i32 to index
      %get3A_59 = tpu.vector_load %arg5[%get3A_58] {strides = array<i32>} : memref<5000xi32, #tpu.memory_space<vmem>>, vector<16xi32>,
      %dma_start3A_60 = arith.constant 0 : i32
      %dma_start3A_61 = arith.constant 0 : i32
      %dma_start3A_62 = tpu.memref_slice %arg6[%dma_start3A_60, %dma_start3A_61] : memref<64x128xf32, #tpu.memory_space<vmem>> -> memref<16x128xf32, #tpu.memory_space<vmem>>
      %dma_start3A_63 = arith.constant 0 : i32
      %dma_start3A_64 = arith.constant 0 : i32
      %dma_start3A_65 = tpu.memref_slice %arg9[%dma_start3A_63, %dma_start3A_64] : memref<10240x128xf32, #tpu.memory_space<vmem_shared>> -> memref<10240x128xf32, #tpu.memory_space<vmem_shared>>
      tpu.enqueue_indirect_dma source(%dma_start3A_62 : memref<16x128xf32, #tpu.memory_space<vmem>>) target(%dma_start3A_65 : memref<10240x128xf32, #tpu.memory_space<vmem_shared>>) offsets(%get3A_59 : vector<16xi32>) semaphore(%arg12 : memref<!tpu.dma_semaphore, #tpu.memory_space<semaphore_mem>>) {add = true}
      %add3A_66 = arith.constant 16 : i32
      %add3A_67 = arith.addi %mul3A_39, %add3A_66 : i32
      %get3A_68 = arith.index_cast %add3A_67 : i32 to index
      %get3A_69 = tpu.vector_load %arg5[%get3A_68] {strides = array<i32>} : memref<5000xi32, #tpu.memory_space<vmem>>, vector<16xi32>,
      %dma_start3A_70 = arith.constant 16 : i32
      %dma_start3A_71 = arith.constant 0 : i32
      %dma_start3A_72 = tpu.memref_slice %arg6[%dma_start3A_70, %dma_start3A_71] : memref<64x128xf32, #tpu.memory_space<vmem>> -> memref<16x128xf32, #tpu.memory_space<vmem>>
      %dma_start3A_73 = arith.constant 0 : i32
      %dma_start3A_74 = arith.constant 0 : i32
      %dma_start3A_75 = tpu.memref_slice %arg9[%dma_start3A_73, %dma_start3A_74] : memref<10240x128xf32, #tpu.memory_space<vmem_shared>> -> memref<10240x128xf32, #tpu.memory_space<vmem_shared>>
      tpu.enqueue_indirect_dma source(%dma_start3A_72 : memref<16x128xf32, #tpu.memory_space<vmem>>) target(%dma_start3A_75 : memref<10240x128xf32, #tpu.memory_space<vmem_shared>>) offsets(%get3A_69 : vector<16xi32>) semaphore(%arg12 : memref<!tpu.dma_semaphore, #tpu.memory_space<semaphore_mem>>) {add = true}
      %add3A_76 = arith.constant 32 : i32
      %add3A_77 = arith.addi %mul3A_39, %add3A_76 : i32
      %get3A_78 = arith.index_cast %add3A_77 : i32 to index
      %get3A_79 = tpu.vector_load %arg5[%get3A_78] {strides = array<i32>} : memref<5000xi32, #tpu.memory_space<vmem>>, vector<16xi32>,
      %dma_start3A_80 = arith.constant 32 : i32
      %dma_start3A_81 = arith.constant 0 : i32
      %dma_start3A_82 = tpu.memref_slice %arg6[%dma_start3A_80, %dma_start3A_81] : memref<64x128xf32, #tpu.memory_space<vmem>> -> memref<16x128xf32, #tpu.memory_space<vmem>>
      %dma_start3A_83 = arith.constant 0 : i32
      %dma_start3A_84 = arith.constant 0 : i32
      %dma_start3A_85 = tpu.memref_slice %arg9[%dma_start3A_83, %dma_start3A_84] : memref<10240x128xf32, #tpu.memory_space<vmem_shared>> -> memref<10240x128xf32, #tpu.memory_space<vmem_shared>>
      tpu.enqueue_indirect_dma source(%dma_start3A_82 : memref<16x128xf32, #tpu.memory_space<vmem>>) target(%dma_start3A_85 : memref<10240x128xf32, #tpu.memory_space<vmem_shared>>) offsets(%get3A_79 : vector<16xi32>) semaphore(%arg12 : memref<!tpu.dma_semaphore, #tpu.memory_space<semaphore_mem>>) {add = true}
      %add3A_86 = arith.constant 48 : i32
      %add3A_87 = arith.addi %mul3A_39, %add3A_86 : i32
      %get3A_88 = arith.index_cast %add3A_87 : i32 to index
      %get3A_89 = tpu.vector_load %arg5[%get3A_88] {strides = array<i32>} : memref<5000xi32, #tpu.memory_space<vmem>>, vector<16xi32>,
      %dma_start3A_90 = arith.constant 48 : i32
      %dma_start3A_91 = arith.constant 0 : i32
      %dma_start3A_92 = tpu.memref_slice %arg6[%dma_start3A_90, %dma_start3A_91] : memref<64x128xf32, #tpu.memory_space<vmem>> -> memref<16x128xf32, #tpu.memory_space<vmem>>
      %dma_start3A_93 = arith.constant 0 : i32
      %dma_start3A_94 = arith.constant 0 : i32
      %dma_start3A_95 = tpu.memref_slice %arg9[%dma_start3A_93, %dma_start3A_94] : memref<10240x128xf32, #tpu.memory_space<vmem_shared>> -> memref<10240x128xf32, #tpu.memory_space<vmem_shared>>
      tpu.enqueue_indirect_dma source(%dma_start3A_92 : memref<16x128xf32, #tpu.memory_space<vmem>>) target(%dma_start3A_95 : memref<10240x128xf32, #tpu.memory_space<vmem_shared>>) offsets(%get3A_89 : vector<16xi32>) semaphore(%arg12 : memref<!tpu.dma_semaphore, #tpu.memory_space<semaphore_mem>>) {add = true}
      %dma_wait3A_96 = arith.constant 0 : i32
      %dma_wait3A_97 = tpu.memref_slice %arg2[%multiple_of3A_48, %dma_wait3A_96] : memref<160000x128xf32, #tpu.memory_space<hbm>> -> memref<64x128xf32, #tpu.memory_space<hbm>>
      %dma_wait3A_98 = arith.constant 0 : i32
      %dma_wait3A_99 = tpu.memref_slice %arg2[%multiple_of3A_48, %dma_wait3A_98] : memref<160000x128xf32, #tpu.memory_space<hbm>> -> memref<64x128xf32, #tpu.memory_space<hbm>>
      tpu.wait_dma2 semaphore(%arg11 : memref<!tpu.dma_semaphore, #tpu.memory_space<semaphore_mem>>) src(%dma_wait3A_99 : memref<64x128xf32, #tpu.memory_space<hbm>>) dst(%arg7 : memref<64x128xf32, #tpu.memory_space<vmem>>)
      %add3A_100 = arith.constant 0 : i32
      %add3A_101 = arith.addi %add3A_41, %add3A_100 : i32
      %get3A_102 = arith.index_cast %add3A_101 : i32 to index
      %get3A_103 = tpu.vector_load %arg5[%get3A_102] {strides = array<i32>} : memref<5000xi32, #tpu.memory_space<vmem>>, vector<16xi32>,
      %dma_start3A_104 = arith.constant 0 : i32
      %dma_start3A_105 = arith.constant 0 : i32
      %dma_start3A_106 = tpu.memref_slice %arg7[%dma_start3A_104, %dma_start3A_105] : memref<64x128xf32, #tpu.memory_space<vmem>> -> memref<16x128xf32, #tpu.memory_space<vmem>>
      %dma_start3A_107 = arith.constant 0 : i32
      %dma_start3A_108 = arith.constant 0 : i32
      %dma_start3A_109 = tpu.memref_slice %arg9[%dma_start3A_107, %dma_start3A_108] : memref<10240x128xf32, #tpu.memory_space<vmem_shared>> -> memref<10240x128xf32, #tpu.memory_space<vmem_shared>>
      tpu.enqueue_indirect_dma source(%dma_start3A_106 : memref<16x128xf32, #tpu.memory_space<vmem>>) target(%dma_start3A_109 : memref<10240x128xf32, #tpu.memory_space<vmem_shared>>) offsets(%get3A_103 : vector<16xi32>) semaphore(%arg12 : memref<!tpu.dma_semaphore, #tpu.memory_space<semaphore_mem>>) {add = true}
      %add3A_110 = arith.constant 16 : i32
      %add3A_111 = arith.addi %add3A_41, %add3A_110 : i32
      %get3A_112 = arith.index_cast %add3A_111 : i32 to index
      %get3A_113 = tpu.vector_load %arg5[%get3A_112] {strides = array<i32>} : memref<5000xi32, #tpu.memory_space<vmem>>, vector<16xi32>,
      %dma_start3A_114 = arith.constant 16 : i32
      %dma_start3A_115 = arith.constant 0 : i32
      %dma_start3A_116 = tpu.memref_slice %arg7[%dma_start3A_114, %dma_start3A_115] : memref<64x128xf32, #tpu.memory_space<vmem>> -> memref<16x128xf32, #tpu.memory_space<vmem>>
      %dma_start3A_117 = arith.constant 0 : i32
      %dma_start3A_118 = arith.constant 0 : i32
      %dma_start3A_119 = tpu.memref_slice %arg9[%dma_start3A_117, %dma_start3A_118] : memref<10240x128xf32, #tpu.memory_space<vmem_shared>> -> memref<10240x128xf32, #tpu.memory_space<vmem_shared>>
      tpu.enqueue_indirect_dma source(%dma_start3A_116 : memref<16x128xf32, #tpu.memory_space<vmem>>) target(%dma_start3A_119 : memref<10240x128xf32, #tpu.memory_space<vmem_shared>>) offsets(%get3A_113 : vector<16xi32>) semaphore(%arg12 : memref<!tpu.dma_semaphore, #tpu.memory_space<semaphore_mem>>) {add = true}
      %add3A_120 = arith.constant 32 : i32
      %add3A_121 = arith.addi %add3A_41, %add3A_120 : i32
      %get3A_122 = arith.index_cast %add3A_121 : i32 to index
      %get3A_123 = tpu.vector_load %arg5[%get3A_122] {strides = array<i32>} : memref<5000xi32, #tpu.memory_space<vmem>>, vector<16xi32>,
      %dma_start3A_124 = arith.constant 32 : i32
      %dma_start3A_125 = arith.constant 0 : i32
      %dma_start3A_126 = tpu.memref_slice %arg7[%dma_start3A_124, %dma_start3A_125] : memref<64x128xf32, #tpu.memory_space<vmem>> -> memref<16x128xf32, #tpu.memory_space<vmem>>
      %dma_start3A_127 = arith.constant 0 : i32
      %dma_start3A_128 = arith.constant 0 : i32
      %dma_start3A_129 = tpu.memref_slice %arg9[%dma_start3A_127, %dma_start3A_128] : memref<10240x128xf32, #tpu.memory_space<vmem_shared>> -> memref<10240x128xf32, #tpu.memory_space<vmem_shared>>
      tpu.enqueue_indirect_dma source(%dma_start3A_126 : memref<16x128xf32, #tpu.memory_space<vmem>>) target(%dma_start3A_129 : memref<10240x128xf32, #tpu.memory_space<vmem_shared>>) offsets(%get3A_123 : vector<16xi32>) semaphore(%arg12 : memref<!tpu.dma_semaphore, #tpu.memory_space<semaphore_mem>>) {add = true}
      %add3A_130 = arith.constant 48 : i32
      %add3A_131 = arith.addi %add3A_41, %add3A_130 : i32
      %get3A_132 = arith.index_cast %add3A_131 : i32 to index
      %get3A_133 = tpu.vector_load %arg5[%get3A_132] {strides = array<i32>} : memref<5000xi32, #tpu.memory_space<vmem>>, vector<16xi32>,
      %dma_start3A_134 = arith.constant 48 : i32
      %dma_start3A_135 = arith.constant 0 : i32
      %dma_start3A_136 = tpu.memref_slice %arg7[%dma_start3A_134, %dma_start3A_135] : memref<64x128xf32, #tpu.memory_space<vmem>> -> memref<16x128xf32, #tpu.memory_space<vmem>>
      %dma_start3A_137 = arith.constant 0 : i32
      %dma_start3A_138 = arith.constant 0 : i32
      %dma_start3A_139 = tpu.memref_slice %arg9[%dma_start3A_137, %dma_start3A_138] : memref<10240x128xf32, #tpu.memory_space<vmem_shared>> -> memref<10240x128xf32, #tpu.memory_space<vmem_shared>>
      tpu.enqueue_indirect_dma source(%dma_start3A_136 : memref<16x128xf32, #tpu.memory_space<vmem>>) target(%dma_start3A_139 : memref<10240x128xf32, #tpu.memory_space<vmem_shared>>) offsets(%get3A_133 : vector<16xi32>) semaphore(%arg12 : memref<!tpu.dma_semaphore, #tpu.memory_space<semaphore_mem>>) {add = true}
      %dma_wait3A_140 = arith.constant 0 : i32
      %dma_wait3A_141 = arith.constant 0 : i32
      %dma_wait3A_142 = tpu.memref_slice %arg6[%dma_wait3A_140, %dma_wait3A_141] : memref<64x128xf32, #tpu.memory_space<vmem>> -> memref<16x128xf32, #tpu.memory_space<vmem>>
      %dma_wait3A_143 = arith.constant 0 : i32
      %dma_wait3A_144 = arith.constant 0 : i32
      %dma_wait3A_145 = tpu.memref_slice %arg9[%dma_wait3A_143, %dma_wait3A_144] : memref<10240x128xf32, #tpu.memory_space<vmem_shared>> -> memref<10240x128xf32, #tpu.memory_space<vmem_shared>>
      tpu.wait_indirect_dma semaphore(%arg12 : memref<!tpu.dma_semaphore, #tpu.memory_space<semaphore_mem>>) src(%dma_wait3A_142 : memref<16x128xf32, #tpu.memory_space<vmem>>) dst(%dma_wait3A_145 : memref<10240x128xf32, #tpu.memory_space<vmem_shared>>)
      %dma_wait3A_146 = arith.constant 16 : i32
      %dma_wait3A_147 = arith.constant 0 : i32
      %dma_wait3A_148 = tpu.memref_slice %arg6[%dma_wait3A_146, %dma_wait3A_147] : memref<64x128xf32, #tpu.memory_space<vmem>> -> memref<16x128xf32, #tpu.memory_space<vmem>>
      %dma_wait3A_149 = arith.constant 0 : i32
      %dma_wait3A_150 = arith.constant 0 : i32
      %dma_wait3A_151 = tpu.memref_slice %arg9[%dma_wait3A_149, %dma_wait3A_150] : memref<10240x128xf32, #tpu.memory_space<vmem_shared>> -> memref<10240x128xf32, #tpu.memory_space<vmem_shared>>
      tpu.wait_indirect_dma semaphore(%arg12 : memref<!tpu.dma_semaphore, #tpu.memory_space<semaphore_mem>>) src(%dma_wait3A_148 : memref<16x128xf32, #tpu.memory_space<vmem>>) dst(%dma_wait3A_151 : memref<10240x128xf32, #tpu.memory_space<vmem_shared>>)
      %dma_wait3A_152 = arith.constant 32 : i32
      %dma_wait3A_153 = arith.constant 0 : i32
      %dma_wait3A_154 = tpu.memref_slice %arg6[%dma_wait3A_152, %dma_wait3A_153] : memref<64x128xf32, #tpu.memory_space<vmem>> -> memref<16x128xf32, #tpu.memory_space<vmem>>
      %dma_wait3A_155 = arith.constant 0 : i32
      %dma_wait3A_156 = arith.constant 0 : i32
      %dma_wait3A_157 = tpu.memref_slice %arg9[%dma_wait3A_155, %dma_wait3A_156] : memref<10240x128xf32, #tpu.memory_space<vmem_shared>> -> memref<10240x128xf32, #tpu.memory_space<vmem_shared>>
      tpu.wait_indirect_dma semaphore(%arg12 : memref<!tpu.dma_semaphore, #tpu.memory_space<semaphore_mem>>) src(%dma_wait3A_154 : memref<16x128xf32, #tpu.memory_space<vmem>>) dst(%dma_wait3A_157 : memref<10240x128xf32, #tpu.memory_space<vmem_shared>>)
      %dma_wait3A_158 = arith.constant 48 : i32
      %dma_wait3A_159 = arith.constant 0 : i32
      %dma_wait3A_160 = tpu.memref_slice %arg6[%dma_wait3A_158, %dma_wait3A_159] : memref<64x128xf32, #tpu.memory_space<vmem>> -> memref<16x128xf32, #tpu.memory_space<vmem>>
      %dma_wait3A_161 = arith.constant 0 : i32
      %dma_wait3A_162 = arith.constant 0 : i32
      %dma_wait3A_163 = tpu.memref_slice %arg9[%dma_wait3A_161, %dma_wait3A_162] : memref<10240x128xf32, #tpu.memory_space<vmem_shared>> -> memref<10240x128xf32, #tpu.memory_space<vmem_shared>>
      tpu.wait_indirect_dma semaphore(%arg12 : memref<!tpu.dma_semaphore, #tpu.memory_space<semaphore_mem>>) src(%dma_wait3A_160 : memref<16x128xf32, #tpu.memory_space<vmem>>) dst(%dma_wait3A_163 : memref<10240x128xf32, #tpu.memory_space<vmem_shared>>)
      %dma_wait3A_164 = arith.constant 0 : i32
      %dma_wait3A_165 = arith.constant 0 : i32
      %dma_wait3A_166 = tpu.memref_slice %arg7[%dma_wait3A_164, %dma_wait3A_165] : memref<64x128xf32, #tpu.memory_space<vmem>> -> memref<16x128xf32, #tpu.memory_space<vmem>>
      %dma_wait3A_167 = arith.constant 0 : i32
      %dma_wait3A_168 = arith.constant 0 : i32
      %dma_wait3A_169 = tpu.memref_slice %arg9[%dma_wait3A_167, %dma_wait3A_168] : memref<10240x128xf32, #tpu.memory_space<vmem_shared>> -> memref<10240x128xf32, #tpu.memory_space<vmem_shared>>
      tpu.wait_indirect_dma semaphore(%arg12 : memref<!tpu.dma_semaphore, #tpu.memory_space<semaphore_mem>>) src(%dma_wait3A_166 : memref<16x128xf32, #tpu.memory_space<vmem>>) dst(%dma_wait3A_169 : memref<10240x128xf32, #tpu.memory_space<vmem_shared>>)
      %dma_wait3A_170 = arith.constant 16 : i32
      %dma_wait3A_171 = arith.constant 0 : i32
      %dma_wait3A_172 = tpu.memref_slice %arg7[%dma_wait3A_170, %dma_wait3A_171] : memref<64x128xf32, #tpu.memory_space<vmem>> -> memref<16x128xf32, #tpu.memory_space<vmem>>
      %dma_wait3A_173 = arith.constant 0 : i32
      %dma_wait3A_174 = arith.constant 0 : i32
      %dma_wait3A_175 = tpu.memref_slice %arg9[%dma_wait3A_173, %dma_wait3A_174] : memref<10240x128xf32, #tpu.memory_space<vmem_shared>> -> memref<10240x128xf32, #tpu.memory_space<vmem_shared>>
      tpu.wait_indirect_dma semaphore(%arg12 : memref<!tpu.dma_semaphore, #tpu.memory_space<semaphore_mem>>) src(%dma_wait3A_172 : memref<16x128xf32, #tpu.memory_space<vmem>>) dst(%dma_wait3A_175 : memref<10240x128xf32, #tpu.memory_space<vmem_shared>>)
      %dma_wait3A_176 = arith.constant 32 : i32
      %dma_wait3A_177 = arith.constant 0 : i32
      %dma_wait3A_178 = tpu.memref_slice %arg7[%dma_wait3A_176, %dma_wait3A_177] : memref<64x128xf32, #tpu.memory_space<vmem>> -> memref<16x128xf32, #tpu.memory_space<vmem>>
      %dma_wait3A_179 = arith.constant 0 : i32
      %dma_wait3A_180 = arith.constant 0 : i32
      %dma_wait3A_181 = tpu.memref_slice %arg9[%dma_wait3A_179, %dma_wait3A_180] : memref<10240x128xf32, #tpu.memory_space<vmem_shared>> -> memref<10240x128xf32, #tpu.memory_space<vmem_shared>>
      tpu.wait_indirect_dma semaphore(%arg12 : memref<!tpu.dma_semaphore, #tpu.memory_space<semaphore_mem>>) src(%dma_wait3A_178 : memref<16x128xf32, #tpu.memory_space<vmem>>) dst(%dma_wait3A_181 : memref<10240x128xf32, #tpu.memory_space<vmem_shared>>)
      %dma_wait3A_182 = arith.constant 48 : i32
      %dma_wait3A_183 = arith.constant 0 : i32
      %dma_wait3A_184 = tpu.memref_slice %arg7[%dma_wait3A_182, %dma_wait3A_183] : memref<64x128xf32, #tpu.memory_space<vmem>> -> memref<16x128xf32, #tpu.memory_space<vmem>>
      %dma_wait3A_185 = arith.constant 0 : i32
      %dma_wait3A_186 = arith.constant 0 : i32
      %dma_wait3A_187 = tpu.memref_slice %arg9[%dma_wait3A_185, %dma_wait3A_186] : memref<10240x128xf32, #tpu.memory_space<vmem_shared>> -> memref<10240x128xf32, #tpu.memory_space<vmem_shared>>
      tpu.wait_indirect_dma semaphore(%arg12 : memref<!tpu.dma_semaphore, #tpu.memory_space<semaphore_mem>>) src(%dma_wait3A_184 : memref<16x128xf32, #tpu.memory_space<vmem>>) dst(%dma_wait3A_187 : memref<10240x128xf32, #tpu.memory_space<vmem_shared>>)
      %scan3A_188 = arith.constant 0 : i32
      scf.yield %scan3A_188 : i32
    }
    %scan3A_22 = arith.constant 39 : i32
    %add3A_23 = arith.constant 4984 : i32
    %add3A_24 = arith.addi %mul3A_2, %add3A_23 : i32
    %multiple_of3A = tpu.assume_multiple %add3A_24, 8 : i32
    "tpu.region"() ({
      %run_scoped3A = tpu.sem_alloc : memref<!tpu.dma_semaphore, #tpu.memory_space<semaphore_mem>>
      %dma_start3A = arith.constant 0 : i32
      %dma_start3A_36 = arith.constant 0 : i32
      %dma_start3A_37 = tpu.memref_slice %arg6[%dma_start3A, %dma_start3A_36] : memref<64x128xf32, #tpu.memory_space<vmem>> -> memref<16x128xf32, #tpu.memory_space<vmem>>
      %dma_start3A_38 = arith.constant 0 : i32
      %dma_start3A_39 = tpu.memref_slice %arg2[%multiple_of3A, %dma_start3A_38] : memref<160000x128xf32, #tpu.memory_space<hbm>> -> memref<16x128xf32, #tpu.memory_space<hbm>>
      %dma_start3A_40 = arith.constant 0 : i32
      %dma_start3A_41 = arith.constant 0 : i32
      %dma_start3A_42 = tpu.memref_slice %arg6[%dma_start3A_40, %dma_start3A_41] : memref<64x128xf32, #tpu.memory_space<vmem>> -> memref<16x128xf32, #tpu.memory_space<vmem>>
      %dma_start3A_43 = arith.constant 0 : i32
      %dma_start3A_44 = tpu.memref_slice %arg2[%multiple_of3A, %dma_start3A_43] : memref<160000x128xf32, #tpu.memory_space<hbm>> -> memref<16x128xf32, #tpu.memory_space<hbm>>
      tpu.enqueue_dma source(%dma_start3A_44 : memref<16x128xf32, #tpu.memory_space<hbm>>) target(%dma_start3A_42 : memref<16x128xf32, #tpu.memory_space<vmem>>) target_semaphore(%run_scoped3A : memref<!tpu.dma_semaphore, #tpu.memory_space<semaphore_mem>>)
      %dma_wait3A = arith.constant 0 : i32
      %dma_wait3A_45 = arith.constant 0 : i32
      %dma_wait3A_46 = tpu.memref_slice %arg6[%dma_wait3A, %dma_wait3A_45] : memref<64x128xf32, #tpu.memory_space<vmem>> -> memref<16x128xf32, #tpu.memory_space<vmem>>
      %dma_wait3A_47 = arith.constant 0 : i32
      %dma_wait3A_48 = tpu.memref_slice %arg2[%multiple_of3A, %dma_wait3A_47] : memref<160000x128xf32, #tpu.memory_space<hbm>> -> memref<16x128xf32, #tpu.memory_space<hbm>>
      %dma_wait3A_49 = arith.constant 0 : i32
      %dma_wait3A_50 = arith.constant 0 : i32
      %dma_wait3A_51 = tpu.memref_slice %arg6[%dma_wait3A_49, %dma_wait3A_50] : memref<64x128xf32, #tpu.memory_space<vmem>> -> memref<16x128xf32, #tpu.memory_space<vmem>>
      %dma_wait3A_52 = arith.constant 0 : i32
      %dma_wait3A_53 = tpu.memref_slice %arg2[%multiple_of3A, %dma_wait3A_52] : memref<160000x128xf32, #tpu.memory_space<hbm>> -> memref<16x128xf32, #tpu.memory_space<hbm>>
      tpu.wait_dma2 semaphore(%run_scoped3A : memref<!tpu.dma_semaphore, #tpu.memory_space<semaphore_mem>>) src(%dma_wait3A_53 : memref<16x128xf32, #tpu.memory_space<hbm>>) dst(%dma_wait3A_51 : memref<16x128xf32, #tpu.memory_space<vmem>>)
      tpu.yield
    }) : () -> ()
    %get3A = arith.constant 4984 : index
    %get3A_25 = tpu.vector_load %arg5[%get3A] {strides = array<i32>} : memref<5000xi32, #tpu.memory_space<vmem>>, vector<16xi32>,
    %lt3A = arith.constant 8 : i32
    %lt3A_26 = vector.broadcast %lt3A : i32 to vector<16xi32>
    %lt3A_27 = arith.cmpi slt, %iota3A, %lt3A_26 : vector<16xi32>
    %broadcast_in_dim3A = arith.constant 10000 : i32
    %broadcast_in_dim3A_28 = vector.broadcast %broadcast_in_dim3A : i32 to vector<16xi32>
    %select_n3A = arith.select %lt3A_27, %broadcast_in_dim3A_28, %get3A_25 : vector<16xi1>, vector<16xi32>
    "tpu.region"() ({
      %run_scoped3A = tpu.sem_alloc : memref<!tpu.dma_semaphore, #tpu.memory_space<semaphore_mem>>
      %dma_start3A = arith.constant 0 : i32
      %dma_start3A_36 = arith.constant 0 : i32
      %dma_start3A_37 = tpu.memref_slice %arg6[%dma_start3A, %dma_start3A_36] : memref<64x128xf32, #tpu.memory_space<vmem>> -> memref<16x128xf32, #tpu.memory_space<vmem>>
      %dma_start3A_38 = arith.constant 0 : i32
      %dma_start3A_39 = arith.constant 0 : i32
      %dma_start3A_40 = tpu.memref_slice %arg9[%dma_start3A_38, %dma_start3A_39] : memref<10240x128xf32, #tpu.memory_space<vmem_shared>> -> memref<10240x128xf32, #tpu.memory_space<vmem_shared>>
      tpu.enqueue_indirect_dma source(%dma_start3A_37 : memref<16x128xf32, #tpu.memory_space<vmem>>) target(%dma_start3A_40 : memref<10240x128xf32, #tpu.memory_space<vmem_shared>>) offsets(%select_n3A : vector<16xi32>) semaphore(%run_scoped3A : memref<!tpu.dma_semaphore, #tpu.memory_space<semaphore_mem>>) {add = true}
      %dma_wait3A = arith.constant 0 : i32
      %dma_wait3A_41 = arith.constant 0 : i32
      %dma_wait3A_42 = tpu.memref_slice %arg6[%dma_wait3A, %dma_wait3A_41] : memref<64x128xf32, #tpu.memory_space<vmem>> -> memref<16x128xf32, #tpu.memory_space<vmem>>
      %dma_wait3A_43 = arith.constant 0 : i32
      %dma_wait3A_44 = arith.constant 0 : i32
      %dma_wait3A_45 = tpu.memref_slice %arg9[%dma_wait3A_43, %dma_wait3A_44] : memref<10240x128xf32, #tpu.memory_space<vmem_shared>> -> memref<10240x128xf32, #tpu.memory_space<vmem_shared>>
      tpu.wait_indirect_dma semaphore(%run_scoped3A : memref<!tpu.dma_semaphore, #tpu.memory_space<semaphore_mem>>) src(%dma_wait3A_42 : memref<16x128xf32, #tpu.memory_space<vmem>>) dst(%dma_wait3A_45 : memref<10240x128xf32, #tpu.memory_space<vmem_shared>>)
      tpu.yield
    }) : () -> ()
    %barrier3A_29 = arith.constant 0 : index
    tpu.barrier barrier_id(%barrier3A_29)
    %mul3A_30 = arith.constant 640 : i32
    %mul3A_31 = arith.muli %arg1, %mul3A_30 : i32
    %multiple_of3A_32 = tpu.assume_multiple %mul3A_31, 8 : i32
    %mul3A_33 = arith.constant 640 : i32
    %mul3A_34 = arith.muli %arg1, %mul3A_33 : i32
    %multiple_of3A_35 = tpu.assume_multiple %mul3A_34, 8 : i32
    "tpu.region"() ({
      %run_scoped3A = tpu.sem_alloc : memref<!tpu.dma_semaphore, #tpu.memory_space<semaphore_mem>>
      %dma_start3A = arith.constant 0 : i32
      %dma_start3A_36 = tpu.memref_slice %arg4[%arg0, %multiple_of3A_35, %dma_start3A] : memref<2x10240x128xf32, #tpu.memory_space<hbm>> -> memref<1x640x128xf32, #tpu.memory_space<hbm>>
      %dma_start3A_37 = tpu.memref_squeeze %dma_start3A_36 : memref<1x640x128xf32, #tpu.memory_space<hbm>> -> memref<640x128xf32, #tpu.memory_space<hbm>>
      %dma_start3A_38 = arith.constant 0 : i32
      %dma_start3A_39 = tpu.memref_slice %arg9[%multiple_of3A_32, %dma_start3A_38] : memref<10240x128xf32, #tpu.memory_space<vmem_shared>> -> memref<640x128xf32, #tpu.memory_space<vmem_shared>>
      tpu.enqueue_dma source(%dma_start3A_39 : memref<640x128xf32, #tpu.memory_space<vmem_shared>>) target(%dma_start3A_37 : memref<640x128xf32, #tpu.memory_space<hbm>>) target_semaphore(%run_scoped3A : memref<!tpu.dma_semaphore, #tpu.memory_space<semaphore_mem>>)
      %dma_wait3A = arith.constant 0 : i32
      %dma_wait3A_40 = tpu.memref_slice %arg4[%arg0, %multiple_of3A_35, %dma_wait3A] : memref<2x10240x128xf32, #tpu.memory_space<hbm>> -> memref<1x640x128xf32, #tpu.memory_space<hbm>>
      %dma_wait3A_41 = tpu.memref_squeeze %dma_wait3A_40 : memref<1x640x128xf32, #tpu.memory_space<hbm>> -> memref<640x128xf32, #tpu.memory_space<hbm>>
      %dma_wait3A_42 = arith.constant 0 : i32
      %dma_wait3A_43 = tpu.memref_slice %arg9[%multiple_of3A_32, %dma_wait3A_42] : memref<10240x128xf32, #tpu.memory_space<vmem_shared>> -> memref<640x128xf32, #tpu.memory_space<vmem_shared>>
      tpu.wait_dma2 semaphore(%run_scoped3A : memref<!tpu.dma_semaphore, #tpu.memory_space<semaphore_mem>>) src(%dma_wait3A_43 : memref<640x128xf32, #tpu.memory_space<vmem_shared>>) dst(%dma_wait3A_41 : memref<640x128xf32, #tpu.memory_space<hbm>>)
      tpu.yield
    }) : () -> ()
    return
  }
}

#map = affine_map<(d0, d1) -> (0, 0)>
#map1 = affine_map<(d0, d1) -> (0)>
#map2 = affine_map<(d0, d1) -> (0, 0, 0)>
module attributes {stable_mosaic.version = 14 : i64} {
  func.func @k(%arg0: i32, %arg1: i32, %arg2: memref<160000x128xf32, #tpu.memory_space<hbm>>, %arg3: memref<160000xi32, #tpu.memory_space<hbm>>, %arg4: memref<2x10240x128xf32, #tpu.memory_space<hbm>>, %arg5: memref<5000xi32, #tpu.memory_space<vmem>>, %arg6: memref<64x128xf32, #tpu.memory_space<vmem>>, %arg7: memref<64x128xf32, #tpu.memory_space<vmem>>, %arg8: memref<16x128xf32, #tpu.memory_space<vmem>>, %arg9: memref<10240x128xf32, #tpu.memory_space<vmem_shared>>, %arg10: memref<!tpu.dma_semaphore, #tpu.memory_space<semaphore_mem>>, %arg11: memref<!tpu.dma_semaphore, #tpu.memory_space<semaphore_mem>>, %arg12: memref<!tpu.dma_semaphore, #tpu.memory_space<semaphore_mem>>) attributes {dimension_semantics = [#tpu.dimension_semantics<core_parallel>, #tpu.dimension_semantics<subcore_parallel>], iteration_bounds = array<i64: 2, 16>, scalar_prefetch = 0 : i64, scratch_operands = 8 : i64, tpu.core_type = #tpu.core_type<sc_vector_subcore>, window_params = [{transform_indices = #map}, {transform_indices = #map1}, {transform_indices = #map2}]} {
    %mul3A = arith.constant 16 : i32
    %mul3A_0 = arith.muli %arg0, %mul3A : i32
    %add3A = arith.addi %mul3A_0, %arg1 : i32
    %mul3A_1 = arith.constant 5000 : i32
    %mul3A_2 = arith.muli %add3A, %mul3A_1 : i32
    "tpu.region"() ({
      %run_scoped3A = tpu.sem_alloc : memref<!tpu.dma_semaphore, #tpu.memory_space<semaphore_mem>>
      %dma_start3A = tpu.memref_slice %arg3[%mul3A_2] : memref<160000xi32, #tpu.memory_space<hbm>> -> memref<5000xi32, #tpu.memory_space<hbm>>
      %dma_start3A_36 = tpu.memref_slice %arg3[%mul3A_2] : memref<160000xi32, #tpu.memory_space<hbm>> -> memref<5000xi32, #tpu.memory_space<hbm>>
      tpu.enqueue_dma source(%dma_start3A_36 : memref<5000xi32, #tpu.memory_space<hbm>>) target(%arg5 : memref<5000xi32, #tpu.memory_space<vmem>>) target_semaphore(%run_scoped3A : memref<!tpu.dma_semaphore, #tpu.memory_space<semaphore_mem>>)
      %dma_wait3A = tpu.memref_slice %arg3[%mul3A_2] : memref<160000xi32, #tpu.memory_space<hbm>> -> memref<5000xi32, #tpu.memory_space<hbm>>
      %dma_wait3A_37 = tpu.memref_slice %arg3[%mul3A_2] : memref<160000xi32, #tpu.memory_space<hbm>> -> memref<5000xi32, #tpu.memory_space<hbm>>
      tpu.wait_dma2 semaphore(%run_scoped3A : memref<!tpu.dma_semaphore, #tpu.memory_space<semaphore_mem>>) src(%dma_wait3A_37 : memref<5000xi32, #tpu.memory_space<hbm>>) dst(%arg5 : memref<5000xi32, #tpu.memory_space<vmem>>)
      tpu.yield
    }) : () -> ()
    %scan3A = arith.constant 0 : i32
    %scan3A_3 = arith.constant 0 : i32
    %scan3A_4 = arith.constant 16 : i32
    %scan3A_5 = arith.addi %scan3A_3, %scan3A_4 : i32
    %scan3A_6 = arith.constant 1 : i32
    %scan3A_7 = scf.for %scan3A_36 = %scan3A_3 to %scan3A_5 step %scan3A_6 iter_args(%scan3A_37 = %scan3A) -> (i32)  : i32 {
      %broadcast_in_dim3A_38 = arith.constant 0.000000e+00 : f32
      %broadcast_in_dim3A_39 = vector.broadcast %broadcast_in_dim3A_38 : f32 to vector<16xf32>
      %swap3A = arith.index_cast %scan3A_36 : i32 to index
      %swap3A_40 = arith.constant 0 : index
      %swap3A_41 = tpu.vector_load %arg8[%swap3A, %swap3A_40] {strides = array<i32>} : memref<16x128xf32, #tpu.memory_space<vmem>>, vector<16xf32>,
      tpu.vector_store %arg8[%swap3A, %swap3A_40], %broadcast_in_dim3A_39 {strides = array<i32>} : memref<16x128xf32, #tpu.memory_space<vmem>>, vector<16xf32>,
      %broadcast_in_dim3A_42 = arith.constant 0.000000e+00 : f32
      %broadcast_in_dim3A_43 = vector.broadcast %broadcast_in_dim3A_42 : f32 to vector<16xf32>
      %swap3A_44 = arith.index_cast %scan3A_36 : i32 to index
      %swap3A_45 = arith.constant 16 : index
      %swap3A_46 = tpu.vector_load %arg8[%swap3A_44, %swap3A_45] {strides = array<i32>} : memref<16x128xf32, #tpu.memory_space<vmem>>, vector<16xf32>,
      tpu.vector_store %arg8[%swap3A_44, %swap3A_45], %broadcast_in_dim3A_43 {strides = array<i32>} : memref<16x128xf32, #tpu.memory_space<vmem>>, vector<16xf32>,
      %broadcast_in_dim3A_47 = arith.constant 0.000000e+00 : f32
      %broadcast_in_dim3A_48 = vector.broadcast %broadcast_in_dim3A_47 : f32 to vector<16xf32>
      %swap3A_49 = arith.index_cast %scan3A_36 : i32 to index
      %swap3A_50 = arith.constant 32 : index
      %swap3A_51 = tpu.vector_load %arg8[%swap3A_49, %swap3A_50] {strides = array<i32>} : memref<16x128xf32, #tpu.memory_space<vmem>>, vector<16xf32>,
      tpu.vector_store %arg8[%swap3A_49, %swap3A_50], %broadcast_in_dim3A_48 {strides = array<i32>} : memref<16x128xf32, #tpu.memory_space<vmem>>, vector<16xf32>,
      %broadcast_in_dim3A_52 = arith.constant 0.000000e+00 : f32
      %broadcast_in_dim3A_53 = vector.broadcast %broadcast_in_dim3A_52 : f32 to vector<16xf32>
      %swap3A_54 = arith.index_cast %scan3A_36 : i32 to index
      %swap3A_55 = arith.constant 48 : index
      %swap3A_56 = tpu.vector_load %arg8[%swap3A_54, %swap3A_55] {strides = array<i32>} : memref<16x128xf32, #tpu.memory_space<vmem>>, vector<16xf32>,
      tpu.vector_store %arg8[%swap3A_54, %swap3A_55], %broadcast_in_dim3A_53 {strides = array<i32>} : memref<16x128xf32, #tpu.memory_space<vmem>>, vector<16xf32>,
      %broadcast_in_dim3A_57 = arith.constant 0.000000e+00 : f32
      %broadcast_in_dim3A_58 = vector.broadcast %broadcast_in_dim3A_57 : f32 to vector<16xf32>
      %swap3A_59 = arith.index_cast %scan3A_36 : i32 to index
      %swap3A_60 = arith.constant 64 : index
      %swap3A_61 = tpu.vector_load %arg8[%swap3A_59, %swap3A_60] {strides = array<i32>} : memref<16x128xf32, #tpu.memory_space<vmem>>, vector<16xf32>,
      tpu.vector_store %arg8[%swap3A_59, %swap3A_60], %broadcast_in_dim3A_58 {strides = array<i32>} : memref<16x128xf32, #tpu.memory_space<vmem>>, vector<16xf32>,
      %broadcast_in_dim3A_62 = arith.constant 0.000000e+00 : f32
      %broadcast_in_dim3A_63 = vector.broadcast %broadcast_in_dim3A_62 : f32 to vector<16xf32>
      %swap3A_64 = arith.index_cast %scan3A_36 : i32 to index
      %swap3A_65 = arith.constant 80 : index
      %swap3A_66 = tpu.vector_load %arg8[%swap3A_64, %swap3A_65] {strides = array<i32>} : memref<16x128xf32, #tpu.memory_space<vmem>>, vector<16xf32>,
      tpu.vector_store %arg8[%swap3A_64, %swap3A_65], %broadcast_in_dim3A_63 {strides = array<i32>} : memref<16x128xf32, #tpu.memory_space<vmem>>, vector<16xf32>,
      %broadcast_in_dim3A_67 = arith.constant 0.000000e+00 : f32
      %broadcast_in_dim3A_68 = vector.broadcast %broadcast_in_dim3A_67 : f32 to vector<16xf32>
      %swap3A_69 = arith.index_cast %scan3A_36 : i32 to index
      %swap3A_70 = arith.constant 96 : index
      %swap3A_71 = tpu.vector_load %arg8[%swap3A_69, %swap3A_70] {strides = array<i32>} : memref<16x128xf32, #tpu.memory_space<vmem>>, vector<16xf32>,
      tpu.vector_store %arg8[%swap3A_69, %swap3A_70], %broadcast_in_dim3A_68 {strides = array<i32>} : memref<16x128xf32, #tpu.memory_space<vmem>>, vector<16xf32>,
      %broadcast_in_dim3A_72 = arith.constant 0.000000e+00 : f32
      %broadcast_in_dim3A_73 = vector.broadcast %broadcast_in_dim3A_72 : f32 to vector<16xf32>
      %swap3A_74 = arith.index_cast %scan3A_36 : i32 to index
      %swap3A_75 = arith.constant 112 : index
      %swap3A_76 = tpu.vector_load %arg8[%swap3A_74, %swap3A_75] {strides = array<i32>} : memref<16x128xf32, #tpu.memory_space<vmem>>, vector<16xf32>,
      tpu.vector_store %arg8[%swap3A_74, %swap3A_75], %broadcast_in_dim3A_73 {strides = array<i32>} : memref<16x128xf32, #tpu.memory_space<vmem>>, vector<16xf32>,
      %scan3A_77 = arith.constant 0 : i32
      scf.yield %scan3A_77 : i32
    }
    %scan3A_8 = arith.constant 16 : i32
    %scan3A_9 = arith.constant 0 : i32
    %scan3A_10 = arith.constant 0 : i32
    %scan3A_11 = arith.constant 40 : i32
    %scan3A_12 = arith.addi %scan3A_10, %scan3A_11 : i32
    %scan3A_13 = arith.constant 1 : i32
    %scan3A_14 = scf.for %scan3A_36 = %scan3A_10 to %scan3A_12 step %scan3A_13 iter_args(%scan3A_37 = %scan3A_9) -> (i32)  : i32 {
      %mul3A_38 = arith.constant 640 : i32
      %mul3A_39 = arith.muli %arg1, %mul3A_38 : i32
      %mul3A_40 = arith.constant 16 : i32
      %mul3A_41 = arith.muli %scan3A_36, %mul3A_40 : i32
      %add3A_42 = arith.addi %mul3A_39, %mul3A_41 : i32
      %multiple_of3A_43 = tpu.assume_multiple %add3A_42, 8 : i32
      "tpu.region"() ({
        %run_scoped3A = tpu.sem_alloc : memref<!tpu.dma_semaphore, #tpu.memory_space<semaphore_mem>>
        %dma_start3A = arith.constant 0 : i32
        %dma_start3A_45 = tpu.memref_slice %arg9[%multiple_of3A_43, %dma_start3A] : memref<10240x128xf32, #tpu.memory_space<vmem_shared>> -> memref<16x128xf32, #tpu.memory_space<vmem_shared>>
        %dma_start3A_46 = arith.constant 0 : i32
        %dma_start3A_47 = tpu.memref_slice %arg9[%multiple_of3A_43, %dma_start3A_46] : memref<10240x128xf32, #tpu.memory_space<vmem_shared>> -> memref<16x128xf32, #tpu.memory_space<vmem_shared>>
        tpu.enqueue_dma source(%arg8 : memref<16x128xf32, #tpu.memory_space<vmem>>) target(%dma_start3A_47 : memref<16x128xf32, #tpu.memory_space<vmem_shared>>) target_semaphore(%run_scoped3A : memref<!tpu.dma_semaphore, #tpu.memory_space<semaphore_mem>>)
        %dma_wait3A = arith.constant 0 : i32
        %dma_wait3A_48 = tpu.memref_slice %arg9[%multiple_of3A_43, %dma_wait3A] : memref<10240x128xf32, #tpu.memory_space<vmem_shared>> -> memref<16x128xf32, #tpu.memory_space<vmem_shared>>
        %dma_wait3A_49 = arith.constant 0 : i32
        %dma_wait3A_50 = tpu.memref_slice %arg9[%multiple_of3A_43, %dma_wait3A_49] : memref<10240x128xf32, #tpu.memory_space<vmem_shared>> -> memref<16x128xf32, #tpu.memory_space<vmem_shared>>
        tpu.wait_dma2 semaphore(%run_scoped3A : memref<!tpu.dma_semaphore, #tpu.memory_space<semaphore_mem>>) src(%arg8 : memref<16x128xf32, #tpu.memory_space<vmem>>) dst(%dma_wait3A_50 : memref<16x128xf32, #tpu.memory_space<vmem_shared>>)
        tpu.yield
      }) : () -> ()
      %scan3A_44 = arith.constant 0 : i32
      scf.yield %scan3A_44 : i32
    }
    %scan3A_15 = arith.constant 40 : i32
    %barrier3A = arith.constant 0 : index
    tpu.barrier barrier_id(%barrier3A)
    %iota3A = tpu.iota {dimensions = array<i32: 0>} : vector<16xi32>
    %scan3A_16 = arith.constant 0 : i32
    %scan3A_17 = arith.constant 0 : i32
    %scan3A_18 = arith.constant 39 : i32
    %scan3A_19 = arith.addi %scan3A_17, %scan3A_18 : i32
    %scan3A_20 = arith.constant 1 : i32
    %scan3A_21 = scf.for %scan3A_36 = %scan3A_17 to %scan3A_19 step %scan3A_20 iter_args(%scan3A_37 = %scan3A_16) -> (i32)  : i32 {
      %mul3A_38 = arith.constant 128 : i32
      %mul3A_39 = arith.muli %scan3A_36, %mul3A_38 : i32
      %add3A_40 = arith.constant 64 : i32
      %add3A_41 = arith.addi %mul3A_39, %add3A_40 : i32
      %add3A_42 = arith.addi %mul3A_2, %mul3A_39 : i32
      %multiple_of3A_43 = tpu.assume_multiple %add3A_42, 8 : i32
      %dma_start3A = arith.constant 0 : i32
      %dma_start3A_44 = tpu.memref_slice %arg2[%multiple_of3A_43, %dma_start3A] : memref<160000x128xf32, #tpu.memory_space<hbm>> -> memref<64x128xf32, #tpu.memory_space<hbm>>
      %dma_start3A_45 = arith.constant 0 : i32
      %dma_start3A_46 = tpu.memref_slice %arg2[%multiple_of3A_43, %dma_start3A_45] : memref<160000x128xf32, #tpu.memory_space<hbm>> -> memref<64x128xf32, #tpu.memory_space<hbm>>
      tpu.enqueue_dma source(%dma_start3A_46 : memref<64x128xf32, #tpu.memory_space<hbm>>) target(%arg6 : memref<64x128xf32, #tpu.memory_space<vmem>>) target_semaphore(%arg10 : memref<!tpu.dma_semaphore, #tpu.memory_space<semaphore_mem>>)
      %add3A_47 = arith.addi %mul3A_2, %add3A_41 : i32
      %multiple_of3A_48 = tpu.assume_multiple %add3A_47, 8 : i32
      %dma_start3A_49 = arith.constant 0 : i32
      %dma_start3A_50 = tpu.memref_slice %arg2[%multiple_of3A_48, %dma_start3A_49] : memref<160000x128xf32, #tpu.memory_space<hbm>> -> memref<64x128xf32, #tpu.memory_space<hbm>>
      %dma_start3A_51 = arith.constant 0 : i32
      %dma_start3A_52 = tpu.memref_slice %arg2[%multiple_of3A_48, %dma_start3A_51] : memref<160000x128xf32, #tpu.memory_space<hbm>> -> memref<64x128xf32, #tpu.memory_space<hbm>>
      tpu.enqueue_dma source(%dma_start3A_52 : memref<64x128xf32, #tpu.memory_space<hbm>>) target(%arg7 : memref<64x128xf32, #tpu.memory_space<vmem>>) target_semaphore(%arg11 : memref<!tpu.dma_semaphore, #tpu.memory_space<semaphore_mem>>)
      %dma_wait3A = arith.constant 0 : i32
      %dma_wait3A_53 = tpu.memref_slice %arg2[%multiple_of3A_43, %dma_wait3A] : memref<160000x128xf32, #tpu.memory_space<hbm>> -> memref<64x128xf32, #tpu.memory_space<hbm>>
      %dma_wait3A_54 = arith.constant 0 : i32
      %dma_wait3A_55 = tpu.memref_slice %arg2[%multiple_of3A_43, %dma_wait3A_54] : memref<160000x128xf32, #tpu.memory_space<hbm>> -> memref<64x128xf32, #tpu.memory_space<hbm>>
      tpu.wait_dma2 semaphore(%arg10 : memref<!tpu.dma_semaphore, #tpu.memory_space<semaphore_mem>>) src(%dma_wait3A_55 : memref<64x128xf32, #tpu.memory_space<hbm>>) dst(%arg6 : memref<64x128xf32, #tpu.memory_space<vmem>>)
      %add3A_56 = arith.constant 0 : i32
      %add3A_57 = arith.addi %mul3A_39, %add3A_56 : i32
      %get3A_58 = arith.index_cast %add3A_57 : i32 to index
      %get3A_59 = tpu.vector_load %arg5[%get3A_58] {strides = array<i32>} : memref<5000xi32, #tpu.memory_space<vmem>>, vector<16xi32>,
      %dma_start3A_60 = arith.constant 0 : i32
      %dma_start3A_61 = arith.constant 0 : i32
      %dma_start3A_62 = tpu.memref_slice %arg6[%dma_start3A_60, %dma_start3A_61] : memref<64x128xf32, #tpu.memory_space<vmem>> -> memref<16x128xf32, #tpu.memory_space<vmem>>
      %dma_start3A_63 = arith.constant 0 : i32
      %dma_start3A_64 = arith.constant 0 : i32
      %dma_start3A_65 = tpu.memref_slice %arg9[%dma_start3A_63, %dma_start3A_64] : memref<10240x128xf32, #tpu.memory_space<vmem_shared>> -> memref<10240x128xf32, #tpu.memory_space<vmem_shared>>
      tpu.enqueue_indirect_dma source(%dma_start3A_62 : memref<16x128xf32, #tpu.memory_space<vmem>>) target(%dma_start3A_65 : memref<10240x128xf32, #tpu.memory_space<vmem_shared>>) offsets(%get3A_59 : vector<16xi32>) semaphore(%arg12 : memref<!tpu.dma_semaphore, #tpu.memory_space<semaphore_mem>>) {add = true}
      %add3A_66 = arith.constant 16 : i32
      %add3A_67 = arith.addi %mul3A_39, %add3A_66 : i32
      %get3A_68 = arith.index_cast %add3A_67 : i32 to index
      %get3A_69 = tpu.vector_load %arg5[%get3A_68] {strides = array<i32>} : memref<5000xi32, #tpu.memory_space<vmem>>, vector<16xi32>,
      %dma_start3A_70 = arith.constant 16 : i32
      %dma_start3A_71 = arith.constant 0 : i32
      %dma_start3A_72 = tpu.memref_slice %arg6[%dma_start3A_70, %dma_start3A_71] : memref<64x128xf32, #tpu.memory_space<vmem>> -> memref<16x128xf32, #tpu.memory_space<vmem>>
      %dma_start3A_73 = arith.constant 0 : i32
      %dma_start3A_74 = arith.constant 0 : i32
      %dma_start3A_75 = tpu.memref_slice %arg9[%dma_start3A_73, %dma_start3A_74] : memref<10240x128xf32, #tpu.memory_space<vmem_shared>> -> memref<10240x128xf32, #tpu.memory_space<vmem_shared>>
      tpu.enqueue_indirect_dma source(%dma_start3A_72 : memref<16x128xf32, #tpu.memory_space<vmem>>) target(%dma_start3A_75 : memref<10240x128xf32, #tpu.memory_space<vmem_shared>>) offsets(%get3A_69 : vector<16xi32>) semaphore(%arg12 : memref<!tpu.dma_semaphore, #tpu.memory_space<semaphore_mem>>) {add = true}
      %add3A_76 = arith.constant 32 : i32
      %add3A_77 = arith.addi %mul3A_39, %add3A_76 : i32
      %get3A_78 = arith.index_cast %add3A_77 : i32 to index
      %get3A_79 = tpu.vector_load %arg5[%get3A_78] {strides = array<i32>} : memref<5000xi32, #tpu.memory_space<vmem>>, vector<16xi32>,
      %dma_start3A_80 = arith.constant 32 : i32
      %dma_start3A_81 = arith.constant 0 : i32
      %dma_start3A_82 = tpu.memref_slice %arg6[%dma_start3A_80, %dma_start3A_81] : memref<64x128xf32, #tpu.memory_space<vmem>> -> memref<16x128xf32, #tpu.memory_space<vmem>>
      %dma_start3A_83 = arith.constant 0 : i32
      %dma_start3A_84 = arith.constant 0 : i32
      %dma_start3A_85 = tpu.memref_slice %arg9[%dma_start3A_83, %dma_start3A_84] : memref<10240x128xf32, #tpu.memory_space<vmem_shared>> -> memref<10240x128xf32, #tpu.memory_space<vmem_shared>>
      tpu.enqueue_indirect_dma source(%dma_start3A_82 : memref<16x128xf32, #tpu.memory_space<vmem>>) target(%dma_start3A_85 : memref<10240x128xf32, #tpu.memory_space<vmem_shared>>) offsets(%get3A_79 : vector<16xi32>) semaphore(%arg12 : memref<!tpu.dma_semaphore, #tpu.memory_space<semaphore_mem>>) {add = true}
      %add3A_86 = arith.constant 48 : i32
      %add3A_87 = arith.addi %mul3A_39, %add3A_86 : i32
      %get3A_88 = arith.index_cast %add3A_87 : i32 to index
      %get3A_89 = tpu.vector_load %arg5[%get3A_88] {strides = array<i32>} : memref<5000xi32, #tpu.memory_space<vmem>>, vector<16xi32>,
      %dma_start3A_90 = arith.constant 48 : i32
      %dma_start3A_91 = arith.constant 0 : i32
      %dma_start3A_92 = tpu.memref_slice %arg6[%dma_start3A_90, %dma_start3A_91] : memref<64x128xf32, #tpu.memory_space<vmem>> -> memref<16x128xf32, #tpu.memory_space<vmem>>
      %dma_start3A_93 = arith.constant 0 : i32
      %dma_start3A_94 = arith.constant 0 : i32
      %dma_start3A_95 = tpu.memref_slice %arg9[%dma_start3A_93, %dma_start3A_94] : memref<10240x128xf32, #tpu.memory_space<vmem_shared>> -> memref<10240x128xf32, #tpu.memory_space<vmem_shared>>
      tpu.enqueue_indirect_dma source(%dma_start3A_92 : memref<16x128xf32, #tpu.memory_space<vmem>>) target(%dma_start3A_95 : memref<10240x128xf32, #tpu.memory_space<vmem_shared>>) offsets(%get3A_89 : vector<16xi32>) semaphore(%arg12 : memref<!tpu.dma_semaphore, #tpu.memory_space<semaphore_mem>>) {add = true}
      %dma_wait3A_96 = arith.constant 0 : i32
      %dma_wait3A_97 = tpu.memref_slice %arg2[%multiple_of3A_48, %dma_wait3A_96] : memref<160000x128xf32, #tpu.memory_space<hbm>> -> memref<64x128xf32, #tpu.memory_space<hbm>>
      %dma_wait3A_98 = arith.constant 0 : i32
      %dma_wait3A_99 = tpu.memref_slice %arg2[%multiple_of3A_48, %dma_wait3A_98] : memref<160000x128xf32, #tpu.memory_space<hbm>> -> memref<64x128xf32, #tpu.memory_space<hbm>>
      tpu.wait_dma2 semaphore(%arg11 : memref<!tpu.dma_semaphore, #tpu.memory_space<semaphore_mem>>) src(%dma_wait3A_99 : memref<64x128xf32, #tpu.memory_space<hbm>>) dst(%arg7 : memref<64x128xf32, #tpu.memory_space<vmem>>)
      %add3A_100 = arith.constant 0 : i32
      %add3A_101 = arith.addi %add3A_41, %add3A_100 : i32
      %get3A_102 = arith.index_cast %add3A_101 : i32 to index
      %get3A_103 = tpu.vector_load %arg5[%get3A_102] {strides = array<i32>} : memref<5000xi32, #tpu.memory_space<vmem>>, vector<16xi32>,
      %dma_start3A_104 = arith.constant 0 : i32
      %dma_start3A_105 = arith.constant 0 : i32
      %dma_start3A_106 = tpu.memref_slice %arg7[%dma_start3A_104, %dma_start3A_105] : memref<64x128xf32, #tpu.memory_space<vmem>> -> memref<16x128xf32, #tpu.memory_space<vmem>>
      %dma_start3A_107 = arith.constant 0 : i32
      %dma_start3A_108 = arith.constant 0 : i32
      %dma_start3A_109 = tpu.memref_slice %arg9[%dma_start3A_107, %dma_start3A_108] : memref<10240x128xf32, #tpu.memory_space<vmem_shared>> -> memref<10240x128xf32, #tpu.memory_space<vmem_shared>>
      tpu.enqueue_indirect_dma source(%dma_start3A_106 : memref<16x128xf32, #tpu.memory_space<vmem>>) target(%dma_start3A_109 : memref<10240x128xf32, #tpu.memory_space<vmem_shared>>) offsets(%get3A_103 : vector<16xi32>) semaphore(%arg12 : memref<!tpu.dma_semaphore, #tpu.memory_space<semaphore_mem>>) {add = true}
      %add3A_110 = arith.constant 16 : i32
      %add3A_111 = arith.addi %add3A_41, %add3A_110 : i32
      %get3A_112 = arith.index_cast %add3A_111 : i32 to index
      %get3A_113 = tpu.vector_load %arg5[%get3A_112] {strides = array<i32>} : memref<5000xi32, #tpu.memory_space<vmem>>, vector<16xi32>,
      %dma_start3A_114 = arith.constant 16 : i32
      %dma_start3A_115 = arith.constant 0 : i32
      %dma_start3A_116 = tpu.memref_slice %arg7[%dma_start3A_114, %dma_start3A_115] : memref<64x128xf32, #tpu.memory_space<vmem>> -> memref<16x128xf32, #tpu.memory_space<vmem>>
      %dma_start3A_117 = arith.constant 0 : i32
      %dma_start3A_118 = arith.constant 0 : i32
      %dma_start3A_119 = tpu.memref_slice %arg9[%dma_start3A_117, %dma_start3A_118] : memref<10240x128xf32, #tpu.memory_space<vmem_shared>> -> memref<10240x128xf32, #tpu.memory_space<vmem_shared>>
      tpu.enqueue_indirect_dma source(%dma_start3A_116 : memref<16x128xf32, #tpu.memory_space<vmem>>) target(%dma_start3A_119 : memref<10240x128xf32, #tpu.memory_space<vmem_shared>>) offsets(%get3A_113 : vector<16xi32>) semaphore(%arg12 : memref<!tpu.dma_semaphore, #tpu.memory_space<semaphore_mem>>) {add = true}
      %add3A_120 = arith.constant 32 : i32
      %add3A_121 = arith.addi %add3A_41, %add3A_120 : i32
      %get3A_122 = arith.index_cast %add3A_121 : i32 to index
      %get3A_123 = tpu.vector_load %arg5[%get3A_122] {strides = array<i32>} : memref<5000xi32, #tpu.memory_space<vmem>>, vector<16xi32>,
      %dma_start3A_124 = arith.constant 32 : i32
      %dma_start3A_125 = arith.constant 0 : i32
      %dma_start3A_126 = tpu.memref_slice %arg7[%dma_start3A_124, %dma_start3A_125] : memref<64x128xf32, #tpu.memory_space<vmem>> -> memref<16x128xf32, #tpu.memory_space<vmem>>
      %dma_start3A_127 = arith.constant 0 : i32
      %dma_start3A_128 = arith.constant 0 : i32
      %dma_start3A_129 = tpu.memref_slice %arg9[%dma_start3A_127, %dma_start3A_128] : memref<10240x128xf32, #tpu.memory_space<vmem_shared>> -> memref<10240x128xf32, #tpu.memory_space<vmem_shared>>
      tpu.enqueue_indirect_dma source(%dma_start3A_126 : memref<16x128xf32, #tpu.memory_space<vmem>>) target(%dma_start3A_129 : memref<10240x128xf32, #tpu.memory_space<vmem_shared>>) offsets(%get3A_123 : vector<16xi32>) semaphore(%arg12 : memref<!tpu.dma_semaphore, #tpu.memory_space<semaphore_mem>>) {add = true}
      %add3A_130 = arith.constant 48 : i32
      %add3A_131 = arith.addi %add3A_41, %add3A_130 : i32
      %get3A_132 = arith.index_cast %add3A_131 : i32 to index
      %get3A_133 = tpu.vector_load %arg5[%get3A_132] {strides = array<i32>} : memref<5000xi32, #tpu.memory_space<vmem>>, vector<16xi32>,
      %dma_start3A_134 = arith.constant 48 : i32
      %dma_start3A_135 = arith.constant 0 : i32
      %dma_start3A_136 = tpu.memref_slice %arg7[%dma_start3A_134, %dma_start3A_135] : memref<64x128xf32, #tpu.memory_space<vmem>> -> memref<16x128xf32, #tpu.memory_space<vmem>>
      %dma_start3A_137 = arith.constant 0 : i32
      %dma_start3A_138 = arith.constant 0 : i32
      %dma_start3A_139 = tpu.memref_slice %arg9[%dma_start3A_137, %dma_start3A_138] : memref<10240x128xf32, #tpu.memory_space<vmem_shared>> -> memref<10240x128xf32, #tpu.memory_space<vmem_shared>>
      tpu.enqueue_indirect_dma source(%dma_start3A_136 : memref<16x128xf32, #tpu.memory_space<vmem>>) target(%dma_start3A_139 : memref<10240x128xf32, #tpu.memory_space<vmem_shared>>) offsets(%get3A_133 : vector<16xi32>) semaphore(%arg12 : memref<!tpu.dma_semaphore, #tpu.memory_space<semaphore_mem>>) {add = true}
      %dma_wait3A_140 = arith.constant 0 : i32
      %dma_wait3A_141 = arith.constant 0 : i32
      %dma_wait3A_142 = tpu.memref_slice %arg6[%dma_wait3A_140, %dma_wait3A_141] : memref<64x128xf32, #tpu.memory_space<vmem>> -> memref<16x128xf32, #tpu.memory_space<vmem>>
      %dma_wait3A_143 = arith.constant 0 : i32
      %dma_wait3A_144 = arith.constant 0 : i32
      %dma_wait3A_145 = tpu.memref_slice %arg9[%dma_wait3A_143, %dma_wait3A_144] : memref<10240x128xf32, #tpu.memory_space<vmem_shared>> -> memref<10240x128xf32, #tpu.memory_space<vmem_shared>>
      tpu.wait_indirect_dma semaphore(%arg12 : memref<!tpu.dma_semaphore, #tpu.memory_space<semaphore_mem>>) src(%dma_wait3A_142 : memref<16x128xf32, #tpu.memory_space<vmem>>) dst(%dma_wait3A_145 : memref<10240x128xf32, #tpu.memory_space<vmem_shared>>)
      %dma_wait3A_146 = arith.constant 16 : i32
      %dma_wait3A_147 = arith.constant 0 : i32
      %dma_wait3A_148 = tpu.memref_slice %arg6[%dma_wait3A_146, %dma_wait3A_147] : memref<64x128xf32, #tpu.memory_space<vmem>> -> memref<16x128xf32, #tpu.memory_space<vmem>>
      %dma_wait3A_149 = arith.constant 0 : i32
      %dma_wait3A_150 = arith.constant 0 : i32
      %dma_wait3A_151 = tpu.memref_slice %arg9[%dma_wait3A_149, %dma_wait3A_150] : memref<10240x128xf32, #tpu.memory_space<vmem_shared>> -> memref<10240x128xf32, #tpu.memory_space<vmem_shared>>
      tpu.wait_indirect_dma semaphore(%arg12 : memref<!tpu.dma_semaphore, #tpu.memory_space<semaphore_mem>>) src(%dma_wait3A_148 : memref<16x128xf32, #tpu.memory_space<vmem>>) dst(%dma_wait3A_151 : memref<10240x128xf32, #tpu.memory_space<vmem_shared>>)
      %dma_wait3A_152 = arith.constant 32 : i32
      %dma_wait3A_153 = arith.constant 0 : i32
      %dma_wait3A_154 = tpu.memref_slice %arg6[%dma_wait3A_152, %dma_wait3A_153] : memref<64x128xf32, #tpu.memory_space<vmem>> -> memref<16x128xf32, #tpu.memory_space<vmem>>
      %dma_wait3A_155 = arith.constant 0 : i32
      %dma_wait3A_156 = arith.constant 0 : i32
      %dma_wait3A_157 = tpu.memref_slice %arg9[%dma_wait3A_155, %dma_wait3A_156] : memref<10240x128xf32, #tpu.memory_space<vmem_shared>> -> memref<10240x128xf32, #tpu.memory_space<vmem_shared>>
      tpu.wait_indirect_dma semaphore(%arg12 : memref<!tpu.dma_semaphore, #tpu.memory_space<semaphore_mem>>) src(%dma_wait3A_154 : memref<16x128xf32, #tpu.memory_space<vmem>>) dst(%dma_wait3A_157 : memref<10240x128xf32, #tpu.memory_space<vmem_shared>>)
      %dma_wait3A_158 = arith.constant 48 : i32
      %dma_wait3A_159 = arith.constant 0 : i32
      %dma_wait3A_160 = tpu.memref_slice %arg6[%dma_wait3A_158, %dma_wait3A_159] : memref<64x128xf32, #tpu.memory_space<vmem>> -> memref<16x128xf32, #tpu.memory_space<vmem>>
      %dma_wait3A_161 = arith.constant 0 : i32
      %dma_wait3A_162 = arith.constant 0 : i32
      %dma_wait3A_163 = tpu.memref_slice %arg9[%dma_wait3A_161, %dma_wait3A_162] : memref<10240x128xf32, #tpu.memory_space<vmem_shared>> -> memref<10240x128xf32, #tpu.memory_space<vmem_shared>>
      tpu.wait_indirect_dma semaphore(%arg12 : memref<!tpu.dma_semaphore, #tpu.memory_space<semaphore_mem>>) src(%dma_wait3A_160 : memref<16x128xf32, #tpu.memory_space<vmem>>) dst(%dma_wait3A_163 : memref<10240x128xf32, #tpu.memory_space<vmem_shared>>)
      %dma_wait3A_164 = arith.constant 0 : i32
      %dma_wait3A_165 = arith.constant 0 : i32
      %dma_wait3A_166 = tpu.memref_slice %arg7[%dma_wait3A_164, %dma_wait3A_165] : memref<64x128xf32, #tpu.memory_space<vmem>> -> memref<16x128xf32, #tpu.memory_space<vmem>>
      %dma_wait3A_167 = arith.constant 0 : i32
      %dma_wait3A_168 = arith.constant 0 : i32
      %dma_wait3A_169 = tpu.memref_slice %arg9[%dma_wait3A_167, %dma_wait3A_168] : memref<10240x128xf32, #tpu.memory_space<vmem_shared>> -> memref<10240x128xf32, #tpu.memory_space<vmem_shared>>
      tpu.wait_indirect_dma semaphore(%arg12 : memref<!tpu.dma_semaphore, #tpu.memory_space<semaphore_mem>>) src(%dma_wait3A_166 : memref<16x128xf32, #tpu.memory_space<vmem>>) dst(%dma_wait3A_169 : memref<10240x128xf32, #tpu.memory_space<vmem_shared>>)
      %dma_wait3A_170 = arith.constant 16 : i32
      %dma_wait3A_171 = arith.constant 0 : i32
      %dma_wait3A_172 = tpu.memref_slice %arg7[%dma_wait3A_170, %dma_wait3A_171] : memref<64x128xf32, #tpu.memory_space<vmem>> -> memref<16x128xf32, #tpu.memory_space<vmem>>
      %dma_wait3A_173 = arith.constant 0 : i32
      %dma_wait3A_174 = arith.constant 0 : i32
      %dma_wait3A_175 = tpu.memref_slice %arg9[%dma_wait3A_173, %dma_wait3A_174] : memref<10240x128xf32, #tpu.memory_space<vmem_shared>> -> memref<10240x128xf32, #tpu.memory_space<vmem_shared>>
      tpu.wait_indirect_dma semaphore(%arg12 : memref<!tpu.dma_semaphore, #tpu.memory_space<semaphore_mem>>) src(%dma_wait3A_172 : memref<16x128xf32, #tpu.memory_space<vmem>>) dst(%dma_wait3A_175 : memref<10240x128xf32, #tpu.memory_space<vmem_shared>>)
      %dma_wait3A_176 = arith.constant 32 : i32
      %dma_wait3A_177 = arith.constant 0 : i32
      %dma_wait3A_178 = tpu.memref_slice %arg7[%dma_wait3A_176, %dma_wait3A_177] : memref<64x128xf32, #tpu.memory_space<vmem>> -> memref<16x128xf32, #tpu.memory_space<vmem>>
      %dma_wait3A_179 = arith.constant 0 : i32
      %dma_wait3A_180 = arith.constant 0 : i32
      %dma_wait3A_181 = tpu.memref_slice %arg9[%dma_wait3A_179, %dma_wait3A_180] : memref<10240x128xf32, #tpu.memory_space<vmem_shared>> -> memref<10240x128xf32, #tpu.memory_space<vmem_shared>>
      tpu.wait_indirect_dma semaphore(%arg12 : memref<!tpu.dma_semaphore, #tpu.memory_space<semaphore_mem>>) src(%dma_wait3A_178 : memref<16x128xf32, #tpu.memory_space<vmem>>) dst(%dma_wait3A_181 : memref<10240x128xf32, #tpu.memory_space<vmem_shared>>)
      %dma_wait3A_182 = arith.constant 48 : i32
      %dma_wait3A_183 = arith.constant 0 : i32
      %dma_wait3A_184 = tpu.memref_slice %arg7[%dma_wait3A_182, %dma_wait3A_183] : memref<64x128xf32, #tpu.memory_space<vmem>> -> memref<16x128xf32, #tpu.memory_space<vmem>>
      %dma_wait3A_185 = arith.constant 0 : i32
      %dma_wait3A_186 = arith.constant 0 : i32
      %dma_wait3A_187 = tpu.memref_slice %arg9[%dma_wait3A_185, %dma_wait3A_186] : memref<10240x128xf32, #tpu.memory_space<vmem_shared>> -> memref<10240x128xf32, #tpu.memory_space<vmem_shared>>
      tpu.wait_indirect_dma semaphore(%arg12 : memref<!tpu.dma_semaphore, #tpu.memory_space<semaphore_mem>>) src(%dma_wait3A_184 : memref<16x128xf32, #tpu.memory_space<vmem>>) dst(%dma_wait3A_187 : memref<10240x128xf32, #tpu.memory_space<vmem_shared>>)
      %scan3A_188 = arith.constant 0 : i32
      scf.yield %scan3A_188 : i32
    }
    %scan3A_22 = arith.constant 39 : i32
    %add3A_23 = arith.constant 4984 : i32
    %add3A_24 = arith.addi %mul3A_2, %add3A_23 : i32
    %multiple_of3A = tpu.assume_multiple %add3A_24, 8 : i32
    "tpu.region"() ({
      %run_scoped3A = tpu.sem_alloc : memref<!tpu.dma_semaphore, #tpu.memory_space<semaphore_mem>>
      %dma_start3A = arith.constant 0 : i32
      %dma_start3A_36 = arith.constant 0 : i32
      %dma_start3A_37 = tpu.memref_slice %arg6[%dma_start3A, %dma_start3A_36] : memref<64x128xf32, #tpu.memory_space<vmem>> -> memref<16x128xf32, #tpu.memory_space<vmem>>
      %dma_start3A_38 = arith.constant 0 : i32
      %dma_start3A_39 = tpu.memref_slice %arg2[%multiple_of3A, %dma_start3A_38] : memref<160000x128xf32, #tpu.memory_space<hbm>> -> memref<16x128xf32, #tpu.memory_space<hbm>>
      %dma_start3A_40 = arith.constant 0 : i32
      %dma_start3A_41 = arith.constant 0 : i32
      %dma_start3A_42 = tpu.memref_slice %arg6[%dma_start3A_40, %dma_start3A_41] : memref<64x128xf32, #tpu.memory_space<vmem>> -> memref<16x128xf32, #tpu.memory_space<vmem>>
      %dma_start3A_43 = arith.constant 0 : i32
      %dma_start3A_44 = tpu.memref_slice %arg2[%multiple_of3A, %dma_start3A_43] : memref<160000x128xf32, #tpu.memory_space<hbm>> -> memref<16x128xf32, #tpu.memory_space<hbm>>
      tpu.enqueue_dma source(%dma_start3A_44 : memref<16x128xf32, #tpu.memory_space<hbm>>) target(%dma_start3A_42 : memref<16x128xf32, #tpu.memory_space<vmem>>) target_semaphore(%run_scoped3A : memref<!tpu.dma_semaphore, #tpu.memory_space<semaphore_mem>>)
      %dma_wait3A = arith.constant 0 : i32
      %dma_wait3A_45 = arith.constant 0 : i32
      %dma_wait3A_46 = tpu.memref_slice %arg6[%dma_wait3A, %dma_wait3A_45] : memref<64x128xf32, #tpu.memory_space<vmem>> -> memref<16x128xf32, #tpu.memory_space<vmem>>
      %dma_wait3A_47 = arith.constant 0 : i32
      %dma_wait3A_48 = tpu.memref_slice %arg2[%multiple_of3A, %dma_wait3A_47] : memref<160000x128xf32, #tpu.memory_space<hbm>> -> memref<16x128xf32, #tpu.memory_space<hbm>>
      %dma_wait3A_49 = arith.constant 0 : i32
      %dma_wait3A_50 = arith.constant 0 : i32
      %dma_wait3A_51 = tpu.memref_slice %arg6[%dma_wait3A_49, %dma_wait3A_50] : memref<64x128xf32, #tpu.memory_space<vmem>> -> memref<16x128xf32, #tpu.memory_space<vmem>>
      %dma_wait3A_52 = arith.constant 0 : i32
      %dma_wait3A_53 = tpu.memref_slice %arg2[%multiple_of3A, %dma_wait3A_52] : memref<160000x128xf32, #tpu.memory_space<hbm>> -> memref<16x128xf32, #tpu.memory_space<hbm>>
      tpu.wait_dma2 semaphore(%run_scoped3A : memref<!tpu.dma_semaphore, #tpu.memory_space<semaphore_mem>>) src(%dma_wait3A_53 : memref<16x128xf32, #tpu.memory_space<hbm>>) dst(%dma_wait3A_51 : memref<16x128xf32, #tpu.memory_space<vmem>>)
      tpu.yield
    }) : () -> ()
    %get3A = arith.constant 4984 : index
    %get3A_25 = tpu.vector_load %arg5[%get3A] {strides = array<i32>} : memref<5000xi32, #tpu.memory_space<vmem>>, vector<16xi32>,
    %lt3A = arith.constant 8 : i32
    %lt3A_26 = vector.broadcast %lt3A : i32 to vector<16xi32>
    %lt3A_27 = arith.cmpi slt, %iota3A, %lt3A_26 : vector<16xi32>
    %broadcast_in_dim3A = arith.constant 10000 : i32
    %broadcast_in_dim3A_28 = vector.broadcast %broadcast_in_dim3A : i32 to vector<16xi32>
    %select_n3A = arith.select %lt3A_27, %broadcast_in_dim3A_28, %get3A_25 : vector<16xi1>, vector<16xi32>
    "tpu.region"() ({
      %run_scoped3A = tpu.sem_alloc : memref<!tpu.dma_semaphore, #tpu.memory_space<semaphore_mem>>
      %dma_start3A = arith.constant 0 : i32
      %dma_start3A_36 = arith.constant 0 : i32
      %dma_start3A_37 = tpu.memref_slice %arg6[%dma_start3A, %dma_start3A_36] : memref<64x128xf32, #tpu.memory_space<vmem>> -> memref<16x128xf32, #tpu.memory_space<vmem>>
      %dma_start3A_38 = arith.constant 0 : i32
      %dma_start3A_39 = arith.constant 0 : i32
      %dma_start3A_40 = tpu.memref_slice %arg9[%dma_start3A_38, %dma_start3A_39] : memref<10240x128xf32, #tpu.memory_space<vmem_shared>> -> memref<10240x128xf32, #tpu.memory_space<vmem_shared>>
      tpu.enqueue_indirect_dma source(%dma_start3A_37 : memref<16x128xf32, #tpu.memory_space<vmem>>) target(%dma_start3A_40 : memref<10240x128xf32, #tpu.memory_space<vmem_shared>>) offsets(%select_n3A : vector<16xi32>) semaphore(%run_scoped3A : memref<!tpu.dma_semaphore, #tpu.memory_space<semaphore_mem>>) {add = true}
      %dma_wait3A = arith.constant 0 : i32
      %dma_wait3A_41 = arith.constant 0 : i32
      %dma_wait3A_42 = tpu.memref_slice %arg6[%dma_wait3A, %dma_wait3A_41] : memref<64x128xf32, #tpu.memory_space<vmem>> -> memref<16x128xf32, #tpu.memory_space<vmem>>
      %dma_wait3A_43 = arith.constant 0 : i32
      %dma_wait3A_44 = arith.constant 0 : i32
      %dma_wait3A_45 = tpu.memref_slice %arg9[%dma_wait3A_43, %dma_wait3A_44] : memref<10240x128xf32, #tpu.memory_space<vmem_shared>> -> memref<10240x128xf32, #tpu.memory_space<vmem_shared>>
      tpu.wait_indirect_dma semaphore(%run_scoped3A : memref<!tpu.dma_semaphore, #tpu.memory_space<semaphore_mem>>) src(%dma_wait3A_42 : memref<16x128xf32, #tpu.memory_space<vmem>>) dst(%dma_wait3A_45 : memref<10240x128xf32, #tpu.memory_space<vmem_shared>>)
      tpu.yield
    }) : () -> ()
    %barrier3A_29 = arith.constant 0 : index
    tpu.barrier barrier_id(%barrier3A_29)
    %mul3A_30 = arith.constant 640 : i32
    %mul3A_31 = arith.muli %arg1, %mul3A_30 : i32
    %multiple_of3A_32 = tpu.assume_multiple %mul3A_31, 8 : i32
    %mul3A_33 = arith.constant 640 : i32
    %mul3A_34 = arith.muli %arg1, %mul3A_33 : i32
    %multiple_of3A_35 = tpu.assume_multiple %mul3A_34, 8 : i32
    "tpu.region"() ({
      %run_scoped3A = tpu.sem_alloc : memref<!tpu.dma_semaphore, #tpu.memory_space<semaphore_mem>>
      %dma_start3A = arith.constant 0 : i32
      %dma_start3A_36 = tpu.memref_slice %arg4[%arg0, %multiple_of3A_35, %dma_start3A] : memref<2x10240x128xf32, #tpu.memory_space<hbm>> -> memref<1x640x128xf32, #tpu.memory_space<hbm>>
      %dma_start3A_37 = tpu.memref_squeeze %dma_start3A_36 : memref<1x640x128xf32, #tpu.memory_space<hbm>> -> memref<640x128xf32, #tpu.memory_space<hbm>>
      %dma_start3A_38 = arith.constant 0 : i32
      %dma_start3A_39 = tpu.memref_slice %arg9[%multiple_of3A_32, %dma_start3A_38] : memref<10240x128xf32, #tpu.memory_space<vmem_shared>> -> memref<640x128xf32, #tpu.memory_space<vmem_shared>>
      tpu.enqueue_dma source(%dma_start3A_39 : memref<640x128xf32, #tpu.memory_space<vmem_shared>>) target(%dma_start3A_37 : memref<640x128xf32, #tpu.memory_space<hbm>>) target_semaphore(%run_scoped3A : memref<!tpu.dma_semaphore, #tpu.memory_space<semaphore_mem>>)
      %dma_wait3A = arith.constant 0 : i32
      %dma_wait3A_40 = tpu.memref_slice %arg4[%arg0, %multiple_of3A_35, %dma_wait3A] : memref<2x10240x128xf32, #tpu.memory_space<hbm>> -> memref<1x640x128xf32, #tpu.memory_space<hbm>>
      %dma_wait3A_41 = tpu.memref_squeeze %dma_wait3A_40 : memref<1x640x128xf32, #tpu.memory_space<hbm>> -> memref<640x128xf32, #tpu.memory_space<hbm>>
      %dma_wait3A_42 = arith.constant 0 : i32
      %dma_wait3A_43 = tpu.memref_slice %arg9[%multiple_of3A_32, %dma_wait3A_42] : memref<10240x128xf32, #tpu.memory_space<vmem_shared>> -> memref<640x128xf32, #tpu.memory_space<vmem_shared>>
      tpu.wait_dma2 semaphore(%run_scoped3A : memref<!tpu.dma_semaphore, #tpu.memory_space<semaphore_mem>>) src(%dma_wait3A_43 : memref<640x128xf32, #tpu.memory_space<vmem_shared>>) dst(%dma_wait3A_41 : memref<640x128xf32, #tpu.memory_space<hbm>>)
      tpu.yield
    }) : () -> ()
    return
  }
}

module attributes {stable_mosaic.version = 14 : i64} {
  func.func @body(%arg0: i32, %arg1: memref<1024xf32, #tpu.memory_space<vmem>>, %arg2: memref<128xf32, #tpu.memory_space<vmem>>, %arg3: memref<6x128xf32, #tpu.memory_space<vmem>>, %arg4: memref<128xf32, #tpu.memory_space<vmem>>, %arg5: memref<6x128xf32, #tpu.memory_space<vmem>>, %arg6: memref<128x128xf32, #tpu.memory_space<vmem>>, %arg7: memref<128xf32, #tpu.memory_space<vmem>>, %arg8: memref<1024x6xf32, #tpu.memory_space<vmem>>, %arg9: memref<1024x128xf32, #tpu.memory_space<vmem>>, %arg10: memref<1024x128xf32, #tpu.memory_space<vmem>>, %arg11: memref<1024x128xf32, #tpu.memory_space<vmem>>) attributes {dimension_semantics = [#tpu.dimension_semantics<arbitrary>], iteration_bounds = array<i64: 157>, scalar_prefetch = 0 : i64, scratch_operands = 0 : i64, tpu.core_type = #tpu.core_type<tc>, window_params = [{transform_indices = @transform_0, window_bounds = array<i64: 1024>}, {pipeline_mode = #tpu.pipeline_mode<synchronous>, transform_indices = @transform_1, window_bounds = array<i64: 128>}, {pipeline_mode = #tpu.pipeline_mode<synchronous>, transform_indices = @transform_2, window_bounds = array<i64: 6, 128>}, {pipeline_mode = #tpu.pipeline_mode<synchronous>, transform_indices = @transform_3, window_bounds = array<i64: 128>}, {pipeline_mode = #tpu.pipeline_mode<synchronous>, transform_indices = @transform_4, window_bounds = array<i64: 6, 128>}, {pipeline_mode = #tpu.pipeline_mode<synchronous>, transform_indices = @transform_5, window_bounds = array<i64: 128, 128>}, {pipeline_mode = #tpu.pipeline_mode<synchronous>, transform_indices = @transform_6, window_bounds = array<i64: 128>}, {transform_indices = @transform_7, window_bounds = array<i64: 1024, 6>}, {transform_indices = @transform_8, window_bounds = array<i64: 1024, 128>}, {transform_indices = @transform_9, window_bounds = array<i64: 1024, 128>}, {transform_indices = @transform_10, window_bounds = array<i64: 1024, 128>}]} {
    %get3A = arith.constant 0 : index
    %get3A_0 = vector.load %arg1[%get3A] : memref<1024xf32, #tpu.memory_space<vmem>>, vector<1024xf32>
    %sqrt3A = math.sqrt %get3A_0 : vector<1024xf32>
    %div3A = arith.constant 5.000000e+00 : f32
    %div3A_1 = vector.broadcast %div3A : f32 to vector<1024xf32>
    %div3A_2 = arith.divf %sqrt3A, %div3A_1 : vector<1024xf32>
    %integer_pow3A = arith.mulf %div3A_2, %div3A_2 : vector<1024xf32>
    %integer_pow3A_3 = arith.mulf %integer_pow3A, %integer_pow3A : vector<1024xf32>
    %integer_pow3A_4 = arith.mulf %integer_pow3A, %integer_pow3A_3 : vector<1024xf32>
    %mul3A = arith.mulf %integer_pow3A_4, %div3A_2 : vector<1024xf32>
    %mul3A_5 = arith.mulf %mul3A, %div3A_2 : vector<1024xf32>
    %div3A_6 = arith.constant 1.000000e+00 : f32
    %div3A_7 = vector.broadcast %div3A_6 : f32 to vector<1024xf32>
    %div3A_8 = arith.divf %div3A_7, %div3A_2 : vector<1024xf32>
    %mul3A_9 = arith.constant -3.600000e+01 : f32
    %mul3A_10 = vector.broadcast %mul3A_9 : f32 to vector<1024xf32>
    %mul3A_11 = arith.mulf %mul3A_10, %integer_pow3A_4 : vector<1024xf32>
    %add3A = arith.addf %div3A_8, %mul3A_11 : vector<1024xf32>
    %mul3A_12 = arith.constant 6.300000e+01 : f32
    %mul3A_13 = vector.broadcast %mul3A_12 : f32 to vector<1024xf32>
    %mul3A_14 = arith.mulf %mul3A_13, %mul3A : vector<1024xf32>
    %add3A_15 = arith.addf %add3A, %mul3A_14 : vector<1024xf32>
    %mul3A_16 = arith.constant -2.800000e+01 : f32
    %mul3A_17 = vector.broadcast %mul3A_16 : f32 to vector<1024xf32>
    %mul3A_18 = arith.mulf %mul3A_17, %mul3A_5 : vector<1024xf32>
    %add3A_19 = arith.addf %add3A_15, %mul3A_18 : vector<1024xf32>
    %broadcast_in_dim3A = vector.shape_cast %add3A_19 : vector<1024xf32> to vector<1024x1xf32>
    %iota3A = tpu.iota {dimensions = array<i32: 1>} : vector<1x6xi32>
    %convert_element_type3A = arith.sitofp %iota3A : vector<1x6xi32> to vector<1x6xf32>
    %add3A_20 = arith.constant 1.000000e+00 : f32
    %add3A_21 = vector.broadcast %add3A_20 : f32 to vector<1x6xf32>
    %add3A_22 = arith.addf %convert_element_type3A, %add3A_21 : vector<1x6xf32>
    %mul3A_23 = arith.constant 3.14159274 : f32
    %mul3A_24 = vector.broadcast %mul3A_23 : f32 to vector<1x6xf32>
    %mul3A_25 = arith.mulf %add3A_22, %mul3A_24 : vector<1x6xf32>
    %broadcast_in_dim3A_26 = vector.shape_cast %div3A_2 : vector<1024xf32> to vector<1024x1xf32>
    %mul3A_27 = vector.broadcast %mul3A_25 : vector<1x6xf32> to vector<1024x6xf32>
    %mul3A_28 = vector.broadcast %broadcast_in_dim3A_26 : vector<1024x1xf32> to vector<1024x6xf32>
    %mul3A_29 = arith.mulf %mul3A_27, %mul3A_28 : vector<1024x6xf32>
    %sin3A = math.sin %mul3A_29 : vector<1024x6xf32>
    %mul3A_30 = vector.broadcast %broadcast_in_dim3A : vector<1024x1xf32> to vector<1024x6xf32>
    %mul3A_31 = arith.mulf %mul3A_30, %sin3A : vector<1024x6xf32>
    %broadcast_in_dim3A_32 = vector.shape_cast %sqrt3A : vector<1024xf32> to vector<1024x1xf32>
    %div3A_33 = vector.broadcast %broadcast_in_dim3A_32 : vector<1024x1xf32> to vector<1024x6xf32>
    %div3A_34 = arith.divf %mul3A_31, %div3A_33 : vector<1024x6xf32>
    %swap3A = arith.constant 0 : index
    %swap3A_35 = arith.constant 0 : index
    %swap3A_36 = vector.load %arg8[%swap3A, %swap3A_35] : memref<1024x6xf32, #tpu.memory_space<vmem>>, vector<1024x6xf32>
    tpu.vector_store %arg8[%swap3A, %swap3A_35], %div3A_34 {strides = array<i32>} : memref<1024x6xf32, #tpu.memory_space<vmem>>, vector<1024x6xf32>,
    %get3A_37 = arith.constant 0 : index
    %get3A_38 = vector.load %arg2[%get3A_37] : memref<128xf32, #tpu.memory_space<vmem>>, vector<128xf32>
    %broadcast_in_dim3A_39 = vector.shape_cast %get3A_38 : vector<128xf32> to vector<1x128xf32>
    %get3A_40 = arith.constant 0 : index
    %get3A_41 = arith.constant 0 : index
    %get3A_42 = vector.load %arg3[%get3A_40, %get3A_41] : memref<6x128xf32, #tpu.memory_space<vmem>>, vector<6x128xf32>
    %dot_general3A = arith.constant dense<0.000000e+00> : vector<1024x128xf32>
    %dot_general3A_43 = tpu.matmul %div3A_34, %get3A_42, %dot_general3A {dimension_numbers = #tpu.dot_dimension_numbers<[1], [0], [0], [1], [0, 0, 1, 1], [], []>, transpose_lhs_hint = false} : vector<1024x6xf32>, vector<6x128xf32>, vector<1024x128xf32> -> vector<1024x128xf32>
    %get3A_44 = arith.constant 0 : index
    %get3A_45 = vector.load %arg4[%get3A_44] : memref<128xf32, #tpu.memory_space<vmem>>, vector<128xf32>
    %broadcast_in_dim3A_46 = vector.shape_cast %get3A_45 : vector<128xf32> to vector<1x128xf32>
    %add3A_47 = vector.broadcast %broadcast_in_dim3A_46 : vector<1x128xf32> to vector<1024x128xf32>
    %add3A_48 = arith.addf %dot_general3A_43, %add3A_47 : vector<1024x128xf32>
    %logistic3A = arith.negf %add3A_48 : vector<1024x128xf32>
    %logistic3A_49 = math.exp %logistic3A : vector<1024x128xf32>
    %logistic3A_50 = arith.constant 1.000000e+00 : f32
    %logistic3A_51 = vector.broadcast %logistic3A_50 : f32 to vector<1024x128xf32>
    %logistic3A_52 = arith.addf %logistic3A_51, %logistic3A_49 : vector<1024x128xf32>
    %logistic3A_53 = arith.divf %logistic3A_51, %logistic3A_52 : vector<1024x128xf32>
    %mul3A_54 = arith.mulf %add3A_48, %logistic3A_53 : vector<1024x128xf32>
    %mul3A_55 = vector.broadcast %broadcast_in_dim3A_39 : vector<1x128xf32> to vector<1024x128xf32>
    %mul3A_56 = arith.mulf %mul3A_55, %mul3A_54 : vector<1024x128xf32>
    %swap3A_57 = arith.constant 0 : index
    %swap3A_58 = arith.constant 0 : index
    %swap3A_59 = vector.load %arg9[%swap3A_57, %swap3A_58] : memref<1024x128xf32, #tpu.memory_space<vmem>>, vector<1024x128xf32>
    tpu.vector_store %arg9[%swap3A_57, %swap3A_58], %mul3A_56 {strides = array<i32>} : memref<1024x128xf32, #tpu.memory_space<vmem>>, vector<1024x128xf32>,
    %get3A_60 = arith.constant 0 : index
    %get3A_61 = arith.constant 0 : index
    %get3A_62 = vector.load %arg5[%get3A_60, %get3A_61] : memref<6x128xf32, #tpu.memory_space<vmem>>, vector<6x128xf32>
    %dot_general3A_63 = arith.constant dense<0.000000e+00> : vector<1024x128xf32>
    %dot_general3A_64 = tpu.matmul %div3A_34, %get3A_62, %dot_general3A_63 {dimension_numbers = #tpu.dot_dimension_numbers<[1], [0], [0], [1], [0, 0, 1, 1], [], []>, transpose_lhs_hint = false} : vector<1024x6xf32>, vector<6x128xf32>, vector<1024x128xf32> -> vector<1024x128xf32>
    %mul3A_65 = arith.mulf %mul3A_56, %dot_general3A_64 : vector<1024x128xf32>
    %swap3A_66 = arith.constant 0 : index
    %swap3A_67 = arith.constant 0 : index
    %swap3A_68 = vector.load %arg10[%swap3A_66, %swap3A_67] : memref<1024x128xf32, #tpu.memory_space<vmem>>, vector<1024x128xf32>
    tpu.vector_store %arg10[%swap3A_66, %swap3A_67], %mul3A_65 {strides = array<i32>} : memref<1024x128xf32, #tpu.memory_space<vmem>>, vector<1024x128xf32>,
    %get3A_69 = arith.constant 0 : index
    %get3A_70 = arith.constant 0 : index
    %get3A_71 = vector.load %arg6[%get3A_69, %get3A_70] : memref<128x128xf32, #tpu.memory_space<vmem>>, vector<128x128xf32>
    %dot_general3A_72 = arith.constant dense<0.000000e+00> : vector<1024x128xf32>
    %dot_general3A_73 = tpu.matmul %mul3A_56, %get3A_71, %dot_general3A_72 {dimension_numbers = #tpu.dot_dimension_numbers<[1], [0], [0], [1], [0, 0, 1, 1], [], []>, transpose_lhs_hint = false} : vector<1024x128xf32>, vector<128x128xf32>, vector<1024x128xf32> -> vector<1024x128xf32>
    %get3A_74 = arith.constant 0 : index
    %get3A_75 = vector.load %arg7[%get3A_74] : memref<128xf32, #tpu.memory_space<vmem>>, vector<128xf32>
    %broadcast_in_dim3A_76 = vector.shape_cast %get3A_75 : vector<128xf32> to vector<1x128xf32>
    %add3A_77 = vector.broadcast %broadcast_in_dim3A_76 : vector<1x128xf32> to vector<1024x128xf32>
    %add3A_78 = arith.addf %dot_general3A_73, %add3A_77 : vector<1024x128xf32>
    %logistic3A_79 = arith.negf %add3A_78 : vector<1024x128xf32>
    %logistic3A_80 = math.exp %logistic3A_79 : vector<1024x128xf32>
    %logistic3A_81 = arith.constant 1.000000e+00 : f32
    %logistic3A_82 = vector.broadcast %logistic3A_81 : f32 to vector<1024x128xf32>
    %logistic3A_83 = arith.addf %logistic3A_82, %logistic3A_80 : vector<1024x128xf32>
    %logistic3A_84 = arith.divf %logistic3A_82, %logistic3A_83 : vector<1024x128xf32>
    %mul3A_85 = arith.mulf %add3A_78, %logistic3A_84 : vector<1024x128xf32>
    %swap3A_86 = arith.constant 0 : index
    %swap3A_87 = arith.constant 0 : index
    %swap3A_88 = vector.load %arg11[%swap3A_86, %swap3A_87] : memref<1024x128xf32, #tpu.memory_space<vmem>>, vector<1024x128xf32>
    tpu.vector_store %arg11[%swap3A_86, %swap3A_87], %mul3A_85 {strides = array<i32>} : memref<1024x128xf32, #tpu.memory_space<vmem>>, vector<1024x128xf32>,
    return
  }
  func.func @transform_0(%arg0: i32) -> i32 {
    %c0_i32 = arith.constant 0 : i32
    return %arg0 : i32
  }
  func.func @transform_1(%arg0: i32) -> i32 {
    %c0_i32 = arith.constant 0 : i32
    %c0_i32_0 = arith.constant 0 : i32
    return %c0_i32 : i32
  }
  func.func @transform_2(%arg0: i32) -> (i32, i32) {
    %c0_i32 = arith.constant 0 : i32
    %c0_i32_0 = arith.constant 0 : i32
    %c0_i32_1 = arith.constant 0 : i32
    return %c0_i32, %c0_i32_0 : i32, i32
  }
  func.func @transform_3(%arg0: i32) -> i32 {
    %c0_i32 = arith.constant 0 : i32
    %c0_i32_0 = arith.constant 0 : i32
    return %c0_i32 : i32
  }
  func.func @transform_4(%arg0: i32) -> (i32, i32) {
    %c0_i32 = arith.constant 0 : i32
    %c0_i32_0 = arith.constant 0 : i32
    %c0_i32_1 = arith.constant 0 : i32
    return %c0_i32, %c0_i32_0 : i32, i32
  }
  func.func @transform_5(%arg0: i32) -> (i32, i32) {
    %c0_i32 = arith.constant 0 : i32
    %c0_i32_0 = arith.constant 0 : i32
    %c0_i32_1 = arith.constant 0 : i32
    return %c0_i32, %c0_i32_0 : i32, i32
  }
  func.func @transform_6(%arg0: i32) -> i32 {
    %c0_i32 = arith.constant 0 : i32
    %c0_i32_0 = arith.constant 0 : i32
    return %c0_i32 : i32
  }
  func.func @transform_7(%arg0: i32) -> (i32, i32) {
    %c0_i32 = arith.constant 0 : i32
    %c0_i32_0 = arith.constant 0 : i32
    return %arg0, %c0_i32 : i32, i32
  }
  func.func @transform_8(%arg0: i32) -> (i32, i32) {
    %c0_i32 = arith.constant 0 : i32
    %c0_i32_0 = arith.constant 0 : i32
    return %arg0, %c0_i32 : i32, i32
  }
  func.func @transform_9(%arg0: i32) -> (i32, i32) {
    %c0_i32 = arith.constant 0 : i32
    %c0_i32_0 = arith.constant 0 : i32
    return %arg0, %c0_i32 : i32, i32
  }
  func.func @transform_10(%arg0: i32) -> (i32, i32) {
    %c0_i32 = arith.constant 0 : i32
    %c0_i32_0 = arith.constant 0 : i32
    return %arg0, %c0_i32 : i32, i32
  }
}

module attributes {stable_mosaic.version = 14 : i64} {
  func.func @body(%arg0: i32, %arg1: memref<1024xf32, #tpu.memory_space<vmem>>, %arg2: memref<1024xf32, #tpu.memory_space<vmem>>, %arg3: memref<1024xf32, #tpu.memory_space<vmem>>, %arg4: memref<1024xf32, #tpu.memory_space<vmem>>, %arg5: memref<42x8xf32, #tpu.memory_space<vmem>>, %arg6: memref<8xf32, #tpu.memory_space<vmem>>, %arg7: memref<42x8xf32, #tpu.memory_space<vmem>>, %arg8: memref<8xf32, #tpu.memory_space<vmem>>, %arg9: memref<1024x8xf32, #tpu.memory_space<vmem>>, %arg10: memref<1024x8xf32, #tpu.memory_space<vmem>>) attributes {dimension_semantics = [#tpu.dimension_semantics<arbitrary>], iteration_bounds = array<i64: 157>, scalar_prefetch = 0 : i64, scratch_operands = 0 : i64, tpu.core_type = #tpu.core_type<tc>, window_params = [{transform_indices = @transform_0, window_bounds = array<i64: 1024>}, {transform_indices = @transform_1, window_bounds = array<i64: 1024>}, {transform_indices = @transform_2, window_bounds = array<i64: 1024>}, {transform_indices = @transform_3, window_bounds = array<i64: 1024>}, {pipeline_mode = #tpu.pipeline_mode<synchronous>, transform_indices = @transform_4, window_bounds = array<i64: 42, 8>}, {pipeline_mode = #tpu.pipeline_mode<synchronous>, transform_indices = @transform_5, window_bounds = array<i64: 8>}, {pipeline_mode = #tpu.pipeline_mode<synchronous>, transform_indices = @transform_6, window_bounds = array<i64: 42, 8>}, {pipeline_mode = #tpu.pipeline_mode<synchronous>, transform_indices = @transform_7, window_bounds = array<i64: 8>}, {transform_indices = @transform_8, window_bounds = array<i64: 1024, 8>}, {transform_indices = @transform_9, window_bounds = array<i64: 1024, 8>}]} {
    %get3A = arith.constant 0 : index
    %get3A_0 = vector.load %arg1[%get3A] : memref<1024xf32, #tpu.memory_space<vmem>>, vector<1024xf32>
    %get3A_1 = arith.constant 0 : index
    %get3A_2 = vector.load %arg2[%get3A_1] : memref<1024xf32, #tpu.memory_space<vmem>>, vector<1024xf32>
    %add3A = arith.constant 9.99999996E-13 : f32
    %add3A_3 = vector.broadcast %add3A : f32 to vector<1024xf32>
    %add3A_4 = arith.addf %get3A_2, %add3A_3 : vector<1024xf32>
    %sqrt3A = math.sqrt %add3A_4 : vector<1024xf32>
    %get3A_5 = arith.constant 0 : index
    %get3A_6 = vector.load %arg3[%get3A_5] : memref<1024xf32, #tpu.memory_space<vmem>>, vector<1024xf32>
    %add3A_7 = arith.constant 9.99999996E-13 : f32
    %add3A_8 = vector.broadcast %add3A_7 : f32 to vector<1024xf32>
    %add3A_9 = arith.addf %get3A_6, %add3A_8 : vector<1024xf32>
    %sqrt3A_10 = math.sqrt %add3A_9 : vector<1024xf32>
    %mul3A = arith.mulf %sqrt3A, %sqrt3A_10 : vector<1024xf32>
    %add3A_11 = arith.constant 1.000000e-07 : f32
    %add3A_12 = vector.broadcast %add3A_11 : f32 to vector<1024xf32>
    %add3A_13 = arith.addf %mul3A, %add3A_12 : vector<1024xf32>
    %div3A = arith.divf %get3A_0, %add3A_13 : vector<1024xf32>
    %jit3A = arith.constant -0.999998986 : f32
    %jit3A_14 = arith.constant 0.999998986 : f32
    %max3A = vector.broadcast %jit3A : f32 to vector<1024xf32>
    %max3A_15 = arith.maximumf %max3A, %div3A : vector<1024xf32>
    %min3A = vector.broadcast %jit3A_14 : f32 to vector<1024xf32>
    %min3A_16 = arith.minimumf %min3A, %max3A_15 : vector<1024xf32>
    %get3A_17 = arith.constant 0 : index
    %get3A_18 = vector.load %arg4[%get3A_17] : memref<1024xf32, #tpu.memory_space<vmem>>, vector<1024xf32>
    %sqrt3A_19 = math.sqrt %get3A_18 : vector<1024xf32>
    %div3A_20 = arith.constant 5.000000e+00 : f32
    %div3A_21 = vector.broadcast %div3A_20 : f32 to vector<1024xf32>
    %div3A_22 = arith.divf %sqrt3A_19, %div3A_21 : vector<1024xf32>
    %integer_pow3A = arith.mulf %div3A_22, %div3A_22 : vector<1024xf32>
    %integer_pow3A_23 = arith.mulf %integer_pow3A, %integer_pow3A : vector<1024xf32>
    %integer_pow3A_24 = arith.mulf %integer_pow3A, %integer_pow3A_23 : vector<1024xf32>
    %mul3A_25 = arith.mulf %integer_pow3A_24, %div3A_22 : vector<1024xf32>
    %mul3A_26 = arith.mulf %mul3A_25, %div3A_22 : vector<1024xf32>
    %div3A_27 = arith.constant 1.000000e+00 : f32
    %div3A_28 = vector.broadcast %div3A_27 : f32 to vector<1024xf32>
    %div3A_29 = arith.divf %div3A_28, %div3A_22 : vector<1024xf32>
    %mul3A_30 = arith.constant -3.600000e+01 : f32
    %mul3A_31 = vector.broadcast %mul3A_30 : f32 to vector<1024xf32>
    %mul3A_32 = arith.mulf %mul3A_31, %integer_pow3A_24 : vector<1024xf32>
    %add3A_33 = arith.addf %div3A_29, %mul3A_32 : vector<1024xf32>
    %mul3A_34 = arith.constant 6.300000e+01 : f32
    %mul3A_35 = vector.broadcast %mul3A_34 : f32 to vector<1024xf32>
    %mul3A_36 = arith.mulf %mul3A_35, %mul3A_25 : vector<1024xf32>
    %add3A_37 = arith.addf %add3A_33, %mul3A_36 : vector<1024xf32>
    %mul3A_38 = arith.constant -2.800000e+01 : f32
    %mul3A_39 = vector.broadcast %mul3A_38 : f32 to vector<1024xf32>
    %mul3A_40 = arith.mulf %mul3A_39, %mul3A_26 : vector<1024xf32>
    %add3A_41 = arith.addf %add3A_37, %mul3A_40 : vector<1024xf32>
    %iota3A = tpu.iota {dimensions = array<i32: 1>} : vector<1x42xi32>
    %jit3A_42 = arith.constant 6 : i32
    %eq3A = arith.constant 0 : i32
    %eq3A_43 = arith.cmpi eq, %jit3A_42, %eq3A : i32
    %jit3A_44 = arith.constant 1 : i32
    %select_n3A = arith.select %eq3A_43, %jit3A_44, %jit3A_42 : i32
    %rem3A = vector.broadcast %select_n3A : i32 to vector<1x42xi32>
    %rem3A_45 = arith.remsi %iota3A, %rem3A : vector<1x42xi32>
    %ne3A = arith.constant 0 : i32
    %ne3A_46 = vector.broadcast %ne3A : i32 to vector<1x42xi32>
    %ne3A_47 = arith.cmpi ne, %rem3A_45, %ne3A_46 : vector<1x42xi32>
    %lt3A = arith.constant 0 : i32
    %lt3A_48 = vector.broadcast %lt3A : i32 to vector<1x42xi32>
    %lt3A_49 = arith.cmpi slt, %rem3A_45, %lt3A_48 : vector<1x42xi32>
    %lt3A_50 = arith.constant 0 : i32
    %lt3A_51 = arith.cmpi slt, %select_n3A, %lt3A_50 : i32
    %ne3A_52 = vector.broadcast %lt3A_51 : i1 to vector<1x42xi1>
    %ne3A_53 = vector.broadcast %ne3A_52 : vector<1x42xi1> to vector<1x42xi1>
    %ne3A_54 = arith.xori %lt3A_49, %ne3A_53 : vector<1x42xi1>
    %and3A = arith.andi %ne3A_54, %ne3A_47 : vector<1x42xi1>
    %add3A_55 = vector.broadcast %select_n3A : i32 to vector<1x42xi32>
    %add3A_56 = arith.addi %rem3A_45, %add3A_55 : vector<1x42xi32>
    %select_n3A_57 = arith.select %and3A, %add3A_56, %rem3A_45 : vector<1x42xi1>, vector<1x42xi32>
    %convert_element_type3A = arith.sitofp %select_n3A_57 : vector<1x42xi32> to vector<1x42xf32>
    %jit3A_58 = arith.constant 6 : i32
    %div3A_59 = vector.broadcast %jit3A_58 : i32 to vector<1x42xi32>
    %div3A_60 = arith.divsi %iota3A, %div3A_59 : vector<1x42xi32>
    %sign3A = arith.constant 0 : i32
    %sign3A_61 = vector.broadcast %sign3A : i32 to vector<1x42xi32>
    %sign3A_62 = arith.cmpi sgt, %iota3A, %sign3A_61 : vector<1x42xi32>
    %sign3A_63 = arith.extui %sign3A_62 : vector<1x42xi1> to vector<1x42xi32>
    %sign3A_64 = arith.constant 0 : i32
    %sign3A_65 = vector.broadcast %sign3A_64 : i32 to vector<1x42xi32>
    %sign3A_66 = arith.cmpi slt, %iota3A, %sign3A_65 : vector<1x42xi32>
    %sign3A_67 = arith.extui %sign3A_66 : vector<1x42xi1> to vector<1x42xi32>
    %sign3A_68 = arith.subi %sign3A_63, %sign3A_67 : vector<1x42xi32>
    %sign3A_69 = arith.constant 0 : i32
    %sign3A_70 = arith.cmpi sgt, %jit3A_58, %sign3A_69 : i32
    %sign3A_71 = arith.extui %sign3A_70 : i1 to i32
    %sign3A_72 = arith.constant 0 : i32
    %sign3A_73 = arith.cmpi slt, %jit3A_58, %sign3A_72 : i32
    %sign3A_74 = arith.extui %sign3A_73 : i1 to i32
    %sign3A_75 = arith.subi %sign3A_71, %sign3A_74 : i32
    %ne3A_76 = vector.broadcast %sign3A_75 : i32 to vector<1x42xi32>
    %ne3A_77 = arith.cmpi ne, %sign3A_68, %ne3A_76 : vector<1x42xi32>
    %rem3A_78 = vector.broadcast %jit3A_58 : i32 to vector<1x42xi32>
    %rem3A_79 = arith.remsi %iota3A, %rem3A_78 : vector<1x42xi32>
    %ne3A_80 = arith.constant 0 : i32
    %ne3A_81 = vector.broadcast %ne3A_80 : i32 to vector<1x42xi32>
    %ne3A_82 = arith.cmpi ne, %rem3A_79, %ne3A_81 : vector<1x42xi32>
    %and3A_83 = arith.andi %ne3A_77, %ne3A_82 : vector<1x42xi1>
    %sub3A = arith.constant 1 : i32
    %sub3A_84 = vector.broadcast %sub3A : i32 to vector<1x42xi32>
    %sub3A_85 = arith.subi %div3A_60, %sub3A_84 : vector<1x42xi32>
    %select_n3A_86 = arith.select %and3A_83, %sub3A_85, %div3A_60 : vector<1x42xi1>, vector<1x42xi32>
    %convert_element_type3A_87 = arith.sitofp %select_n3A_86 : vector<1x42xi32> to vector<1x42xf32>
    %add3A_88 = arith.constant 1.000000e+00 : f32
    %add3A_89 = vector.broadcast %add3A_88 : f32 to vector<1x42xf32>
    %add3A_90 = arith.addf %convert_element_type3A, %add3A_89 : vector<1x42xf32>
    %mul3A_91 = arith.constant 3.14159274 : f32
    %mul3A_92 = vector.broadcast %mul3A_91 : f32 to vector<1x42xf32>
    %mul3A_93 = arith.mulf %add3A_90, %mul3A_92 : vector<1x42xf32>
    %mul3A_94 = arith.constant 6.000000e+00 : f32
    %mul3A_95 = vector.broadcast %mul3A_94 : f32 to vector<1x42xf32>
    %mul3A_96 = arith.mulf %convert_element_type3A_87, %mul3A_95 : vector<1x42xf32>
    %mul3A_97 = arith.constant 3.14159274 : f32
    %mul3A_98 = vector.broadcast %mul3A_97 : f32 to vector<1x42xf32>
    %mul3A_99 = arith.mulf %mul3A_96, %mul3A_98 : vector<1x42xf32>
    %add3A_100 = arith.addf %mul3A_93, %mul3A_99 : vector<1x42xf32>
    %broadcast_in_dim3A = arith.constant 1.000000e+00 : f32
    %broadcast_in_dim3A_101 = vector.broadcast %broadcast_in_dim3A : f32 to vector<1024xf32>
    %eq3A_102 = arith.constant 0.000000e+00 : f32
    %eq3A_103 = vector.broadcast %eq3A_102 : f32 to vector<1x42xf32>
    %eq3A_104 = arith.cmpf oeq, %convert_element_type3A_87, %eq3A_103 : vector<1x42xf32>
    %convert_element_type3A_105 = arith.extui %eq3A_104 : vector<1x42xi1> to vector<1x42xi32>
    %convert_element_type3A_106 = arith.sitofp %convert_element_type3A_105 : vector<1x42xi32> to vector<1x42xf32>
    %broadcast_in_dim3A_107 = vector.shape_cast %broadcast_in_dim3A_101 : vector<1024xf32> to vector<1024x1xf32>
    %mul3A_108 = vector.broadcast %convert_element_type3A_106 : vector<1x42xf32> to vector<1024x42xf32>
    %mul3A_109 = vector.broadcast %broadcast_in_dim3A_107 : vector<1024x1xf32> to vector<1024x42xf32>
    %mul3A_110 = arith.mulf %mul3A_108, %mul3A_109 : vector<1024x42xf32>
    %eq3A_111 = arith.constant 1.000000e+00 : f32
    %eq3A_112 = vector.broadcast %eq3A_111 : f32 to vector<1x42xf32>
    %eq3A_113 = arith.cmpf oeq, %convert_element_type3A_87, %eq3A_112 : vector<1x42xf32>
    %convert_element_type3A_114 = arith.extui %eq3A_113 : vector<1x42xi1> to vector<1x42xi32>
    %convert_element_type3A_115 = arith.sitofp %convert_element_type3A_114 : vector<1x42xi32> to vector<1x42xf32>
    %broadcast_in_dim3A_116 = vector.shape_cast %min3A_16 : vector<1024xf32> to vector<1024x1xf32>
    %mul3A_117 = vector.broadcast %convert_element_type3A_115 : vector<1x42xf32> to vector<1024x42xf32>
    %mul3A_118 = vector.broadcast %broadcast_in_dim3A_116 : vector<1024x1xf32> to vector<1024x42xf32>
    %mul3A_119 = arith.mulf %mul3A_117, %mul3A_118 : vector<1024x42xf32>
    %add3A_120 = arith.addf %mul3A_110, %mul3A_119 : vector<1024x42xf32>
    %mul3A_121 = arith.constant 2.000000e+00 : f32
    %mul3A_122 = vector.broadcast %mul3A_121 : f32 to vector<1024xf32>
    %mul3A_123 = arith.mulf %mul3A_122, %min3A_16 : vector<1024xf32>
    %mul3A_124 = arith.mulf %mul3A_123, %min3A_16 : vector<1024xf32>
    %sub3A_125 = arith.subf %mul3A_124, %broadcast_in_dim3A_101 : vector<1024xf32>
    %eq3A_126 = arith.constant 2.000000e+00 : f32
    %eq3A_127 = vector.broadcast %eq3A_126 : f32 to vector<1x42xf32>
    %eq3A_128 = arith.cmpf oeq, %convert_element_type3A_87, %eq3A_127 : vector<1x42xf32>
    %convert_element_type3A_129 = arith.extui %eq3A_128 : vector<1x42xi1> to vector<1x42xi32>
    %convert_element_type3A_130 = arith.sitofp %convert_element_type3A_129 : vector<1x42xi32> to vector<1x42xf32>
    %broadcast_in_dim3A_131 = vector.shape_cast %sub3A_125 : vector<1024xf32> to vector<1024x1xf32>
    %mul3A_132 = vector.broadcast %convert_element_type3A_130 : vector<1x42xf32> to vector<1024x42xf32>
    %mul3A_133 = vector.broadcast %broadcast_in_dim3A_131 : vector<1024x1xf32> to vector<1024x42xf32>
    %mul3A_134 = arith.mulf %mul3A_132, %mul3A_133 : vector<1024x42xf32>
    %add3A_135 = arith.addf %add3A_120, %mul3A_134 : vector<1024x42xf32>
    %mul3A_136 = arith.constant 2.000000e+00 : f32
    %mul3A_137 = vector.broadcast %mul3A_136 : f32 to vector<1024xf32>
    %mul3A_138 = arith.mulf %mul3A_137, %min3A_16 : vector<1024xf32>
    %mul3A_139 = arith.mulf %mul3A_138, %sub3A_125 : vector<1024xf32>
    %sub3A_140 = arith.subf %mul3A_139, %min3A_16 : vector<1024xf32>
    %eq3A_141 = arith.constant 3.000000e+00 : f32
    %eq3A_142 = vector.broadcast %eq3A_141 : f32 to vector<1x42xf32>
    %eq3A_143 = arith.cmpf oeq, %convert_element_type3A_87, %eq3A_142 : vector<1x42xf32>
    %convert_element_type3A_144 = arith.extui %eq3A_143 : vector<1x42xi1> to vector<1x42xi32>
    %convert_element_type3A_145 = arith.sitofp %convert_element_type3A_144 : vector<1x42xi32> to vector<1x42xf32>
    %broadcast_in_dim3A_146 = vector.shape_cast %sub3A_140 : vector<1024xf32> to vector<1024x1xf32>
    %mul3A_147 = vector.broadcast %convert_element_type3A_145 : vector<1x42xf32> to vector<1024x42xf32>
    %mul3A_148 = vector.broadcast %broadcast_in_dim3A_146 : vector<1024x1xf32> to vector<1024x42xf32>
    %mul3A_149 = arith.mulf %mul3A_147, %mul3A_148 : vector<1024x42xf32>
    %add3A_150 = arith.addf %add3A_135, %mul3A_149 : vector<1024x42xf32>
    %mul3A_151 = arith.constant 2.000000e+00 : f32
    %mul3A_152 = vector.broadcast %mul3A_151 : f32 to vector<1024xf32>
    %mul3A_153 = arith.mulf %mul3A_152, %min3A_16 : vector<1024xf32>
    %mul3A_154 = arith.mulf %mul3A_153, %sub3A_140 : vector<1024xf32>
    %sub3A_155 = arith.subf %mul3A_154, %sub3A_125 : vector<1024xf32>
    %eq3A_156 = arith.constant 4.000000e+00 : f32
    %eq3A_157 = vector.broadcast %eq3A_156 : f32 to vector<1x42xf32>
    %eq3A_158 = arith.cmpf oeq, %convert_element_type3A_87, %eq3A_157 : vector<1x42xf32>
    %convert_element_type3A_159 = arith.extui %eq3A_158 : vector<1x42xi1> to vector<1x42xi32>
    %convert_element_type3A_160 = arith.sitofp %convert_element_type3A_159 : vector<1x42xi32> to vector<1x42xf32>
    %broadcast_in_dim3A_161 = vector.shape_cast %sub3A_155 : vector<1024xf32> to vector<1024x1xf32>
    %mul3A_162 = vector.broadcast %convert_element_type3A_160 : vector<1x42xf32> to vector<1024x42xf32>
    %mul3A_163 = vector.broadcast %broadcast_in_dim3A_161 : vector<1024x1xf32> to vector<1024x42xf32>
    %mul3A_164 = arith.mulf %mul3A_162, %mul3A_163 : vector<1024x42xf32>
    %add3A_165 = arith.addf %add3A_150, %mul3A_164 : vector<1024x42xf32>
    %mul3A_166 = arith.constant 2.000000e+00 : f32
    %mul3A_167 = vector.broadcast %mul3A_166 : f32 to vector<1024xf32>
    %mul3A_168 = arith.mulf %mul3A_167, %min3A_16 : vector<1024xf32>
    %mul3A_169 = arith.mulf %mul3A_168, %sub3A_155 : vector<1024xf32>
    %sub3A_170 = arith.subf %mul3A_169, %sub3A_140 : vector<1024xf32>
    %eq3A_171 = arith.constant 5.000000e+00 : f32
    %eq3A_172 = vector.broadcast %eq3A_171 : f32 to vector<1x42xf32>
    %eq3A_173 = arith.cmpf oeq, %convert_element_type3A_87, %eq3A_172 : vector<1x42xf32>
    %convert_element_type3A_174 = arith.extui %eq3A_173 : vector<1x42xi1> to vector<1x42xi32>
    %convert_element_type3A_175 = arith.sitofp %convert_element_type3A_174 : vector<1x42xi32> to vector<1x42xf32>
    %broadcast_in_dim3A_176 = vector.shape_cast %sub3A_170 : vector<1024xf32> to vector<1024x1xf32>
    %mul3A_177 = vector.broadcast %convert_element_type3A_175 : vector<1x42xf32> to vector<1024x42xf32>
    %mul3A_178 = vector.broadcast %broadcast_in_dim3A_176 : vector<1024x1xf32> to vector<1024x42xf32>
    %mul3A_179 = arith.mulf %mul3A_177, %mul3A_178 : vector<1024x42xf32>
    %add3A_180 = arith.addf %add3A_165, %mul3A_179 : vector<1024x42xf32>
    %mul3A_181 = arith.constant 2.000000e+00 : f32
    %mul3A_182 = vector.broadcast %mul3A_181 : f32 to vector<1024xf32>
    %mul3A_183 = arith.mulf %mul3A_182, %min3A_16 : vector<1024xf32>
    %mul3A_184 = arith.mulf %mul3A_183, %sub3A_170 : vector<1024xf32>
    %sub3A_185 = arith.subf %mul3A_184, %sub3A_155 : vector<1024xf32>
    %eq3A_186 = arith.constant 6.000000e+00 : f32
    %eq3A_187 = vector.broadcast %eq3A_186 : f32 to vector<1x42xf32>
    %eq3A_188 = arith.cmpf oeq, %convert_element_type3A_87, %eq3A_187 : vector<1x42xf32>
    %convert_element_type3A_189 = arith.extui %eq3A_188 : vector<1x42xi1> to vector<1x42xi32>
    %convert_element_type3A_190 = arith.sitofp %convert_element_type3A_189 : vector<1x42xi32> to vector<1x42xf32>
    %broadcast_in_dim3A_191 = vector.shape_cast %sub3A_185 : vector<1024xf32> to vector<1024x1xf32>
    %mul3A_192 = vector.broadcast %convert_element_type3A_190 : vector<1x42xf32> to vector<1024x42xf32>
    %mul3A_193 = vector.broadcast %broadcast_in_dim3A_191 : vector<1024x1xf32> to vector<1024x42xf32>
    %mul3A_194 = arith.mulf %mul3A_192, %mul3A_193 : vector<1024x42xf32>
    %add3A_195 = arith.addf %add3A_180, %mul3A_194 : vector<1024x42xf32>
    %broadcast_in_dim3A_196 = vector.shape_cast %add3A_41 : vector<1024xf32> to vector<1024x1xf32>
    %broadcast_in_dim3A_197 = vector.shape_cast %div3A_22 : vector<1024xf32> to vector<1024x1xf32>
    %mul3A_198 = vector.broadcast %add3A_100 : vector<1x42xf32> to vector<1024x42xf32>
    %mul3A_199 = vector.broadcast %broadcast_in_dim3A_197 : vector<1024x1xf32> to vector<1024x42xf32>
    %mul3A_200 = arith.mulf %mul3A_198, %mul3A_199 : vector<1024x42xf32>
    %sin3A = math.sin %mul3A_200 : vector<1024x42xf32>
    %mul3A_201 = vector.broadcast %broadcast_in_dim3A_196 : vector<1024x1xf32> to vector<1024x42xf32>
    %mul3A_202 = arith.mulf %mul3A_201, %sin3A : vector<1024x42xf32>
    %mul3A_203 = arith.mulf %mul3A_202, %add3A_195 : vector<1024x42xf32>
    %get3A_204 = arith.constant 0 : index
    %get3A_205 = arith.constant 0 : index
    %get3A_206 = vector.load %arg5[%get3A_204, %get3A_205] : memref<42x8xf32, #tpu.memory_space<vmem>>, vector<42x8xf32>
    %dot_general3A = arith.constant dense<0.000000e+00> : vector<1024x8xf32>
    %dot_general3A_207 = tpu.matmul %mul3A_203, %get3A_206, %dot_general3A {dimension_numbers = #tpu.dot_dimension_numbers<[1], [0], [0], [1], [0, 0, 1, 1], [], []>, transpose_lhs_hint = false} : vector<1024x42xf32>, vector<42x8xf32>, vector<1024x8xf32> -> vector<1024x8xf32>
    %get3A_208 = arith.constant 0 : index
    %get3A_209 = vector.load %arg6[%get3A_208] : memref<8xf32, #tpu.memory_space<vmem>>, vector<8xf32>
    %broadcast_in_dim3A_210 = vector.shape_cast %get3A_209 : vector<8xf32> to vector<1x8xf32>
    %add3A_211 = vector.broadcast %broadcast_in_dim3A_210 : vector<1x8xf32> to vector<1024x8xf32>
    %add3A_212 = arith.addf %dot_general3A_207, %add3A_211 : vector<1024x8xf32>
    %logistic3A = arith.negf %add3A_212 : vector<1024x8xf32>
    %logistic3A_213 = math.exp %logistic3A : vector<1024x8xf32>
    %logistic3A_214 = arith.constant 1.000000e+00 : f32
    %logistic3A_215 = vector.broadcast %logistic3A_214 : f32 to vector<1024x8xf32>
    %logistic3A_216 = arith.addf %logistic3A_215, %logistic3A_213 : vector<1024x8xf32>
    %logistic3A_217 = arith.divf %logistic3A_215, %logistic3A_216 : vector<1024x8xf32>
    %mul3A_218 = arith.mulf %add3A_212, %logistic3A_217 : vector<1024x8xf32>
    %swap3A = arith.constant 0 : index
    %swap3A_219 = arith.constant 0 : index
    %swap3A_220 = vector.load %arg9[%swap3A, %swap3A_219] : memref<1024x8xf32, #tpu.memory_space<vmem>>, vector<1024x8xf32>
    tpu.vector_store %arg9[%swap3A, %swap3A_219], %mul3A_218 {strides = array<i32>} : memref<1024x8xf32, #tpu.memory_space<vmem>>, vector<1024x8xf32>,
    %get3A_221 = arith.constant 0 : index
    %get3A_222 = arith.constant 0 : index
    %get3A_223 = vector.load %arg7[%get3A_221, %get3A_222] : memref<42x8xf32, #tpu.memory_space<vmem>>, vector<42x8xf32>
    %dot_general3A_224 = arith.constant dense<0.000000e+00> : vector<1024x8xf32>
    %dot_general3A_225 = tpu.matmul %mul3A_203, %get3A_223, %dot_general3A_224 {dimension_numbers = #tpu.dot_dimension_numbers<[1], [0], [0], [1], [0, 0, 1, 1], [], []>, transpose_lhs_hint = false} : vector<1024x42xf32>, vector<42x8xf32>, vector<1024x8xf32> -> vector<1024x8xf32>
    %get3A_226 = arith.constant 0 : index
    %get3A_227 = vector.load %arg8[%get3A_226] : memref<8xf32, #tpu.memory_space<vmem>>, vector<8xf32>
    %broadcast_in_dim3A_228 = vector.shape_cast %get3A_227 : vector<8xf32> to vector<1x8xf32>
    %add3A_229 = vector.broadcast %broadcast_in_dim3A_228 : vector<1x8xf32> to vector<1024x8xf32>
    %add3A_230 = arith.addf %dot_general3A_225, %add3A_229 : vector<1024x8xf32>
    %logistic3A_231 = arith.negf %add3A_230 : vector<1024x8xf32>
    %logistic3A_232 = math.exp %logistic3A_231 : vector<1024x8xf32>
    %logistic3A_233 = arith.constant 1.000000e+00 : f32
    %logistic3A_234 = vector.broadcast %logistic3A_233 : f32 to vector<1024x8xf32>
    %logistic3A_235 = arith.addf %logistic3A_234, %logistic3A_232 : vector<1024x8xf32>
    %logistic3A_236 = arith.divf %logistic3A_234, %logistic3A_235 : vector<1024x8xf32>
    %mul3A_237 = arith.mulf %add3A_230, %logistic3A_236 : vector<1024x8xf32>
    %swap3A_238 = arith.constant 0 : index
    %swap3A_239 = arith.constant 0 : index
    %swap3A_240 = vector.load %arg10[%swap3A_238, %swap3A_239] : memref<1024x8xf32, #tpu.memory_space<vmem>>, vector<1024x8xf32>
    tpu.vector_store %arg10[%swap3A_238, %swap3A_239], %mul3A_237 {strides = array<i32>} : memref<1024x8xf32, #tpu.memory_space<vmem>>, vector<1024x8xf32>,
    return
  }
  func.func @transform_0(%arg0: i32) -> i32 {
    %c0_i32 = arith.constant 0 : i32
    return %arg0 : i32
  }
  func.func @transform_1(%arg0: i32) -> i32 {
    %c0_i32 = arith.constant 0 : i32
    return %arg0 : i32
  }
  func.func @transform_2(%arg0: i32) -> i32 {
    %c0_i32 = arith.constant 0 : i32
    return %arg0 : i32
  }
  func.func @transform_3(%arg0: i32) -> i32 {
    %c0_i32 = arith.constant 0 : i32
    return %arg0 : i32
  }
  func.func @transform_4(%arg0: i32) -> (i32, i32) {
    %c0_i32 = arith.constant 0 : i32
    %c0_i32_0 = arith.constant 0 : i32
    %c0_i32_1 = arith.constant 0 : i32
    return %c0_i32, %c0_i32_0 : i32, i32
  }
  func.func @transform_5(%arg0: i32) -> i32 {
    %c0_i32 = arith.constant 0 : i32
    %c0_i32_0 = arith.constant 0 : i32
    return %c0_i32 : i32
  }
  func.func @transform_6(%arg0: i32) -> (i32, i32) {
    %c0_i32 = arith.constant 0 : i32
    %c0_i32_0 = arith.constant 0 : i32
    %c0_i32_1 = arith.constant 0 : i32
    return %c0_i32, %c0_i32_0 : i32, i32
  }
  func.func @transform_7(%arg0: i32) -> i32 {
    %c0_i32 = arith.constant 0 : i32
    %c0_i32_0 = arith.constant 0 : i32
    return %c0_i32 : i32
  }
  func.func @transform_8(%arg0: i32) -> (i32, i32) {
    %c0_i32 = arith.constant 0 : i32
    %c0_i32_0 = arith.constant 0 : i32
    return %arg0, %c0_i32 : i32, i32
  }
  func.func @transform_9(%arg0: i32) -> (i32, i32) {
    %c0_i32 = arith.constant 0 : i32
    %c0_i32_0 = arith.constant 0 : i32
    return %arg0, %c0_i32 : i32, i32
  }
}

module attributes {stable_mosaic.version = 14 : i64} {
  func.func @body(%arg0: i32, %arg1: memref<4000x128xf32, #tpu.memory_space<vmem>>, %arg2: memref<4000x8xf32, #tpu.memory_space<vmem>>, %arg3: memref<128x1024xbf16, #tpu.memory_space<vmem>>, %arg4: memref<128xf32, #tpu.memory_space<vmem>>, %arg5: memref<4000x128xf32, #tpu.memory_space<vmem>>) attributes {dimension_semantics = [#tpu.dimension_semantics<arbitrary>], iteration_bounds = array<i64: 40>, scalar_prefetch = 0 : i64, scratch_operands = 0 : i64, tpu.core_type = #tpu.core_type<tc>, window_params = [{transform_indices = @transform_0, window_bounds = array<i64: 4000, 128>}, {transform_indices = @transform_1, window_bounds = array<i64: 4000, 8>}, {pipeline_mode = #tpu.pipeline_mode<synchronous>, transform_indices = @transform_2, window_bounds = array<i64: 128, 1024>}, {pipeline_mode = #tpu.pipeline_mode<synchronous>, transform_indices = @transform_3, window_bounds = array<i64: 128>}, {transform_indices = @transform_4, window_bounds = array<i64: 4000, 128>}]} {
    %get3A = arith.constant 0 : index
    %get3A_0 = arith.constant 0 : index
    %get3A_1 = vector.load %arg1[%get3A, %get3A_0] : memref<4000x128xf32, #tpu.memory_space<vmem>>, vector<4000x128xf32>
    %convert_element_type3A = arith.truncf %get3A_1 : vector<4000x128xf32> to vector<4000x128xbf16>
    %get3A_2 = arith.constant 0 : index
    %get3A_3 = arith.constant 0 : index
    %get3A_4 = vector.load %arg3[%get3A_2, %get3A_3] : memref<128x1024xbf16, #tpu.memory_space<vmem>>, vector<128x1024xbf16>
    %dot_general3A = arith.constant dense<0.000000e+00> : vector<4000x1024xf32>
    %dot_general3A_5 = tpu.matmul %convert_element_type3A, %get3A_4, %dot_general3A {dimension_numbers = #tpu.dot_dimension_numbers<[1], [0], [0], [1], [0, 0, 1, 1], [], []>, transpose_lhs_hint = false} : vector<4000x128xbf16>, vector<128x1024xbf16>, vector<4000x1024xf32> -> vector<4000x1024xf32>
    %get3A_6 = arith.constant 0 : index
    %get3A_7 = arith.constant 0 : index
    %get3A_8 = vector.load %arg2[%get3A_6, %get3A_7] : memref<4000x8xf32, #tpu.memory_space<vmem>>, vector<4000x8xf32>
    %get3A_9 = arith.constant 0 : index
    %get3A_10 = vector.load %arg4[%get3A_9] : memref<128xf32, #tpu.memory_space<vmem>>, vector<128xf32>
    %broadcast_in_dim3A = vector.shape_cast %get3A_10 : vector<128xf32> to vector<1x128xf32>
    %slice3A = vector.extract_strided_slice %get3A_8 {offsets = [0, 0], sizes = [4000, 1], strides = [1, 1]} : vector<4000x8xf32> to vector<4000x1xf32>
    %squeeze3A = vector.shape_cast %slice3A : vector<4000x1xf32> to vector<4000xf32>
    %broadcast_in_dim3A_11 = vector.shape_cast %squeeze3A : vector<4000xf32> to vector<4000x1xf32>
    %slice3A_12 = vector.extract_strided_slice %dot_general3A_5 {offsets = [0, 0], sizes = [4000, 128], strides = [1, 1]} : vector<4000x1024xf32> to vector<4000x128xf32>
    %mul3A = vector.broadcast %broadcast_in_dim3A_11 : vector<4000x1xf32> to vector<4000x128xf32>
    %mul3A_13 = arith.mulf %mul3A, %slice3A_12 : vector<4000x128xf32>
    %add3A = vector.broadcast %broadcast_in_dim3A : vector<1x128xf32> to vector<4000x128xf32>
    %add3A_14 = arith.addf %add3A, %mul3A_13 : vector<4000x128xf32>
    %slice3A_15 = vector.extract_strided_slice %get3A_8 {offsets = [0, 1], sizes = [4000, 1], strides = [1, 1]} : vector<4000x8xf32> to vector<4000x1xf32>
    %squeeze3A_16 = vector.shape_cast %slice3A_15 : vector<4000x1xf32> to vector<4000xf32>
    %broadcast_in_dim3A_17 = vector.shape_cast %squeeze3A_16 : vector<4000xf32> to vector<4000x1xf32>
    %slice3A_18 = vector.extract_strided_slice %dot_general3A_5 {offsets = [0, 128], sizes = [4000, 128], strides = [1, 1]} : vector<4000x1024xf32> to vector<4000x128xf32>
    %mul3A_19 = vector.broadcast %broadcast_in_dim3A_17 : vector<4000x1xf32> to vector<4000x128xf32>
    %mul3A_20 = arith.mulf %mul3A_19, %slice3A_18 : vector<4000x128xf32>
    %add3A_21 = arith.addf %add3A_14, %mul3A_20 : vector<4000x128xf32>
    %slice3A_22 = vector.extract_strided_slice %get3A_8 {offsets = [0, 2], sizes = [4000, 1], strides = [1, 1]} : vector<4000x8xf32> to vector<4000x1xf32>
    %squeeze3A_23 = vector.shape_cast %slice3A_22 : vector<4000x1xf32> to vector<4000xf32>
    %broadcast_in_dim3A_24 = vector.shape_cast %squeeze3A_23 : vector<4000xf32> to vector<4000x1xf32>
    %slice3A_25 = vector.extract_strided_slice %dot_general3A_5 {offsets = [0, 256], sizes = [4000, 128], strides = [1, 1]} : vector<4000x1024xf32> to vector<4000x128xf32>
    %mul3A_26 = vector.broadcast %broadcast_in_dim3A_24 : vector<4000x1xf32> to vector<4000x128xf32>
    %mul3A_27 = arith.mulf %mul3A_26, %slice3A_25 : vector<4000x128xf32>
    %add3A_28 = arith.addf %add3A_21, %mul3A_27 : vector<4000x128xf32>
    %slice3A_29 = vector.extract_strided_slice %get3A_8 {offsets = [0, 3], sizes = [4000, 1], strides = [1, 1]} : vector<4000x8xf32> to vector<4000x1xf32>
    %squeeze3A_30 = vector.shape_cast %slice3A_29 : vector<4000x1xf32> to vector<4000xf32>
    %broadcast_in_dim3A_31 = vector.shape_cast %squeeze3A_30 : vector<4000xf32> to vector<4000x1xf32>
    %slice3A_32 = vector.extract_strided_slice %dot_general3A_5 {offsets = [0, 384], sizes = [4000, 128], strides = [1, 1]} : vector<4000x1024xf32> to vector<4000x128xf32>
    %mul3A_33 = vector.broadcast %broadcast_in_dim3A_31 : vector<4000x1xf32> to vector<4000x128xf32>
    %mul3A_34 = arith.mulf %mul3A_33, %slice3A_32 : vector<4000x128xf32>
    %add3A_35 = arith.addf %add3A_28, %mul3A_34 : vector<4000x128xf32>
    %slice3A_36 = vector.extract_strided_slice %get3A_8 {offsets = [0, 4], sizes = [4000, 1], strides = [1, 1]} : vector<4000x8xf32> to vector<4000x1xf32>
    %squeeze3A_37 = vector.shape_cast %slice3A_36 : vector<4000x1xf32> to vector<4000xf32>
    %broadcast_in_dim3A_38 = vector.shape_cast %squeeze3A_37 : vector<4000xf32> to vector<4000x1xf32>
    %slice3A_39 = vector.extract_strided_slice %dot_general3A_5 {offsets = [0, 512], sizes = [4000, 128], strides = [1, 1]} : vector<4000x1024xf32> to vector<4000x128xf32>
    %mul3A_40 = vector.broadcast %broadcast_in_dim3A_38 : vector<4000x1xf32> to vector<4000x128xf32>
    %mul3A_41 = arith.mulf %mul3A_40, %slice3A_39 : vector<4000x128xf32>
    %add3A_42 = arith.addf %add3A_35, %mul3A_41 : vector<4000x128xf32>
    %slice3A_43 = vector.extract_strided_slice %get3A_8 {offsets = [0, 5], sizes = [4000, 1], strides = [1, 1]} : vector<4000x8xf32> to vector<4000x1xf32>
    %squeeze3A_44 = vector.shape_cast %slice3A_43 : vector<4000x1xf32> to vector<4000xf32>
    %broadcast_in_dim3A_45 = vector.shape_cast %squeeze3A_44 : vector<4000xf32> to vector<4000x1xf32>
    %slice3A_46 = vector.extract_strided_slice %dot_general3A_5 {offsets = [0, 640], sizes = [4000, 128], strides = [1, 1]} : vector<4000x1024xf32> to vector<4000x128xf32>
    %mul3A_47 = vector.broadcast %broadcast_in_dim3A_45 : vector<4000x1xf32> to vector<4000x128xf32>
    %mul3A_48 = arith.mulf %mul3A_47, %slice3A_46 : vector<4000x128xf32>
    %add3A_49 = arith.addf %add3A_42, %mul3A_48 : vector<4000x128xf32>
    %slice3A_50 = vector.extract_strided_slice %get3A_8 {offsets = [0, 6], sizes = [4000, 1], strides = [1, 1]} : vector<4000x8xf32> to vector<4000x1xf32>
    %squeeze3A_51 = vector.shape_cast %slice3A_50 : vector<4000x1xf32> to vector<4000xf32>
    %broadcast_in_dim3A_52 = vector.shape_cast %squeeze3A_51 : vector<4000xf32> to vector<4000x1xf32>
    %slice3A_53 = vector.extract_strided_slice %dot_general3A_5 {offsets = [0, 768], sizes = [4000, 128], strides = [1, 1]} : vector<4000x1024xf32> to vector<4000x128xf32>
    %mul3A_54 = vector.broadcast %broadcast_in_dim3A_52 : vector<4000x1xf32> to vector<4000x128xf32>
    %mul3A_55 = arith.mulf %mul3A_54, %slice3A_53 : vector<4000x128xf32>
    %add3A_56 = arith.addf %add3A_49, %mul3A_55 : vector<4000x128xf32>
    %slice3A_57 = vector.extract_strided_slice %get3A_8 {offsets = [0, 7], sizes = [4000, 1], strides = [1, 1]} : vector<4000x8xf32> to vector<4000x1xf32>
    %squeeze3A_58 = vector.shape_cast %slice3A_57 : vector<4000x1xf32> to vector<4000xf32>
    %broadcast_in_dim3A_59 = vector.shape_cast %squeeze3A_58 : vector<4000xf32> to vector<4000x1xf32>
    %slice3A_60 = vector.extract_strided_slice %dot_general3A_5 {offsets = [0, 896], sizes = [4000, 128], strides = [1, 1]} : vector<4000x1024xf32> to vector<4000x128xf32>
    %mul3A_61 = vector.broadcast %broadcast_in_dim3A_59 : vector<4000x1xf32> to vector<4000x128xf32>
    %mul3A_62 = arith.mulf %mul3A_61, %slice3A_60 : vector<4000x128xf32>
    %add3A_63 = arith.addf %add3A_56, %mul3A_62 : vector<4000x128xf32>
    %swap3A = arith.constant 0 : index
    %swap3A_64 = arith.constant 0 : index
    %swap3A_65 = vector.load %arg5[%swap3A, %swap3A_64] : memref<4000x128xf32, #tpu.memory_space<vmem>>, vector<4000x128xf32>
    tpu.vector_store %arg5[%swap3A, %swap3A_64], %add3A_63 {strides = array<i32>} : memref<4000x128xf32, #tpu.memory_space<vmem>>, vector<4000x128xf32>,
    return
  }
  func.func @transform_0(%arg0: i32) -> (i32, i32) {
    %c0_i32 = arith.constant 0 : i32
    %c0_i32_0 = arith.constant 0 : i32
    return %arg0, %c0_i32 : i32, i32
  }
  func.func @transform_1(%arg0: i32) -> (i32, i32) {
    %c0_i32 = arith.constant 0 : i32
    %c0_i32_0 = arith.constant 0 : i32
    return %arg0, %c0_i32 : i32, i32
  }
  func.func @transform_2(%arg0: i32) -> (i32, i32) {
    %c0_i32 = arith.constant 0 : i32
    %c0_i32_0 = arith.constant 0 : i32
    %c0_i32_1 = arith.constant 0 : i32
    return %c0_i32, %c0_i32_0 : i32, i32
  }
  func.func @transform_3(%arg0: i32) -> i32 {
    %c0_i32 = arith.constant 0 : i32
    %c0_i32_0 = arith.constant 0 : i32
    return %c0_i32 : i32
  }
  func.func @transform_4(%arg0: i32) -> (i32, i32) {
    %c0_i32 = arith.constant 0 : i32
    %c0_i32_0 = arith.constant 0 : i32
    return %arg0, %c0_i32 : i32, i32
  }
}

module attributes {stable_mosaic.version = 14 : i64} {
  func.func @body(%arg0: i32, %arg1: memref<4000x128xf32, #tpu.memory_space<vmem>>, %arg2: memref<4000x128xf32, #tpu.memory_space<vmem>>, %arg3: memref<4000x6xf32, #tpu.memory_space<vmem>>, %arg4: memref<128x128xf32, #tpu.memory_space<vmem>>, %arg5: memref<128xf32, #tpu.memory_space<vmem>>, %arg6: memref<128x128xf32, #tpu.memory_space<vmem>>, %arg7: memref<128xf32, #tpu.memory_space<vmem>>, %arg8: memref<128x128xf32, #tpu.memory_space<vmem>>, %arg9: memref<128xf32, #tpu.memory_space<vmem>>, %arg10: memref<128x128xf32, #tpu.memory_space<vmem>>, %arg11: memref<128xf32, #tpu.memory_space<vmem>>, %arg12: memref<128x128xf32, #tpu.memory_space<vmem>>, %arg13: memref<128xf32, #tpu.memory_space<vmem>>, %arg14: memref<6x128xf32, #tpu.memory_space<vmem>>, %arg15: memref<128x128xf32, #tpu.memory_space<vmem>>, %arg16: memref<128xf32, #tpu.memory_space<vmem>>, %arg17: memref<4000x128xf32, #tpu.memory_space<vmem>>, %arg18: memref<4000x128xf32, #tpu.memory_space<vmem>>, %arg19: memref<4000x128xf32, #tpu.memory_space<vmem>>) attributes {dimension_semantics = [#tpu.dimension_semantics<arbitrary>], iteration_bounds = array<i64: 40>, scalar_prefetch = 0 : i64, scratch_operands = 0 : i64, tpu.core_type = #tpu.core_type<tc>, window_params = [{transform_indices = @transform_0, window_bounds = array<i64: 4000, 128>}, {transform_indices = @transform_1, window_bounds = array<i64: 4000, 128>}, {transform_indices = @transform_2, window_bounds = array<i64: 4000, 6>}, {pipeline_mode = #tpu.pipeline_mode<synchronous>, transform_indices = @transform_3, window_bounds = array<i64: 128, 128>}, {pipeline_mode = #tpu.pipeline_mode<synchronous>, transform_indices = @transform_4, window_bounds = array<i64: 128>}, {pipeline_mode = #tpu.pipeline_mode<synchronous>, transform_indices = @transform_5, window_bounds = array<i64: 128, 128>}, {pipeline_mode = #tpu.pipeline_mode<synchronous>, transform_indices = @transform_6, window_bounds = array<i64: 128>}, {pipeline_mode = #tpu.pipeline_mode<synchronous>, transform_indices = @transform_7, window_bounds = array<i64: 128, 128>}, {pipeline_mode = #tpu.pipeline_mode<synchronous>, transform_indices = @transform_8, window_bounds = array<i64: 128>}, {pipeline_mode = #tpu.pipeline_mode<synchronous>, transform_indices = @transform_9, window_bounds = array<i64: 128, 128>}, {pipeline_mode = #tpu.pipeline_mode<synchronous>, transform_indices = @transform_10, window_bounds = array<i64: 128>}, {pipeline_mode = #tpu.pipeline_mode<synchronous>, transform_indices = @transform_11, window_bounds = array<i64: 128, 128>}, {pipeline_mode = #tpu.pipeline_mode<synchronous>, transform_indices = @transform_12, window_bounds = array<i64: 128>}, {pipeline_mode = #tpu.pipeline_mode<synchronous>, transform_indices = @transform_13, window_bounds = array<i64: 6, 128>}, {pipeline_mode = #tpu.pipeline_mode<synchronous>, transform_indices = @transform_14, window_bounds = array<i64: 128, 128>}, {pipeline_mode = #tpu.pipeline_mode<synchronous>, transform_indices = @transform_15, window_bounds = array<i64: 128>}, {transform_indices = @transform_16, window_bounds = array<i64: 4000, 128>}, {transform_indices = @transform_17, window_bounds = array<i64: 4000, 128>}, {transform_indices = @transform_18, window_bounds = array<i64: 4000, 128>}]} {
    %get3A = arith.constant 0 : index
    %get3A_0 = arith.constant 0 : index
    %get3A_1 = vector.load %arg2[%get3A, %get3A_0] : memref<4000x128xf32, #tpu.memory_space<vmem>>, vector<4000x128xf32>
    %get3A_2 = arith.constant 0 : index
    %get3A_3 = arith.constant 0 : index
    %get3A_4 = vector.load %arg1[%get3A_2, %get3A_3] : memref<4000x128xf32, #tpu.memory_space<vmem>>, vector<4000x128xf32>
    %get3A_5 = arith.constant 0 : index
    %get3A_6 = arith.constant 0 : index
    %get3A_7 = vector.load %arg4[%get3A_5, %get3A_6] : memref<128x128xf32, #tpu.memory_space<vmem>>, vector<128x128xf32>
    %dot_general3A = arith.constant dense<0.000000e+00> : vector<4000x128xf32>
    %dot_general3A_8 = tpu.matmul %get3A_4, %get3A_7, %dot_general3A {dimension_numbers = #tpu.dot_dimension_numbers<[1], [0], [0], [1], [0, 0, 1, 1], [], []>, transpose_lhs_hint = false} : vector<4000x128xf32>, vector<128x128xf32>, vector<4000x128xf32> -> vector<4000x128xf32>
    %get3A_9 = arith.constant 0 : index
    %get3A_10 = vector.load %arg5[%get3A_9] : memref<128xf32, #tpu.memory_space<vmem>>, vector<128xf32>
    %broadcast_in_dim3A = vector.shape_cast %get3A_10 : vector<128xf32> to vector<1x128xf32>
    %add3A = vector.broadcast %broadcast_in_dim3A : vector<1x128xf32> to vector<4000x128xf32>
    %add3A_11 = arith.addf %dot_general3A_8, %add3A : vector<4000x128xf32>
    %logistic3A = arith.negf %add3A_11 : vector<4000x128xf32>
    %logistic3A_12 = math.exp %logistic3A : vector<4000x128xf32>
    %logistic3A_13 = arith.constant 1.000000e+00 : f32
    %logistic3A_14 = vector.broadcast %logistic3A_13 : f32 to vector<4000x128xf32>
    %logistic3A_15 = arith.addf %logistic3A_14, %logistic3A_12 : vector<4000x128xf32>
    %logistic3A_16 = arith.divf %logistic3A_14, %logistic3A_15 : vector<4000x128xf32>
    %mul3A = arith.mulf %add3A_11, %logistic3A_16 : vector<4000x128xf32>
    %add3A_17 = arith.addf %get3A_1, %mul3A : vector<4000x128xf32>
    %get3A_18 = arith.constant 0 : index
    %get3A_19 = arith.constant 0 : index
    %get3A_20 = vector.load %arg6[%get3A_18, %get3A_19] : memref<128x128xf32, #tpu.memory_space<vmem>>, vector<128x128xf32>
    %dot_general3A_21 = arith.constant dense<0.000000e+00> : vector<4000x128xf32>
    %dot_general3A_22 = tpu.matmul %add3A_17, %get3A_20, %dot_general3A_21 {dimension_numbers = #tpu.dot_dimension_numbers<[1], [0], [0], [1], [0, 0, 1, 1], [], []>, transpose_lhs_hint = false} : vector<4000x128xf32>, vector<128x128xf32>, vector<4000x128xf32> -> vector<4000x128xf32>
    %get3A_23 = arith.constant 0 : index
    %get3A_24 = vector.load %arg7[%get3A_23] : memref<128xf32, #tpu.memory_space<vmem>>, vector<128xf32>
    %broadcast_in_dim3A_25 = vector.shape_cast %get3A_24 : vector<128xf32> to vector<1x128xf32>
    %add3A_26 = vector.broadcast %broadcast_in_dim3A_25 : vector<1x128xf32> to vector<4000x128xf32>
    %add3A_27 = arith.addf %dot_general3A_22, %add3A_26 : vector<4000x128xf32>
    %logistic3A_28 = arith.negf %add3A_27 : vector<4000x128xf32>
    %logistic3A_29 = math.exp %logistic3A_28 : vector<4000x128xf32>
    %logistic3A_30 = arith.constant 1.000000e+00 : f32
    %logistic3A_31 = vector.broadcast %logistic3A_30 : f32 to vector<4000x128xf32>
    %logistic3A_32 = arith.addf %logistic3A_31, %logistic3A_29 : vector<4000x128xf32>
    %logistic3A_33 = arith.divf %logistic3A_31, %logistic3A_32 : vector<4000x128xf32>
    %mul3A_34 = arith.mulf %add3A_27, %logistic3A_33 : vector<4000x128xf32>
    %get3A_35 = arith.constant 0 : index
    %get3A_36 = arith.constant 0 : index
    %get3A_37 = vector.load %arg8[%get3A_35, %get3A_36] : memref<128x128xf32, #tpu.memory_space<vmem>>, vector<128x128xf32>
    %dot_general3A_38 = arith.constant dense<0.000000e+00> : vector<4000x128xf32>
    %dot_general3A_39 = tpu.matmul %mul3A_34, %get3A_37, %dot_general3A_38 {dimension_numbers = #tpu.dot_dimension_numbers<[1], [0], [0], [1], [0, 0, 1, 1], [], []>, transpose_lhs_hint = false} : vector<4000x128xf32>, vector<128x128xf32>, vector<4000x128xf32> -> vector<4000x128xf32>
    %add3A_40 = arith.addf %add3A_17, %dot_general3A_39 : vector<4000x128xf32>
    %get3A_41 = arith.constant 0 : index
    %get3A_42 = vector.load %arg9[%get3A_41] : memref<128xf32, #tpu.memory_space<vmem>>, vector<128xf32>
    %broadcast_in_dim3A_43 = vector.shape_cast %get3A_42 : vector<128xf32> to vector<1x128xf32>
    %add3A_44 = vector.broadcast %broadcast_in_dim3A_43 : vector<1x128xf32> to vector<4000x128xf32>
    %add3A_45 = arith.addf %add3A_40, %add3A_44 : vector<4000x128xf32>
    %get3A_46 = arith.constant 0 : index
    %get3A_47 = arith.constant 0 : index
    %get3A_48 = vector.load %arg10[%get3A_46, %get3A_47] : memref<128x128xf32, #tpu.memory_space<vmem>>, vector<128x128xf32>
    %dot_general3A_49 = arith.constant dense<0.000000e+00> : vector<4000x128xf32>
    %dot_general3A_50 = tpu.matmul %add3A_45, %get3A_48, %dot_general3A_49 {dimension_numbers = #tpu.dot_dimension_numbers<[1], [0], [0], [1], [0, 0, 1, 1], [], []>, transpose_lhs_hint = false} : vector<4000x128xf32>, vector<128x128xf32>, vector<4000x128xf32> -> vector<4000x128xf32>
    %get3A_51 = arith.constant 0 : index
    %get3A_52 = vector.load %arg11[%get3A_51] : memref<128xf32, #tpu.memory_space<vmem>>, vector<128xf32>
    %broadcast_in_dim3A_53 = vector.shape_cast %get3A_52 : vector<128xf32> to vector<1x128xf32>
    %add3A_54 = vector.broadcast %broadcast_in_dim3A_53 : vector<1x128xf32> to vector<4000x128xf32>
    %add3A_55 = arith.addf %dot_general3A_50, %add3A_54 : vector<4000x128xf32>
    %logistic3A_56 = arith.negf %add3A_55 : vector<4000x128xf32>
    %logistic3A_57 = math.exp %logistic3A_56 : vector<4000x128xf32>
    %logistic3A_58 = arith.constant 1.000000e+00 : f32
    %logistic3A_59 = vector.broadcast %logistic3A_58 : f32 to vector<4000x128xf32>
    %logistic3A_60 = arith.addf %logistic3A_59, %logistic3A_57 : vector<4000x128xf32>
    %logistic3A_61 = arith.divf %logistic3A_59, %logistic3A_60 : vector<4000x128xf32>
    %mul3A_62 = arith.mulf %add3A_55, %logistic3A_61 : vector<4000x128xf32>
    %get3A_63 = arith.constant 0 : index
    %get3A_64 = arith.constant 0 : index
    %get3A_65 = vector.load %arg12[%get3A_63, %get3A_64] : memref<128x128xf32, #tpu.memory_space<vmem>>, vector<128x128xf32>
    %dot_general3A_66 = arith.constant dense<0.000000e+00> : vector<4000x128xf32>
    %dot_general3A_67 = tpu.matmul %mul3A_62, %get3A_65, %dot_general3A_66 {dimension_numbers = #tpu.dot_dimension_numbers<[1], [0], [0], [1], [0, 0, 1, 1], [], []>, transpose_lhs_hint = false} : vector<4000x128xf32>, vector<128x128xf32>, vector<4000x128xf32> -> vector<4000x128xf32>
    %add3A_68 = arith.addf %add3A_45, %dot_general3A_67 : vector<4000x128xf32>
    %get3A_69 = arith.constant 0 : index
    %get3A_70 = vector.load %arg13[%get3A_69] : memref<128xf32, #tpu.memory_space<vmem>>, vector<128xf32>
    %broadcast_in_dim3A_71 = vector.shape_cast %get3A_70 : vector<128xf32> to vector<1x128xf32>
    %add3A_72 = vector.broadcast %broadcast_in_dim3A_71 : vector<1x128xf32> to vector<4000x128xf32>
    %add3A_73 = arith.addf %add3A_68, %add3A_72 : vector<4000x128xf32>
    %swap3A = arith.constant 0 : index
    %swap3A_74 = arith.constant 0 : index
    %swap3A_75 = vector.load %arg17[%swap3A, %swap3A_74] : memref<4000x128xf32, #tpu.memory_space<vmem>>, vector<4000x128xf32>
    tpu.vector_store %arg17[%swap3A, %swap3A_74], %add3A_73 {strides = array<i32>} : memref<4000x128xf32, #tpu.memory_space<vmem>>, vector<4000x128xf32>,
    %get3A_76 = arith.constant 0 : index
    %get3A_77 = arith.constant 0 : index
    %get3A_78 = vector.load %arg3[%get3A_76, %get3A_77] : memref<4000x6xf32, #tpu.memory_space<vmem>>, vector<4000x6xf32>
    %get3A_79 = arith.constant 0 : index
    %get3A_80 = arith.constant 0 : index
    %get3A_81 = vector.load %arg14[%get3A_79, %get3A_80] : memref<6x128xf32, #tpu.memory_space<vmem>>, vector<6x128xf32>
    %dot_general3A_82 = arith.constant dense<0.000000e+00> : vector<4000x128xf32>
    %dot_general3A_83 = tpu.matmul %get3A_78, %get3A_81, %dot_general3A_82 {dimension_numbers = #tpu.dot_dimension_numbers<[1], [0], [0], [1], [0, 0, 1, 1], [], []>, transpose_lhs_hint = false} : vector<4000x6xf32>, vector<6x128xf32>, vector<4000x128xf32> -> vector<4000x128xf32>
    %mul3A_84 = arith.mulf %add3A_73, %dot_general3A_83 : vector<4000x128xf32>
    %swap3A_85 = arith.constant 0 : index
    %swap3A_86 = arith.constant 0 : index
    %swap3A_87 = vector.load %arg18[%swap3A_85, %swap3A_86] : memref<4000x128xf32, #tpu.memory_space<vmem>>, vector<4000x128xf32>
    tpu.vector_store %arg18[%swap3A_85, %swap3A_86], %mul3A_84 {strides = array<i32>} : memref<4000x128xf32, #tpu.memory_space<vmem>>, vector<4000x128xf32>,
    %get3A_88 = arith.constant 0 : index
    %get3A_89 = arith.constant 0 : index
    %get3A_90 = vector.load %arg15[%get3A_88, %get3A_89] : memref<128x128xf32, #tpu.memory_space<vmem>>, vector<128x128xf32>
    %dot_general3A_91 = arith.constant dense<0.000000e+00> : vector<4000x128xf32>
    %dot_general3A_92 = tpu.matmul %add3A_73, %get3A_90, %dot_general3A_91 {dimension_numbers = #tpu.dot_dimension_numbers<[1], [0], [0], [1], [0, 0, 1, 1], [], []>, transpose_lhs_hint = false} : vector<4000x128xf32>, vector<128x128xf32>, vector<4000x128xf32> -> vector<4000x128xf32>
    %get3A_93 = arith.constant 0 : index
    %get3A_94 = vector.load %arg16[%get3A_93] : memref<128xf32, #tpu.memory_space<vmem>>, vector<128xf32>
    %broadcast_in_dim3A_95 = vector.shape_cast %get3A_94 : vector<128xf32> to vector<1x128xf32>
    %add3A_96 = vector.broadcast %broadcast_in_dim3A_95 : vector<1x128xf32> to vector<4000x128xf32>
    %add3A_97 = arith.addf %dot_general3A_92, %add3A_96 : vector<4000x128xf32>
    %logistic3A_98 = arith.negf %add3A_97 : vector<4000x128xf32>
    %logistic3A_99 = math.exp %logistic3A_98 : vector<4000x128xf32>
    %logistic3A_100 = arith.constant 1.000000e+00 : f32
    %logistic3A_101 = vector.broadcast %logistic3A_100 : f32 to vector<4000x128xf32>
    %logistic3A_102 = arith.addf %logistic3A_101, %logistic3A_99 : vector<4000x128xf32>
    %logistic3A_103 = arith.divf %logistic3A_101, %logistic3A_102 : vector<4000x128xf32>
    %mul3A_104 = arith.mulf %add3A_97, %logistic3A_103 : vector<4000x128xf32>
    %swap3A_105 = arith.constant 0 : index
    %swap3A_106 = arith.constant 0 : index
    %swap3A_107 = vector.load %arg19[%swap3A_105, %swap3A_106] : memref<4000x128xf32, #tpu.memory_space<vmem>>, vector<4000x128xf32>
    tpu.vector_store %arg19[%swap3A_105, %swap3A_106], %mul3A_104 {strides = array<i32>} : memref<4000x128xf32, #tpu.memory_space<vmem>>, vector<4000x128xf32>,
    return
  }
  func.func @transform_0(%arg0: i32) -> (i32, i32) {
    %c0_i32 = arith.constant 0 : i32
    %c0_i32_0 = arith.constant 0 : i32
    return %arg0, %c0_i32 : i32, i32
  }
  func.func @transform_1(%arg0: i32) -> (i32, i32) {
    %c0_i32 = arith.constant 0 : i32
    %c0_i32_0 = arith.constant 0 : i32
    return %arg0, %c0_i32 : i32, i32
  }
  func.func @transform_2(%arg0: i32) -> (i32, i32) {
    %c0_i32 = arith.constant 0 : i32
    %c0_i32_0 = arith.constant 0 : i32
    return %arg0, %c0_i32 : i32, i32
  }
  func.func @transform_3(%arg0: i32) -> (i32, i32) {
    %c0_i32 = arith.constant 0 : i32
    %c0_i32_0 = arith.constant 0 : i32
    %c0_i32_1 = arith.constant 0 : i32
    return %c0_i32, %c0_i32_0 : i32, i32
  }
  func.func @transform_4(%arg0: i32) -> i32 {
    %c0_i32 = arith.constant 0 : i32
    %c0_i32_0 = arith.constant 0 : i32
    return %c0_i32 : i32
  }
  func.func @transform_5(%arg0: i32) -> (i32, i32) {
    %c0_i32 = arith.constant 0 : i32
    %c0_i32_0 = arith.constant 0 : i32
    %c0_i32_1 = arith.constant 0 : i32
    return %c0_i32, %c0_i32_0 : i32, i32
  }
  func.func @transform_6(%arg0: i32) -> i32 {
    %c0_i32 = arith.constant 0 : i32
    %c0_i32_0 = arith.constant 0 : i32
    return %c0_i32 : i32
  }
  func.func @transform_7(%arg0: i32) -> (i32, i32) {
    %c0_i32 = arith.constant 0 : i32
    %c0_i32_0 = arith.constant 0 : i32
    %c0_i32_1 = arith.constant 0 : i32
    return %c0_i32, %c0_i32_0 : i32, i32
  }
  func.func @transform_8(%arg0: i32) -> i32 {
    %c0_i32 = arith.constant 0 : i32
    %c0_i32_0 = arith.constant 0 : i32
    return %c0_i32 : i32
  }
  func.func @transform_9(%arg0: i32) -> (i32, i32) {
    %c0_i32 = arith.constant 0 : i32
    %c0_i32_0 = arith.constant 0 : i32
    %c0_i32_1 = arith.constant 0 : i32
    return %c0_i32, %c0_i32_0 : i32, i32
  }
  func.func @transform_10(%arg0: i32) -> i32 {
    %c0_i32 = arith.constant 0 : i32
    %c0_i32_0 = arith.constant 0 : i32
    return %c0_i32 : i32
  }
  func.func @transform_11(%arg0: i32) -> (i32, i32) {
    %c0_i32 = arith.constant 0 : i32
    %c0_i32_0 = arith.constant 0 : i32
    %c0_i32_1 = arith.constant 0 : i32
    return %c0_i32, %c0_i32_0 : i32, i32
  }
  func.func @transform_12(%arg0: i32) -> i32 {
    %c0_i32 = arith.constant 0 : i32
    %c0_i32_0 = arith.constant 0 : i32
    return %c0_i32 : i32
  }
  func.func @transform_13(%arg0: i32) -> (i32, i32) {
    %c0_i32 = arith.constant 0 : i32
    %c0_i32_0 = arith.constant 0 : i32
    %c0_i32_1 = arith.constant 0 : i32
    return %c0_i32, %c0_i32_0 : i32, i32
  }
  func.func @transform_14(%arg0: i32) -> (i32, i32) {
    %c0_i32 = arith.constant 0 : i32
    %c0_i32_0 = arith.constant 0 : i32
    %c0_i32_1 = arith.constant 0 : i32
    return %c0_i32, %c0_i32_0 : i32, i32
  }
  func.func @transform_15(%arg0: i32) -> i32 {
    %c0_i32 = arith.constant 0 : i32
    %c0_i32_0 = arith.constant 0 : i32
    return %c0_i32 : i32
  }
  func.func @transform_16(%arg0: i32) -> (i32, i32) {
    %c0_i32 = arith.constant 0 : i32
    %c0_i32_0 = arith.constant 0 : i32
    return %arg0, %c0_i32 : i32, i32
  }
  func.func @transform_17(%arg0: i32) -> (i32, i32) {
    %c0_i32 = arith.constant 0 : i32
    %c0_i32_0 = arith.constant 0 : i32
    return %arg0, %c0_i32 : i32, i32
  }
  func.func @transform_18(%arg0: i32) -> (i32, i32) {
    %c0_i32 = arith.constant 0 : i32
    %c0_i32_0 = arith.constant 0 : i32
    return %arg0, %c0_i32 : i32, i32
  }
}

module attributes {stable_mosaic.version = 14 : i64} {
  func.func @body(%arg0: i32, %arg1: memref<4000x128xf32, #tpu.memory_space<vmem>>, %arg2: memref<4000x128xf32, #tpu.memory_space<vmem>>, %arg3: memref<4000x6xf32, #tpu.memory_space<vmem>>, %arg4: memref<128x128xf32, #tpu.memory_space<vmem>>, %arg5: memref<128xf32, #tpu.memory_space<vmem>>, %arg6: memref<128x128xf32, #tpu.memory_space<vmem>>, %arg7: memref<128xf32, #tpu.memory_space<vmem>>, %arg8: memref<128x128xf32, #tpu.memory_space<vmem>>, %arg9: memref<128xf32, #tpu.memory_space<vmem>>, %arg10: memref<128x128xf32, #tpu.memory_space<vmem>>, %arg11: memref<128xf32, #tpu.memory_space<vmem>>, %arg12: memref<128x128xf32, #tpu.memory_space<vmem>>, %arg13: memref<128xf32, #tpu.memory_space<vmem>>, %arg14: memref<6x128xf32, #tpu.memory_space<vmem>>, %arg15: memref<4000x128xf32, #tpu.memory_space<vmem>>, %arg16: memref<4000x128xf32, #tpu.memory_space<vmem>>) attributes {dimension_semantics = [#tpu.dimension_semantics<arbitrary>], iteration_bounds = array<i64: 40>, scalar_prefetch = 0 : i64, scratch_operands = 0 : i64, tpu.core_type = #tpu.core_type<tc>, window_params = [{transform_indices = @transform_0, window_bounds = array<i64: 4000, 128>}, {transform_indices = @transform_1, window_bounds = array<i64: 4000, 128>}, {transform_indices = @transform_2, window_bounds = array<i64: 4000, 6>}, {pipeline_mode = #tpu.pipeline_mode<synchronous>, transform_indices = @transform_3, window_bounds = array<i64: 128, 128>}, {pipeline_mode = #tpu.pipeline_mode<synchronous>, transform_indices = @transform_4, window_bounds = array<i64: 128>}, {pipeline_mode = #tpu.pipeline_mode<synchronous>, transform_indices = @transform_5, window_bounds = array<i64: 128, 128>}, {pipeline_mode = #tpu.pipeline_mode<synchronous>, transform_indices = @transform_6, window_bounds = array<i64: 128>}, {pipeline_mode = #tpu.pipeline_mode<synchronous>, transform_indices = @transform_7, window_bounds = array<i64: 128, 128>}, {pipeline_mode = #tpu.pipeline_mode<synchronous>, transform_indices = @transform_8, window_bounds = array<i64: 128>}, {pipeline_mode = #tpu.pipeline_mode<synchronous>, transform_indices = @transform_9, window_bounds = array<i64: 128, 128>}, {pipeline_mode = #tpu.pipeline_mode<synchronous>, transform_indices = @transform_10, window_bounds = array<i64: 128>}, {pipeline_mode = #tpu.pipeline_mode<synchronous>, transform_indices = @transform_11, window_bounds = array<i64: 128, 128>}, {pipeline_mode = #tpu.pipeline_mode<synchronous>, transform_indices = @transform_12, window_bounds = array<i64: 128>}, {pipeline_mode = #tpu.pipeline_mode<synchronous>, transform_indices = @transform_13, window_bounds = array<i64: 6, 128>}, {transform_indices = @transform_14, window_bounds = array<i64: 4000, 128>}, {transform_indices = @transform_15, window_bounds = array<i64: 4000, 128>}]} {
    %get3A = arith.constant 0 : index
    %get3A_0 = arith.constant 0 : index
    %get3A_1 = vector.load %arg2[%get3A, %get3A_0] : memref<4000x128xf32, #tpu.memory_space<vmem>>, vector<4000x128xf32>
    %get3A_2 = arith.constant 0 : index
    %get3A_3 = arith.constant 0 : index
    %get3A_4 = vector.load %arg1[%get3A_2, %get3A_3] : memref<4000x128xf32, #tpu.memory_space<vmem>>, vector<4000x128xf32>
    %get3A_5 = arith.constant 0 : index
    %get3A_6 = arith.constant 0 : index
    %get3A_7 = vector.load %arg4[%get3A_5, %get3A_6] : memref<128x128xf32, #tpu.memory_space<vmem>>, vector<128x128xf32>
    %dot_general3A = arith.constant dense<0.000000e+00> : vector<4000x128xf32>
    %dot_general3A_8 = tpu.matmul %get3A_4, %get3A_7, %dot_general3A {dimension_numbers = #tpu.dot_dimension_numbers<[1], [0], [0], [1], [0, 0, 1, 1], [], []>, transpose_lhs_hint = false} : vector<4000x128xf32>, vector<128x128xf32>, vector<4000x128xf32> -> vector<4000x128xf32>
    %get3A_9 = arith.constant 0 : index
    %get3A_10 = vector.load %arg5[%get3A_9] : memref<128xf32, #tpu.memory_space<vmem>>, vector<128xf32>
    %broadcast_in_dim3A = vector.shape_cast %get3A_10 : vector<128xf32> to vector<1x128xf32>
    %add3A = vector.broadcast %broadcast_in_dim3A : vector<1x128xf32> to vector<4000x128xf32>
    %add3A_11 = arith.addf %dot_general3A_8, %add3A : vector<4000x128xf32>
    %logistic3A = arith.negf %add3A_11 : vector<4000x128xf32>
    %logistic3A_12 = math.exp %logistic3A : vector<4000x128xf32>
    %logistic3A_13 = arith.constant 1.000000e+00 : f32
    %logistic3A_14 = vector.broadcast %logistic3A_13 : f32 to vector<4000x128xf32>
    %logistic3A_15 = arith.addf %logistic3A_14, %logistic3A_12 : vector<4000x128xf32>
    %logistic3A_16 = arith.divf %logistic3A_14, %logistic3A_15 : vector<4000x128xf32>
    %mul3A = arith.mulf %add3A_11, %logistic3A_16 : vector<4000x128xf32>
    %add3A_17 = arith.addf %get3A_1, %mul3A : vector<4000x128xf32>
    %get3A_18 = arith.constant 0 : index
    %get3A_19 = arith.constant 0 : index
    %get3A_20 = vector.load %arg6[%get3A_18, %get3A_19] : memref<128x128xf32, #tpu.memory_space<vmem>>, vector<128x128xf32>
    %dot_general3A_21 = arith.constant dense<0.000000e+00> : vector<4000x128xf32>
    %dot_general3A_22 = tpu.matmul %add3A_17, %get3A_20, %dot_general3A_21 {dimension_numbers = #tpu.dot_dimension_numbers<[1], [0], [0], [1], [0, 0, 1, 1], [], []>, transpose_lhs_hint = false} : vector<4000x128xf32>, vector<128x128xf32>, vector<4000x128xf32> -> vector<4000x128xf32>
    %get3A_23 = arith.constant 0 : index
    %get3A_24 = vector.load %arg7[%get3A_23] : memref<128xf32, #tpu.memory_space<vmem>>, vector<128xf32>
    %broadcast_in_dim3A_25 = vector.shape_cast %get3A_24 : vector<128xf32> to vector<1x128xf32>
    %add3A_26 = vector.broadcast %broadcast_in_dim3A_25 : vector<1x128xf32> to vector<4000x128xf32>
    %add3A_27 = arith.addf %dot_general3A_22, %add3A_26 : vector<4000x128xf32>
    %logistic3A_28 = arith.negf %add3A_27 : vector<4000x128xf32>
    %logistic3A_29 = math.exp %logistic3A_28 : vector<4000x128xf32>
    %logistic3A_30 = arith.constant 1.000000e+00 : f32
    %logistic3A_31 = vector.broadcast %logistic3A_30 : f32 to vector<4000x128xf32>
    %logistic3A_32 = arith.addf %logistic3A_31, %logistic3A_29 : vector<4000x128xf32>
    %logistic3A_33 = arith.divf %logistic3A_31, %logistic3A_32 : vector<4000x128xf32>
    %mul3A_34 = arith.mulf %add3A_27, %logistic3A_33 : vector<4000x128xf32>
    %get3A_35 = arith.constant 0 : index
    %get3A_36 = arith.constant 0 : index
    %get3A_37 = vector.load %arg8[%get3A_35, %get3A_36] : memref<128x128xf32, #tpu.memory_space<vmem>>, vector<128x128xf32>
    %dot_general3A_38 = arith.constant dense<0.000000e+00> : vector<4000x128xf32>
    %dot_general3A_39 = tpu.matmul %mul3A_34, %get3A_37, %dot_general3A_38 {dimension_numbers = #tpu.dot_dimension_numbers<[1], [0], [0], [1], [0, 0, 1, 1], [], []>, transpose_lhs_hint = false} : vector<4000x128xf32>, vector<128x128xf32>, vector<4000x128xf32> -> vector<4000x128xf32>
    %add3A_40 = arith.addf %add3A_17, %dot_general3A_39 : vector<4000x128xf32>
    %get3A_41 = arith.constant 0 : index
    %get3A_42 = vector.load %arg9[%get3A_41] : memref<128xf32, #tpu.memory_space<vmem>>, vector<128xf32>
    %broadcast_in_dim3A_43 = vector.shape_cast %get3A_42 : vector<128xf32> to vector<1x128xf32>
    %add3A_44 = vector.broadcast %broadcast_in_dim3A_43 : vector<1x128xf32> to vector<4000x128xf32>
    %add3A_45 = arith.addf %add3A_40, %add3A_44 : vector<4000x128xf32>
    %get3A_46 = arith.constant 0 : index
    %get3A_47 = arith.constant 0 : index
    %get3A_48 = vector.load %arg10[%get3A_46, %get3A_47] : memref<128x128xf32, #tpu.memory_space<vmem>>, vector<128x128xf32>
    %dot_general3A_49 = arith.constant dense<0.000000e+00> : vector<4000x128xf32>
    %dot_general3A_50 = tpu.matmul %add3A_45, %get3A_48, %dot_general3A_49 {dimension_numbers = #tpu.dot_dimension_numbers<[1], [0], [0], [1], [0, 0, 1, 1], [], []>, transpose_lhs_hint = false} : vector<4000x128xf32>, vector<128x128xf32>, vector<4000x128xf32> -> vector<4000x128xf32>
    %get3A_51 = arith.constant 0 : index
    %get3A_52 = vector.load %arg11[%get3A_51] : memref<128xf32, #tpu.memory_space<vmem>>, vector<128xf32>
    %broadcast_in_dim3A_53 = vector.shape_cast %get3A_52 : vector<128xf32> to vector<1x128xf32>
    %add3A_54 = vector.broadcast %broadcast_in_dim3A_53 : vector<1x128xf32> to vector<4000x128xf32>
    %add3A_55 = arith.addf %dot_general3A_50, %add3A_54 : vector<4000x128xf32>
    %logistic3A_56 = arith.negf %add3A_55 : vector<4000x128xf32>
    %logistic3A_57 = math.exp %logistic3A_56 : vector<4000x128xf32>
    %logistic3A_58 = arith.constant 1.000000e+00 : f32
    %logistic3A_59 = vector.broadcast %logistic3A_58 : f32 to vector<4000x128xf32>
    %logistic3A_60 = arith.addf %logistic3A_59, %logistic3A_57 : vector<4000x128xf32>
    %logistic3A_61 = arith.divf %logistic3A_59, %logistic3A_60 : vector<4000x128xf32>
    %mul3A_62 = arith.mulf %add3A_55, %logistic3A_61 : vector<4000x128xf32>
    %get3A_63 = arith.constant 0 : index
    %get3A_64 = arith.constant 0 : index
    %get3A_65 = vector.load %arg12[%get3A_63, %get3A_64] : memref<128x128xf32, #tpu.memory_space<vmem>>, vector<128x128xf32>
    %dot_general3A_66 = arith.constant dense<0.000000e+00> : vector<4000x128xf32>
    %dot_general3A_67 = tpu.matmul %mul3A_62, %get3A_65, %dot_general3A_66 {dimension_numbers = #tpu.dot_dimension_numbers<[1], [0], [0], [1], [0, 0, 1, 1], [], []>, transpose_lhs_hint = false} : vector<4000x128xf32>, vector<128x128xf32>, vector<4000x128xf32> -> vector<4000x128xf32>
    %add3A_68 = arith.addf %add3A_45, %dot_general3A_67 : vector<4000x128xf32>
    %get3A_69 = arith.constant 0 : index
    %get3A_70 = vector.load %arg13[%get3A_69] : memref<128xf32, #tpu.memory_space<vmem>>, vector<128xf32>
    %broadcast_in_dim3A_71 = vector.shape_cast %get3A_70 : vector<128xf32> to vector<1x128xf32>
    %add3A_72 = vector.broadcast %broadcast_in_dim3A_71 : vector<1x128xf32> to vector<4000x128xf32>
    %add3A_73 = arith.addf %add3A_68, %add3A_72 : vector<4000x128xf32>
    %swap3A = arith.constant 0 : index
    %swap3A_74 = arith.constant 0 : index
    %swap3A_75 = vector.load %arg15[%swap3A, %swap3A_74] : memref<4000x128xf32, #tpu.memory_space<vmem>>, vector<4000x128xf32>
    tpu.vector_store %arg15[%swap3A, %swap3A_74], %add3A_73 {strides = array<i32>} : memref<4000x128xf32, #tpu.memory_space<vmem>>, vector<4000x128xf32>,
    %get3A_76 = arith.constant 0 : index
    %get3A_77 = arith.constant 0 : index
    %get3A_78 = vector.load %arg3[%get3A_76, %get3A_77] : memref<4000x6xf32, #tpu.memory_space<vmem>>, vector<4000x6xf32>
    %get3A_79 = arith.constant 0 : index
    %get3A_80 = arith.constant 0 : index
    %get3A_81 = vector.load %arg14[%get3A_79, %get3A_80] : memref<6x128xf32, #tpu.memory_space<vmem>>, vector<6x128xf32>
    %dot_general3A_82 = arith.constant dense<0.000000e+00> : vector<4000x128xf32>
    %dot_general3A_83 = tpu.matmul %get3A_78, %get3A_81, %dot_general3A_82 {dimension_numbers = #tpu.dot_dimension_numbers<[1], [0], [0], [1], [0, 0, 1, 1], [], []>, transpose_lhs_hint = false} : vector<4000x6xf32>, vector<6x128xf32>, vector<4000x128xf32> -> vector<4000x128xf32>
    %mul3A_84 = arith.mulf %add3A_73, %dot_general3A_83 : vector<4000x128xf32>
    %swap3A_85 = arith.constant 0 : index
    %swap3A_86 = arith.constant 0 : index
    %swap3A_87 = vector.load %arg16[%swap3A_85, %swap3A_86] : memref<4000x128xf32, #tpu.memory_space<vmem>>, vector<4000x128xf32>
    tpu.vector_store %arg16[%swap3A_85, %swap3A_86], %mul3A_84 {strides = array<i32>} : memref<4000x128xf32, #tpu.memory_space<vmem>>, vector<4000x128xf32>,
    return
  }
  func.func @transform_0(%arg0: i32) -> (i32, i32) {
    %c0_i32 = arith.constant 0 : i32
    %c0_i32_0 = arith.constant 0 : i32
    return %arg0, %c0_i32 : i32, i32
  }
  func.func @transform_1(%arg0: i32) -> (i32, i32) {
    %c0_i32 = arith.constant 0 : i32
    %c0_i32_0 = arith.constant 0 : i32
    return %arg0, %c0_i32 : i32, i32
  }
  func.func @transform_2(%arg0: i32) -> (i32, i32) {
    %c0_i32 = arith.constant 0 : i32
    %c0_i32_0 = arith.constant 0 : i32
    return %arg0, %c0_i32 : i32, i32
  }
  func.func @transform_3(%arg0: i32) -> (i32, i32) {
    %c0_i32 = arith.constant 0 : i32
    %c0_i32_0 = arith.constant 0 : i32
    %c0_i32_1 = arith.constant 0 : i32
    return %c0_i32, %c0_i32_0 : i32, i32
  }
  func.func @transform_4(%arg0: i32) -> i32 {
    %c0_i32 = arith.constant 0 : i32
    %c0_i32_0 = arith.constant 0 : i32
    return %c0_i32 : i32
  }
  func.func @transform_5(%arg0: i32) -> (i32, i32) {
    %c0_i32 = arith.constant 0 : i32
    %c0_i32_0 = arith.constant 0 : i32
    %c0_i32_1 = arith.constant 0 : i32
    return %c0_i32, %c0_i32_0 : i32, i32
  }
  func.func @transform_6(%arg0: i32) -> i32 {
    %c0_i32 = arith.constant 0 : i32
    %c0_i32_0 = arith.constant 0 : i32
    return %c0_i32 : i32
  }
  func.func @transform_7(%arg0: i32) -> (i32, i32) {
    %c0_i32 = arith.constant 0 : i32
    %c0_i32_0 = arith.constant 0 : i32
    %c0_i32_1 = arith.constant 0 : i32
    return %c0_i32, %c0_i32_0 : i32, i32
  }
  func.func @transform_8(%arg0: i32) -> i32 {
    %c0_i32 = arith.constant 0 : i32
    %c0_i32_0 = arith.constant 0 : i32
    return %c0_i32 : i32
  }
  func.func @transform_9(%arg0: i32) -> (i32, i32) {
    %c0_i32 = arith.constant 0 : i32
    %c0_i32_0 = arith.constant 0 : i32
    %c0_i32_1 = arith.constant 0 : i32
    return %c0_i32, %c0_i32_0 : i32, i32
  }
  func.func @transform_10(%arg0: i32) -> i32 {
    %c0_i32 = arith.constant 0 : i32
    %c0_i32_0 = arith.constant 0 : i32
    return %c0_i32 : i32
  }
  func.func @transform_11(%arg0: i32) -> (i32, i32) {
    %c0_i32 = arith.constant 0 : i32
    %c0_i32_0 = arith.constant 0 : i32
    %c0_i32_1 = arith.constant 0 : i32
    return %c0_i32, %c0_i32_0 : i32, i32
  }
  func.func @transform_12(%arg0: i32) -> i32 {
    %c0_i32 = arith.constant 0 : i32
    %c0_i32_0 = arith.constant 0 : i32
    return %c0_i32 : i32
  }
  func.func @transform_13(%arg0: i32) -> (i32, i32) {
    %c0_i32 = arith.constant 0 : i32
    %c0_i32_0 = arith.constant 0 : i32
    %c0_i32_1 = arith.constant 0 : i32
    return %c0_i32, %c0_i32_0 : i32, i32
  }
  func.func @transform_14(%arg0: i32) -> (i32, i32) {
    %c0_i32 = arith.constant 0 : i32
    %c0_i32_0 = arith.constant 0 : i32
    return %arg0, %c0_i32 : i32, i32
  }
  func.func @transform_15(%arg0: i32) -> (i32, i32) {
    %c0_i32 = arith.constant 0 : i32
    %c0_i32_0 = arith.constant 0 : i32
    return %arg0, %c0_i32 : i32, i32
  }
}

module attributes {stable_mosaic.version = 14 : i64} {
  func.func @body(%arg0: i32, %arg1: memref<2x2000x128xf32, #tpu.memory_space<vmem>>, %arg2: memref<2x2000x128xf32, #tpu.memory_space<vmem>>, %arg3: memref<2x2000x128xf32, #tpu.memory_space<vmem>>, %arg4: memref<128x64xf32, #tpu.memory_space<vmem>>, %arg5: memref<64xf32, #tpu.memory_space<vmem>>, %arg6: memref<64x1xf32, #tpu.memory_space<vmem>>, %arg7: memref<1xf32, #tpu.memory_space<vmem>>, %arg8: memref<128x64xf32, #tpu.memory_space<vmem>>, %arg9: memref<64xf32, #tpu.memory_space<vmem>>, %arg10: memref<64x1xf32, #tpu.memory_space<vmem>>, %arg11: memref<1xf32, #tpu.memory_space<vmem>>, %arg12: memref<128x64xf32, #tpu.memory_space<vmem>>, %arg13: memref<64xf32, #tpu.memory_space<vmem>>, %arg14: memref<64x1xf32, #tpu.memory_space<vmem>>, %arg15: memref<1xf32, #tpu.memory_space<vmem>>, %arg16: memref<1x1xf32, #tpu.memory_space<vmem>>) attributes {dimension_semantics = [#tpu.dimension_semantics<arbitrary>], iteration_bounds = array<i64: 5>, scalar_prefetch = 0 : i64, scratch_operands = 0 : i64, tpu.core_type = #tpu.core_type<tc>, window_params = [{transform_indices = @transform_0, window_bounds = array<i64: 2, 2000, 128>}, {transform_indices = @transform_1, window_bounds = array<i64: 2, 2000, 128>}, {transform_indices = @transform_2, window_bounds = array<i64: 2, 2000, 128>}, {pipeline_mode = #tpu.pipeline_mode<synchronous>, transform_indices = @transform_3, window_bounds = array<i64: 128, 64>}, {pipeline_mode = #tpu.pipeline_mode<synchronous>, transform_indices = @transform_4, window_bounds = array<i64: 64>}, {pipeline_mode = #tpu.pipeline_mode<synchronous>, transform_indices = @transform_5, window_bounds = array<i64: 64, 1>}, {pipeline_mode = #tpu.pipeline_mode<synchronous>, transform_indices = @transform_6, window_bounds = array<i64: 1>}, {pipeline_mode = #tpu.pipeline_mode<synchronous>, transform_indices = @transform_7, window_bounds = array<i64: 128, 64>}, {pipeline_mode = #tpu.pipeline_mode<synchronous>, transform_indices = @transform_8, window_bounds = array<i64: 64>}, {pipeline_mode = #tpu.pipeline_mode<synchronous>, transform_indices = @transform_9, window_bounds = array<i64: 64, 1>}, {pipeline_mode = #tpu.pipeline_mode<synchronous>, transform_indices = @transform_10, window_bounds = array<i64: 1>}, {pipeline_mode = #tpu.pipeline_mode<synchronous>, transform_indices = @transform_11, window_bounds = array<i64: 128, 64>}, {pipeline_mode = #tpu.pipeline_mode<synchronous>, transform_indices = @transform_12, window_bounds = array<i64: 64>}, {pipeline_mode = #tpu.pipeline_mode<synchronous>, transform_indices = @transform_13, window_bounds = array<i64: 64, 1>}, {pipeline_mode = #tpu.pipeline_mode<synchronous>, transform_indices = @transform_14, window_bounds = array<i64: 1>}, {pipeline_mode = #tpu.pipeline_mode<synchronous>, transform_indices = @transform_15, window_bounds = array<i64: 1, 1>}]} {
    %eq3A = arith.constant 0 : i32
    %eq3A_0 = arith.cmpi eq, %arg0, %eq3A : i32
    %convert_element_type3A = arith.extui %eq3A_0 : i1 to i32
    %cond3A = arith.constant 0 : i32
    %cond3A_1 = arith.cmpi ne, %convert_element_type3A, %cond3A : i32
    scf.if %cond3A_1 {
      %broadcast_in_dim3A_155 = arith.constant 0.000000e+00 : f32
      %broadcast_in_dim3A_156 = vector.broadcast %broadcast_in_dim3A_155 : f32 to vector<1x1xf32>
      %swap3A_157 = arith.constant 0 : index
      %swap3A_158 = arith.constant 0 : index
      %swap3A_159 = vector.load %arg16[%swap3A_157, %swap3A_158] : memref<1x1xf32, #tpu.memory_space<vmem>>, vector<1x1xf32>
      tpu.vector_store %arg16[%swap3A_157, %swap3A_158], %broadcast_in_dim3A_156 {strides = array<i32>} : memref<1x1xf32, #tpu.memory_space<vmem>>, vector<1x1xf32>,
    } else {
    }
    %get3A = arith.constant 0 : index
    %get3A_2 = arith.constant 0 : index
    %get3A_3 = arith.constant 0 : index
    %get3A_4 = vector.load %arg1[%get3A, %get3A_2, %get3A_3] : memref<2x2000x128xf32, #tpu.memory_space<vmem>>, vector<1x2000x128xf32>
    %get3A_5 = vector.shape_cast %get3A_4 : vector<1x2000x128xf32> to vector<2000x128xf32>
    %get3A_6 = arith.constant 1 : index
    %get3A_7 = arith.constant 0 : index
    %get3A_8 = arith.constant 0 : index
    %get3A_9 = vector.load %arg1[%get3A_6, %get3A_7, %get3A_8] : memref<2x2000x128xf32, #tpu.memory_space<vmem>>, vector<1x2000x128xf32>
    %get3A_10 = vector.shape_cast %get3A_9 : vector<1x2000x128xf32> to vector<2000x128xf32>
    %add3A = arith.addf %get3A_5, %get3A_10 : vector<2000x128xf32>
    %logistic3A = arith.negf %add3A : vector<2000x128xf32>
    %logistic3A_11 = math.exp %logistic3A : vector<2000x128xf32>
    %logistic3A_12 = arith.constant 1.000000e+00 : f32
    %logistic3A_13 = vector.broadcast %logistic3A_12 : f32 to vector<2000x128xf32>
    %logistic3A_14 = arith.addf %logistic3A_13, %logistic3A_11 : vector<2000x128xf32>
    %logistic3A_15 = arith.divf %logistic3A_13, %logistic3A_14 : vector<2000x128xf32>
    %mul3A = arith.mulf %add3A, %logistic3A_15 : vector<2000x128xf32>
    %get3A_16 = arith.constant 0 : index
    %get3A_17 = arith.constant 0 : index
    %get3A_18 = vector.load %arg4[%get3A_16, %get3A_17] : memref<128x64xf32, #tpu.memory_space<vmem>>, vector<128x64xf32>
    %dot_general3A = arith.constant dense<0.000000e+00> : vector<2000x64xf32>
    %dot_general3A_19 = tpu.matmul %mul3A, %get3A_18, %dot_general3A {dimension_numbers = #tpu.dot_dimension_numbers<[1], [0], [0], [1], [0, 0, 1, 1], [], []>, transpose_lhs_hint = false} : vector<2000x128xf32>, vector<128x64xf32>, vector<2000x64xf32> -> vector<2000x64xf32>
    %get3A_20 = arith.constant 0 : index
    %get3A_21 = vector.load %arg5[%get3A_20] : memref<64xf32, #tpu.memory_space<vmem>>, vector<64xf32>
    %broadcast_in_dim3A = vector.shape_cast %get3A_21 : vector<64xf32> to vector<1x64xf32>
    %add3A_22 = vector.broadcast %broadcast_in_dim3A : vector<1x64xf32> to vector<2000x64xf32>
    %add3A_23 = arith.addf %dot_general3A_19, %add3A_22 : vector<2000x64xf32>
    %logistic3A_24 = arith.negf %add3A_23 : vector<2000x64xf32>
    %logistic3A_25 = math.exp %logistic3A_24 : vector<2000x64xf32>
    %logistic3A_26 = arith.constant 1.000000e+00 : f32
    %logistic3A_27 = vector.broadcast %logistic3A_26 : f32 to vector<2000x64xf32>
    %logistic3A_28 = arith.addf %logistic3A_27, %logistic3A_25 : vector<2000x64xf32>
    %logistic3A_29 = arith.divf %logistic3A_27, %logistic3A_28 : vector<2000x64xf32>
    %mul3A_30 = arith.mulf %add3A_23, %logistic3A_29 : vector<2000x64xf32>
    %get3A_31 = arith.constant 0 : index
    %get3A_32 = arith.constant 0 : index
    %get3A_33 = vector.load %arg6[%get3A_31, %get3A_32] : memref<64x1xf32, #tpu.memory_space<vmem>>, vector<64x1xf32>
    %dot_general3A_34 = arith.constant dense<0.000000e+00> : vector<2000x1xf32>
    %dot_general3A_35 = tpu.matmul %mul3A_30, %get3A_33, %dot_general3A_34 {dimension_numbers = #tpu.dot_dimension_numbers<[1], [0], [0], [1], [0, 0, 1, 1], [], []>, transpose_lhs_hint = false} : vector<2000x64xf32>, vector<64x1xf32>, vector<2000x1xf32> -> vector<2000x1xf32>
    %get3A_36 = arith.constant 0 : index
    %get3A_37 = vector.load %arg7[%get3A_36] : memref<1xf32, #tpu.memory_space<vmem>>, vector<1xf32>
    %broadcast_in_dim3A_38 = vector.shape_cast %get3A_37 : vector<1xf32> to vector<1x1xf32>
    %add3A_39 = vector.broadcast %broadcast_in_dim3A_38 : vector<1x1xf32> to vector<2000x1xf32>
    %add3A_40 = arith.addf %dot_general3A_35, %add3A_39 : vector<2000x1xf32>
    %reduce_sum3A = vector.shape_cast %add3A_40 : vector<2000x1xf32> to vector<1x2000x1xf32>
    %reduce_sum3A_41 = arith.constant dense<0.000000e+00> : vector<1xf32>
    %reduce_sum3A_42 = vector.multi_reduction <add>, %reduce_sum3A, %reduce_sum3A_41 [1, 2] : vector<1x2000x1xf32> to vector<1xf32>
    %reduce_sum3A_43 = vector.shape_cast %reduce_sum3A_42 : vector<1xf32> to vector<1x1x1xf32>
    %reduce_sum3A_44 = vector.extract %reduce_sum3A_43[0, 0, 0] : f32 from vector<1x1x1xf32>
    %add3A_45 = arith.constant 0.000000e+00 : f32
    %add3A_46 = arith.addf %add3A_45, %reduce_sum3A_44 : f32
    %get3A_47 = arith.constant 0 : index
    %get3A_48 = arith.constant 0 : index
    %get3A_49 = arith.constant 0 : index
    %get3A_50 = vector.load %arg2[%get3A_47, %get3A_48, %get3A_49] : memref<2x2000x128xf32, #tpu.memory_space<vmem>>, vector<1x2000x128xf32>
    %get3A_51 = vector.shape_cast %get3A_50 : vector<1x2000x128xf32> to vector<2000x128xf32>
    %get3A_52 = arith.constant 1 : index
    %get3A_53 = arith.constant 0 : index
    %get3A_54 = arith.constant 0 : index
    %get3A_55 = vector.load %arg2[%get3A_52, %get3A_53, %get3A_54] : memref<2x2000x128xf32, #tpu.memory_space<vmem>>, vector<1x2000x128xf32>
    %get3A_56 = vector.shape_cast %get3A_55 : vector<1x2000x128xf32> to vector<2000x128xf32>
    %add3A_57 = arith.addf %get3A_51, %get3A_56 : vector<2000x128xf32>
    %logistic3A_58 = arith.negf %add3A_57 : vector<2000x128xf32>
    %logistic3A_59 = math.exp %logistic3A_58 : vector<2000x128xf32>
    %logistic3A_60 = arith.constant 1.000000e+00 : f32
    %logistic3A_61 = vector.broadcast %logistic3A_60 : f32 to vector<2000x128xf32>
    %logistic3A_62 = arith.addf %logistic3A_61, %logistic3A_59 : vector<2000x128xf32>
    %logistic3A_63 = arith.divf %logistic3A_61, %logistic3A_62 : vector<2000x128xf32>
    %mul3A_64 = arith.mulf %add3A_57, %logistic3A_63 : vector<2000x128xf32>
    %get3A_65 = arith.constant 0 : index
    %get3A_66 = arith.constant 0 : index
    %get3A_67 = vector.load %arg8[%get3A_65, %get3A_66] : memref<128x64xf32, #tpu.memory_space<vmem>>, vector<128x64xf32>
    %dot_general3A_68 = arith.constant dense<0.000000e+00> : vector<2000x64xf32>
    %dot_general3A_69 = tpu.matmul %mul3A_64, %get3A_67, %dot_general3A_68 {dimension_numbers = #tpu.dot_dimension_numbers<[1], [0], [0], [1], [0, 0, 1, 1], [], []>, transpose_lhs_hint = false} : vector<2000x128xf32>, vector<128x64xf32>, vector<2000x64xf32> -> vector<2000x64xf32>
    %get3A_70 = arith.constant 0 : index
    %get3A_71 = vector.load %arg9[%get3A_70] : memref<64xf32, #tpu.memory_space<vmem>>, vector<64xf32>
    %broadcast_in_dim3A_72 = vector.shape_cast %get3A_71 : vector<64xf32> to vector<1x64xf32>
    %add3A_73 = vector.broadcast %broadcast_in_dim3A_72 : vector<1x64xf32> to vector<2000x64xf32>
    %add3A_74 = arith.addf %dot_general3A_69, %add3A_73 : vector<2000x64xf32>
    %logistic3A_75 = arith.negf %add3A_74 : vector<2000x64xf32>
    %logistic3A_76 = math.exp %logistic3A_75 : vector<2000x64xf32>
    %logistic3A_77 = arith.constant 1.000000e+00 : f32
    %logistic3A_78 = vector.broadcast %logistic3A_77 : f32 to vector<2000x64xf32>
    %logistic3A_79 = arith.addf %logistic3A_78, %logistic3A_76 : vector<2000x64xf32>
    %logistic3A_80 = arith.divf %logistic3A_78, %logistic3A_79 : vector<2000x64xf32>
    %mul3A_81 = arith.mulf %add3A_74, %logistic3A_80 : vector<2000x64xf32>
    %get3A_82 = arith.constant 0 : index
    %get3A_83 = arith.constant 0 : index
    %get3A_84 = vector.load %arg10[%get3A_82, %get3A_83] : memref<64x1xf32, #tpu.memory_space<vmem>>, vector<64x1xf32>
    %dot_general3A_85 = arith.constant dense<0.000000e+00> : vector<2000x1xf32>
    %dot_general3A_86 = tpu.matmul %mul3A_81, %get3A_84, %dot_general3A_85 {dimension_numbers = #tpu.dot_dimension_numbers<[1], [0], [0], [1], [0, 0, 1, 1], [], []>, transpose_lhs_hint = false} : vector<2000x64xf32>, vector<64x1xf32>, vector<2000x1xf32> -> vector<2000x1xf32>
    %get3A_87 = arith.constant 0 : index
    %get3A_88 = vector.load %arg11[%get3A_87] : memref<1xf32, #tpu.memory_space<vmem>>, vector<1xf32>
    %broadcast_in_dim3A_89 = vector.shape_cast %get3A_88 : vector<1xf32> to vector<1x1xf32>
    %add3A_90 = vector.broadcast %broadcast_in_dim3A_89 : vector<1x1xf32> to vector<2000x1xf32>
    %add3A_91 = arith.addf %dot_general3A_86, %add3A_90 : vector<2000x1xf32>
    %reduce_sum3A_92 = vector.shape_cast %add3A_91 : vector<2000x1xf32> to vector<1x2000x1xf32>
    %reduce_sum3A_93 = arith.constant dense<0.000000e+00> : vector<1xf32>
    %reduce_sum3A_94 = vector.multi_reduction <add>, %reduce_sum3A_92, %reduce_sum3A_93 [1, 2] : vector<1x2000x1xf32> to vector<1xf32>
    %reduce_sum3A_95 = vector.shape_cast %reduce_sum3A_94 : vector<1xf32> to vector<1x1x1xf32>
    %reduce_sum3A_96 = vector.extract %reduce_sum3A_95[0, 0, 0] : f32 from vector<1x1x1xf32>
    %add3A_97 = arith.addf %add3A_46, %reduce_sum3A_96 : f32
    %get3A_98 = arith.constant 0 : index
    %get3A_99 = arith.constant 0 : index
    %get3A_100 = arith.constant 0 : index
    %get3A_101 = vector.load %arg3[%get3A_98, %get3A_99, %get3A_100] : memref<2x2000x128xf32, #tpu.memory_space<vmem>>, vector<1x2000x128xf32>
    %get3A_102 = vector.shape_cast %get3A_101 : vector<1x2000x128xf32> to vector<2000x128xf32>
    %get3A_103 = arith.constant 1 : index
    %get3A_104 = arith.constant 0 : index
    %get3A_105 = arith.constant 0 : index
    %get3A_106 = vector.load %arg3[%get3A_103, %get3A_104, %get3A_105] : memref<2x2000x128xf32, #tpu.memory_space<vmem>>, vector<1x2000x128xf32>
    %get3A_107 = vector.shape_cast %get3A_106 : vector<1x2000x128xf32> to vector<2000x128xf32>
    %add3A_108 = arith.addf %get3A_102, %get3A_107 : vector<2000x128xf32>
    %logistic3A_109 = arith.negf %add3A_108 : vector<2000x128xf32>
    %logistic3A_110 = math.exp %logistic3A_109 : vector<2000x128xf32>
    %logistic3A_111 = arith.constant 1.000000e+00 : f32
    %logistic3A_112 = vector.broadcast %logistic3A_111 : f32 to vector<2000x128xf32>
    %logistic3A_113 = arith.addf %logistic3A_112, %logistic3A_110 : vector<2000x128xf32>
    %logistic3A_114 = arith.divf %logistic3A_112, %logistic3A_113 : vector<2000x128xf32>
    %mul3A_115 = arith.mulf %add3A_108, %logistic3A_114 : vector<2000x128xf32>
    %get3A_116 = arith.constant 0 : index
    %get3A_117 = arith.constant 0 : index
    %get3A_118 = vector.load %arg12[%get3A_116, %get3A_117] : memref<128x64xf32, #tpu.memory_space<vmem>>, vector<128x64xf32>
    %dot_general3A_119 = arith.constant dense<0.000000e+00> : vector<2000x64xf32>
    %dot_general3A_120 = tpu.matmul %mul3A_115, %get3A_118, %dot_general3A_119 {dimension_numbers = #tpu.dot_dimension_numbers<[1], [0], [0], [1], [0, 0, 1, 1], [], []>, transpose_lhs_hint = false} : vector<2000x128xf32>, vector<128x64xf32>, vector<2000x64xf32> -> vector<2000x64xf32>
    %get3A_121 = arith.constant 0 : index
    %get3A_122 = vector.load %arg13[%get3A_121] : memref<64xf32, #tpu.memory_space<vmem>>, vector<64xf32>
    %broadcast_in_dim3A_123 = vector.shape_cast %get3A_122 : vector<64xf32> to vector<1x64xf32>
    %add3A_124 = vector.broadcast %broadcast_in_dim3A_123 : vector<1x64xf32> to vector<2000x64xf32>
    %add3A_125 = arith.addf %dot_general3A_120, %add3A_124 : vector<2000x64xf32>
    %logistic3A_126 = arith.negf %add3A_125 : vector<2000x64xf32>
    %logistic3A_127 = math.exp %logistic3A_126 : vector<2000x64xf32>
    %logistic3A_128 = arith.constant 1.000000e+00 : f32
    %logistic3A_129 = vector.broadcast %logistic3A_128 : f32 to vector<2000x64xf32>
    %logistic3A_130 = arith.addf %logistic3A_129, %logistic3A_127 : vector<2000x64xf32>
    %logistic3A_131 = arith.divf %logistic3A_129, %logistic3A_130 : vector<2000x64xf32>
    %mul3A_132 = arith.mulf %add3A_125, %logistic3A_131 : vector<2000x64xf32>
    %get3A_133 = arith.constant 0 : index
    %get3A_134 = arith.constant 0 : index
    %get3A_135 = vector.load %arg14[%get3A_133, %get3A_134] : memref<64x1xf32, #tpu.memory_space<vmem>>, vector<64x1xf32>
    %dot_general3A_136 = arith.constant dense<0.000000e+00> : vector<2000x1xf32>
    %dot_general3A_137 = tpu.matmul %mul3A_132, %get3A_135, %dot_general3A_136 {dimension_numbers = #tpu.dot_dimension_numbers<[1], [0], [0], [1], [0, 0, 1, 1], [], []>, transpose_lhs_hint = false} : vector<2000x64xf32>, vector<64x1xf32>, vector<2000x1xf32> -> vector<2000x1xf32>
    %get3A_138 = arith.constant 0 : index
    %get3A_139 = vector.load %arg15[%get3A_138] : memref<1xf32, #tpu.memory_space<vmem>>, vector<1xf32>
    %broadcast_in_dim3A_140 = vector.shape_cast %get3A_139 : vector<1xf32> to vector<1x1xf32>
    %add3A_141 = vector.broadcast %broadcast_in_dim3A_140 : vector<1x1xf32> to vector<2000x1xf32>
    %add3A_142 = arith.addf %dot_general3A_137, %add3A_141 : vector<2000x1xf32>
    %reduce_sum3A_143 = vector.shape_cast %add3A_142 : vector<2000x1xf32> to vector<1x2000x1xf32>
    %reduce_sum3A_144 = arith.constant dense<0.000000e+00> : vector<1xf32>
    %reduce_sum3A_145 = vector.multi_reduction <add>, %reduce_sum3A_143, %reduce_sum3A_144 [1, 2] : vector<1x2000x1xf32> to vector<1xf32>
    %reduce_sum3A_146 = vector.shape_cast %reduce_sum3A_145 : vector<1xf32> to vector<1x1x1xf32>
    %reduce_sum3A_147 = vector.extract %reduce_sum3A_146[0, 0, 0] : f32 from vector<1x1x1xf32>
    %add3A_148 = arith.addf %add3A_97, %reduce_sum3A_147 : f32
    %get3A_149 = arith.constant 0 : index
    %get3A_150 = arith.constant 0 : index
    %get3A_151 = vector.load %arg16[%get3A_149, %get3A_150] : memref<1x1xf32, #tpu.memory_space<vmem>>, vector<1x1xf32>
    %reshape3A = vector.broadcast %add3A_148 : f32 to vector<1x1xf32>
    %add3A_152 = arith.addf %get3A_151, %reshape3A : vector<1x1xf32>
    %swap3A = arith.constant 0 : index
    %swap3A_153 = arith.constant 0 : index
    %swap3A_154 = vector.load %arg16[%swap3A, %swap3A_153] : memref<1x1xf32, #tpu.memory_space<vmem>>, vector<1x1xf32>
    tpu.vector_store %arg16[%swap3A, %swap3A_153], %add3A_152 {strides = array<i32>} : memref<1x1xf32, #tpu.memory_space<vmem>>, vector<1x1xf32>,
    return
  }
  func.func @transform_0(%arg0: i32) -> (i32, i32, i32) {
    %c0_i32 = arith.constant 0 : i32
    %c0_i32_0 = arith.constant 0 : i32
    %c0_i32_1 = arith.constant 0 : i32
    return %c0_i32, %arg0, %c0_i32_0 : i32, i32, i32
  }
  func.func @transform_1(%arg0: i32) -> (i32, i32, i32) {
    %c0_i32 = arith.constant 0 : i32
    %c0_i32_0 = arith.constant 0 : i32
    %c0_i32_1 = arith.constant 0 : i32
    return %c0_i32, %arg0, %c0_i32_0 : i32, i32, i32
  }
  func.func @transform_2(%arg0: i32) -> (i32, i32, i32) {
    %c0_i32 = arith.constant 0 : i32
    %c0_i32_0 = arith.constant 0 : i32
    %c0_i32_1 = arith.constant 0 : i32
    return %c0_i32, %arg0, %c0_i32_0 : i32, i32, i32
  }
  func.func @transform_3(%arg0: i32) -> (i32, i32) {
    %c0_i32 = arith.constant 0 : i32
    %c0_i32_0 = arith.constant 0 : i32
    %c0_i32_1 = arith.constant 0 : i32
    return %c0_i32, %c0_i32_0 : i32, i32
  }
  func.func @transform_4(%arg0: i32) -> i32 {
    %c0_i32 = arith.constant 0 : i32
    %c0_i32_0 = arith.constant 0 : i32
    return %c0_i32 : i32
  }
  func.func @transform_5(%arg0: i32) -> (i32, i32) {
    %c0_i32 = arith.constant 0 : i32
    %c0_i32_0 = arith.constant 0 : i32
    %c0_i32_1 = arith.constant 0 : i32
    return %c0_i32, %c0_i32_0 : i32, i32
  }
  func.func @transform_6(%arg0: i32) -> i32 {
    %c0_i32 = arith.constant 0 : i32
    %c0_i32_0 = arith.constant 0 : i32
    return %c0_i32 : i32
  }
  func.func @transform_7(%arg0: i32) -> (i32, i32) {
    %c0_i32 = arith.constant 0 : i32
    %c0_i32_0 = arith.constant 0 : i32
    %c0_i32_1 = arith.constant 0 : i32
    return %c0_i32, %c0_i32_0 : i32, i32
  }
  func.func @transform_8(%arg0: i32) -> i32 {
    %c0_i32 = arith.constant 0 : i32
    %c0_i32_0 = arith.constant 0 : i32
    return %c0_i32 : i32
  }
  func.func @transform_9(%arg0: i32) -> (i32, i32) {
    %c0_i32 = arith.constant 0 : i32
    %c0_i32_0 = arith.constant 0 : i32
    %c0_i32_1 = arith.constant 0 : i32
    return %c0_i32, %c0_i32_0 : i32, i32
  }
  func.func @transform_10(%arg0: i32) -> i32 {
    %c0_i32 = arith.constant 0 : i32
    %c0_i32_0 = arith.constant 0 : i32
    return %c0_i32 : i32
  }
  func.func @transform_11(%arg0: i32) -> (i32, i32) {
    %c0_i32 = arith.constant 0 : i32
    %c0_i32_0 = arith.constant 0 : i32
    %c0_i32_1 = arith.constant 0 : i32
    return %c0_i32, %c0_i32_0 : i32, i32
  }
  func.func @transform_12(%arg0: i32) -> i32 {
    %c0_i32 = arith.constant 0 : i32
    %c0_i32_0 = arith.constant 0 : i32
    return %c0_i32 : i32
  }
  func.func @transform_13(%arg0: i32) -> (i32, i32) {
    %c0_i32 = arith.constant 0 : i32
    %c0_i32_0 = arith.constant 0 : i32
    %c0_i32_1 = arith.constant 0 : i32
    return %c0_i32, %c0_i32_0 : i32, i32
  }
  func.func @transform_14(%arg0: i32) -> i32 {
    %c0_i32 = arith.constant 0 : i32
    %c0_i32_0 = arith.constant 0 : i32
    return %c0_i32 : i32
  }
  func.func @transform_15(%arg0: i32) -> (i32, i32) {
    %c0_i32 = arith.constant 0 : i32
    %c0_i32_0 = arith.constant 0 : i32
    %c0_i32_1 = arith.constant 0 : i32
    return %c0_i32, %c0_i32_0 : i32, i32
  }
}

</mosaic_0001>

<sc_bundles>
// kernel: kernel.18.cloned.1.call-start
scs
__scs_entry_jumppad:
0x0: {  	(pc) =	sbr.rel $0x88, $3  }
0x1: {  	(tag) =	ssettag $0x0;
	lr =	simm.s32 $0x1  }
0x2: {  	[smem:$0x3F6A] =	sst lr;
	_ =	strace $0xD0000000  }
0x3: {  	_ = 	snop  }
0x4: {  	_ = 	snop  }
0x5: {  	_ = 	snop  }
0x6: {  	_ = 	snop  }
0x7: {  	_ = 	snop  }
__scs_overlays_trampoline_lowered:
0x8: {  	[smem:$0x3F79] =	sst s0  }
0x9: {  	[smem:$0x3F7A] =	sst s1  }
0xa: {  	[smem:$0x3F7B] =	sst s2  }
0xb: {  	[smem:$0x3F7C] =	sst s3  }
0xc: {  	[smem:$0x3F7D] =	sst s4  }
0xd: {  	[smem:$0x3F7E] =	sst s5  }
0xe: {  	[smem:$0x3F7F] =	sst s6  }
0xf: {  	[smem:$0x3F80] =	sst s7  }
0x10: {  	[smem:$0x3F81] =	sst s8  }
0x11: {  	[smem:$0x3F82] =	sst s9;
	s0 =	simm.s32 @!p0 $0x0  }
0x12: {  	s1 =	sld [smem:$0x3F68];
	s0 =	simm.s32 @p0 $0x1  }
0x13: {  	[smem:$0x3F83] =	sst s0;
	s0 =	simm.s32 @!p1 $0x0  }
0x14: {  	s2 =	sld [smem:$0x3F67];
	s0 =	simm.s32 @p1 $0x1  }
0x15: {  	[smem:$0x3F84] =	sst s0;
	s0 =	simm.s32 @!p2 $0x0  }
0x16: {  	s3 =	sld [smem:$0x3FDB];
	s0 =	simm.s32 @p2 $0x1  }
0x17: {  	s4 =	simm.s32 $0x1BF5;
	[smem:$0x3F86] =	sst s0  }
0x18: {  	s0 =	sld [smem:$0x3F69];
	_ =	swait.ge [sflag:s4], $0x0  }
0x19: {  	s7 =	sld [smem:$0x3F6A]  }
0x1a: {  	s8 =	sadd.s32 $0xFFFFE003, lr  }
0x1b: {  	s9 =	sadd.s32 $0xFFFFFEF7, lr;
	s5 =	simm.s32 $0xFFFFFFFF;
	p2 =	slt.u32 s8, $0xFFFFF086  }
0x1c: {  	p1 =	slt.u32 s9, $0xF7A;
	s5 =	simm.s32 @!p2 $0x0  }
0x1d: {  	s5 =	simm.s32 @p1 $0x1;
	p0 =	seq.s32 s7, s2  }
0x1e: {  	s7 =	smul.u32 @!p0 $0xF7A, s2;
	p2 =	seq.s32 @!p0 s5, $0x0  }
0x1f: {  	s9 =	smul.u32 $0xF7A, s1;
	s8 =	simm.s32 @!p0 $0x1BF5;
	p2 =	por !p2, p0  }
0x20: {  	[sflag:s8] =	ssyncset.s32 @!p0 $0xFFFFF086;
	s6 =	sadd.s32 @!p0 s3, s7;
	s7 =	simm.s32 @!p0 $0x108  }
0x21: {  	s3 =	sadd.s32 s3, s9;
	s6 =	sadd.s32 @!p0 $0x88, s6;
	s7 =	simm.s32 @p2 $0x1082  }
0x22: {  	[simem:s7], [sflag:s8] =	dma.local @!p0 [hbm:s6], $0xF7A  }
0x23: {  	s9 =	sor.u32 $0xD0000000, s2;
	s6 =	simm.s32 $0x108;
	_ =	swait.ge @!p0 [sflag:s8], $0x0  }
0x24: {  	s3 =	sadd.s32 $0x88, s3;
	s6 =	simm.s32 @!p1 $0x1082;
	[sflag:s4] =	ssyncset.s32 $0xFFFFF086  }
0x25: {  	[simem:s6], [sflag:s4] =	dma.local [hbm:s3], $0xF7A  }
0x26: {  	[smem:$0x3F6A] =	sst s1;
	(tag) =	ssettag s2;
	_ =	strace s9  }
0x27: {  	s1 =	sld [smem:$0x3F7A]  }
0x28: {  	s2 =	sld [smem:$0x3F7B]  }
0x29: {  	s4 =	sld [smem:$0x3F7D]  }
0x2a: {  	p0 =	seq.s32 s5, $0x0;
	s5 =	sld [smem:$0x3F7E]  }
0x2b: {  	s6 =	sld [smem:$0x3F7F]  }
0x2c: {  	s7 =	sld [smem:$0x3F80]  }
0x2d: {  	s3 =	simm.s32 $0x108;
	s8 =	sld [smem:$0x3F81]  }
0x2e: {  	s3 =	simm.s32 @!p0 $0x1082;
	s9 =	sld [smem:$0x3F82]  }
0x2f: {  	lr =	sadd.s32 s0, s3;
	s0 =	sld [smem:$0x3F79]  }
0x30: {  	s3 =	sld [smem:$0x3F7C]  }
0x31: {  	[smem:$0x3F85] =	sst s10  }
0x32: {  	s10 =	sld [smem:$0x3F83];
	_ =	sdelay $0x3  }
0x33: {  	p0 =	seq.s32 s10, $0x1;
	s10 =	sld [smem:$0x3F85];
	_ =	sdelay $0x3  }
0x34: {  	[smem:$0x3F85] =	sst s10  }
0x35: {  	s10 =	sld [smem:$0x3F84];
	_ =	sdelay $0x3  }
0x36: {  	p1 =	seq.s32 s10, $0x1;
	s10 =	sld [smem:$0x3F85];
	_ =	sdelay $0x3  }
0x37: {  	[smem:$0x3F85] =	sst s10  }
0x38: {  	s10 =	sld [smem:$0x3F86]  }
0x39: {  	_ = 	snop;
	(pc) =	sbr.ind lr, $3  }
0x3a: {  	_ = 	snop  }
0x3b: {  	_ = 	snop  }
0x3c: {  	p2 =	seq.s32 s10, $0x1;
	s10 =	sld [smem:$0x3F85]  }
0x3d: {  	_ =	shalt  }
0x3e: {  	_ =	shalt  }
0x3f: {  	_ =	shalt  }
0x40: {  	_ =	shalt  }
0x41: {  	_ =	shalt  }
0x42: {  	_ =	shalt  }
0x43: {  	_ =	shalt  }
0x44: {  	_ =	shalt  }
0x45: {  	_ =	shalt  }
0x46: {  	_ =	shalt  }
0x47: {  	_ =	shalt  }
0x48: {  	_ =	shalt  }
0x49: {  	_ =	shalt  }
0x4a: {  	_ =	shalt  }
0x4b: {  	_ =	shalt  }
0x4c: {  	_ =	shalt  }
0x4d: {  	_ =	shalt  }
0x4e: {  	_ =	shalt  }
0x4f: {  	_ =	shalt  }
0x50: {  	_ =	shalt  }
0x51: {  	_ =	shalt  }
0x52: {  	_ =	shalt  }
0x53: {  	_ =	shalt  }
0x54: {  	_ =	shalt  }
0x55: {  	_ =	shalt  }
0x56: {  	_ =	shalt  }
0x57: {  	_ =	shalt  }
0x58: {  	_ =	shalt  }
0x59: {  	_ =	shalt  }
0x5a: {  	_ =	shalt  }
0x5b: {  	_ =	shalt  }
0x5c: {  	_ =	shalt  }
0x5d: {  	_ =	shalt  }
0x5e: {  	_ =	shalt  }
0x5f: {  	_ =	shalt  }
0x60: {  	_ =	shalt  }
0x61: {  	_ =	shalt  }
0x62: {  	_ =	shalt  }
0x63: {  	_ =	shalt  }
0x64: {  	_ =	shalt  }
0x65: {  	_ =	shalt  }
0x66: {  	_ =	shalt  }
0x67: {  	_ =	shalt  }
0x68: {  	_ =	shalt  }
0x69: {  	_ =	shalt  }
0x6a: {  	_ =	shalt  }
0x6b: {  	_ =	shalt  }
0x6c: {  	_ =	shalt  }
0x6d: {  	_ =	shalt  }
0x6e: {  	_ =	shalt  }
0x6f: {  	_ =	shalt  }
0x70: {  	_ =	shalt  }
0x71: {  	_ =	shalt  }
0x72: {  	_ =	shalt  }
0x73: {  	_ =	shalt  }
0x74: {  	_ =	shalt  }
0x75: {  	_ =	shalt  }
0x76: {  	_ =	shalt  }
0x77: {  	_ =	shalt  }
0x78: {  	_ =	shalt  }
0x79: {  	_ =	shalt  }
0x7a: {  	_ =	shalt  }
0x7b: {  	_ =	shalt  }
0x7c: {  	_ =	shalt  }
0x7d: {  	_ =	shalt  }
0x7e: {  	_ =	shalt  }
0x7f: {  	_ =	shalt  }
0x80: {  	_ =	shalt  }
0x81: {  	_ =	shalt  }
0x82: {  	_ =	shalt  }
0x83: {  	_ =	shalt  }
0x84: {  	_ =	shalt  }
0x85: {  	_ =	shalt  }
0x86: {  	_ =	shalt  }
0x87: {  	_ =	shalt  }
.Lfunc_end0:
.L_simem_size_0:
called_computation_lowered:
.L_overlay_start_0:
0x88: {  	s2 =	sld [smem:$0x3FD9]  }
0x89: {  	s3 =	sld [smem:$0x3FFE];
	_ =	sdelay $0x1  }
0x8a: {  	s1 =	srdreg.scid  }
0x8b: {  	s0 =	sand.u32 $0x1, s1  }
0x8c: {  	s17 =	sshll.u32 s0, $0xA;
	s2 =	sadd.s32 s3, s2  }
0x8d: {  	s2 =	sadd.s32 s2, s17  }
0x8e: {  	[smem:$0x3F91] =	sst s2  }
0x8f: {  	_ = 	snop  }
0x90: {  	s2 =	sld [smem:$0x3FC8]  }
0x91: {  	s18 =	sld [smem:$0x3FC7];
	(tm) =	ssettm $0x1  }
0x92: {  	s4 =	sld [smem:$0x3FFB];
	_ =	sdelay $0x3  }
0x93: {  	_ =	strace s4  }
0x94: {  	s4 =	sld [smem:$0x3FFC];
	_ =	sdelay $0x3  }
0x95: {  	_ =	strace s4  }
0x96: {  	s4 =	sld [smem:$0x3FFD];
	_ =	sdelay $0x3  }
0x97: {  	_ =	strace s4  }
0x98: {  	_ =	strace $0x8FFFFFFF  }
0x99: {  	s19 =	sld [smem:$0x3FDB];
	_ =	sdelay $0x1  }
0x9a: {  	s5 =	simm.s32 $_scs_section_size  }
0x9b: {  	s6 =	simm.s32 $_size__tile_overlayer_lowered;
	s7 =	simm.s32 $_tile_overlayer_lowered  }
0x9c: {  	s22 =	simm.s32 $0x1BFF;
	s21 =	sshll.u32 s7, $0x1;
	s4 =	sadd.s32 s5, s19  }
0x9d: {  	s8 =	simm.s32 $0x0;
	s20 =	sshll.u32 s6, $0x1;
	s6 =	sadd.s32 s21, s4  }
0x9e: {  	[timem:s8], [sflag:s22] =	dma.local [hbm:s6], s20  }
0x9f: {  	_ =	swait.ge [sflag:s22], s20  }
0xa0: {  	s5 =	ssub.s32 $0x0, s20;
	[sflag:s22] =	ssyncset.done $0x0  }
0xa1: {  	[sflag:s22] =	ssyncadd.s32 s5;
	_ =	sdelay $0x1  }
0xa2: {  	s23 =	simm.s32 $0x1B8B  }
0xa3: {  	_ =	swait.ge [sflag:s23], $0x1  }
0xa4: {  	[sflag:s23] =	ssyncset.done $0x0  }
0xa5: {  	s25 =	simm.s32 $0x1B8E;
	s24 =	sld [smem:$0x3FFE];
	[sflag:s23] =	ssyncadd.s32 $0xFFFFFFFF  }
0xa6: {  	s26 =	simm.s32 $execute0_lowered;
	[smem:$0x3FD2] =	sst s25  }
0xa7: {  	s6 =	sshll.u32 s26, $0x1;
	_ =	strace $0x80000046;
	[dreg:$0x1] =	wrdreg $0xFFFFFFFF  }
0xa8: {  	s28 =	simm.s32 $_size_execute0_lowered;
	s4 =	sadd.s32 s4, s6;
	[dreg:$0x0] =	wrdreg $0x0  }
0xa9: {  	s6 =	sshll.u32 s28, $0x1;
	[dreg:$0x2] =	wrdreg s4  }
0xaa: {  	[dreg:$0x3] =	wrdreg s6  }
0xab: {  	[dreg:$0x4] =	wrdreg $0xC0  }
0xac: {  	_ =	task [dreg:s8], $0x5FFFF  }
0xad: {  	[dreg:$0x1] =	wrdreg $0xFFFFFFFF  }
0xae: {  	[dreg:$0x0] =	wrdreg $0x60  }
0xaf: {  	[dreg:$0x2] =	wrdreg s24  }
0xb0: {  	[dreg:$0x3] =	wrdreg s2  }
0xb1: {  	[dreg:$0x4] =	wrdreg s18  }
0xb2: {  	[dreg:$0x5] =	wrdreg $0x9  }
0xb3: {  	_ =	task.clear_ibuf [dreg:s8], $0x6FFFF;
	_ =	strace $0x90000046  }
0xb4: {  	s29 =	simm.s32 $0x9;
	_ =	strace $0x80000048  }
0xb5: {  	_ =	swait.ge [sflag:s29], $0x1  }
0xb6: {  	[sflag:s29] =	ssyncadd.s32 $0xFFFFFFFF  }
0xb7: {  	_ =	strace $0x90000048  }
0xb8: {  	_ =	sfence  }
0xb9: {  	s30 =	sld [smem:$0x0];
	_ =	sdelay $0x2  }
0xba: {  	s31 =	sshll.u32 s1, $0xD;
	s1 =	sshrl.u32 s1, $0x2  }
0xbb: {  	s3 =	sand.u32 $0x4000, s31;
	s1 =	sadd.s32 s1, s30  }
0xbc: {  	s0 =	sor.u32 s3, s0;
	s1 =	sshll.u32 s1, $0x11  }
0xbd: {  	s0 =	sor.u32 s1, s0  }
0xbe: {  	s0 =	sadd.s32 $0x8F2B, s0  }
0xbf: {  	[sflag:s0] =	ssyncadd.remote.s32 $0x1  }
0xc0: {  	_ =	sfence.sel $0xFFFF  }
0xc1: {  	[dreg:$0x0] =	wrdreg $0xFFFFFFFF;
	(pc) =	sbr.abs _section_cstart, $3  }
0xc2: {  	[dreg:$0x1] =	wrdreg $0xFFFFFFFF  }
0xc3: {  	_ =	task.clear_ibuf [dreg:s8], $0x2FFFF;
	_ =	strace $0x9FFFFFFF  }
0xc4: {  	(tm) =	ssettm $0x7FFFFFFF  }
0xc5: {  	_ =	shalt  }
tec
execute0_lowered:
.L_overlay_start_1:
0x0: {  	(tag) =	ssettag $0x1  }
0x1: {  	s6 =	rddreg [dreg:$0x0]  }
0x2: {  	s7 =	rddreg [dreg:$0x1]  }
0x3: {  	s8 =	rddreg [dreg:$0x2];
	s1 =	srdreg.scid  }
0x4: {  	s0 =	rddreg [dreg:$0x3];
	s2 =	simm.s32 $0x0;
	s12 =	simm.s32 $0x4F00  }
0x5: {  	s13 =	simm.s32 $0x7680;
	s14 =	simm.s32 $0x8A80;
	s5 =	sand.u32 $0x1, s1  }
0x6: {  	s15 =	simm.s32 $0x9E80;
	s1 =	stileid.u32;
	s3 =	sshll.u32 s5, $0x4  }
0x7: {  	s16 =	simm.s32 $0x0;
	[smem:$0x7FF] =	sst s2;
	s3 =	sor.u32 s1, s3  }
0x8: {  	s4 =	sadd.s32 $0x9200, s6;
	s10 =	ssub.s32 $0x2, s5;
	s9 =	smul.u32 $0x271, s3  }
0x9: {  	_ =	strace $0x80000047;
	s5 =	sadd.s32 $0x8C00, s6;
	s31 =	sshrl.u32 s10, $0x1  }
0xa: {  	s3 =	sadd.s32 $0x9800, s6;
	s10 =	ssub.s32 s10, s31;
	s11 =	sadd.s32 s9, s6  }
0xb: {  	s6 =	sadd.s32 s7, s9;
	s7 =	sadd.s32 s8, s9;
	s9 =	smax.u32 s10, $0x1  }
0xc: {  	s10 =	simm.s32 $0x1;
	s8 =	sadd.s32 $0x9E00, s11;
	s11 =	simm.s32 $0x2780  }
.LBB2_1:
0xd: {  	[tilespmem:s2], [sflag:$0x1] =	stream.linear.gather [hbm4b:s3+s2], $0x2780, $0x38;
	[tilespmem:$0xB280] =	vst v63  }
0xe: {  	_ =	swait.ge [sflag:s10], $0x2780  }
0xf: {  	[sflag:s10] =	ssyncset.done $0x0  }
0x10: {  	[sflag:s10] =	ssyncadd.s32 $0xFFFFD880  }
0x11: {  	[tilespmem:s11], [sflag:$0x1] =	stream.linear.gather [hbm4b:s4+s2], $0x2780, $0x38;
	[tilespmem:$0xB280] =	vst v63  }
0x12: {  	_ =	swait.ge [sflag:s10], $0x2780  }
0x13: {  	[sflag:s10] =	ssyncset.done $0x0  }
0x14: {  	[sflag:s10] =	ssyncadd.s32 $0xFFFFD880  }
0x15: {  	[tilespmem:s12], [sflag:$0x1] =	stream.linear.gather [hbm4b:s5+s2], $0x2780, $0x38;
	[tilespmem:$0xB280] =	vst v63  }
0x16: {  	_ =	swait.ge [sflag:s10], $0x2780  }
0x17: {  	[sflag:s10] =	ssyncset.done $0x0  }
0x18: {  	[sflag:s10] =	ssyncadd.s32 $0xFFFFD880  }
0x19: {  	[tilespmem:s13], [sflag:$0x1] =	stream.linear.gather [hbm4b:s6+s2], $0x1388, $0x38;
	[tilespmem:$0xB280] =	vst v63  }
0x1a: {  	_ =	swait.ge [sflag:s10], $0x1388  }
0x1b: {  	[sflag:s10] =	ssyncset.done $0x0  }
0x1c: {  	[sflag:s10] =	ssyncadd.s32 $0xFFFFEC78  }
0x1d: {  	[tilespmem:s14], [sflag:$0x1] =	stream.linear.gather [hbm4b:s7+s2], $0x1388, $0x38;
	[tilespmem:$0xB280] =	vst v63  }
0x1e: {  	_ =	swait.ge [sflag:s10], $0x1388  }
0x1f: {  	[sflag:s10] =	ssyncset.done $0x0  }
0x20: {  	s17 =	simm.s32 $0x0;
	[sflag:s10] =	ssyncadd.s32 $0xFFFFEC78  }
0x21: {  	v0 =	vld [tilespmem:s17+$0x8A80]  }
0x22: {  	v1 =	vld [tilespmem:s17+$0x7680];
	_ =	sdelay $0x6  }
0x23: {  	v2 =	vld.idx.msk [tilespmem:v0+s2+$0x0], $0xffff  }
0x24: {  	v3 =	vld.idx.msk [tilespmem:v1+s2+$0x0], $0xffff  }
0x25: {  	v4 =	vld.idx.msk [tilespmem:v1+s11+$0x0], $0xffff  }
0x26: {  	v5 =	vld.idx.msk [tilespmem:v0+s11+$0x0], $0xffff  }
0x27: {  	v6 =	vld.idx.msk [tilespmem:v1+s12+$0x0], $0xffff  }
0x28: {  	v7 =	vld.idx.msk [tilespmem:v0+s12+$0x0], $0xffff;
	_ =	sdelay $0x2  }
0x29: {  	s18 =	simm.s32 $0x10;
	v3 =	vsub.f32 v3, v2;
	v4 =	vsub.f32 v4, v5  }
0x2a: {  	v0 =	vld [tilespmem:s18+$0x8A80]  }
0x2b: {  	v1 =	vld [tilespmem:s18+$0x7680];
	v2 =	vsub.f32 v6, v7;
	v3 =	vmul.f32 v3, v3;
	v4 =	vmul.f32 v4, v4  }
0x2c: {  	s19 =	simm.s32 $0x80  }
.LBB2_2:
0x2d: {  	p0 =	sne.s32 s19, $0x4DC0;
	v3 =	vadd.f32 v4, v3;
	v2 =	vmul.f32 v2, v2;
	_ =	sdelay $0x1  }
0x2e: {  	v2 =	vadd.f32 v2, v3;
	_ =	sdelay $0x1  }
0x2f: {  	[tilespmem:s17+$0x9E80] =	vst v2;
	s17 =	smov.u32 s18  }
0x30: {  	v2 =	vld.idx.msk [tilespmem:v0+s2+$0x0], $0xffff  }
0x31: {  	v3 =	vld.idx.msk [tilespmem:v1+s2+$0x0], $0xffff  }
0x32: {  	v4 =	vld.idx.msk [tilespmem:v1+s11+$0x0], $0xffff  }
0x33: {  	v5 =	vld.idx.msk [tilespmem:v0+s11+$0x0], $0xffff  }
0x34: {  	v6 =	vld.idx.msk [tilespmem:v1+s12+$0x0], $0xffff  }
0x35: {  	v7 =	vld.idx.msk [tilespmem:v0+s12+$0x0], $0xffff;
	_ =	sdelay $0x2  }
.Ltmp0:
0x36: {  	(pc) =	sbr.rel @p0 .LBB2_2-.Ltmp0, $4  }
0x37: {  	s18 =	sshra.s32 s19, $0x2;
	v3 =	vsub.f32 v3, v2;
	v4 =	vsub.f32 v4, v5  }
0x38: {  	v0 =	vld [tilespmem:s18+$0x8A80]  }
0x39: {  	v3 =	vmul.f32 v3, v3;
	v2 =	vsub.f32 v6, v7;
	v4 =	vmul.f32 v4, v4;
	v1 =	vld [tilespmem:s18+$0x7680]  }
0x3a: {  	s19 =	sadd.s32 $0x40, s19  }
0x3b: {  	_ = 	snop  }
0x3c: {  	v3 =	vadd.f32 v4, v3;
	v2 =	vmul.f32 v2, v2;
	_ =	sdelay $0x1  }
0x3d: {  	v2 =	vadd.f32 v2, v3;
	_ =	sdelay $0x1  }
0x3e: {  	[tilespmem:s17+$0x9E80] =	vst v2  }
0x3f: {  	v2 =	vld.idx.msk [tilespmem:v0+s2+$0x0], $0xffff  }
0x40: {  	v49 =	vld.idx.msk [tilespmem:v1+s2+$0x0], $0xffff  }
0x41: {  	v50 =	vld.idx.msk [tilespmem:v1+s11+$0x0], $0xffff  }
0x42: {  	v5 =	vld.idx.msk [tilespmem:v0+s11+$0x0], $0xffff  }
0x43: {  	v51 =	vld.idx.msk [tilespmem:v1+s12+$0x0], $0xffff  }
0x44: {  	v52 =	vld.idx.msk [tilespmem:v0+s12+$0x0], $0xffff;
	_ =	sdelay $0x2  }
0x45: {  	v2 =	vsub.f32 v49, v2;
	v53 =	vsub.f32 v50, v5;
	_ =	sdelay $0x1  }
0x46: {  	v0 =	vsub.f32 v51, v52;
	v54 =	vmul.f32 v2, v2;
	v55 =	vmul.f32 v53, v53;
	_ =	sdelay $0x1  }
0x47: {  	v0 =	vmul.f32 v0, v0;
	v1 =	vadd.f32 v55, v54;
	_ =	sdelay $0x1  }
0x48: {  	v0 =	vadd.f32 v0, v1;
	_ =	sdelay $0x1  }
0x49: {  	[tilespmem:s18+$0x9E80] =	vst v0  }
0x4a: {  	v0 =	vld [tilespmem:$0x89F8]  }
0x4b: {  	v56 =	vld [tilespmem:$0x9DF8];
	_ =	sdelay $0x6  }
0x4c: {  	v57 =	vld.idx.msk [tilespmem:v0+s2+$0x0], $0xffff  }
0x4d: {  	v58 =	vld.idx.msk [tilespmem:v56+s2+$0x0], $0xffff  }
0x4e: {  	v59 =	vld.idx.msk [tilespmem:v0+s11+$0x0], $0xffff  }
0x4f: {  	v60 =	vld.idx.msk [tilespmem:v56+s11+$0x0], $0xffff  }
0x50: {  	v0 =	vld.idx.msk [tilespmem:v0+s12+$0x0], $0xffff  }
0x51: {  	v1 =	vld.idx.msk [tilespmem:v56+s12+$0x0], $0xffff;
	_ =	sdelay $0x2  }
0x52: {  	v2 =	vsub.f32 v57, v58;
	v61 =	vsub.f32 v59, v60;
	_ =	sdelay $0x1  }
0x53: {  	v0 =	vsub.f32 v0, v1;
	v62 =	vmul.f32 v2, v2;
	v63 =	vmul.f32 v61, v61;
	_ =	sdelay $0x1  }
0x54: {  	v0 =	vmul.f32 v0, v0;
	v1 =	vadd.f32 v63, v62;
	_ =	sdelay $0x1  }
0x55: {  	s16 =	sadd.s32 $0x1, s16;
	v0 =	vadd.f32 v0, v1  }
0x56: {  	p0 =	sne.s32 s16, s9  }
.Ltmp1:
0x57: {  	[tilespmem:$0xB1F8] =	vst v0;
	(pc) =	sbr.rel @p0 .LBB2_1-.Ltmp1, $4  }
0x58: {  	[hbm4b:s8+s2] =	stream.linear.scatter [tilespmem:s15], [sflag:$0x1], $0x1388, $0x38;
	[tilespmem:$0xB280] =	vst v63  }
0x59: {  	_ =	swait.ge [sflag:s10], $0x1388  }
0x5a: {  	[sflag:s10] =	ssyncset.done $0x0  }
0x5b: {  	[sflag:s10] =	ssyncadd.s32 $0xFFFFEC78  }
0x5c: {  	_ =	sfence.sel $0x180000  }
0x5d: {  	[bflag:$0x0] =	sbarrier.arrive $0xFFFF  }
0x5e: {  	p0 =	sne.s32 s1, $0x0;
	_ =	strace $0x90000047  }
0x5f: {  	s0 =	sadd.s32 @!p0 $0x100000, s0;
	[bflag:$0x2] =	sbarrier.arrive $0xFFFF  }
0x60: {  	[sflag:s0] =	ssyncadd.tile.s32 @!p0 $0x1;
	_ =	shalt  }
.Lfunc_end2:
_tile_overlayer_lowered:
.L_overlay_start_2:
0x61: {  	(tag) =	ssettag $0x2  }
0x62: {  	s0 =	rddreg [dreg:$0x0];
	s2 =	stileid.u32  }
0x63: {  	s1 =	rddreg [dreg:$0x1];
	p0 =	sne.s32 s2, $0x0  }
0x64: {  	s3 =	rddreg [dreg:$0x2];
	[bflag:$0x3] =	sbarrier.arrive $0xFFFF;
	s2 =	simm.s32 @!p0 $0x1C01  }
0x65: {  	[timem:s3], [sflag:s2] =	dma.local @!p0 [hbm:s0], s1  }
0x66: {  	s0 =	simm.s32 @!p0 $0x1  }
0x67: {  	_ =	swait.ge @!p0 [sflag:s0], s1  }
0x68: {  	s1 =	ssub.s32 @!p0 $0x0, s1;
	[sflag:s0] =	ssyncset.done @!p0 $0x0  }
0x69: {  	[sflag:s0] =	ssyncadd.s32 @!p0 s1  }
0x6a: {  	[bflag:$0x3] =	sbarrier.arrive $0xFFFF  }
0x6b: {  	_ =	shalt  }

// kernel: kernel.21.cloned.1.call-start
scs
__scs_entry_jumppad:
0x0: {  	(pc) =	sbr.rel $0x88, $3  }
0x1: {  	(tag) =	ssettag $0x0;
	lr =	simm.s32 $0x1  }
0x2: {  	[smem:$0x3F6A] =	sst lr;
	_ =	strace $0xD0000000  }
0x3: {  	_ = 	snop  }
0x4: {  	_ = 	snop  }
0x5: {  	_ = 	snop  }
0x6: {  	_ = 	snop  }
0x7: {  	_ = 	snop  }
__scs_overlays_trampoline_lowered:
0x8: {  	[smem:$0x3F79] =	sst s0  }
0x9: {  	[smem:$0x3F7A] =	sst s1  }
0xa: {  	[smem:$0x3F7B] =	sst s2  }
0xb: {  	[smem:$0x3F7C] =	sst s3  }
0xc: {  	[smem:$0x3F7D] =	sst s4  }
0xd: {  	[smem:$0x3F7E] =	sst s5  }
0xe: {  	[smem:$0x3F7F] =	sst s6  }
0xf: {  	[smem:$0x3F80] =	sst s7  }
0x10: {  	[smem:$0x3F81] =	sst s8  }
0x11: {  	[smem:$0x3F82] =	sst s9;
	s0 =	simm.s32 @!p0 $0x0  }
0x12: {  	s1 =	sld [smem:$0x3F68];
	s0 =	simm.s32 @p0 $0x1  }
0x13: {  	[smem:$0x3F83] =	sst s0;
	s0 =	simm.s32 @!p1 $0x0  }
0x14: {  	s2 =	sld [smem:$0x3F67];
	s0 =	simm.s32 @p1 $0x1  }
0x15: {  	[smem:$0x3F84] =	sst s0;
	s0 =	simm.s32 @!p2 $0x0  }
0x16: {  	s3 =	sld [smem:$0x3FDB];
	s0 =	simm.s32 @p2 $0x1  }
0x17: {  	s4 =	simm.s32 $0x1BF5;
	[smem:$0x3F86] =	sst s0  }
0x18: {  	s0 =	sld [smem:$0x3F69];
	_ =	swait.ge [sflag:s4], $0x0  }
0x19: {  	s7 =	sld [smem:$0x3F6A]  }
0x1a: {  	s8 =	sadd.s32 $0xFFFFE003, lr  }
0x1b: {  	s9 =	sadd.s32 $0xFFFFFEF7, lr;
	s5 =	simm.s32 $0xFFFFFFFF;
	p2 =	slt.u32 s8, $0xFFFFF086  }
0x1c: {  	p1 =	slt.u32 s9, $0xF7A;
	s5 =	simm.s32 @!p2 $0x0  }
0x1d: {  	s5 =	simm.s32 @p1 $0x1;
	p0 =	seq.s32 s7, s2  }
0x1e: {  	s7 =	smul.u32 @!p0 $0xF7A, s2;
	p2 =	seq.s32 @!p0 s5, $0x0  }
0x1f: {  	s9 =	smul.u32 $0xF7A, s1;
	s8 =	simm.s32 @!p0 $0x1BF5;
	p2 =	por !p2, p0  }
0x20: {  	[sflag:s8] =	ssyncset.s32 @!p0 $0xFFFFF086;
	s6 =	sadd.s32 @!p0 s3, s7;
	s7 =	simm.s32 @!p0 $0x108  }
0x21: {  	s3 =	sadd.s32 s3, s9;
	s6 =	sadd.s32 @!p0 $0x88, s6;
	s7 =	simm.s32 @p2 $0x1082  }
0x22: {  	[simem:s7], [sflag:s8] =	dma.local @!p0 [hbm:s6], $0xF7A  }
0x23: {  	s9 =	sor.u32 $0xD0000000, s2;
	s6 =	simm.s32 $0x108;
	_ =	swait.ge @!p0 [sflag:s8], $0x0  }
0x24: {  	s3 =	sadd.s32 $0x88, s3;
	s6 =	simm.s32 @!p1 $0x1082;
	[sflag:s4] =	ssyncset.s32 $0xFFFFF086  }
0x25: {  	[simem:s6], [sflag:s4] =	dma.local [hbm:s3], $0xF7A  }
0x26: {  	[smem:$0x3F6A] =	sst s1;
	(tag) =	ssettag s2;
	_ =	strace s9  }
0x27: {  	s1 =	sld [smem:$0x3F7A]  }
0x28: {  	s2 =	sld [smem:$0x3F7B]  }
0x29: {  	s4 =	sld [smem:$0x3F7D]  }
0x2a: {  	p0 =	seq.s32 s5, $0x0;
	s5 =	sld [smem:$0x3F7E]  }
0x2b: {  	s6 =	sld [smem:$0x3F7F]  }
0x2c: {  	s7 =	sld [smem:$0x3F80]  }
0x2d: {  	s3 =	simm.s32 $0x108;
	s8 =	sld [smem:$0x3F81]  }
0x2e: {  	s3 =	simm.s32 @!p0 $0x1082;
	s9 =	sld [smem:$0x3F82]  }
0x2f: {  	lr =	sadd.s32 s0, s3;
	s0 =	sld [smem:$0x3F79]  }
0x30: {  	s3 =	sld [smem:$0x3F7C]  }
0x31: {  	[smem:$0x3F85] =	sst s10  }
0x32: {  	s10 =	sld [smem:$0x3F83];
	_ =	sdelay $0x3  }
0x33: {  	p0 =	seq.s32 s10, $0x1;
	s10 =	sld [smem:$0x3F85];
	_ =	sdelay $0x3  }
0x34: {  	[smem:$0x3F85] =	sst s10  }
0x35: {  	s10 =	sld [smem:$0x3F84];
	_ =	sdelay $0x3  }
0x36: {  	p1 =	seq.s32 s10, $0x1;
	s10 =	sld [smem:$0x3F85];
	_ =	sdelay $0x3  }
0x37: {  	[smem:$0x3F85] =	sst s10  }
0x38: {  	s10 =	sld [smem:$0x3F86]  }
0x39: {  	_ = 	snop;
	(pc) =	sbr.ind lr, $3  }
0x3a: {  	_ = 	snop  }
0x3b: {  	_ = 	snop  }
0x3c: {  	p2 =	seq.s32 s10, $0x1;
	s10 =	sld [smem:$0x3F85]  }
0x3d: {  	_ =	shalt  }
0x3e: {  	_ =	shalt  }
0x3f: {  	_ =	shalt  }
0x40: {  	_ =	shalt  }
0x41: {  	_ =	shalt  }
0x42: {  	_ =	shalt  }
0x43: {  	_ =	shalt  }
0x44: {  	_ =	shalt  }
0x45: {  	_ =	shalt  }
0x46: {  	_ =	shalt  }
0x47: {  	_ =	shalt  }
0x48: {  	_ =	shalt  }
0x49: {  	_ =	shalt  }
0x4a: {  	_ =	shalt  }
0x4b: {  	_ =	shalt  }
0x4c: {  	_ =	shalt  }
0x4d: {  	_ =	shalt  }
0x4e: {  	_ =	shalt  }
0x4f: {  	_ =	shalt  }
0x50: {  	_ =	shalt  }
0x51: {  	_ =	shalt  }
0x52: {  	_ =	shalt  }
0x53: {  	_ =	shalt  }
0x54: {  	_ =	shalt  }
0x55: {  	_ =	shalt  }
0x56: {  	_ =	shalt  }
0x57: {  	_ =	shalt  }
0x58: {  	_ =	shalt  }
0x59: {  	_ =	shalt  }
0x5a: {  	_ =	shalt  }
0x5b: {  	_ =	shalt  }
0x5c: {  	_ =	shalt  }
0x5d: {  	_ =	shalt  }
0x5e: {  	_ =	shalt  }
0x5f: {  	_ =	shalt  }
0x60: {  	_ =	shalt  }
0x61: {  	_ =	shalt  }
0x62: {  	_ =	shalt  }
0x63: {  	_ =	shalt  }
0x64: {  	_ =	shalt  }
0x65: {  	_ =	shalt  }
0x66: {  	_ =	shalt  }
0x67: {  	_ =	shalt  }
0x68: {  	_ =	shalt  }
0x69: {  	_ =	shalt  }
0x6a: {  	_ =	shalt  }
0x6b: {  	_ =	shalt  }
0x6c: {  	_ =	shalt  }
0x6d: {  	_ =	shalt  }
0x6e: {  	_ =	shalt  }
0x6f: {  	_ =	shalt  }
0x70: {  	_ =	shalt  }
0x71: {  	_ =	shalt  }
0x72: {  	_ =	shalt  }
0x73: {  	_ =	shalt  }
0x74: {  	_ =	shalt  }
0x75: {  	_ =	shalt  }
0x76: {  	_ =	shalt  }
0x77: {  	_ =	shalt  }
0x78: {  	_ =	shalt  }
0x79: {  	_ =	shalt  }
0x7a: {  	_ =	shalt  }
0x7b: {  	_ =	shalt  }
0x7c: {  	_ =	shalt  }
0x7d: {  	_ =	shalt  }
0x7e: {  	_ =	shalt  }
0x7f: {  	_ =	shalt  }
0x80: {  	_ =	shalt  }
0x81: {  	_ =	shalt  }
0x82: {  	_ =	shalt  }
0x83: {  	_ =	shalt  }
0x84: {  	_ =	shalt  }
0x85: {  	_ =	shalt  }
0x86: {  	_ =	shalt  }
0x87: {  	_ =	shalt  }
.Lfunc_end0:
.L_simem_size_0:
called_computation.1_lowered:
.L_overlay_start_0:
0x88: {  	s2 =	sld [smem:$0x3FD9]  }
0x89: {  	s3 =	sld [smem:$0x3FFE];
	_ =	sdelay $0x1  }
0x8a: {  	s1 =	srdreg.scid  }
0x8b: {  	s0 =	sand.u32 $0x1, s1  }
0x8c: {  	s17 =	sshll.u32 s0, $0xA;
	s2 =	sadd.s32 s3, s2  }
0x8d: {  	s2 =	sadd.s32 s2, s17  }
0x8e: {  	[smem:$0x3F91] =	sst s2  }
0x8f: {  	_ = 	snop  }
0x90: {  	s2 =	sld [smem:$0x3FC8]  }
0x91: {  	s18 =	sld [smem:$0x3FC7]  }
0x92: {  	s4 =	sld [smem:$0x3FC6]  }
0x93: {  	s5 =	sld [smem:$0x3FC5];
	(tm) =	ssettm $0x1  }
0x94: {  	s6 =	sld [smem:$0x3FFB];
	_ =	sdelay $0x3  }
0x95: {  	_ =	strace s6  }
0x96: {  	s6 =	sld [smem:$0x3FFC];
	_ =	sdelay $0x3  }
0x97: {  	_ =	strace s6  }
0x98: {  	s6 =	sld [smem:$0x3FFD];
	_ =	sdelay $0x3  }
0x99: {  	_ =	strace s6  }
0x9a: {  	_ =	strace $0x8FFFFFFF  }
0x9b: {  	s19 =	sld [smem:$0x3FDB];
	_ =	sdelay $0x1  }
0x9c: {  	s7 =	simm.s32 $_scs_section_size  }
0x9d: {  	s8 =	simm.s32 $_size__tile_overlayer_lowered;
	s9 =	simm.s32 $_tile_overlayer_lowered  }
0x9e: {  	s22 =	simm.s32 $0x1BFF;
	s21 =	sshll.u32 s9, $0x1;
	s6 =	sadd.s32 s7, s19  }
0x9f: {  	s10 =	simm.s32 $0x0;
	s20 =	sshll.u32 s8, $0x1;
	s8 =	sadd.s32 s21, s6  }
0xa0: {  	[timem:s10], [sflag:s22] =	dma.local [hbm:s8], s20  }
0xa1: {  	_ =	swait.ge [sflag:s22], s20  }
0xa2: {  	s7 =	ssub.s32 $0x0, s20;
	[sflag:s22] =	ssyncset.done $0x0  }
0xa3: {  	[sflag:s22] =	ssyncadd.s32 s7;
	_ =	sdelay $0x1  }
0xa4: {  	s23 =	simm.s32 $0x1B8B  }
0xa5: {  	_ =	swait.ge [sflag:s23], $0x1  }
0xa6: {  	[sflag:s23] =	ssyncset.done $0x0  }
0xa7: {  	s25 =	simm.s32 $0x1B8E;
	s24 =	sld [smem:$0x3FFE];
	[sflag:s23] =	ssyncadd.s32 $0xFFFFFFFF  }
0xa8: {  	s26 =	simm.s32 $execute0_lowered;
	[smem:$0x3FD2] =	sst s25  }
0xa9: {  	s8 =	sshll.u32 s26, $0x1;
	_ =	strace $0x80000049;
	[dreg:$0x1] =	wrdreg $0xFFFFFFFF  }
0xaa: {  	s28 =	simm.s32 $_size_execute0_lowered;
	s6 =	sadd.s32 s6, s8;
	[dreg:$0x0] =	wrdreg $0x0  }
0xab: {  	s8 =	sshll.u32 s28, $0x1;
	[dreg:$0x2] =	wrdreg s6  }
0xac: {  	[dreg:$0x3] =	wrdreg s8  }
0xad: {  	[dreg:$0x4] =	wrdreg $0xC0  }
0xae: {  	_ =	task [dreg:s10], $0x5FFFF  }
0xaf: {  	[dreg:$0x1] =	wrdreg $0xFFFFFFFF  }
0xb0: {  	[dreg:$0x0] =	wrdreg $0x60  }
0xb1: {  	[dreg:$0x2] =	wrdreg s24  }
0xb2: {  	[dreg:$0x3] =	wrdreg s2  }
0xb3: {  	[dreg:$0x4] =	wrdreg s18  }
0xb4: {  	[dreg:$0x5] =	wrdreg s4  }
0xb5: {  	[dreg:$0x6] =	wrdreg s5  }
0xb6: {  	[dreg:$0x7] =	wrdreg $0x9  }
0xb7: {  	_ =	task.clear_ibuf [dreg:s10], $0x8FFFF;
	_ =	strace $0x90000049  }
0xb8: {  	s29 =	simm.s32 $0x9;
	_ =	strace $0x8000004B  }
0xb9: {  	_ =	swait.ge [sflag:s29], $0x1  }
0xba: {  	[sflag:s29] =	ssyncadd.s32 $0xFFFFFFFF  }
0xbb: {  	_ =	strace $0x9000004B  }
0xbc: {  	_ =	sfence  }
0xbd: {  	s30 =	sld [smem:$0x0];
	_ =	sdelay $0x2  }
0xbe: {  	s31 =	sshll.u32 s1, $0xD;
	s1 =	sshrl.u32 s1, $0x2  }
0xbf: {  	s3 =	sand.u32 $0x4000, s31;
	s1 =	sadd.s32 s1, s30  }
0xc0: {  	s0 =	sor.u32 s3, s0;
	s1 =	sshll.u32 s1, $0x11  }
0xc1: {  	s0 =	sor.u32 s1, s0  }
0xc2: {  	s0 =	sadd.s32 $0x8F2B, s0  }
0xc3: {  	[sflag:s0] =	ssyncadd.remote.s32 $0x1  }
0xc4: {  	_ =	sfence.sel $0xFFFF  }
0xc5: {  	[dreg:$0x0] =	wrdreg $0xFFFFFFFF;
	(pc) =	sbr.abs _section_cstart, $3  }
0xc6: {  	[dreg:$0x1] =	wrdreg $0xFFFFFFFF  }
0xc7: {  	_ =	task.clear_ibuf [dreg:s10], $0x2FFFF;
	_ =	strace $0x9FFFFFFF  }
0xc8: {  	(tm) =	ssettm $0x7FFFFFFF  }
0xc9: {  	_ =	shalt  }
tec
execute0_lowered:
.L_overlay_start_1:
0x0: {  	(tag) =	ssettag $0x1  }
0x1: {  	s0 =	rddreg [dreg:$0x0]  }
0x2: {  	s2 =	rddreg [dreg:$0x2]  }
0x3: {  	s1 =	rddreg [dreg:$0x3]  }
0x4: {  	s3 =	rddreg [dreg:$0x4];
	s5 =	srdreg.scid;
	s4 =	simm.s32 $0x0  }
0x5: {  	s8 =	stileid.u32;
	s16 =	simm.s32 $0x2;
	s17 =	simm.s32 $0x2780  }
0x6: {  	s18 =	simm.s32 $0x4F00;
	s19 =	simm.s32 $0x7680;
	s20 =	simm.s32 $0x8A80  }
0x7: {  	s21 =	simm.s32 $0x1388;
	s23 =	simm.s32 $0x1;
	s24 =	simm.s32 $0xB280  }
0x8: {  	s25 =	simm.s32 $0xC680;
	s26 =	simm.s32 $0xDA80;
	s28 =	simm.s32 $0xEE80  }
0x9: {  	s29 =	simm.s32 $0x10280;
	s30 =	simm.s32 $0x11680;
	s7 =	sand.u32 $0x1, s5  }
0xa: {  	s31 =	simm.s32 $0x0;
	[smem:$0x7FF] =	sst s4;
	s6 =	sshll.u32 s7, $0x4  }
0xb: {  	s5 =	sadd.s32 $0x9800, s0;
	s9 =	ssub.s32 $0x2, s7;
	s8 =	sor.u32 s8, s6  }
0xc: {  	_ =	strace $0x8000004A;
	s11 =	sshrl.u32 s9, $0x1;
	s10 =	smul.u32 $0x271, s8  }
0xd: {  	s7 =	sadd.s32 $0x8C00, s0;
	s6 =	sadd.s32 $0x9200, s0;
	s15 =	ssub.s32 s9, s11  }
0xe: {  	s8 =	sadd.s32 $0x9E00, s0;
	s15 =	smax.u32 s15, $0x1;
	s0 =	sadd.s32 s10, s0  }
0xf: {  	s9 =	sadd.s32 s3, s10;
	s10 =	sadd.s32 s1, s10;
	s11 =	sadd.s32 $0xEE00, s0  }
0x10: {  	s12 =	sadd.s32 $0x13E00, s0;
	s13 =	sadd.s32 $0x18E00, s0;
	s14 =	sadd.s32 $0x1DE00, s0  }
.LBB2_1:
0x11: {  	[tilespmem:s4], [sflag:$0x2] =	stream.linear.gather [hbm4b:s5+s4], $0x2780, $0x38;
	[tilespmem:$0x12A80] =	vst v63  }
0x12: {  	_ =	swait.ge [sflag:s16], $0x2780  }
0x13: {  	[sflag:s16] =	ssyncset.done $0x0  }
0x14: {  	[sflag:s16] =	ssyncadd.s32 $0xFFFFD880  }
0x15: {  	[tilespmem:s17], [sflag:$0x2] =	stream.linear.gather [hbm4b:s6+s4], $0x2780, $0x38;
	[tilespmem:$0x12A80] =	vst v63  }
0x16: {  	_ =	swait.ge [sflag:s16], $0x2780  }
0x17: {  	[sflag:s16] =	ssyncset.done $0x0  }
0x18: {  	[sflag:s16] =	ssyncadd.s32 $0xFFFFD880  }
0x19: {  	[tilespmem:s18], [sflag:$0x2] =	stream.linear.gather [hbm4b:s7+s4], $0x2780, $0x38;
	[tilespmem:$0x12A80] =	vst v63  }
0x1a: {  	_ =	swait.ge [sflag:s16], $0x2780  }
0x1b: {  	[sflag:s16] =	ssyncset.done $0x0  }
0x1c: {  	[sflag:s16] =	ssyncadd.s32 $0xFFFFD880  }
0x1d: {  	[tilespmem:s19], [sflag:$0x2] =	stream.linear.gather [hbm4b:s9+s4], $0x1388, $0x38;
	[tilespmem:$0x12A80] =	vst v63  }
0x1e: {  	_ =	swait.ge [sflag:s16], $0x1388  }
0x1f: {  	[sflag:s16] =	ssyncset.done $0x0  }
0x20: {  	[sflag:s16] =	ssyncadd.s32 $0xFFFFEC78  }
0x21: {  	[tilespmem:s20], [sflag:$0x2] =	stream.linear.gather [hbm4b:s10+s4], $0x1388, $0x38;
	[tilespmem:$0x12A80] =	vst v63  }
0x22: {  	_ =	swait.ge [sflag:s16], $0x1388  }
0x23: {  	[sflag:s16] =	ssyncset.done $0x0  }
0x24: {  	[sflag:s16] =	ssyncadd.s32 $0xFFFFEC78  }
0x25: {  	s1 =	simm.s32 $0x9E80;
	s0 =	rddreg [dreg:$0x1]  }
0x26: {  	[tilespmem:s1], [sflag:$0x1] =	stream.indirect.gather [hbm4b:s0+s21], $0x1, s19, s21, $0xb8;
	[tilespmem:$0x12A80] =	vst v63  }
0x27: {  	_ =	swait.ge [sflag:s23], $0x1388  }
0x28: {  	[sflag:s23] =	ssyncset.done $0x0  }
0x29: {  	[sflag:s23] =	ssyncadd.s32 $0xFFFFEC78  }
0x2a: {  	[tilespmem:s24], [sflag:$0x1] =	stream.indirect.gather [hbm4b:s2+s21], $0x1, s19, s21, $0xb8;
	[tilespmem:$0x12A80] =	vst v63  }
0x2b: {  	_ =	swait.ge [sflag:s23], $0x1388  }
0x2c: {  	[sflag:s23] =	ssyncset.done $0x0  }
0x2d: {  	[sflag:s23] =	ssyncadd.s32 $0xFFFFEC78  }
0x2e: {  	[tilespmem:s25], [sflag:$0x1] =	stream.indirect.gather [hbm4b:s2+s21], $0x1, s20, s21, $0xb8;
	[tilespmem:$0x12A80] =	vst v63  }
0x2f: {  	_ =	swait.ge [sflag:s23], $0x1388  }
0x30: {  	[sflag:s23] =	ssyncset.done $0x0  }
0x31: {  	[sflag:s23] =	ssyncadd.s32 $0xFFFFEC78  }
0x32: {  	[tilespmem:s26], [sflag:$0x1] =	stream.indirect.gather [hbm4b:s8+s21], $0x1, s20, s21, $0xb8;
	[tilespmem:$0x12A80] =	vst v63  }
0x33: {  	_ =	swait.ge [sflag:s23], $0x1388  }
0x34: {  	[sflag:s23] =	ssyncset.done $0x0  }
0x35: {  	s0 =	simm.s32 $0x0;
	[sflag:s23] =	ssyncadd.s32 $0xFFFFEC78  }
0x36: {  	v3 =	vld [tilespmem:s0+$0xC680]  }
0x37: {  	v0 =	vld [tilespmem:s0+$0x9E80];
	_ =	sdelay $0x1  }
0x38: {  	v1 =	vld [tilespmem:s0+$0xB280];
	_ =	sdelay $0x4  }
0x39: {  	v2 =	vld.idx.msk [tilespmem:v3+s17+$0x0], $0xffff  }
0x3a: {  	v5 =	vld.idx.msk [tilespmem:v0+s4+$0x0], $0xffff  }
0x3b: {  	v6 =	vld.idx.msk [tilespmem:v0+s17+$0x0], $0xffff  }
0x3c: {  	v8 =	vld.idx.msk [tilespmem:v1+s4+$0x0], $0xffff  }
0x3d: {  	v7 =	vld.idx.msk [tilespmem:v1+s17+$0x0], $0xffff  }
0x3e: {  	v4 =	vld.idx.msk [tilespmem:v3+s4+$0x0], $0xffff  }
0x3f: {  	v9 =	vld.idx.msk [tilespmem:v0+s18+$0x0], $0xffff  }
0x40: {  	v0 =	vld.idx.msk [tilespmem:v1+s18+$0x0], $0xffff  }
0x41: {  	v11 =	vsub.f32 v5, v8;
	v5 =	vld.idx.msk [tilespmem:v3+s18+$0x0], $0xffff  }
0x42: {  	v10 =	vsub.f32 v6, v7;
	v2 =	vsub.f32 v2, v7  }
0x43: {  	v6 =	vsub.f32 v4, v8  }
0x44: {  	v1 =	vmul.f32 v2, v10;
	v4 =	vmul.f32 v10, v10  }
0x45: {  	s3 =	simm.s32 $0x10;
	s1 =	simm.s32 $0x80;
	v3 =	vsub.f32 v9, v0;
	v7 =	vmul.f32 v6, v11;
	v8 =	vmul.f32 v11, v11  }
.LBB2_2:
0x46: {  	p0 =	sne.s32 s1, $0x4DC0;
	v9 =	vld [tilespmem:s3+$0xC680];
	v0 =	vsub.f32 v5, v0;
	v5 =	vmul.f32 v6, v6;
	v2 =	vmul.f32 v2, v2;
	s22 =	smov.u32 s1;
	s1 =	sadd.s32 $0x40, s1  }
0x47: {  	v6 =	vld [tilespmem:s3+$0x9E80];
	v1 =	vadd.f32 v1, v7;
	v4 =	vadd.f32 v4, v8;
	v7 =	vmul.f32 v3, v3  }
0x48: {  	v8 =	vld [tilespmem:s3+$0xB280];
	v3 =	vmul.f32 v0, v3;
	v2 =	vadd.f32 v2, v5;
	v0 =	vmul.f32 v0, v0  }
0x49: {  	v4 =	vadd.f32 v7, v4  }
0x4a: {  	v1 =	vadd.f32 v3, v1;
	v0 =	vadd.f32 v0, v2  }
0x4b: {  	[tilespmem:s0+$0x10280] =	vst v4  }
0x4c: {  	[tilespmem:s0+$0xEE80] =	vst v1  }
0x4d: {  	[tilespmem:s0+$0x11680] =	vst v0;
	s0 =	smov.u32 s3  }
0x4e: {  	v1 =	vld.idx.msk [tilespmem:v9+s4+$0x0], $0xffff  }
0x4f: {  	v2 =	vld.idx.msk [tilespmem:v9+s17+$0x0], $0xffff  }
0x50: {  	v3 =	vld.idx.msk [tilespmem:v6+s4+$0x0], $0xffff  }
0x51: {  	v4 =	vld.idx.msk [tilespmem:v6+s17+$0x0], $0xffff  }
0x52: {  	v7 =	vld.idx.msk [tilespmem:v8+s17+$0x0], $0xffff  }
0x53: {  	v10 =	vld.idx.msk [tilespmem:v8+s4+$0x0], $0xffff  }
0x54: {  	v11 =	vld.idx.msk [tilespmem:v6+s18+$0x0], $0xffff  }
0x55: {  	v0 =	vld.idx.msk [tilespmem:v8+s18+$0x0], $0xffff  }
0x56: {  	v5 =	vld.idx.msk [tilespmem:v9+s18+$0x0], $0xffff  }
.Ltmp0:
0x57: {  	(pc) =	sbr.rel @p0 .LBB2_2-.Ltmp0, $4  }
0x58: {  	v4 =	vsub.f32 v4, v7;
	v2 =	vsub.f32 v2, v7  }
0x59: {  	v8 =	vsub.f32 v3, v10;
	v6 =	vsub.f32 v1, v10  }
0x5a: {  	v1 =	vmul.f32 v2, v4;
	v4 =	vmul.f32 v4, v4  }
0x5b: {  	s3 =	sshra.s32 s22, $0x2;
	v3 =	vsub.f32 v11, v0;
	v7 =	vmul.f32 v6, v8;
	v8 =	vmul.f32 v8, v8  }
0x5c: {  	v9 =	vld [tilespmem:s3+$0xC680];
	v0 =	vsub.f32 v5, v0;
	v40 =	vmul.f32 v6, v6  }
0x5d: {  	v2 =	vmul.f32 v2, v2;
	v4 =	vadd.f32 v4, v8;
	v41 =	vmul.f32 v3, v3  }
0x5e: {  	v42 =	vld [tilespmem:s3+$0x9E80];
	v1 =	vadd.f32 v1, v7;
	v43 =	vmul.f32 v0, v3  }
0x5f: {  	v2 =	vadd.f32 v2, v40;
	v0 =	vmul.f32 v0, v0;
	v4 =	vadd.f32 v41, v4  }
0x60: {  	v44 =	vld [tilespmem:s3+$0xB280];
	v1 =	vadd.f32 v43, v1  }
0x61: {  	v0 =	vadd.f32 v0, v2;
	[tilespmem:s0+$0x10280] =	vst v4  }
0x62: {  	[tilespmem:s0+$0xEE80] =	vst v1  }
0x63: {  	[tilespmem:s0+$0x11680] =	vst v0  }
0x64: {  	v0 =	vld.idx.msk [tilespmem:v9+s4+$0x0], $0xffff  }
0x65: {  	v1 =	vld.idx.msk [tilespmem:v9+s17+$0x0], $0xffff  }
0x66: {  	v45 =	vld.idx.msk [tilespmem:v42+s4+$0x0], $0xffff  }
0x67: {  	v46 =	vld.idx.msk [tilespmem:v42+s17+$0x0], $0xffff  }
0x68: {  	v4 =	vld.idx.msk [tilespmem:v44+s17+$0x0], $0xffff  }
0x69: {  	v47 =	vld.idx.msk [tilespmem:v44+s4+$0x0], $0xffff  }
0x6a: {  	v48 =	vld.idx.msk [tilespmem:v42+s18+$0x0], $0xffff  }
0x6b: {  	v5 =	vld.idx.msk [tilespmem:v44+s18+$0x0], $0xffff  }
0x6c: {  	v49 =	vld.idx.msk [tilespmem:v9+s18+$0x0], $0xffff  }
0x6d: {  	v3 =	vsub.f32 v46, v4;
	v1 =	vsub.f32 v1, v4  }
0x6e: {  	v2 =	vsub.f32 v45, v47  }
0x6f: {  	v0 =	vsub.f32 v0, v47;
	v4 =	vmul.f32 v1, v3  }
0x70: {  	v50 =	vsub.f32 v48, v5;
	v3 =	vmul.f32 v3, v3;
	v51 =	vmul.f32 v2, v2  }
0x71: {  	v5 =	vsub.f32 v49, v5;
	v2 =	vmul.f32 v0, v2;
	v0 =	vmul.f32 v0, v0  }
0x72: {  	v1 =	vmul.f32 v1, v1;
	v52 =	vmul.f32 v50, v50;
	v3 =	vadd.f32 v3, v51  }
0x73: {  	v53 =	vmul.f32 v5, v50;
	v2 =	vadd.f32 v4, v2  }
0x74: {  	v54 =	vmul.f32 v5, v5;
	v0 =	vadd.f32 v1, v0;
	v3 =	vadd.f32 v52, v3  }
0x75: {  	v2 =	vadd.f32 v53, v2  }
0x76: {  	v0 =	vadd.f32 v54, v0;
	[tilespmem:s3+$0x10280] =	vst v3  }
0x77: {  	[tilespmem:s3+$0xEE80] =	vst v2  }
0x78: {  	[tilespmem:s3+$0x11680] =	vst v0  }
0x79: {  	v0 =	vld [tilespmem:$0xC5F8];
	_ =	sdelay $0x2  }
0x7a: {  	v55 =	vld [tilespmem:$0xB1F8];
	_ =	sdelay $0x2  }
0x7b: {  	v2 =	vld [tilespmem:$0xD9F8];
	_ =	sdelay $0x1  }
0x7c: {  	v3 =	vld.idx.msk [tilespmem:v0+s4+$0x0], $0xffff  }
0x7d: {  	v56 =	vld.idx.msk [tilespmem:v0+s17+$0x0], $0xffff  }
0x7e: {  	v0 =	vld.idx.msk [tilespmem:v0+s18+$0x0], $0xffff  }
0x7f: {  	v57 =	vld.idx.msk [tilespmem:v55+s4+$0x0], $0xffff  }
0x80: {  	v58 =	vld.idx.msk [tilespmem:v55+s17+$0x0], $0xffff  }
0x81: {  	v1 =	vld.idx.msk [tilespmem:v55+s18+$0x0], $0xffff  }
0x82: {  	v59 =	vld.idx.msk [tilespmem:v2+s4+$0x0], $0xffff  }
0x83: {  	v60 =	vld.idx.msk [tilespmem:v2+s17+$0x0], $0xffff  }
0x84: {  	v2 =	vld.idx.msk [tilespmem:v2+s18+$0x0], $0xffff;
	_ =	sdelay $0x2  }
0x85: {  	v5 =	vsub.f32 v57, v3;
	v6 =	vsub.f32 v58, v56  }
0x86: {  	v1 =	vsub.f32 v1, v0;
	v3 =	vsub.f32 v59, v3  }
0x87: {  	v4 =	vsub.f32 v60, v56;
	v0 =	vsub.f32 v2, v0  }
0x88: {  	v61 =	vmul.f32 v3, v5  }
0x89: {  	v62 =	vmul.f32 v4, v6;
	v63 =	vmul.f32 v0, v1  }
0x8a: {  	v5 =	vmul.f32 v5, v5;
	v6 =	vmul.f32 v6, v6  }
0x8b: {  	v3 =	vmul.f32 v3, v3;
	v4 =	vmul.f32 v4, v4;
	v2 =	vadd.f32 v62, v61  }
0x8c: {  	v1 =	vmul.f32 v1, v1;
	v5 =	vadd.f32 v6, v5  }
0x8d: {  	v0 =	vmul.f32 v0, v0;
	v3 =	vadd.f32 v4, v3;
	v2 =	vadd.f32 v63, v2  }
0x8e: {  	v1 =	vadd.f32 v1, v5  }
0x8f: {  	v0 =	vadd.f32 v0, v3;
	[tilespmem:$0x101F8] =	vst v2  }
0x90: {  	[tilespmem:$0x115F8] =	vst v1  }
0x91: {  	[tilespmem:$0x129F8] =	vst v0  }
0x92: {  	[hbm4b:s11+s4] =	stream.linear.scatter [tilespmem:s28], [sflag:$0x2], $0x1388, $0x38;
	[tilespmem:$0x12A80] =	vst v63  }
0x93: {  	_ =	swait.ge [sflag:s16], $0x1388  }
0x94: {  	[sflag:s16] =	ssyncset.done $0x0  }
0x95: {  	[sflag:s16] =	ssyncadd.s32 $0xFFFFEC78  }
0x96: {  	[hbm4b:s12+s4] =	stream.linear.scatter [tilespmem:s29], [sflag:$0x2], $0x1388, $0x38;
	[tilespmem:$0x12A80] =	vst v63  }
0x97: {  	_ =	swait.ge [sflag:s16], $0x1388  }
0x98: {  	[sflag:s16] =	ssyncset.done $0x0  }
0x99: {  	[sflag:s16] =	ssyncadd.s32 $0xFFFFEC78  }
0x9a: {  	[hbm4b:s13+s4] =	stream.linear.scatter [tilespmem:s30], [sflag:$0x2], $0x1388, $0x38;
	[tilespmem:$0x12A80] =	vst v63  }
0x9b: {  	s31 =	sadd.s32 $0x1, s31;
	_ =	swait.ge [sflag:s16], $0x1388  }
0x9c: {  	p0 =	sne.s32 s31, s15;
	[sflag:s16] =	ssyncset.done $0x0  }
.Ltmp1:
0x9d: {  	[sflag:s16] =	ssyncadd.s32 $0xFFFFEC78;
	(pc) =	sbr.rel @p0 .LBB2_1-.Ltmp1, $4  }
0x9e: {  	[hbm4b:s14+s4] =	stream.linear.scatter [tilespmem:s26], [sflag:$0x2], $0x1388, $0x38;
	[tilespmem:$0x12A80] =	vst v63  }
0x9f: {  	_ =	swait.ge [sflag:s16], $0x1388  }
0xa0: {  	[sflag:s16] =	ssyncset.done $0x0  }
0xa1: {  	[sflag:s16] =	ssyncadd.s32 $0xFFFFEC78  }
0xa2: {  	_ =	sfence.sel $0x180000  }
0xa3: {  	[bflag:$0x0] =	sbarrier.arrive $0xFFFF  }
0xa4: {  	_ =	strace $0x9000004A  }
0xa5: {  	s0 =	stileid.u32;
	[bflag:$0x2] =	sbarrier.arrive $0xFFFF  }
0xa6: {  	p0 =	sne.s32 s0, $0x0;
	s0 =	rddreg [dreg:$0x5]  }
0xa7: {  	s0 =	sadd.s32 @!p0 $0x100000, s0  }
0xa8: {  	[sflag:s0] =	ssyncadd.tile.s32 @!p0 $0x1;
	_ =	shalt  }
.Lfunc_end2:
_tile_overlayer_lowered:
.L_overlay_start_2:
0xa9: {  	(tag) =	ssettag $0x2  }
0xaa: {  	s0 =	rddreg [dreg:$0x0];
	s2 =	stileid.u32  }
0xab: {  	s1 =	rddreg [dreg:$0x1];
	p0 =	sne.s32 s2, $0x0  }
0xac: {  	s3 =	rddreg [dreg:$0x2];
	[bflag:$0x3] =	sbarrier.arrive $0xFFFF;
	s2 =	simm.s32 @!p0 $0x1C02  }
0xad: {  	[timem:s3], [sflag:s2] =	dma.local @!p0 [hbm:s0], s1  }
0xae: {  	s0 =	simm.s32 @!p0 $0x2  }
0xaf: {  	_ =	swait.ge @!p0 [sflag:s0], s1  }
0xb0: {  	s1 =	ssub.s32 @!p0 $0x0, s1;
	[sflag:s0] =	ssyncset.done @!p0 $0x0  }
0xb1: {  	[sflag:s0] =	ssyncadd.s32 @!p0 s1  }
0xb2: {  	[bflag:$0x3] =	sbarrier.arrive $0xFFFF  }
0xb3: {  	_ =	shalt  }

// kernel: kernel.24.cloned.1.call-start
scs
__scs_entry_jumppad:
0x0: {  	(pc) =	sbr.rel $0x88, $3  }
0x1: {  	(tag) =	ssettag $0x0;
	lr =	simm.s32 $0x1  }
0x2: {  	[smem:$0x3F6A] =	sst lr;
	_ =	strace $0xD0000000  }
0x3: {  	_ = 	snop  }
0x4: {  	_ = 	snop  }
0x5: {  	_ = 	snop  }
0x6: {  	_ = 	snop  }
0x7: {  	_ = 	snop  }
__scs_overlays_trampoline_lowered:
0x8: {  	[smem:$0x3F79] =	sst s0  }
0x9: {  	[smem:$0x3F7A] =	sst s1  }
0xa: {  	[smem:$0x3F7B] =	sst s2  }
0xb: {  	[smem:$0x3F7C] =	sst s3  }
0xc: {  	[smem:$0x3F7D] =	sst s4  }
0xd: {  	[smem:$0x3F7E] =	sst s5  }
0xe: {  	[smem:$0x3F7F] =	sst s6  }
0xf: {  	[smem:$0x3F80] =	sst s7  }
0x10: {  	[smem:$0x3F81] =	sst s8  }
0x11: {  	[smem:$0x3F82] =	sst s9;
	s0 =	simm.s32 @!p0 $0x0  }
0x12: {  	s1 =	sld [smem:$0x3F68];
	s0 =	simm.s32 @p0 $0x1  }
0x13: {  	[smem:$0x3F83] =	sst s0;
	s0 =	simm.s32 @!p1 $0x0  }
0x14: {  	s2 =	sld [smem:$0x3F67];
	s0 =	simm.s32 @p1 $0x1  }
0x15: {  	[smem:$0x3F84] =	sst s0;
	s0 =	simm.s32 @!p2 $0x0  }
0x16: {  	s3 =	sld [smem:$0x3FDB];
	s0 =	simm.s32 @p2 $0x1  }
0x17: {  	s4 =	simm.s32 $0x1BF5;
	[smem:$0x3F86] =	sst s0  }
0x18: {  	s0 =	sld [smem:$0x3F69];
	_ =	swait.ge [sflag:s4], $0x0  }
0x19: {  	s7 =	sld [smem:$0x3F6A]  }
0x1a: {  	s8 =	sadd.s32 $0xFFFFE003, lr  }
0x1b: {  	s9 =	sadd.s32 $0xFFFFFEF7, lr;
	s5 =	simm.s32 $0xFFFFFFFF;
	p2 =	slt.u32 s8, $0xFFFFF086  }
0x1c: {  	p1 =	slt.u32 s9, $0xF7A;
	s5 =	simm.s32 @!p2 $0x0  }
0x1d: {  	s5 =	simm.s32 @p1 $0x1;
	p0 =	seq.s32 s7, s2  }
0x1e: {  	s7 =	smul.u32 @!p0 $0xF7A, s2;
	p2 =	seq.s32 @!p0 s5, $0x0  }
0x1f: {  	s9 =	smul.u32 $0xF7A, s1;
	s8 =	simm.s32 @!p0 $0x1BF5;
	p2 =	por !p2, p0  }
0x20: {  	[sflag:s8] =	ssyncset.s32 @!p0 $0xFFFFF086;
	s6 =	sadd.s32 @!p0 s3, s7;
	s7 =	simm.s32 @!p0 $0x108  }
0x21: {  	s3 =	sadd.s32 s3, s9;
	s6 =	sadd.s32 @!p0 $0x88, s6;
	s7 =	simm.s32 @p2 $0x1082  }
0x22: {  	[simem:s7], [sflag:s8] =	dma.local @!p0 [hbm:s6], $0xF7A  }
0x23: {  	s9 =	sor.u32 $0xD0000000, s2;
	s6 =	simm.s32 $0x108;
	_ =	swait.ge @!p0 [sflag:s8], $0x0  }
0x24: {  	s3 =	sadd.s32 $0x88, s3;
	s6 =	simm.s32 @!p1 $0x1082;
	[sflag:s4] =	ssyncset.s32 $0xFFFFF086  }
0x25: {  	[simem:s6], [sflag:s4] =	dma.local [hbm:s3], $0xF7A  }
0x26: {  	[smem:$0x3F6A] =	sst s1;
	(tag) =	ssettag s2;
	_ =	strace s9  }
0x27: {  	s1 =	sld [smem:$0x3F7A]  }
0x28: {  	s2 =	sld [smem:$0x3F7B]  }
0x29: {  	s4 =	sld [smem:$0x3F7D]  }
0x2a: {  	p0 =	seq.s32 s5, $0x0;
	s5 =	sld [smem:$0x3F7E]  }
0x2b: {  	s6 =	sld [smem:$0x3F7F]  }
0x2c: {  	s7 =	sld [smem:$0x3F80]  }
0x2d: {  	s3 =	simm.s32 $0x108;
	s8 =	sld [smem:$0x3F81]  }
0x2e: {  	s3 =	simm.s32 @!p0 $0x1082;
	s9 =	sld [smem:$0x3F82]  }
0x2f: {  	lr =	sadd.s32 s0, s3;
	s0 =	sld [smem:$0x3F79]  }
0x30: {  	s3 =	sld [smem:$0x3F7C]  }
0x31: {  	[smem:$0x3F85] =	sst s10  }
0x32: {  	s10 =	sld [smem:$0x3F83];
	_ =	sdelay $0x3  }
0x33: {  	p0 =	seq.s32 s10, $0x1;
	s10 =	sld [smem:$0x3F85];
	_ =	sdelay $0x3  }
0x34: {  	[smem:$0x3F85] =	sst s10  }
0x35: {  	s10 =	sld [smem:$0x3F84];
	_ =	sdelay $0x3  }
0x36: {  	p1 =	seq.s32 s10, $0x1;
	s10 =	sld [smem:$0x3F85];
	_ =	sdelay $0x3  }
0x37: {  	[smem:$0x3F85] =	sst s10  }
0x38: {  	s10 =	sld [smem:$0x3F86]  }
0x39: {  	_ = 	snop;
	(pc) =	sbr.ind lr, $3  }
0x3a: {  	_ = 	snop  }
0x3b: {  	_ = 	snop  }
0x3c: {  	p2 =	seq.s32 s10, $0x1;
	s10 =	sld [smem:$0x3F85]  }
0x3d: {  	_ =	shalt  }
0x3e: {  	_ =	shalt  }
0x3f: {  	_ =	shalt  }
0x40: {  	_ =	shalt  }
0x41: {  	_ =	shalt  }
0x42: {  	_ =	shalt  }
0x43: {  	_ =	shalt  }
0x44: {  	_ =	shalt  }
0x45: {  	_ =	shalt  }
0x46: {  	_ =	shalt  }
0x47: {  	_ =	shalt  }
0x48: {  	_ =	shalt  }
0x49: {  	_ =	shalt  }
0x4a: {  	_ =	shalt  }
0x4b: {  	_ =	shalt  }
0x4c: {  	_ =	shalt  }
0x4d: {  	_ =	shalt  }
0x4e: {  	_ =	shalt  }
0x4f: {  	_ =	shalt  }
0x50: {  	_ =	shalt  }
0x51: {  	_ =	shalt  }
0x52: {  	_ =	shalt  }
0x53: {  	_ =	shalt  }
0x54: {  	_ =	shalt  }
0x55: {  	_ =	shalt  }
0x56: {  	_ =	shalt  }
0x57: {  	_ =	shalt  }
0x58: {  	_ =	shalt  }
0x59: {  	_ =	shalt  }
0x5a: {  	_ =	shalt  }
0x5b: {  	_ =	shalt  }
0x5c: {  	_ =	shalt  }
0x5d: {  	_ =	shalt  }
0x5e: {  	_ =	shalt  }
0x5f: {  	_ =	shalt  }
0x60: {  	_ =	shalt  }
0x61: {  	_ =	shalt  }
0x62: {  	_ =	shalt  }
0x63: {  	_ =	shalt  }
0x64: {  	_ =	shalt  }
0x65: {  	_ =	shalt  }
0x66: {  	_ =	shalt  }
0x67: {  	_ =	shalt  }
0x68: {  	_ =	shalt  }
0x69: {  	_ =	shalt  }
0x6a: {  	_ =	shalt  }
0x6b: {  	_ =	shalt  }
0x6c: {  	_ =	shalt  }
0x6d: {  	_ =	shalt  }
0x6e: {  	_ =	shalt  }
0x6f: {  	_ =	shalt  }
0x70: {  	_ =	shalt  }
0x71: {  	_ =	shalt  }
0x72: {  	_ =	shalt  }
0x73: {  	_ =	shalt  }
0x74: {  	_ =	shalt  }
0x75: {  	_ =	shalt  }
0x76: {  	_ =	shalt  }
0x77: {  	_ =	shalt  }
0x78: {  	_ =	shalt  }
0x79: {  	_ =	shalt  }
0x7a: {  	_ =	shalt  }
0x7b: {  	_ =	shalt  }
0x7c: {  	_ =	shalt  }
0x7d: {  	_ =	shalt  }
0x7e: {  	_ =	shalt  }
0x7f: {  	_ =	shalt  }
0x80: {  	_ =	shalt  }
0x81: {  	_ =	shalt  }
0x82: {  	_ =	shalt  }
0x83: {  	_ =	shalt  }
0x84: {  	_ =	shalt  }
0x85: {  	_ =	shalt  }
0x86: {  	_ =	shalt  }
0x87: {  	_ =	shalt  }
.Lfunc_end0:
.L_simem_size_0:
called_computation.2_lowered:
.L_overlay_start_0:
0x88: {  	s2 =	sld [smem:$0x3FD9]  }
0x89: {  	s3 =	sld [smem:$0x3FFE];
	_ =	sdelay $0x1  }
0x8a: {  	s1 =	srdreg.scid  }
0x8b: {  	s0 =	sand.u32 $0x1, s1  }
0x8c: {  	s17 =	sshll.u32 s0, $0xA;
	s2 =	sadd.s32 s3, s2  }
0x8d: {  	s2 =	sadd.s32 s2, s17  }
0x8e: {  	[smem:$0x3F91] =	sst s2  }
0x8f: {  	_ = 	snop  }
0x90: {  	s18 =	sld [smem:$0x3FC8];
	(tm) =	ssettm $0x1  }
0x91: {  	s19 =	sld [smem:$0x3FFB];
	_ =	sdelay $0x3  }
0x92: {  	_ =	strace s19  }
0x93: {  	s2 =	sld [smem:$0x3FFC];
	_ =	sdelay $0x3  }
0x94: {  	_ =	strace s2  }
0x95: {  	s2 =	sld [smem:$0x3FFD];
	_ =	sdelay $0x3  }
0x96: {  	_ =	strace s2  }
0x97: {  	_ =	strace $0x8FFFFFFF  }
0x98: {  	s20 =	sld [smem:$0x3FDB];
	_ =	sdelay $0x1  }
0x99: {  	s4 =	simm.s32 $_scs_section_size  }
0x9a: {  	s5 =	simm.s32 $_size__tile_overlayer_lowered;
	s6 =	simm.s32 $_tile_overlayer_lowered  }
0x9b: {  	s7 =	simm.s32 $0x1BFF;
	s21 =	sshll.u32 s6, $0x1;
	s4 =	sadd.s32 s4, s20  }
0x9c: {  	s22 =	simm.s32 $0x0;
	s5 =	sshll.u32 s5, $0x1;
	s6 =	sadd.s32 s21, s4  }
0x9d: {  	[timem:s22], [sflag:s7] =	dma.local [hbm:s6], s5  }
0x9e: {  	_ =	swait.ge [sflag:s7], s5  }
0x9f: {  	s5 =	ssub.s32 $0x0, s5;
	[sflag:s7] =	ssyncset.done $0x0  }
0xa0: {  	[sflag:s7] =	ssyncadd.s32 s5;
	_ =	sdelay $0x1  }
0xa1: {  	s23 =	simm.s32 $0x1B8B  }
0xa2: {  	_ =	swait.ge [sflag:s23], $0x1  }
0xa3: {  	[sflag:s23] =	ssyncset.done $0x0  }
0xa4: {  	[sflag:s23] =	ssyncadd.s32 $0xFFFFFFFF  }
0xa5: {  	s5 =	sld [smem:$0x0]  }
0xa6: {  	s6 =	sand.u32 $0xFFFFFFFE, s1  }
0xa7: {  	p0 =	sne.s32 s1, s6  }
0xa8: {  	s6 =	sshll.u32 @p0 s6, $0xE  }
0xa9: {  	s6 =	sadd.s32 @p0 $0x11B8D, s6;
	s7 =	sshll.u32 @p0 s5, $0x11  }
0xaa: {  	s6 =	sor.u32 @p0 s7, s6  }
0xab: {  	[sflag:s6] =	ssyncadd.remote.s32 @p0 $0x1;
	_ =	sdelay $0x1  }
0xac: {  	s6 =	simm.s32 @p0 $0x1B8D  }
0xad: {  	_ =	swait.eq @p0 [sflag:s6], $0x1  }
0xae: {  	[sflag:s6] =	ssyncadd.s32 @p0 $0xFFFFFFFF  }
0xaf: {  	s7 =	sshll.u32 @!p0 s1, $0xE  }
0xb0: {  	s7 =	sor.u32 @!p0 $0x4000, s7;
	s6 =	simm.s32 @!p0 $0x1B8D  }
0xb1: {  	s5 =	sshll.u32 @!p0 s5, $0x11;
	s7 =	sadd.s32 @!p0 $0x11B8D, s7;
	_ =	swait.eq @!p0 [sflag:s6], $0x1  }
0xb2: {  	s5 =	sor.u32 @!p0 s5, s7;
	[sflag:s6] =	ssyncadd.s32 @!p0 $0xFFFFFFFF  }
0xb3: {  	s25 =	simm.s32 $0x1B8E;
	s24 =	sld [smem:$0x3FFE];
	[sflag:s5] =	ssyncadd.remote.s32 @!p0 $0x1  }
0xb4: {  	s26 =	simm.s32 $execute0_lowered;
	[smem:$0x3FD2] =	sst s25  }
0xb5: {  	s6 =	sshll.u32 s26, $0x1;
	_ =	strace $0x80000058;
	[dreg:$0x1] =	wrdreg $0xFFFFFFFF  }
0xb6: {  	s28 =	simm.s32 $_size_execute0_lowered;
	s4 =	sadd.s32 s4, s6;
	[dreg:$0x0] =	wrdreg $0x0  }
0xb7: {  	s6 =	sshll.u32 s28, $0x1;
	[dreg:$0x2] =	wrdreg s4  }
0xb8: {  	[dreg:$0x3] =	wrdreg s6  }
0xb9: {  	[dreg:$0x4] =	wrdreg $0xC0  }
0xba: {  	_ =	task [dreg:s22], $0x5FFFF  }
0xbb: {  	[dreg:$0x1] =	wrdreg $0xFFFFFFFF  }
0xbc: {  	[dreg:$0x0] =	wrdreg $0x60  }
0xbd: {  	[dreg:$0x2] =	wrdreg s24  }
0xbe: {  	[dreg:$0x3] =	wrdreg s18  }
0xbf: {  	[dreg:$0x4] =	wrdreg $0x5C000  }
0xc0: {  	[dreg:$0x5] =	wrdreg $0x9  }
0xc1: {  	_ =	task.clear_ibuf [dreg:s22], $0x6FFFF;
	_ =	strace $0x90000058  }
0xc2: {  	s29 =	simm.s32 $0x9;
	_ =	strace $0x8000005A  }
0xc3: {  	_ =	swait.ge [sflag:s29], $0x1  }
0xc4: {  	[sflag:s29] =	ssyncadd.s32 $0xFFFFFFFF  }
0xc5: {  	_ =	strace $0x9000005A  }
0xc6: {  	_ =	sfence  }
0xc7: {  	s30 =	sld [smem:$0x0];
	_ =	sdelay $0x2  }
0xc8: {  	s31 =	sshll.u32 s1, $0xD;
	s1 =	sshrl.u32 s1, $0x2  }
0xc9: {  	s4 =	sand.u32 $0x4000, s31;
	s1 =	sadd.s32 s1, s30  }
0xca: {  	s0 =	sor.u32 s4, s0;
	s1 =	sshll.u32 s1, $0x11  }
0xcb: {  	s0 =	sor.u32 s1, s0  }
0xcc: {  	s0 =	sadd.s32 $0x8F2B, s0  }
0xcd: {  	[sflag:s0] =	ssyncadd.remote.s32 $0x1  }
0xce: {  	_ =	sfence.sel $0xFFFF  }
0xcf: {  	[dreg:$0x0] =	wrdreg $0xFFFFFFFF;
	(pc) =	sbr.abs _section_cstart, $3  }
0xd0: {  	[dreg:$0x1] =	wrdreg $0xFFFFFFFF  }
0xd1: {  	_ =	task.clear_ibuf [dreg:s22], $0x2FFFF;
	_ =	strace $0x9FFFFFFF  }
0xd2: {  	(tm) =	ssettm $0x7FFFFFFF  }
0xd3: {  	_ =	shalt  }
tec
execute0_lowered:
.L_overlay_start_1:
0x0: {  	(tag) =	ssettag $0x1  }
0x1: {  	s4 =	rddreg [dreg:$0x0]  }
0x2: {  	s5 =	rddreg [dreg:$0x1];
	s0 =	srdreg.scid  }
0x3: {  	s2 =	rddreg [dreg:$0x2];
	s1 =	stileid.u32;
	s3 =	simm.s32 $0x0  }
0x4: {  	s13 =	simm.s32 $0x3400;
	s14 =	simm.s32 $0x1;
	s15 =	simm.s32 $0x1C00  }
0x5: {  	s16 =	simm.s32 $0x2400;
	s17 =	simm.s32 $0x2C00;
	s18 =	simm.s32 $0x2  }
0x6: {  	s19 =	simm.s32 $0x3C00;
	s20 =	simm.s32 $0x4400;
	s8 =	smul.u32 $0x14000, s1  }
0x7: {  	s21 =	simm.s32 $0x4C00;
	s22 =	simm.s32 $0x3;
	s12 =	smul.u32 $0x50000, s1  }
0x8: {  	s6 =	sand.u32 $0x1, s0;
	s0 =	rddreg [dreg:$0x3];
	s31 =	smul.u32 $0x13880, s1  }
0x9: {  	[smem:$0x7FF] =	sst s3;
	s24 =	sadd.s32 $0x775E00, s4;
	s7 =	smul.u32 $0x140000, s6  }
0xa: {  	s9 =	sshll.u32 s6, $0x4;
	_ =	strace $0x80000059;
	s25 =	ssub.s32 $0x2, s6  }
0xb: {  	s30 =	smul.u32 $0x138800, s6;
	s23 =	sor.u32 s1, s9;
	s11 =	sshrl.u32 s25, $0x1  }
0xc: {  	s28 =	sshrl.u32 s12, $0x2;
	s12 =	simm.s32 $0x1400;
	s10 =	smul.u32 $0x1388, s23  }
0xd: {  	s7 =	sadd.s32 s8, s7;
	s8 =	smul.u32 $0x9C400, s23;
	s11 =	ssub.s32 s25, s11  }
0xe: {  	s9 =	sadd.s32 s30, s24;
	s23 =	simm.s32 $0x0;
	s7 =	sshrl.u32 s7, $0x3  }
0xf: {  	s9 =	sadd.s32 s31, s9;
	s7 =	sadd.s32 s7, s4;
	s10 =	sshrl.u32 s10, $0x3  }
0x10: {  	s26 =	sshrl.u32 s8, $0x3;
	s8 =	smax.u32 s11, $0x1;
	s11 =	simm.s32 $0x5400  }
0x11: {  	s4 =	sadd.s32 s5, s10;
	s29 =	sadd.s32 s24, s26;
	s5 =	sadd.s32 s28, s2  }
0x12: {  	v0 =	vimm.f32 $0.0e+00;
	vm0 =	vmmov $0xffff;
	vm1 =	vmmov $0xff;
	s7 =	sadd.s32 $0xEC8E00, s7;
	s10 =	simm.s32 $0x4;
	s6 =	sadd.s32 $0x13780, s29  }
.LBB2_1:
0x13: {  	[tilespmem:s3], [sflag:$0x4] =	stream.linear.gather [hbm4b:s4+s3], $0x1388, $0x38;
	[tilespmem:$0x19C00] =	vst v63  }
0x14: {  	_ =	swait.ge [sflag:s10], $0x1388  }
0x15: {  	[sflag:s10] =	ssyncset.done $0x0  }
0x16: {  	s24 =	simm.s32 $0x0;
	s25 =	simm.s32 $0x200;
	[sflag:s10] =	ssyncadd.s32 $0xFFFFEC78  }
.LBB2_2:
0x17: {  	p0 =	sne.s32 s25, $0x1E00;
	[tilespmem:s24+$0x5470] =	vst v0  }
0x18: {  	[tilespmem:s24+$0x5400] =	vst v0  }
0x19: {  	[tilespmem:s24+$0x5410] =	vst v0  }
.Ltmp0:
0x1a: {  	[tilespmem:s24+$0x5420] =	vst v0;
	(pc) =	sbr.rel @p0 .LBB2_2-.Ltmp0, $4  }
0x1b: {  	[tilespmem:s24+$0x5430] =	vst v0  }
0x1c: {  	[tilespmem:s24+$0x5440] =	vst v0  }
0x1d: {  	[tilespmem:s24+$0x5450] =	vst v0  }
0x1e: {  	[tilespmem:s24+$0x5460] =	vst v0;
	s24 =	sshra.s32 s25, $0x2;
	s25 =	sadd.s32 $0x200, s25  }
0x1f: {  	[tilespmem:s24+$0x5470] =	vst v0  }
0x20: {  	[tilespmem:s24+$0x5400] =	vst v0  }
0x21: {  	[tilespmem:s24+$0x5410] =	vst v0  }
0x22: {  	[tilespmem:s24+$0x5420] =	vst v0  }
0x23: {  	[tilespmem:s24+$0x5430] =	vst v0  }
0x24: {  	[tilespmem:s24+$0x5440] =	vst v0  }
0x25: {  	[tilespmem:s24+$0x5450] =	vst v0  }
0x26: {  	[tilespmem:s24+$0x5460] =	vst v0;
	s31 =	sadd.s32 $0x0, s5  }
0x27: {  	[spmem:s31] =	stream.linear.scatter [tilespmem:s11], [sflag:$0x4], $0x800, $0x38;
	[tilespmem:$0x19C00] =	vst v63  }
0x28: {  	s24 =	simm.s32 $0x2000;
	_ =	swait.ge [sflag:s10], $0x800  }
.LBB2_4:
0x29: {  	s25 =	sshra.s32 s24, $0x2;
	[sflag:s10] =	ssyncset.done $0x0;
	p0 =	sne.s32 s24, $0x4E000  }
.Ltmp1:
0x2a: {  	s25 =	sadd.s32 s25, s5;
	[sflag:s10] =	ssyncadd.s32 $0xFFFFF800;
	(pc) =	sbr.rel @p0 .LBB2_4-.Ltmp1, $3  }
0x2b: {  	[spmem:s25] =	stream.linear.scatter [tilespmem:s11], [sflag:$0x4], $0x800, $0x38;
	[tilespmem:$0x19C00] =	vst v63  }
0x2c: {  	s24 =	sadd.s32 $0x2000, s24;
	_ =	sdelay $0x1  }
0x2d: {  	_ =	swait.ge [sflag:s10], $0x800  }
0x2e: {  	[sflag:s10] =	ssyncset.done $0x0  }
0x2f: {  	[sflag:s10] =	ssyncadd.s32 $0xFFFFF800  }
0x30: {  	s24 =	simm.s32 $0x0;
	s25 =	simm.s32 $0x40;
	[bflag:$0x0] =	sbarrier.arrive $0xFFFF  }
.LBB2_6:
0x31: {  	s26 =	sadd.s32 s24, s9  }
0x32: {  	[tilespmem:s12], [sflag:$0x1] =	stream.linear.gather [hbm4b:s26+s3], $0x2000, $0x38;
	[tilespmem:$0x19C00] =	vst v63  }
0x33: {  	s26 =	sadd.s32 $0x400, s26  }
0x34: {  	[tilespmem:s13], [sflag:$0x2] =	stream.linear.gather [hbm4b:s26+s3], $0x2000, $0x38;
	[tilespmem:$0x19C00] =	vst v63  }
0x35: {  	_ =	swait.ge [sflag:s14], $0x2000  }
0x36: {  	[sflag:s14] =	ssyncset.done $0x0  }
0x37: {  	[sflag:s14] =	ssyncadd.s32 $0xFFFFE000  }
0x38: {  	v1 =	vld [tilespmem:s25+$0xFFFFFFC0];
	_ =	sdelay $0x7  }
0x39: {  	[spmem:s2] =	stream.indirect_vreg.scatter.add.f32 [tilespmem:s12], [sflag:$0x3], $0x80, v1, vm0, $0xb8;
	[tilespmem:$0x19C00] =	vst v63  }
0x3a: {  	v1 =	vld [tilespmem:s25+$0xFFFFFFD0];
	_ =	sdelay $0x7  }
0x3b: {  	[spmem:s2] =	stream.indirect_vreg.scatter.add.f32 [tilespmem:s15], [sflag:$0x3], $0x80, v1, vm0, $0xb8;
	[tilespmem:$0x19C00] =	vst v63  }
0x3c: {  	v1 =	vld [tilespmem:s25+$0xFFFFFFE0];
	_ =	sdelay $0x7  }
0x3d: {  	[spmem:s2] =	stream.indirect_vreg.scatter.add.f32 [tilespmem:s16], [sflag:$0x3], $0x80, v1, vm0, $0xb8;
	[tilespmem:$0x19C00] =	vst v63  }
0x3e: {  	v1 =	vld [tilespmem:s25+$0xFFFFFFF0];
	_ =	sdelay $0x7  }
0x3f: {  	[spmem:s2] =	stream.indirect_vreg.scatter.add.f32 [tilespmem:s17], [sflag:$0x3], $0x80, v1, vm0, $0xb8;
	[tilespmem:$0x19C00] =	vst v63  }
0x40: {  	_ =	swait.ge [sflag:s18], $0x2000  }
0x41: {  	[sflag:s18] =	ssyncset.done $0x0  }
0x42: {  	[sflag:s18] =	ssyncadd.s32 $0xFFFFE000  }
0x43: {  	v1 =	vld [tilespmem:s25+$0x0];
	_ =	sdelay $0x7  }
0x44: {  	[spmem:s2] =	stream.indirect_vreg.scatter.add.f32 [tilespmem:s13], [sflag:$0x3], $0x80, v1, vm0, $0xb8;
	[tilespmem:$0x19C00] =	vst v63  }
0x45: {  	v1 =	vld [tilespmem:s25+$0x10];
	_ =	sdelay $0x7  }
0x46: {  	[spmem:s2] =	stream.indirect_vreg.scatter.add.f32 [tilespmem:s19], [sflag:$0x3], $0x80, v1, vm0, $0xb8;
	[tilespmem:$0x19C00] =	vst v63  }
0x47: {  	v1 =	vld [tilespmem:s25+$0x20];
	_ =	sdelay $0x7  }
0x48: {  	[spmem:s2] =	stream.indirect_vreg.scatter.add.f32 [tilespmem:s20], [sflag:$0x3], $0x80, v1, vm0, $0xb8;
	[tilespmem:$0x19C00] =	vst v63  }
0x49: {  	v1 =	vld [tilespmem:s25+$0x30];
	_ =	sdelay $0x7  }
0x4a: {  	[spmem:s2] =	stream.indirect_vreg.scatter.add.f32 [tilespmem:s21], [sflag:$0x3], $0x80, v1, vm0, $0xb8;
	[tilespmem:$0x19C00] =	vst v63  }
0x4b: {  	_ =	swait.ge [sflag:s22], $0x800  }
0x4c: {  	[sflag:s22] =	ssyncset.done $0x0  }
0x4d: {  	[sflag:s22] =	ssyncadd.s32 $0xFFFFF800  }
0x4e: {  	_ =	swait.ge [sflag:s22], $0x800  }
0x4f: {  	[sflag:s22] =	ssyncset.done $0x0  }
0x50: {  	[sflag:s22] =	ssyncadd.s32 $0xFFFFF800  }
0x51: {  	_ =	swait.ge [sflag:s22], $0x800  }
0x52: {  	[sflag:s22] =	ssyncset.done $0x0  }
0x53: {  	[sflag:s22] =	ssyncadd.s32 $0xFFFFF800  }
0x54: {  	_ =	swait.ge [sflag:s22], $0x800  }
0x55: {  	[sflag:s22] =	ssyncset.done $0x0  }
0x56: {  	[sflag:s22] =	ssyncadd.s32 $0xFFFFF800  }
0x57: {  	_ =	swait.ge [sflag:s22], $0x800  }
0x58: {  	[sflag:s22] =	ssyncset.done $0x0  }
0x59: {  	[sflag:s22] =	ssyncadd.s32 $0xFFFFF800  }
0x5a: {  	_ =	swait.ge [sflag:s22], $0x800  }
0x5b: {  	[sflag:s22] =	ssyncset.done $0x0  }
0x5c: {  	[sflag:s22] =	ssyncadd.s32 $0xFFFFF800  }
0x5d: {  	p0 =	sne.s32 s24, $0x13000;
	_ =	swait.ge [sflag:s22], $0x800  }
.Ltmp2:
0x5e: {  	[sflag:s22] =	ssyncset.done $0x0;
	(pc) =	sbr.rel @p0 .LBB2_6-.Ltmp2, $4  }
0x5f: {  	[sflag:s22] =	ssyncadd.s32 $0xFFFFF800  }
0x60: {  	_ =	swait.ge [sflag:s22], $0x800  }
0x61: {  	[sflag:s22] =	ssyncset.done $0x0  }
0x62: {  	s24 =	sadd.s32 $0x800, s24;
	s25 =	sadd.s32 $0x80, s25;
	[sflag:s22] =	ssyncadd.s32 $0xFFFFF800  }
0x63: {  	[tilespmem:s12], [sflag:$0x4] =	stream.linear.gather [hbm4b:s6+s3], $0x800, $0x38;
	[tilespmem:$0x19C00] =	vst v63  }
0x64: {  	_ =	swait.ge [sflag:s10], $0x800  }
0x65: {  	[sflag:s10] =	ssyncset.done $0x0  }
0x66: {  	[sflag:s10] =	ssyncadd.s32 $0xFFFFF800  }
0x67: {  	v1 =	vld [tilespmem:$0x1378];
	_ =	sdelay $0x4  }
0x68: {  	v1 =	vsel vm1, $0x2710, v1;
	_ =	sdelay $0x4  }
0x69: {  	[spmem:s2] =	stream.indirect_vreg.scatter.add.f32 [tilespmem:s12], [sflag:$0x4], $0x80, v1, vm0, $0xb8;
	[tilespmem:$0x19C00] =	vst v63  }
0x6a: {  	_ =	swait.ge [sflag:s10], $0x800  }
0x6b: {  	s24 =	sshll.u32 s1, $0x6;
	s23 =	sadd.s32 $0x1, s23;
	[sflag:s10] =	ssyncset.done $0x0  }
0x6c: {  	s25 =	sshrl.u32 s5, $0x3;
	p0 =	sne.s32 s23, s8;
	[sflag:s10] =	ssyncadd.s32 $0xFFFFF800  }
.Ltmp3:
0x6d: {  	s24 =	sor.u32 $0x1C04, s24;
	[bflag:$0x0] =	sbarrier.arrive $0xFFFF;
	(pc) =	sbr.rel @p0 .LBB2_1-.Ltmp3, $4  }
0x6e: {  	[hbm:s7], [sflag:s24] =	dma.local [spmem:s25], $0x2800  }
0x6f: {  	_ =	swait.ge [sflag:s10], $0x2800  }
0x70: {  	[sflag:s10] =	ssyncset.done $0x0  }
0x71: {  	[sflag:s10] =	ssyncadd.s32 $0xFFFFD800  }
0x72: {  	_ =	sfence.sel $0x180000  }
0x73: {  	[bflag:$0x0] =	sbarrier.arrive $0xFFFF  }
0x74: {  	p0 =	sne.s32 s1, $0x0;
	_ =	strace $0x90000059  }
0x75: {  	s0 =	sadd.s32 @!p0 $0x100000, s0;
	[bflag:$0x2] =	sbarrier.arrive $0xFFFF  }
0x76: {  	[sflag:s0] =	ssyncadd.tile.s32 @!p0 $0x1;
	_ =	shalt  }
.Lfunc_end2:
_tile_overlayer_lowered:
.L_overlay_start_2:
0x77: {  	(tag) =	ssettag $0x2  }
0x78: {  	s0 =	rddreg [dreg:$0x0];
	s2 =	stileid.u32  }
0x79: {  	s1 =	rddreg [dreg:$0x1];
	p0 =	sne.s32 s2, $0x0  }
0x7a: {  	s3 =	rddreg [dreg:$0x2];
	[bflag:$0x3] =	sbarrier.arrive $0xFFFF;
	s2 =	simm.s32 @!p0 $0x1C04  }
0x7b: {  	[timem:s3], [sflag:s2] =	dma.local @!p0 [hbm:s0], s1  }
0x7c: {  	s0 =	simm.s32 @!p0 $0x4  }
0x7d: {  	_ =	swait.ge @!p0 [sflag:s0], s1  }
0x7e: {  	s1 =	ssub.s32 @!p0 $0x0, s1;
	[sflag:s0] =	ssyncset.done @!p0 $0x0  }
0x7f: {  	[sflag:s0] =	ssyncadd.s32 @!p0 s1  }
0x80: {  	[bflag:$0x3] =	sbarrier.arrive $0xFFFF  }
0x81: {  	_ =	shalt  }

// kernel: kernel.27.cloned.1.call-start
scs
__scs_entry_jumppad:
0x0: {  	(pc) =	sbr.rel $0x88, $3  }
0x1: {  	(tag) =	ssettag $0x0;
	lr =	simm.s32 $0x1  }
0x2: {  	[smem:$0x3F6A] =	sst lr;
	_ =	strace $0xD0000000  }
0x3: {  	_ = 	snop  }
0x4: {  	_ = 	snop  }
0x5: {  	_ = 	snop  }
0x6: {  	_ = 	snop  }
0x7: {  	_ = 	snop  }
__scs_overlays_trampoline_lowered:
0x8: {  	[smem:$0x3F79] =	sst s0  }
0x9: {  	[smem:$0x3F7A] =	sst s1  }
0xa: {  	[smem:$0x3F7B] =	sst s2  }
0xb: {  	[smem:$0x3F7C] =	sst s3  }
0xc: {  	[smem:$0x3F7D] =	sst s4  }
0xd: {  	[smem:$0x3F7E] =	sst s5  }
0xe: {  	[smem:$0x3F7F] =	sst s6  }
0xf: {  	[smem:$0x3F80] =	sst s7  }
0x10: {  	[smem:$0x3F81] =	sst s8  }
0x11: {  	[smem:$0x3F82] =	sst s9;
	s0 =	simm.s32 @!p0 $0x0  }
0x12: {  	s1 =	sld [smem:$0x3F68];
	s0 =	simm.s32 @p0 $0x1  }
0x13: {  	[smem:$0x3F83] =	sst s0;
	s0 =	simm.s32 @!p1 $0x0  }
0x14: {  	s2 =	sld [smem:$0x3F67];
	s0 =	simm.s32 @p1 $0x1  }
0x15: {  	[smem:$0x3F84] =	sst s0;
	s0 =	simm.s32 @!p2 $0x0  }
0x16: {  	s3 =	sld [smem:$0x3FDB];
	s0 =	simm.s32 @p2 $0x1  }
0x17: {  	s4 =	simm.s32 $0x1BF5;
	[smem:$0x3F86] =	sst s0  }
0x18: {  	s0 =	sld [smem:$0x3F69];
	_ =	swait.ge [sflag:s4], $0x0  }
0x19: {  	s7 =	sld [smem:$0x3F6A]  }
0x1a: {  	s8 =	sadd.s32 $0xFFFFE003, lr  }
0x1b: {  	s9 =	sadd.s32 $0xFFFFFEF7, lr;
	s5 =	simm.s32 $0xFFFFFFFF;
	p2 =	slt.u32 s8, $0xFFFFF086  }
0x1c: {  	p1 =	slt.u32 s9, $0xF7A;
	s5 =	simm.s32 @!p2 $0x0  }
0x1d: {  	s5 =	simm.s32 @p1 $0x1;
	p0 =	seq.s32 s7, s2  }
0x1e: {  	s7 =	smul.u32 @!p0 $0xF7A, s2;
	p2 =	seq.s32 @!p0 s5, $0x0  }
0x1f: {  	s9 =	smul.u32 $0xF7A, s1;
	s8 =	simm.s32 @!p0 $0x1BF5;
	p2 =	por !p2, p0  }
0x20: {  	[sflag:s8] =	ssyncset.s32 @!p0 $0xFFFFF086;
	s6 =	sadd.s32 @!p0 s3, s7;
	s7 =	simm.s32 @!p0 $0x108  }
0x21: {  	s3 =	sadd.s32 s3, s9;
	s6 =	sadd.s32 @!p0 $0x88, s6;
	s7 =	simm.s32 @p2 $0x1082  }
0x22: {  	[simem:s7], [sflag:s8] =	dma.local @!p0 [hbm:s6], $0xF7A  }
0x23: {  	s9 =	sor.u32 $0xD0000000, s2;
	s6 =	simm.s32 $0x108;
	_ =	swait.ge @!p0 [sflag:s8], $0x0  }
0x24: {  	s3 =	sadd.s32 $0x88, s3;
	s6 =	simm.s32 @!p1 $0x1082;
	[sflag:s4] =	ssyncset.s32 $0xFFFFF086  }
0x25: {  	[simem:s6], [sflag:s4] =	dma.local [hbm:s3], $0xF7A  }
0x26: {  	[smem:$0x3F6A] =	sst s1;
	(tag) =	ssettag s2;
	_ =	strace s9  }
0x27: {  	s1 =	sld [smem:$0x3F7A]  }
0x28: {  	s2 =	sld [smem:$0x3F7B]  }
0x29: {  	s4 =	sld [smem:$0x3F7D]  }
0x2a: {  	p0 =	seq.s32 s5, $0x0;
	s5 =	sld [smem:$0x3F7E]  }
0x2b: {  	s6 =	sld [smem:$0x3F7F]  }
0x2c: {  	s7 =	sld [smem:$0x3F80]  }
0x2d: {  	s3 =	simm.s32 $0x108;
	s8 =	sld [smem:$0x3F81]  }
0x2e: {  	s3 =	simm.s32 @!p0 $0x1082;
	s9 =	sld [smem:$0x3F82]  }
0x2f: {  	lr =	sadd.s32 s0, s3;
	s0 =	sld [smem:$0x3F79]  }
0x30: {  	s3 =	sld [smem:$0x3F7C]  }
0x31: {  	[smem:$0x3F85] =	sst s10  }
0x32: {  	s10 =	sld [smem:$0x3F83];
	_ =	sdelay $0x3  }
0x33: {  	p0 =	seq.s32 s10, $0x1;
	s10 =	sld [smem:$0x3F85];
	_ =	sdelay $0x3  }
0x34: {  	[smem:$0x3F85] =	sst s10  }
0x35: {  	s10 =	sld [smem:$0x3F84];
	_ =	sdelay $0x3  }
0x36: {  	p1 =	seq.s32 s10, $0x1;
	s10 =	sld [smem:$0x3F85];
	_ =	sdelay $0x3  }
0x37: {  	[smem:$0x3F85] =	sst s10  }
0x38: {  	s10 =	sld [smem:$0x3F86]  }
0x39: {  	_ = 	snop;
	(pc) =	sbr.ind lr, $3  }
0x3a: {  	_ = 	snop  }
0x3b: {  	_ = 	snop  }
0x3c: {  	p2 =	seq.s32 s10, $0x1;
	s10 =	sld [smem:$0x3F85]  }
0x3d: {  	_ =	shalt  }
0x3e: {  	_ =	shalt  }
0x3f: {  	_ =	shalt  }
0x40: {  	_ =	shalt  }
0x41: {  	_ =	shalt  }
0x42: {  	_ =	shalt  }
0x43: {  	_ =	shalt  }
0x44: {  	_ =	shalt  }
0x45: {  	_ =	shalt  }
0x46: {  	_ =	shalt  }
0x47: {  	_ =	shalt  }
0x48: {  	_ =	shalt  }
0x49: {  	_ =	shalt  }
0x4a: {  	_ =	shalt  }
0x4b: {  	_ =	shalt  }
0x4c: {  	_ =	shalt  }
0x4d: {  	_ =	shalt  }
0x4e: {  	_ =	shalt  }
0x4f: {  	_ =	shalt  }
0x50: {  	_ =	shalt  }
0x51: {  	_ =	shalt  }
0x52: {  	_ =	shalt  }
0x53: {  	_ =	shalt  }
0x54: {  	_ =	shalt  }
0x55: {  	_ =	shalt  }
0x56: {  	_ =	shalt  }
0x57: {  	_ =	shalt  }
0x58: {  	_ =	shalt  }
0x59: {  	_ =	shalt  }
0x5a: {  	_ =	shalt  }
0x5b: {  	_ =	shalt  }
0x5c: {  	_ =	shalt  }
0x5d: {  	_ =	shalt  }
0x5e: {  	_ =	shalt  }
0x5f: {  	_ =	shalt  }
0x60: {  	_ =	shalt  }
0x61: {  	_ =	shalt  }
0x62: {  	_ =	shalt  }
0x63: {  	_ =	shalt  }
0x64: {  	_ =	shalt  }
0x65: {  	_ =	shalt  }
0x66: {  	_ =	shalt  }
0x67: {  	_ =	shalt  }
0x68: {  	_ =	shalt  }
0x69: {  	_ =	shalt  }
0x6a: {  	_ =	shalt  }
0x6b: {  	_ =	shalt  }
0x6c: {  	_ =	shalt  }
0x6d: {  	_ =	shalt  }
0x6e: {  	_ =	shalt  }
0x6f: {  	_ =	shalt  }
0x70: {  	_ =	shalt  }
0x71: {  	_ =	shalt  }
0x72: {  	_ =	shalt  }
0x73: {  	_ =	shalt  }
0x74: {  	_ =	shalt  }
0x75: {  	_ =	shalt  }
0x76: {  	_ =	shalt  }
0x77: {  	_ =	shalt  }
0x78: {  	_ =	shalt  }
0x79: {  	_ =	shalt  }
0x7a: {  	_ =	shalt  }
0x7b: {  	_ =	shalt  }
0x7c: {  	_ =	shalt  }
0x7d: {  	_ =	shalt  }
0x7e: {  	_ =	shalt  }
0x7f: {  	_ =	shalt  }
0x80: {  	_ =	shalt  }
0x81: {  	_ =	shalt  }
0x82: {  	_ =	shalt  }
0x83: {  	_ =	shalt  }
0x84: {  	_ =	shalt  }
0x85: {  	_ =	shalt  }
0x86: {  	_ =	shalt  }
0x87: {  	_ =	shalt  }
.Lfunc_end0:
.L_simem_size_0:
called_computation.3_lowered:
.L_overlay_start_0:
0x88: {  	s2 =	sld [smem:$0x3FD9]  }
0x89: {  	s3 =	sld [smem:$0x3FFE];
	_ =	sdelay $0x1  }
0x8a: {  	s1 =	srdreg.scid  }
0x8b: {  	s0 =	sand.u32 $0x1, s1  }
0x8c: {  	s17 =	sshll.u32 s0, $0xA;
	s2 =	sadd.s32 s3, s2  }
0x8d: {  	s2 =	sadd.s32 s2, s17  }
0x8e: {  	[smem:$0x3F91] =	sst s2  }
0x8f: {  	_ = 	snop  }
0x90: {  	s18 =	sld [smem:$0x3FC6];
	(tm) =	ssettm $0x1  }
0x91: {  	s19 =	sld [smem:$0x3FFB];
	_ =	sdelay $0x3  }
0x92: {  	_ =	strace s19  }
0x93: {  	s2 =	sld [smem:$0x3FFC];
	_ =	sdelay $0x3  }
0x94: {  	_ =	strace s2  }
0x95: {  	s2 =	sld [smem:$0x3FFD];
	_ =	sdelay $0x3  }
0x96: {  	_ =	strace s2  }
0x97: {  	_ =	strace $0x8FFFFFFF  }
0x98: {  	s20 =	sld [smem:$0x3FDB];
	_ =	sdelay $0x1  }
0x99: {  	s4 =	simm.s32 $_scs_section_size  }
0x9a: {  	s5 =	simm.s32 $_size__tile_overlayer_lowered;
	s6 =	simm.s32 $_tile_overlayer_lowered  }
0x9b: {  	s7 =	simm.s32 $0x1BFF;
	s21 =	sshll.u32 s6, $0x1;
	s4 =	sadd.s32 s4, s20  }
0x9c: {  	s22 =	simm.s32 $0x0;
	s5 =	sshll.u32 s5, $0x1;
	s6 =	sadd.s32 s21, s4  }
0x9d: {  	[timem:s22], [sflag:s7] =	dma.local [hbm:s6], s5  }
0x9e: {  	_ =	swait.ge [sflag:s7], s5  }
0x9f: {  	s5 =	ssub.s32 $0x0, s5;
	[sflag:s7] =	ssyncset.done $0x0  }
0xa0: {  	[sflag:s7] =	ssyncadd.s32 s5;
	_ =	sdelay $0x1  }
0xa1: {  	s23 =	simm.s32 $0x1B8B  }
0xa2: {  	_ =	swait.ge [sflag:s23], $0x1  }
0xa3: {  	[sflag:s23] =	ssyncset.done $0x0  }
0xa4: {  	[sflag:s23] =	ssyncadd.s32 $0xFFFFFFFF  }
0xa5: {  	s5 =	sld [smem:$0x0]  }
0xa6: {  	s6 =	sand.u32 $0xFFFFFFFE, s1  }
0xa7: {  	p0 =	sne.s32 s1, s6  }
0xa8: {  	s6 =	sshll.u32 @p0 s6, $0xE  }
0xa9: {  	s6 =	sadd.s32 @p0 $0x11B8D, s6;
	s7 =	sshll.u32 @p0 s5, $0x11  }
0xaa: {  	s6 =	sor.u32 @p0 s7, s6  }
0xab: {  	[sflag:s6] =	ssyncadd.remote.s32 @p0 $0x1;
	_ =	sdelay $0x1  }
0xac: {  	s6 =	simm.s32 @p0 $0x1B8D  }
0xad: {  	_ =	swait.eq @p0 [sflag:s6], $0x1  }
0xae: {  	[sflag:s6] =	ssyncadd.s32 @p0 $0xFFFFFFFF  }
0xaf: {  	s7 =	sshll.u32 @!p0 s1, $0xE  }
0xb0: {  	s7 =	sor.u32 @!p0 $0x4000, s7;
	s6 =	simm.s32 @!p0 $0x1B8D  }
0xb1: {  	s5 =	sshll.u32 @!p0 s5, $0x11;
	s7 =	sadd.s32 @!p0 $0x11B8D, s7;
	_ =	swait.eq @!p0 [sflag:s6], $0x1  }
0xb2: {  	s5 =	sor.u32 @!p0 s5, s7;
	[sflag:s6] =	ssyncadd.s32 @!p0 $0xFFFFFFFF  }
0xb3: {  	s25 =	simm.s32 $0x1B8E;
	s24 =	sld [smem:$0x3FFE];
	[sflag:s5] =	ssyncadd.remote.s32 @!p0 $0x1  }
0xb4: {  	s26 =	simm.s32 $execute0_lowered;
	[smem:$0x3FD2] =	sst s25  }
0xb5: {  	s6 =	sshll.u32 s26, $0x1;
	_ =	strace $0x8000004C;
	[dreg:$0x1] =	wrdreg $0xFFFFFFFF  }
0xb6: {  	s28 =	simm.s32 $_size_execute0_lowered;
	s4 =	sadd.s32 s4, s6;
	[dreg:$0x0] =	wrdreg $0x0  }
0xb7: {  	s6 =	sshll.u32 s28, $0x1;
	[dreg:$0x2] =	wrdreg s4  }
0xb8: {  	[dreg:$0x3] =	wrdreg s6  }
0xb9: {  	[dreg:$0x4] =	wrdreg $0xC0  }
0xba: {  	_ =	task [dreg:s22], $0x5FFFF  }
0xbb: {  	[dreg:$0x1] =	wrdreg $0xFFFFFFFF  }
0xbc: {  	[dreg:$0x0] =	wrdreg $0x60  }
0xbd: {  	[dreg:$0x2] =	wrdreg s24  }
0xbe: {  	[dreg:$0x3] =	wrdreg s18  }
0xbf: {  	[dreg:$0x4] =	wrdreg $0xA  }
0xc0: {  	_ =	task.clear_ibuf [dreg:s22], $0x5FFFF;
	_ =	strace $0x9000004C  }
0xc1: {  	s29 =	simm.s32 $0xA;
	_ =	strace $0x8000004E  }
0xc2: {  	_ =	swait.ge [sflag:s29], $0x1  }
0xc3: {  	[sflag:s29] =	ssyncadd.s32 $0xFFFFFFFF  }
0xc4: {  	_ =	strace $0x9000004E  }
0xc5: {  	_ =	sfence  }
0xc6: {  	s30 =	sld [smem:$0x0];
	_ =	sdelay $0x2  }
0xc7: {  	s31 =	sshll.u32 s1, $0xD;
	s1 =	sshrl.u32 s1, $0x2  }
0xc8: {  	s4 =	sand.u32 $0x4000, s31;
	s1 =	sadd.s32 s1, s30  }
0xc9: {  	s0 =	sor.u32 s4, s0;
	s1 =	sshll.u32 s1, $0x11  }
0xca: {  	s0 =	sor.u32 s1, s0  }
0xcb: {  	s0 =	sadd.s32 $0x8F2B, s0  }
0xcc: {  	[sflag:s0] =	ssyncadd.remote.s32 $0x1  }
0xcd: {  	_ =	sfence.sel $0xFFFF  }
0xce: {  	[dreg:$0x0] =	wrdreg $0xFFFFFFFF;
	(pc) =	sbr.abs _section_cstart, $3  }
0xcf: {  	[dreg:$0x1] =	wrdreg $0xFFFFFFFF  }
0xd0: {  	_ =	task.clear_ibuf [dreg:s22], $0x2FFFF;
	_ =	strace $0x9FFFFFFF  }
0xd1: {  	(tm) =	ssettm $0x7FFFFFFF  }
tec
execute0_lowered:
.L_overlay_start_1:
0x0: {  	(tag) =	ssettag $0x1  }
0x1: {  	s4 =	rddreg [dreg:$0x0]  }
0x2: {  	s0 =	srdreg.scid;
	s1 =	stileid.u32  }
0x3: {  	s6 =	rddreg [dreg:$0x1];
	s7 =	smul.u32 $0x13880, s1  }
0x4: {  	s2 =	simm.s32 $0x0;
	s3 =	sand.u32 $0x1, s0;
	s10 =	smul.u32 $0x1388, s1  }
0x5: {  	s11 =	simm.s32 $0x0;
	s0 =	rddreg [dreg:$0x2];
	s5 =	smul.u32 $0x138800, s3  }
0x6: {  	[smem:$0x7FF] =	sst s2;
	s8 =	smul.u32 $0x13880, s3;
	s9 =	ssub.s32 $0x2, s3  }
0x7: {  	_ =	strace $0x8000004D;
	s3 =	sadd.s32 $0x22E00, s4;
	s30 =	sshrl.u32 s9, $0x1  }
0x8: {  	s4 =	sadd.s32 s5, s4;
	s5 =	ssub.s32 s9, s30;
	s8 =	sadd.s32 s10, s8  }
0x9: {  	s9 =	simm.s32 $0x100;
	s10 =	simm.s32 $0x1;
	s7 =	sadd.s32 s7, s4  }
0xa: {  	s4 =	smax.u32 s5, $0x1;
	s31 =	sshrl.u32 s8, $0x3;
	s8 =	simm.s32 $0xC8  }
0xb: {  	s5 =	sadd.s32 $0x9E6E00, s7;
	s6 =	sadd.s32 s31, s6;
	s7 =	simm.s32 $0x2  }
.LBB2_1:
0xc: {  	s12 =	sadd.s32 $0x0, s6  }
0xd: {  	[tilespmem:s2], [sflag:$0x2] =	stream.linear.gather [hbm4b:s12+s2], $0xC8, $0x38;
	[tilespmem:$0x6500] =	vst v63  }
0xe: {  	_ =	swait.ge [sflag:s7], $0xC8  }
0xf: {  	[sflag:s7] =	ssyncset.done $0x0  }
0x10: {  	[sflag:s7] =	ssyncadd.s32 $0xFFFFFF38  }
0x11: {  	[tilespmem:s9], [sflag:$0x1] =	stream.indirect.gather [hbm4b:s3+s8], $0x80, s2, s8, $0xb8;
	[tilespmem:$0x6500] =	vst v63  }
0x12: {  	_ =	swait.ge [sflag:s10], $0x6400  }
0x13: {  	[sflag:s10] =	ssyncset.done $0x0  }
0x14: {  	[sflag:s10] =	ssyncadd.s32 $0xFFFF9C00  }
0x15: {  	[hbm4b:s5+s2] =	stream.linear.scatter [tilespmem:s9], [sflag:$0x2], $0x6400, $0x38;
	[tilespmem:$0x6500] =	vst v63  }
0x16: {  	s13 =	simm.s32 $0x19;
	_ =	swait.ge [sflag:s7], $0x6400  }
0x17: {  	s14 =	simm.s32 $0x32;
	s12 =	sadd.s32 $0xC80, s5;
	[sflag:s7] =	ssyncset.done $0x0  }
.LBB2_2:
0x18: {  	s15 =	sadd.s32 s13, s6  }
0x19: {  	[sflag:s7] =	ssyncadd.s32 $0xFFFF9C00;
	s13 =	smov.u32 s14;
	s16 =	sadd.s32 $0x19, s14  }
0x1a: {  	[tilespmem:s2], [sflag:$0x2] =	stream.linear.gather [hbm4b:s15+s2], $0xC8, $0x38;
	[tilespmem:$0x6500] =	vst v63  }
0x1b: {  	p0 =	sne.s32 s14, $0x258;
	_ =	swait.ge [sflag:s7], $0xC8  }
0x1c: {  	[sflag:s7] =	ssyncset.done $0x0  }
0x1d: {  	[sflag:s7] =	ssyncadd.s32 $0xFFFFFF38  }
0x1e: {  	[tilespmem:s9], [sflag:$0x1] =	stream.indirect.gather [hbm4b:s3+s8], $0x80, s2, s8, $0xb8;
	[tilespmem:$0x6500] =	vst v63  }
0x1f: {  	_ =	swait.ge [sflag:s10], $0x6400  }
.Ltmp0:
0x20: {  	[sflag:s10] =	ssyncset.done $0x0;
	(pc) =	sbr.rel @p0 .LBB2_2-.Ltmp0, $4  }
0x21: {  	[sflag:s10] =	ssyncadd.s32 $0xFFFF9C00  }
0x22: {  	[hbm4b:s12+s2] =	stream.linear.scatter [tilespmem:s9], [sflag:$0x2], $0x6400, $0x38;
	[tilespmem:$0x6500] =	vst v63  }
0x23: {  	_ =	swait.ge [sflag:s7], $0x6400  }
0x24: {  	s14 =	smov.u32 s16;
	s12 =	sadd.s32 $0xC80, s12;
	[sflag:s7] =	ssyncset.done $0x0  }
0x25: {  	s13 =	sadd.s32 s13, s6;
	[sflag:s7] =	ssyncadd.s32 $0xFFFF9C00  }
0x26: {  	[tilespmem:s2], [sflag:$0x2] =	stream.linear.gather [hbm4b:s13+s2], $0xC8, $0x38;
	[tilespmem:$0x6500] =	vst v63  }
0x27: {  	_ =	swait.ge [sflag:s7], $0xC8  }
0x28: {  	[sflag:s7] =	ssyncset.done $0x0  }
0x29: {  	[sflag:s7] =	ssyncadd.s32 $0xFFFFFF38  }
0x2a: {  	[tilespmem:s9], [sflag:$0x1] =	stream.indirect.gather [hbm4b:s3+s8], $0x80, s2, s8, $0xb8;
	[tilespmem:$0x6500] =	vst v63  }
0x2b: {  	s11 =	sadd.s32 $0x1, s11;
	_ =	swait.ge [sflag:s10], $0x6400  }
0x2c: {  	p0 =	sne.s32 s11, s4;
	[sflag:s10] =	ssyncset.done $0x0  }
.Ltmp1:
0x2d: {  	[sflag:s10] =	ssyncadd.s32 $0xFFFF9C00;
	(pc) =	sbr.rel @p0 .LBB2_1-.Ltmp1, $4  }
0x2e: {  	[hbm4b:s12+s2] =	stream.linear.scatter [tilespmem:s9], [sflag:$0x2], $0x6400, $0x38;
	[tilespmem:$0x6500] =	vst v63  }
0x2f: {  	_ =	swait.ge [sflag:s7], $0x6400  }
0x30: {  	[sflag:s7] =	ssyncset.done $0x0  }
0x31: {  	[sflag:s7] =	ssyncadd.s32 $0xFFFF9C00  }
0x32: {  	_ =	sfence.sel $0x180000  }
0x33: {  	[bflag:$0x0] =	sbarrier.arrive $0xFFFF  }
0x34: {  	p0 =	sne.s32 s1, $0x0;
	_ =	strace $0x9000004D  }
0x35: {  	s0 =	sadd.s32 @!p0 $0x100000, s0;
	[bflag:$0x2] =	sbarrier.arrive $0xFFFF  }
0x36: {  	[sflag:s0] =	ssyncadd.tile.s32 @!p0 $0x1;
	_ =	shalt  }
.Lfunc_end2:
_tile_overlayer_lowered:
.L_overlay_start_2:
0x37: {  	(tag) =	ssettag $0x2  }
0x38: {  	s0 =	rddreg [dreg:$0x0];
	s2 =	stileid.u32  }
0x39: {  	s1 =	rddreg [dreg:$0x1];
	p0 =	sne.s32 s2, $0x0  }
0x3a: {  	s3 =	rddreg [dreg:$0x2];
	[bflag:$0x3] =	sbarrier.arrive $0xFFFF;
	s2 =	simm.s32 @!p0 $0x1C02  }
0x3b: {  	[timem:s3], [sflag:s2] =	dma.local @!p0 [hbm:s0], s1  }
0x3c: {  	s0 =	simm.s32 @!p0 $0x2  }
0x3d: {  	_ =	swait.ge @!p0 [sflag:s0], s1  }
0x3e: {  	s1 =	ssub.s32 @!p0 $0x0, s1;
	[sflag:s0] =	ssyncset.done @!p0 $0x0  }
0x3f: {  	[sflag:s0] =	ssyncadd.s32 @!p0 s1  }
0x40: {  	[bflag:$0x3] =	sbarrier.arrive $0xFFFF  }
0x41: {  	_ =	shalt  }

// kernel: kernel.30.cloned.1.call-start
scs
__scs_entry_jumppad:
0x0: {  	(pc) =	sbr.rel $0x88, $3  }
0x1: {  	(tag) =	ssettag $0x0;
	lr =	simm.s32 $0x1  }
0x2: {  	[smem:$0x3F6A] =	sst lr;
	_ =	strace $0xD0000000  }
0x3: {  	_ = 	snop  }
0x4: {  	_ = 	snop  }
0x5: {  	_ = 	snop  }
0x6: {  	_ = 	snop  }
0x7: {  	_ = 	snop  }
__scs_overlays_trampoline_lowered:
0x8: {  	[smem:$0x3F79] =	sst s0  }
0x9: {  	[smem:$0x3F7A] =	sst s1  }
0xa: {  	[smem:$0x3F7B] =	sst s2  }
0xb: {  	[smem:$0x3F7C] =	sst s3  }
0xc: {  	[smem:$0x3F7D] =	sst s4  }
0xd: {  	[smem:$0x3F7E] =	sst s5  }
0xe: {  	[smem:$0x3F7F] =	sst s6  }
0xf: {  	[smem:$0x3F80] =	sst s7  }
0x10: {  	[smem:$0x3F81] =	sst s8  }
0x11: {  	[smem:$0x3F82] =	sst s9;
	s0 =	simm.s32 @!p0 $0x0  }
0x12: {  	s1 =	sld [smem:$0x3F68];
	s0 =	simm.s32 @p0 $0x1  }
0x13: {  	[smem:$0x3F83] =	sst s0;
	s0 =	simm.s32 @!p1 $0x0  }
0x14: {  	s2 =	sld [smem:$0x3F67];
	s0 =	simm.s32 @p1 $0x1  }
0x15: {  	[smem:$0x3F84] =	sst s0;
	s0 =	simm.s32 @!p2 $0x0  }
0x16: {  	s3 =	sld [smem:$0x3FDB];
	s0 =	simm.s32 @p2 $0x1  }
0x17: {  	s4 =	simm.s32 $0x1BF5;
	[smem:$0x3F86] =	sst s0  }
0x18: {  	s0 =	sld [smem:$0x3F69];
	_ =	swait.ge [sflag:s4], $0x0  }
0x19: {  	s7 =	sld [smem:$0x3F6A]  }
0x1a: {  	s8 =	sadd.s32 $0xFFFFE003, lr  }
0x1b: {  	s9 =	sadd.s32 $0xFFFFFEF7, lr;
	s5 =	simm.s32 $0xFFFFFFFF;
	p2 =	slt.u32 s8, $0xFFFFF086  }
0x1c: {  	p1 =	slt.u32 s9, $0xF7A;
	s5 =	simm.s32 @!p2 $0x0  }
0x1d: {  	s5 =	simm.s32 @p1 $0x1;
	p0 =	seq.s32 s7, s2  }
0x1e: {  	s7 =	smul.u32 @!p0 $0xF7A, s2;
	p2 =	seq.s32 @!p0 s5, $0x0  }
0x1f: {  	s9 =	smul.u32 $0xF7A, s1;
	s8 =	simm.s32 @!p0 $0x1BF5;
	p2 =	por !p2, p0  }
0x20: {  	[sflag:s8] =	ssyncset.s32 @!p0 $0xFFFFF086;
	s6 =	sadd.s32 @!p0 s3, s7;
	s7 =	simm.s32 @!p0 $0x108  }
0x21: {  	s3 =	sadd.s32 s3, s9;
	s6 =	sadd.s32 @!p0 $0x88, s6;
	s7 =	simm.s32 @p2 $0x1082  }
0x22: {  	[simem:s7], [sflag:s8] =	dma.local @!p0 [hbm:s6], $0xF7A  }
0x23: {  	s9 =	sor.u32 $0xD0000000, s2;
	s6 =	simm.s32 $0x108;
	_ =	swait.ge @!p0 [sflag:s8], $0x0  }
0x24: {  	s3 =	sadd.s32 $0x88, s3;
	s6 =	simm.s32 @!p1 $0x1082;
	[sflag:s4] =	ssyncset.s32 $0xFFFFF086  }
0x25: {  	[simem:s6], [sflag:s4] =	dma.local [hbm:s3], $0xF7A  }
0x26: {  	[smem:$0x3F6A] =	sst s1;
	(tag) =	ssettag s2;
	_ =	strace s9  }
0x27: {  	s1 =	sld [smem:$0x3F7A]  }
0x28: {  	s2 =	sld [smem:$0x3F7B]  }
0x29: {  	s4 =	sld [smem:$0x3F7D]  }
0x2a: {  	p0 =	seq.s32 s5, $0x0;
	s5 =	sld [smem:$0x3F7E]  }
0x2b: {  	s6 =	sld [smem:$0x3F7F]  }
0x2c: {  	s7 =	sld [smem:$0x3F80]  }
0x2d: {  	s3 =	simm.s32 $0x108;
	s8 =	sld [smem:$0x3F81]  }
0x2e: {  	s3 =	simm.s32 @!p0 $0x1082;
	s9 =	sld [smem:$0x3F82]  }
0x2f: {  	lr =	sadd.s32 s0, s3;
	s0 =	sld [smem:$0x3F79]  }
0x30: {  	s3 =	sld [smem:$0x3F7C]  }
0x31: {  	[smem:$0x3F85] =	sst s10  }
0x32: {  	s10 =	sld [smem:$0x3F83];
	_ =	sdelay $0x3  }
0x33: {  	p0 =	seq.s32 s10, $0x1;
	s10 =	sld [smem:$0x3F85];
	_ =	sdelay $0x3  }
0x34: {  	[smem:$0x3F85] =	sst s10  }
0x35: {  	s10 =	sld [smem:$0x3F84];
	_ =	sdelay $0x3  }
0x36: {  	p1 =	seq.s32 s10, $0x1;
	s10 =	sld [smem:$0x3F85];
	_ =	sdelay $0x3  }
0x37: {  	[smem:$0x3F85] =	sst s10  }
0x38: {  	s10 =	sld [smem:$0x3F86]  }
0x39: {  	_ = 	snop;
	(pc) =	sbr.ind lr, $3  }
0x3a: {  	_ = 	snop  }
0x3b: {  	_ = 	snop  }
0x3c: {  	p2 =	seq.s32 s10, $0x1;
	s10 =	sld [smem:$0x3F85]  }
0x3d: {  	_ =	shalt  }
0x3e: {  	_ =	shalt  }
0x3f: {  	_ =	shalt  }
0x40: {  	_ =	shalt  }
0x41: {  	_ =	shalt  }
0x42: {  	_ =	shalt  }
0x43: {  	_ =	shalt  }
0x44: {  	_ =	shalt  }
0x45: {  	_ =	shalt  }
0x46: {  	_ =	shalt  }
0x47: {  	_ =	shalt  }
0x48: {  	_ =	shalt  }
0x49: {  	_ =	shalt  }
0x4a: {  	_ =	shalt  }
0x4b: {  	_ =	shalt  }
0x4c: {  	_ =	shalt  }
0x4d: {  	_ =	shalt  }
0x4e: {  	_ =	shalt  }
0x4f: {  	_ =	shalt  }
0x50: {  	_ =	shalt  }
0x51: {  	_ =	shalt  }
0x52: {  	_ =	shalt  }
0x53: {  	_ =	shalt  }
0x54: {  	_ =	shalt  }
0x55: {  	_ =	shalt  }
0x56: {  	_ =	shalt  }
0x57: {  	_ =	shalt  }
0x58: {  	_ =	shalt  }
0x59: {  	_ =	shalt  }
0x5a: {  	_ =	shalt  }
0x5b: {  	_ =	shalt  }
0x5c: {  	_ =	shalt  }
0x5d: {  	_ =	shalt  }
0x5e: {  	_ =	shalt  }
0x5f: {  	_ =	shalt  }
0x60: {  	_ =	shalt  }
0x61: {  	_ =	shalt  }
0x62: {  	_ =	shalt  }
0x63: {  	_ =	shalt  }
0x64: {  	_ =	shalt  }
0x65: {  	_ =	shalt  }
0x66: {  	_ =	shalt  }
0x67: {  	_ =	shalt  }
0x68: {  	_ =	shalt  }
0x69: {  	_ =	shalt  }
0x6a: {  	_ =	shalt  }
0x6b: {  	_ =	shalt  }
0x6c: {  	_ =	shalt  }
0x6d: {  	_ =	shalt  }
0x6e: {  	_ =	shalt  }
0x6f: {  	_ =	shalt  }
0x70: {  	_ =	shalt  }
0x71: {  	_ =	shalt  }
0x72: {  	_ =	shalt  }
0x73: {  	_ =	shalt  }
0x74: {  	_ =	shalt  }
0x75: {  	_ =	shalt  }
0x76: {  	_ =	shalt  }
0x77: {  	_ =	shalt  }
0x78: {  	_ =	shalt  }
0x79: {  	_ =	shalt  }
0x7a: {  	_ =	shalt  }
0x7b: {  	_ =	shalt  }
0x7c: {  	_ =	shalt  }
0x7d: {  	_ =	shalt  }
0x7e: {  	_ =	shalt  }
0x7f: {  	_ =	shalt  }
0x80: {  	_ =	shalt  }
0x81: {  	_ =	shalt  }
0x82: {  	_ =	shalt  }
0x83: {  	_ =	shalt  }
0x84: {  	_ =	shalt  }
0x85: {  	_ =	shalt  }
0x86: {  	_ =	shalt  }
0x87: {  	_ =	shalt  }
.Lfunc_end0:
.L_simem_size_0:
called_computation.4_lowered:
.L_overlay_start_0:
0x88: {  	s2 =	sld [smem:$0x3FD9]  }
0x89: {  	s3 =	sld [smem:$0x3FFE];
	_ =	sdelay $0x1  }
0x8a: {  	s1 =	srdreg.scid  }
0x8b: {  	s0 =	sand.u32 $0x1, s1  }
0x8c: {  	s17 =	sshll.u32 s0, $0xA;
	s2 =	sadd.s32 s3, s2  }
0x8d: {  	s2 =	sadd.s32 s2, s17  }
0x8e: {  	[smem:$0x3F91] =	sst s2  }
0x8f: {  	_ = 	snop  }
0x90: {  	s2 =	sld [smem:$0x3FC5];
	(tm) =	ssettm $0x1  }
0x91: {  	s18 =	sld [smem:$0x3FFB];
	_ =	sdelay $0x3  }
0x92: {  	_ =	strace s18  }
0x93: {  	s3 =	sld [smem:$0x3FFC];
	_ =	sdelay $0x3  }
0x94: {  	_ =	strace s3  }
0x95: {  	s3 =	sld [smem:$0x3FFD];
	_ =	sdelay $0x3  }
0x96: {  	_ =	strace s3  }
0x97: {  	_ =	strace $0x8FFFFFFF  }
0x98: {  	s19 =	sld [smem:$0x3FDB];
	_ =	sdelay $0x1  }
0x99: {  	s4 =	simm.s32 $_scs_section_size  }
0x9a: {  	s5 =	simm.s32 $_size__tile_overlayer_lowered;
	s6 =	simm.s32 $_tile_overlayer_lowered  }
0x9b: {  	s22 =	simm.s32 $0x1BFF;
	s21 =	sshll.u32 s6, $0x1;
	s3 =	sadd.s32 s4, s19  }
0x9c: {  	s7 =	simm.s32 $0x0;
	s20 =	sshll.u32 s5, $0x1;
	s5 =	sadd.s32 s21, s3  }
0x9d: {  	[timem:s7], [sflag:s22] =	dma.local [hbm:s5], s20  }
0x9e: {  	_ =	swait.ge [sflag:s22], s20  }
0x9f: {  	s4 =	ssub.s32 $0x0, s20;
	[sflag:s22] =	ssyncset.done $0x0  }
0xa0: {  	[sflag:s22] =	ssyncadd.s32 s4;
	_ =	sdelay $0x1  }
0xa1: {  	s23 =	simm.s32 $0x1B8B  }
0xa2: {  	_ =	swait.ge [sflag:s23], $0x1  }
0xa3: {  	[sflag:s23] =	ssyncset.done $0x0  }
0xa4: {  	s25 =	simm.s32 $0x1B8E;
	s24 =	sld [smem:$0x3FFE];
	[sflag:s23] =	ssyncadd.s32 $0xFFFFFFFF  }
0xa5: {  	s26 =	simm.s32 $execute0_lowered;
	[smem:$0x3FD2] =	sst s25  }
0xa6: {  	s5 =	sshll.u32 s26, $0x1;
	_ =	strace $0x8000004F;
	[dreg:$0x1] =	wrdreg $0xFFFFFFFF  }
0xa7: {  	s28 =	simm.s32 $_size_execute0_lowered;
	s3 =	sadd.s32 s3, s5;
	[dreg:$0x0] =	wrdreg $0x0  }
0xa8: {  	s5 =	sshll.u32 s28, $0x1;
	[dreg:$0x2] =	wrdreg s3  }
0xa9: {  	[dreg:$0x3] =	wrdreg s5  }
0xaa: {  	[dreg:$0x4] =	wrdreg $0xC0  }
0xab: {  	_ =	task [dreg:s7], $0x5FFFF  }
0xac: {  	[dreg:$0x1] =	wrdreg $0xFFFFFFFF  }
0xad: {  	[dreg:$0x0] =	wrdreg $0x60  }
0xae: {  	[dreg:$0x2] =	wrdreg s24  }
0xaf: {  	[dreg:$0x3] =	wrdreg s2  }
0xb0: {  	[dreg:$0x4] =	wrdreg $0x77800  }
0xb1: {  	[dreg:$0x5] =	wrdreg $0x9  }
0xb2: {  	_ =	task.clear_ibuf [dreg:s7], $0x6FFFF;
	_ =	strace $0x9000004F  }
0xb3: {  	s29 =	simm.s32 $0x9;
	_ =	strace $0x80000051  }
0xb4: {  	_ =	swait.ge [sflag:s29], $0x1  }
0xb5: {  	[sflag:s29] =	ssyncadd.s32 $0xFFFFFFFF  }
0xb6: {  	_ =	strace $0x90000051  }
0xb7: {  	_ =	sfence  }
0xb8: {  	s30 =	sld [smem:$0x0];
	_ =	sdelay $0x2  }
0xb9: {  	s31 =	sshll.u32 s1, $0xD;
	s1 =	sshrl.u32 s1, $0x2  }
0xba: {  	s3 =	sand.u32 $0x4000, s31;
	s1 =	sadd.s32 s1, s30  }
0xbb: {  	s0 =	sor.u32 s3, s0;
	s1 =	sshll.u32 s1, $0x11  }
0xbc: {  	s0 =	sor.u32 s1, s0  }
0xbd: {  	s0 =	sadd.s32 $0x8F2B, s0  }
0xbe: {  	[sflag:s0] =	ssyncadd.remote.s32 $0x1  }
0xbf: {  	_ =	sfence.sel $0xFFFF  }
0xc0: {  	[dreg:$0x0] =	wrdreg $0xFFFFFFFF;
	(pc) =	sbr.abs _section_cstart, $3  }
0xc1: {  	[dreg:$0x1] =	wrdreg $0xFFFFFFFF  }
0xc2: {  	_ =	task.clear_ibuf [dreg:s7], $0x2FFFF;
	_ =	strace $0x9FFFFFFF  }
0xc3: {  	(tm) =	ssettm $0x7FFFFFFF  }
tec
execute0_lowered:
.L_overlay_start_1:
0x0: {  	(tag) =	ssettag $0x1  }
0x1: {  	s6 =	rddreg [dreg:$0x0]  }
0x2: {  	s7 =	rddreg [dreg:$0x1]  }
0x3: {  	s1 =	rddreg [dreg:$0x2]  }
0x4: {  	s0 =	rddreg [dreg:$0x3]  }
0x5: {  	s3 =	simm.s32 $0x0;
	s4 =	srdreg.scid;
	s2 =	stileid.u32  }
0x6: {  	s13 =	simm.s32 $0x6F80;
	s14 =	simm.s32 $0x1;
	s15 =	simm.s32 $0x4F80  }
0x7: {  	s17 =	simm.s32 $0x0;
	s8 =	sand.u32 $0x1, s4;
	s4 =	smul.u32 $0x2710, s2  }
0x8: {  	[smem:$0x7FF] =	sst s3;
	s5 =	sadd.s32 $0x8C00, s6;
	s11 =	smul.u32 $0x7D000, s2  }
0x9: {  	s6 =	sadd.s32 $0x9E6E00, s6;
	s30 =	sshll.u32 s2, $0x10;
	p0 =	sgt.u32 s2, $0x7  }
.Ltmp0:
0xa: {  	_ =	strace $0x80000050;
	s9 =	ssub.s32 $0x2, s8;
	(pc) =	sbr.rel .LBB2_1-.Ltmp0, $4  }
0xb: {  	s8 =	smul.u32 $0x13880, s8;
	s10 =	sshrl.u32 s9, $0x1;
	s29 =	sshrl.u32 s4, $0x3  }
0xc: {  	s31 =	sshrl.u32 s11, $0x2;
	s12 =	ssub.s32 s9, s10;
	s7 =	sadd.s32 s7, s29  }
0xd: {  	v1 =	vlaneseq.u32;
	v0 =	vimm.f32 $0.0e+00;
	v2 =	vimm.s32 $0x0;
	s9 =	sadd.s32 s30, s1;
	s16 =	sadd.s32 s31, s1;
	s10 =	smul.u32 $0x3E8, s2  }
0xe: {  	v3 =	vimm.s32 $0x1F40;
	vm0 =	vmmov $0xffff;
	v1 =	vmul.u32 $0x2000, v1;
	s11 =	smax.u32 s12, $0x1;
	s12 =	simm.s32 $0x2;
	s16 =	sshrl.u32 @!p0 s16, $0x3  }
.LBB2_13:
0xf: {  	s17 =	sadd.s32 $0x1, s17  }
0x10: {  	p1 =	sne.s32 s17, s11  }
.Ltmp1:
0x11: {  	_ = 	snop;
	(pc) =	sbr.rel @!p1 .LBB2_14-.Ltmp1, $1  }
0x12: {  	_ =	sdelay $0x3  }
.LBB2_1:
0x13: {  	[tilespmem:s3], [sflag:$0x2] =	stream.linear.gather [hbm4b:s7+s3], $0x2710, $0x38;
	[tilespmem:$0x17780] =	vst v63  }
0x14: {  	_ =	swait.ge [sflag:s12], $0x2710  }
0x15: {  	[sflag:s12] =	ssyncset.done $0x0  }
0x16: {  	s19 =	simm.s32 $0x0;
	s18 =	simm.s32 $0x200;
	[sflag:s12] =	ssyncadd.s32 $0xFFFFD8F0  }
.LBB2_2:
0x17: {  	p1 =	sne.s32 s18, $0x1E00;
	[tilespmem:s19+$0x6FF0] =	vst v0  }
0x18: {  	[tilespmem:s19+$0x6F80] =	vst v0  }
0x19: {  	[tilespmem:s19+$0x6F90] =	vst v0  }
.Ltmp2:
0x1a: {  	[tilespmem:s19+$0x6FA0] =	vst v0;
	(pc) =	sbr.rel @p1 .LBB2_2-.Ltmp2, $4  }
0x1b: {  	[tilespmem:s19+$0x6FB0] =	vst v0  }
0x1c: {  	[tilespmem:s19+$0x6FC0] =	vst v0  }
0x1d: {  	[tilespmem:s19+$0x6FD0] =	vst v0  }
0x1e: {  	[tilespmem:s19+$0x6FE0] =	vst v0;
	s19 =	sshra.s32 s18, $0x2;
	s18 =	sadd.s32 $0x200, s18  }
0x1f: {  	[tilespmem:s19+$0x6FF0] =	vst v0  }
0x20: {  	[tilespmem:s19+$0x6F80] =	vst v0  }
0x21: {  	[tilespmem:s19+$0x6F90] =	vst v0  }
.Ltmp3:
0x22: {  	[tilespmem:s19+$0x6FA0] =	vst v0;
	(pc) =	sbr.rel .LBB2_4-.Ltmp3, $4  }
0x23: {  	[tilespmem:s19+$0x6FB0] =	vst v0  }
0x24: {  	[tilespmem:s19+$0x6FC0] =	vst v0  }
0x25: {  	[tilespmem:s19+$0x6FD0] =	vst v0  }
0x26: {  	s18 =	simm.s32 $0x0;
	[tilespmem:s19+$0x6FE0] =	vst v0  }
.LBB2_11:
0x27: {  	[sflag:s12] =	ssyncadd.s32 $0xFFFFF800  }
.LBB2_12:
0x28: {  	s19 =	sadd.s32 @!p0 s10, s19  }
0x29: {  	s20 =	sshll.u32 @!p0 s2, $0x6;
	[bflag:$0x0] =	sbarrier.arrive $0xFFFF;
	s19 =	sshll.u32 @!p0 s19, $0x4  }
0x2a: {  	s18 =	sadd.s32 $0x1, s18;
	s20 =	sor.u32 @!p0 $0x1C02, s20;
	s19 =	sadd.s32 @!p0 s6, s19  }
0x2b: {  	[hbm:s19], [sflag:s20] =	dma.local @!p0 [spmem:s16], $0x3E80  }
0x2c: {  	p1 =	sne.s32 s18, $0xA;
	s19 =	simm.s32 @!p0 $0x2  }
.Ltmp4:
0x2d: {  	_ =	swait.ge @!p0 [sflag:s19], $0x3E80;
	(pc) =	sbr.rel @!p1 .LBB2_13-.Ltmp4, $3  }
0x2e: {  	[sflag:s19] =	ssyncset.done @!p0 $0x0  }
0x2f: {  	[sflag:s19] =	ssyncadd.s32 @!p0 $0xFFFFC180  }
0x30: {  	[bflag:$0x0] =	sbarrier.arrive $0xFFFF;
	_ =	sdelay $0x1  }
.LBB2_4:
0x31: {  	s19 =	sadd.s32 $0x0, s9  }
0x32: {  	[spmem:s19] =	stream.linear.scatter [tilespmem:s13], [sflag:$0x2], $0x800, $0x38;
	[tilespmem:$0x17780] =	vst v63  }
0x33: {  	s19 =	simm.s32 $0x2000;
	_ =	swait.ge [sflag:s12], $0x800  }
.LBB2_5:
0x34: {  	s20 =	sshra.s32 s19, $0x2;
	[sflag:s12] =	ssyncset.done $0x0;
	p1 =	sne.s32 s19, $0x3E000  }
.Ltmp5:
0x35: {  	s20 =	sadd.s32 s20, s9;
	[sflag:s12] =	ssyncadd.s32 $0xFFFFF800;
	(pc) =	sbr.rel @p1 .LBB2_5-.Ltmp5, $3  }
0x36: {  	[spmem:s20] =	stream.linear.scatter [tilespmem:s13], [sflag:$0x2], $0x800, $0x38;
	[tilespmem:$0x17780] =	vst v63  }
0x37: {  	s19 =	sadd.s32 $0x2000, s19;
	_ =	sdelay $0x1  }
0x38: {  	_ =	swait.ge [sflag:s12], $0x800  }
0x39: {  	[sflag:s12] =	ssyncset.done $0x0  }
0x3a: {  	[sflag:s12] =	ssyncadd.s32 $0xFFFFF800  }
0x3b: {  	s19 =	simm.s32 $0x0;
	[bflag:$0x0] =	sbarrier.arrive $0xFFFF  }
0x3c: {  	v5 =	vld [tilespmem:s19+$0x0]  }
0x3d: {  	s31 =	smul.u32 $0x1F40, s18;
	_ =	sdelay $0x1  }
0x3e: {  	s19 =	sadd.s32 s8, s31  }
0x3f: {  	v4 =	vmov s19  }
0x40: {  	v5 =	vsub.s32 v5, v4  }
0x41: {  	vm1 =	vlt.u32 v5, $0x1F40  }
0x42: {  	v6 =	vsel vm1, $0x1, v2  }
0x43: {  	(xrf0) =	vadd.scan.msk.s32 $0xffff, v6  }
0x44: {  	v6 =	vmov s4  }
0x45: {  	v6 =	vshll.u32 v6, $0xD  }
0x46: {  	v6 =	vor.u32 v1, v6;
	_ =	sdelay $0x2  }
0x47: {  	v5 =	vor.u32 v6, v5;
	v6, _, _ =	vpop (xrf0)  }
0x48: {  	s20 =	simm.s32 $0x0;
	(v2sf) =	vpush v6, $0xF  }
0x49: {  	s23 =	simm.s32 $0x10;
	s22 =	simm.s32 $0x80;
	s21 =	smov.u32 s4;
	[tilespmem:s20+$0x2780] =	vst.msk vm1, v5  }
.LBB2_7:
0x4a: {  	p1 =	sne.s32 s22, $0x9C00;
	v5 =	vld [tilespmem:s23+$0x0];
	_ =	sdelay $0x1  }
0x4b: {  	s21 =	sadd.s32 $0x10, s21  }
0x4c: {  	v6 =	vmov s21  }
0x4d: {  	v6 =	vshll.u32 v6, $0xD  }
0x4e: {  	v6 =	vor.u32 v1, v6;
	v5 =	vsub.s32 v5, v4  }
0x4f: {  	vm1 =	vlt.u32 v5, $0x1F40;
	v5 =	vor.u32 v6, v5  }
0x50: {  	v6 =	vsel vm1, $0x1, v2  }
0x51: {  	(xrf0) =	vadd.scan.msk.s32 $0xffff, v6;
	_ =	sdelay $0x3  }
.Ltmp6:
0x52: {  	(pc) =	sbr.rel @p1 .LBB2_7-.Ltmp6, $4  }
0x53: {  	s23 =	spop (v2sf)  }
0x54: {  	v6, _, _ =	vpop (xrf0);
	s20 =	sadd.s32 s20, s23  }
0x55: {  	[tilespmem:s20+$0x2780] =	vst.msk vm1, v5;
	(v2sf) =	vpush v6, $0xF  }
0x56: {  	s23 =	sshra.s32 s22, $0x2;
	s22 =	sadd.s32 $0x40, s22  }
0x57: {  	v5 =	vld [tilespmem:s23+$0x0];
	_ =	sdelay $0x4  }
0x58: {  	v4 =	vsub.s32 v5, v4  }
0x59: {  	vm1 =	vlt.u32 v4, $0x1F40  }
0x5a: {  	v5 =	vsel vm1, $0x1, v2  }
0x5b: {  	(xrf0) =	vadd.scan.msk.s32 $0xffff, v5;
	_ =	sdelay $0x5  }
0x5c: {  	v5, _, _ =	vpop (xrf0)  }
0x5d: {  	(v2sf) =	vpush v5, $0xF;
	_ =	sdelay $0xd  }
0x5e: {  	s26 =	spop (v2sf)  }
0x5f: {  	s20 =	sadd.s32 s20, s26;
	s28 =	spop (v2sf)  }
0x60: {  	s21 =	sadd.s32 $0x10, s21;
	s22 =	sadd.s32 s20, s28  }
0x61: {  	v5 =	vmov s21;
	s29 =	sadd.s32 $0xF, s22  }
0x62: {  	v5 =	vshll.u32 v5, $0xD;
	s30 =	sand.u32 $0xF, s29  }
0x63: {  	v5 =	vor.u32 v1, v5;
	s31 =	sshra.s32 s29, $0x1F;
	p2 =	slt.s32 s29, $0x1;
	p1 =	sne.s32 s30, $0x0  }
0x64: {  	v4 =	vor.u32 v5, v4;
	s21 =	sshrl.u32 s31, $0x1C;
	p1 =	por !p2, !p1  }
0x65: {  	[tilespmem:s20+$0x2780] =	vst.msk vm1, v4;
	s20 =	sadd.s32 s21, s29;
	s21 =	simm.s32 $0x1;
	p1 =	por !p1, !p1  }
0x66: {  	[tilespmem:s22+$0x2780] =	vst v3;
	s20 =	sshra.s32 s20, $0x4;
	s21 =	simm.s32 @!p1 $0x0  }
0x67: {  	[tilespmem:s22+$0x2790] =	vst v3;
	s21 =	ssub.s32 s20, s21  }
0x68: {  	[tilespmem:s22+$0x27A0] =	vst v3;
	p1 =	slt.s32 s21, $0x1  }
.Ltmp7:
0x69: {  	[tilespmem:s22+$0x27B0] =	vst v3;
	(pc) =	sbr.rel @p1 .LBB2_12-.Ltmp7, $4  }
0x6a: {  	[tilespmem:s22+$0x27C0] =	vst v3  }
0x6b: {  	[tilespmem:s22+$0x27D0] =	vst v3  }
0x6c: {  	[tilespmem:s22+$0x27E0] =	vst v3  }
0x6d: {  	[tilespmem:s22+$0x27F0] =	vst v3;
	s20 =	simm.s32 $0x2780  }
0x6e: {  	v4 =	vld [tilespmem:s20+$0x0];
	_ =	sdelay $0x4  }
0x6f: {  	v5 =	vshrl.u32 v4, $0xD;
	_ =	sdelay $0x3  }
0x70: {  	v4 =	vand.u32 $0x1FFF, v4  }
0x71: {  	[tilespmem:s15], [sflag:$0x1] =	stream.indirect_vreg.gather [hbm4b:s5+s3], $0x80, v5, vm0, $0xb8;
	[tilespmem:$0x17780] =	vst v63  }
0x72: {  	p1 =	sne.s32 s21, $0x1;
	_ =	swait.ge [sflag:s14], $0x800  }
.Ltmp8:
0x73: {  	[sflag:s14] =	ssyncset.done $0x0;
	(pc) =	sbr.rel @!p1 .LBB2_11-.Ltmp8, $4  }
0x74: {  	[sflag:s14] =	ssyncadd.s32 $0xFFFFF800  }
0x75: {  	[spmem:s1] =	stream.indirect_vreg.scatter.add.f32 [tilespmem:s15], [sflag:$0x2], $0x80, v4, vm0, $0xb8;
	[tilespmem:$0x17780] =	vst v63  }
0x76: {  	_ =	swait.ge [sflag:s12], $0x800  }
0x77: {  	s21 =	sadd.s32 $0xFFFFFFFF, s21;
	[sflag:s12] =	ssyncset.done $0x0  }
.LBB2_10:
0x78: {  	p1 =	sne.s32 s21, $0x1;
	[sflag:s12] =	ssyncadd.s32 $0xFFFFF800;
	s20 =	sadd.s32 $0x10, s20  }
0x79: {  	s21 =	sadd.s32 $0xFFFFFFFF, s21;
	v4 =	vld [tilespmem:s20+$0x0];
	_ =	sdelay $0x4  }
0x7a: {  	v5 =	vshrl.u32 v4, $0xD;
	_ =	sdelay $0x3  }
0x7b: {  	v4 =	vand.u32 $0x1FFF, v4  }
0x7c: {  	[tilespmem:s15], [sflag:$0x1] =	stream.indirect_vreg.gather [hbm4b:s5+s3], $0x80, v5, vm0, $0xb8;
	[tilespmem:$0x17780] =	vst v63  }
0x7d: {  	_ =	swait.ge [sflag:s14], $0x800  }
.Ltmp9:
0x7e: {  	[sflag:s14] =	ssyncset.done $0x0;
	(pc) =	sbr.rel @p1 .LBB2_10-.Ltmp9, $4  }
0x7f: {  	[sflag:s14] =	ssyncadd.s32 $0xFFFFF800  }
0x80: {  	[spmem:s1] =	stream.indirect_vreg.scatter.add.f32 [tilespmem:s15], [sflag:$0x2], $0x80, v4, vm0, $0xb8;
	[tilespmem:$0x17780] =	vst v63  }
0x81: {  	_ =	swait.ge [sflag:s12], $0x800  }
0x82: {  	[sflag:s12] =	ssyncset.done $0x0  }
.Ltmp10:
0x83: {  	_ = 	snop;
	(pc) =	sbr.rel .LBB2_11-.Ltmp10, $1  }
0x84: {  	_ =	sdelay $0x3  }
.LBB2_14:
0x85: {  	_ =	sfence.sel $0x180000  }
0x86: {  	[bflag:$0x0] =	sbarrier.arrive $0xFFFF  }
0x87: {  	p0 =	sne.s32 s2, $0x0;
	_ =	strace $0x90000050  }
0x88: {  	s0 =	sadd.s32 @!p0 $0x100000, s0;
	[bflag:$0x2] =	sbarrier.arrive $0xFFFF  }
0x89: {  	[sflag:s0] =	ssyncadd.tile.s32 @!p0 $0x1;
	_ =	shalt  }
.Lfunc_end2:
_tile_overlayer_lowered:
.L_overlay_start_2:
0x8a: {  	(tag) =	ssettag $0x2  }
0x8b: {  	s0 =	rddreg [dreg:$0x0];
	s2 =	stileid.u32  }
0x8c: {  	s1 =	rddreg [dreg:$0x1];
	p0 =	sne.s32 s2, $0x0  }
0x8d: {  	s3 =	rddreg [dreg:$0x2];
	[bflag:$0x3] =	sbarrier.arrive $0xFFFF;
	s2 =	simm.s32 @!p0 $0x1C02  }
0x8e: {  	[timem:s3], [sflag:s2] =	dma.local @!p0 [hbm:s0], s1  }
0x8f: {  	s0 =	simm.s32 @!p0 $0x2  }
0x90: {  	_ =	swait.ge @!p0 [sflag:s0], s1  }
0x91: {  	s1 =	ssub.s32 @!p0 $0x0, s1;
	[sflag:s0] =	ssyncset.done @!p0 $0x0  }
0x92: {  	[sflag:s0] =	ssyncadd.s32 @!p0 s1  }
0x93: {  	[bflag:$0x3] =	sbarrier.arrive $0xFFFF  }
0x94: {  	_ =	shalt  }

// kernel: kernel.33.cloned.1.call-start
scs
__scs_entry_jumppad:
0x0: {  	(pc) =	sbr.rel $0x88, $3  }
0x1: {  	(tag) =	ssettag $0x0;
	lr =	simm.s32 $0x1  }
0x2: {  	[smem:$0x3F6A] =	sst lr;
	_ =	strace $0xD0000000  }
0x3: {  	_ = 	snop  }
0x4: {  	_ = 	snop  }
0x5: {  	_ = 	snop  }
0x6: {  	_ = 	snop  }
0x7: {  	_ = 	snop  }
__scs_overlays_trampoline_lowered:
0x8: {  	[smem:$0x3F79] =	sst s0  }
0x9: {  	[smem:$0x3F7A] =	sst s1  }
0xa: {  	[smem:$0x3F7B] =	sst s2  }
0xb: {  	[smem:$0x3F7C] =	sst s3  }
0xc: {  	[smem:$0x3F7D] =	sst s4  }
0xd: {  	[smem:$0x3F7E] =	sst s5  }
0xe: {  	[smem:$0x3F7F] =	sst s6  }
0xf: {  	[smem:$0x3F80] =	sst s7  }
0x10: {  	[smem:$0x3F81] =	sst s8  }
0x11: {  	[smem:$0x3F82] =	sst s9;
	s0 =	simm.s32 @!p0 $0x0  }
0x12: {  	s1 =	sld [smem:$0x3F68];
	s0 =	simm.s32 @p0 $0x1  }
0x13: {  	[smem:$0x3F83] =	sst s0;
	s0 =	simm.s32 @!p1 $0x0  }
0x14: {  	s2 =	sld [smem:$0x3F67];
	s0 =	simm.s32 @p1 $0x1  }
0x15: {  	[smem:$0x3F84] =	sst s0;
	s0 =	simm.s32 @!p2 $0x0  }
0x16: {  	s3 =	sld [smem:$0x3FDB];
	s0 =	simm.s32 @p2 $0x1  }
0x17: {  	s4 =	simm.s32 $0x1BF5;
	[smem:$0x3F86] =	sst s0  }
0x18: {  	s0 =	sld [smem:$0x3F69];
	_ =	swait.ge [sflag:s4], $0x0  }
0x19: {  	s7 =	sld [smem:$0x3F6A]  }
0x1a: {  	s8 =	sadd.s32 $0xFFFFE003, lr  }
0x1b: {  	s9 =	sadd.s32 $0xFFFFFEF7, lr;
	s5 =	simm.s32 $0xFFFFFFFF;
	p2 =	slt.u32 s8, $0xFFFFF086  }
0x1c: {  	p1 =	slt.u32 s9, $0xF7A;
	s5 =	simm.s32 @!p2 $0x0  }
0x1d: {  	s5 =	simm.s32 @p1 $0x1;
	p0 =	seq.s32 s7, s2  }
0x1e: {  	s7 =	smul.u32 @!p0 $0xF7A, s2;
	p2 =	seq.s32 @!p0 s5, $0x0  }
0x1f: {  	s9 =	smul.u32 $0xF7A, s1;
	s8 =	simm.s32 @!p0 $0x1BF5;
	p2 =	por !p2, p0  }
0x20: {  	[sflag:s8] =	ssyncset.s32 @!p0 $0xFFFFF086;
	s6 =	sadd.s32 @!p0 s3, s7;
	s7 =	simm.s32 @!p0 $0x108  }
0x21: {  	s3 =	sadd.s32 s3, s9;
	s6 =	sadd.s32 @!p0 $0x88, s6;
	s7 =	simm.s32 @p2 $0x1082  }
0x22: {  	[simem:s7], [sflag:s8] =	dma.local @!p0 [hbm:s6], $0xF7A  }
0x23: {  	s9 =	sor.u32 $0xD0000000, s2;
	s6 =	simm.s32 $0x108;
	_ =	swait.ge @!p0 [sflag:s8], $0x0  }
0x24: {  	s3 =	sadd.s32 $0x88, s3;
	s6 =	simm.s32 @!p1 $0x1082;
	[sflag:s4] =	ssyncset.s32 $0xFFFFF086  }
0x25: {  	[simem:s6], [sflag:s4] =	dma.local [hbm:s3], $0xF7A  }
0x26: {  	[smem:$0x3F6A] =	sst s1;
	(tag) =	ssettag s2;
	_ =	strace s9  }
0x27: {  	s1 =	sld [smem:$0x3F7A]  }
0x28: {  	s2 =	sld [smem:$0x3F7B]  }
0x29: {  	s4 =	sld [smem:$0x3F7D]  }
0x2a: {  	p0 =	seq.s32 s5, $0x0;
	s5 =	sld [smem:$0x3F7E]  }
0x2b: {  	s6 =	sld [smem:$0x3F7F]  }
0x2c: {  	s7 =	sld [smem:$0x3F80]  }
0x2d: {  	s3 =	simm.s32 $0x108;
	s8 =	sld [smem:$0x3F81]  }
0x2e: {  	s3 =	simm.s32 @!p0 $0x1082;
	s9 =	sld [smem:$0x3F82]  }
0x2f: {  	lr =	sadd.s32 s0, s3;
	s0 =	sld [smem:$0x3F79]  }
0x30: {  	s3 =	sld [smem:$0x3F7C]  }
0x31: {  	[smem:$0x3F85] =	sst s10  }
0x32: {  	s10 =	sld [smem:$0x3F83];
	_ =	sdelay $0x3  }
0x33: {  	p0 =	seq.s32 s10, $0x1;
	s10 =	sld [smem:$0x3F85];
	_ =	sdelay $0x3  }
0x34: {  	[smem:$0x3F85] =	sst s10  }
0x35: {  	s10 =	sld [smem:$0x3F84];
	_ =	sdelay $0x3  }
0x36: {  	p1 =	seq.s32 s10, $0x1;
	s10 =	sld [smem:$0x3F85];
	_ =	sdelay $0x3  }
0x37: {  	[smem:$0x3F85] =	sst s10  }
0x38: {  	s10 =	sld [smem:$0x3F86]  }
0x39: {  	_ = 	snop;
	(pc) =	sbr.ind lr, $3  }
0x3a: {  	_ = 	snop  }
0x3b: {  	_ = 	snop  }
0x3c: {  	p2 =	seq.s32 s10, $0x1;
	s10 =	sld [smem:$0x3F85]  }
0x3d: {  	_ =	shalt  }
0x3e: {  	_ =	shalt  }
0x3f: {  	_ =	shalt  }
0x40: {  	_ =	shalt  }
0x41: {  	_ =	shalt  }
0x42: {  	_ =	shalt  }
0x43: {  	_ =	shalt  }
0x44: {  	_ =	shalt  }
0x45: {  	_ =	shalt  }
0x46: {  	_ =	shalt  }
0x47: {  	_ =	shalt  }
0x48: {  	_ =	shalt  }
0x49: {  	_ =	shalt  }
0x4a: {  	_ =	shalt  }
0x4b: {  	_ =	shalt  }
0x4c: {  	_ =	shalt  }
0x4d: {  	_ =	shalt  }
0x4e: {  	_ =	shalt  }
0x4f: {  	_ =	shalt  }
0x50: {  	_ =	shalt  }
0x51: {  	_ =	shalt  }
0x52: {  	_ =	shalt  }
0x53: {  	_ =	shalt  }
0x54: {  	_ =	shalt  }
0x55: {  	_ =	shalt  }
0x56: {  	_ =	shalt  }
0x57: {  	_ =	shalt  }
0x58: {  	_ =	shalt  }
0x59: {  	_ =	shalt  }
0x5a: {  	_ =	shalt  }
0x5b: {  	_ =	shalt  }
0x5c: {  	_ =	shalt  }
0x5d: {  	_ =	shalt  }
0x5e: {  	_ =	shalt  }
0x5f: {  	_ =	shalt  }
0x60: {  	_ =	shalt  }
0x61: {  	_ =	shalt  }
0x62: {  	_ =	shalt  }
0x63: {  	_ =	shalt  }
0x64: {  	_ =	shalt  }
0x65: {  	_ =	shalt  }
0x66: {  	_ =	shalt  }
0x67: {  	_ =	shalt  }
0x68: {  	_ =	shalt  }
0x69: {  	_ =	shalt  }
0x6a: {  	_ =	shalt  }
0x6b: {  	_ =	shalt  }
0x6c: {  	_ =	shalt  }
0x6d: {  	_ =	shalt  }
0x6e: {  	_ =	shalt  }
0x6f: {  	_ =	shalt  }
0x70: {  	_ =	shalt  }
0x71: {  	_ =	shalt  }
0x72: {  	_ =	shalt  }
0x73: {  	_ =	shalt  }
0x74: {  	_ =	shalt  }
0x75: {  	_ =	shalt  }
0x76: {  	_ =	shalt  }
0x77: {  	_ =	shalt  }
0x78: {  	_ =	shalt  }
0x79: {  	_ =	shalt  }
0x7a: {  	_ =	shalt  }
0x7b: {  	_ =	shalt  }
0x7c: {  	_ =	shalt  }
0x7d: {  	_ =	shalt  }
0x7e: {  	_ =	shalt  }
0x7f: {  	_ =	shalt  }
0x80: {  	_ =	shalt  }
0x81: {  	_ =	shalt  }
0x82: {  	_ =	shalt  }
0x83: {  	_ =	shalt  }
0x84: {  	_ =	shalt  }
0x85: {  	_ =	shalt  }
0x86: {  	_ =	shalt  }
0x87: {  	_ =	shalt  }
.Lfunc_end0:
.L_simem_size_0:
called_computation.5_lowered:
.L_overlay_start_0:
0x88: {  	s2 =	sld [smem:$0x3FD9]  }
0x89: {  	s3 =	sld [smem:$0x3FFE];
	_ =	sdelay $0x1  }
0x8a: {  	s1 =	srdreg.scid  }
0x8b: {  	s0 =	sand.u32 $0x1, s1  }
0x8c: {  	s17 =	sshll.u32 s0, $0xA;
	s2 =	sadd.s32 s3, s2  }
0x8d: {  	s2 =	sadd.s32 s2, s17  }
0x8e: {  	[smem:$0x3F91] =	sst s2  }
0x8f: {  	_ = 	snop  }
0x90: {  	s18 =	sld [smem:$0x3FC8];
	(tm) =	ssettm $0x1  }
0x91: {  	s19 =	sld [smem:$0x3FFB];
	_ =	sdelay $0x3  }
0x92: {  	_ =	strace s19  }
0x93: {  	s2 =	sld [smem:$0x3FFC];
	_ =	sdelay $0x3  }
0x94: {  	_ =	strace s2  }
0x95: {  	s2 =	sld [smem:$0x3FFD];
	_ =	sdelay $0x3  }
0x96: {  	_ =	strace s2  }
0x97: {  	_ =	strace $0x8FFFFFFF  }
0x98: {  	s20 =	sld [smem:$0x3FDB];
	_ =	sdelay $0x1  }
0x99: {  	s4 =	simm.s32 $_scs_section_size  }
0x9a: {  	s5 =	simm.s32 $_size__tile_overlayer_lowered;
	s6 =	simm.s32 $_tile_overlayer_lowered  }
0x9b: {  	s7 =	simm.s32 $0x1BFF;
	s21 =	sshll.u32 s6, $0x1;
	s4 =	sadd.s32 s4, s20  }
0x9c: {  	s22 =	simm.s32 $0x0;
	s5 =	sshll.u32 s5, $0x1;
	s6 =	sadd.s32 s21, s4  }
0x9d: {  	[timem:s22], [sflag:s7] =	dma.local [hbm:s6], s5  }
0x9e: {  	_ =	swait.ge [sflag:s7], s5  }
0x9f: {  	s5 =	ssub.s32 $0x0, s5;
	[sflag:s7] =	ssyncset.done $0x0  }
0xa0: {  	[sflag:s7] =	ssyncadd.s32 s5;
	_ =	sdelay $0x1  }
0xa1: {  	s23 =	simm.s32 $0x1B8B  }
0xa2: {  	_ =	swait.ge [sflag:s23], $0x1  }
0xa3: {  	[sflag:s23] =	ssyncset.done $0x0  }
0xa4: {  	[sflag:s23] =	ssyncadd.s32 $0xFFFFFFFF  }
0xa5: {  	s5 =	sld [smem:$0x0]  }
0xa6: {  	s6 =	sand.u32 $0xFFFFFFFE, s1  }
0xa7: {  	p0 =	sne.s32 s1, s6  }
0xa8: {  	s6 =	sshll.u32 @p0 s6, $0xE  }
0xa9: {  	s6 =	sadd.s32 @p0 $0x11B8D, s6;
	s7 =	sshll.u32 @p0 s5, $0x11  }
0xaa: {  	s6 =	sor.u32 @p0 s7, s6  }
0xab: {  	[sflag:s6] =	ssyncadd.remote.s32 @p0 $0x1;
	_ =	sdelay $0x1  }
0xac: {  	s6 =	simm.s32 @p0 $0x1B8D  }
0xad: {  	_ =	swait.eq @p0 [sflag:s6], $0x1  }
0xae: {  	[sflag:s6] =	ssyncadd.s32 @p0 $0xFFFFFFFF  }
0xaf: {  	s7 =	sshll.u32 @!p0 s1, $0xE  }
0xb0: {  	s7 =	sor.u32 @!p0 $0x4000, s7;
	s6 =	simm.s32 @!p0 $0x1B8D  }
0xb1: {  	s5 =	sshll.u32 @!p0 s5, $0x11;
	s7 =	sadd.s32 @!p0 $0x11B8D, s7;
	_ =	swait.eq @!p0 [sflag:s6], $0x1  }
0xb2: {  	s5 =	sor.u32 @!p0 s5, s7;
	[sflag:s6] =	ssyncadd.s32 @!p0 $0xFFFFFFFF  }
0xb3: {  	s25 =	simm.s32 $0x1B8E;
	s24 =	sld [smem:$0x3FFE];
	[sflag:s5] =	ssyncadd.remote.s32 @!p0 $0x1  }
0xb4: {  	s26 =	simm.s32 $execute0_lowered;
	[smem:$0x3FD2] =	sst s25  }
0xb5: {  	s6 =	sshll.u32 s26, $0x1;
	_ =	strace $0x8000005B;
	[dreg:$0x1] =	wrdreg $0xFFFFFFFF  }
0xb6: {  	s28 =	simm.s32 $_size_execute0_lowered;
	s4 =	sadd.s32 s4, s6;
	[dreg:$0x0] =	wrdreg $0x0  }
0xb7: {  	s6 =	sshll.u32 s28, $0x1;
	[dreg:$0x2] =	wrdreg s4  }
0xb8: {  	[dreg:$0x3] =	wrdreg s6  }
0xb9: {  	[dreg:$0x4] =	wrdreg $0xC0  }
0xba: {  	_ =	task [dreg:s22], $0x5FFFF  }
0xbb: {  	[dreg:$0x1] =	wrdreg $0xFFFFFFFF  }
0xbc: {  	[dreg:$0x0] =	wrdreg $0x60  }
0xbd: {  	[dreg:$0x2] =	wrdreg s24  }
0xbe: {  	[dreg:$0x3] =	wrdreg s18  }
0xbf: {  	[dreg:$0x4] =	wrdreg $0x5C000  }
0xc0: {  	[dreg:$0x5] =	wrdreg $0xA  }
0xc1: {  	_ =	task.clear_ibuf [dreg:s22], $0x6FFFF;
	_ =	strace $0x9000005B  }
0xc2: {  	s29 =	simm.s32 $0xA;
	_ =	strace $0x8000005D  }
0xc3: {  	_ =	swait.ge [sflag:s29], $0x1  }
0xc4: {  	[sflag:s29] =	ssyncadd.s32 $0xFFFFFFFF  }
0xc5: {  	_ =	strace $0x9000005D  }
0xc6: {  	_ =	sfence  }
0xc7: {  	s30 =	sld [smem:$0x0];
	_ =	sdelay $0x2  }
0xc8: {  	s31 =	sshll.u32 s1, $0xD;
	s1 =	sshrl.u32 s1, $0x2  }
0xc9: {  	s4 =	sand.u32 $0x4000, s31;
	s1 =	sadd.s32 s1, s30  }
0xca: {  	s0 =	sor.u32 s4, s0;
	s1 =	sshll.u32 s1, $0x11  }
0xcb: {  	s0 =	sor.u32 s1, s0  }
0xcc: {  	s0 =	sadd.s32 $0x8F2B, s0  }
0xcd: {  	[sflag:s0] =	ssyncadd.remote.s32 $0x1  }
0xce: {  	_ =	sfence.sel $0xFFFF  }
0xcf: {  	[dreg:$0x0] =	wrdreg $0xFFFFFFFF;
	(pc) =	sbr.abs _section_cstart, $3  }
0xd0: {  	[dreg:$0x1] =	wrdreg $0xFFFFFFFF  }
0xd1: {  	_ =	task.clear_ibuf [dreg:s22], $0x2FFFF;
	_ =	strace $0x9FFFFFFF  }
0xd2: {  	(tm) =	ssettm $0x7FFFFFFF  }
0xd3: {  	_ =	shalt  }
tec
execute0_lowered:
.L_overlay_start_1:
0x0: {  	(tag) =	ssettag $0x1  }
0x1: {  	s4 =	rddreg [dreg:$0x0]  }
0x2: {  	s5 =	rddreg [dreg:$0x1];
	s0 =	srdreg.scid  }
0x3: {  	s2 =	rddreg [dreg:$0x2];
	s1 =	stileid.u32;
	s3 =	simm.s32 $0x0  }
0x4: {  	s13 =	simm.s32 $0x3400;
	s14 =	simm.s32 $0x1;
	s15 =	simm.s32 $0x1C00  }
0x5: {  	s16 =	simm.s32 $0x2400;
	s17 =	simm.s32 $0x2C00;
	s18 =	simm.s32 $0x2  }
0x6: {  	s19 =	simm.s32 $0x3C00;
	s20 =	simm.s32 $0x4400;
	s8 =	smul.u32 $0x14000, s1  }
0x7: {  	s21 =	simm.s32 $0x4C00;
	s22 =	simm.s32 $0x3;
	s12 =	smul.u32 $0x50000, s1  }
0x8: {  	s6 =	sand.u32 $0x1, s0;
	s0 =	rddreg [dreg:$0x3];
	s31 =	smul.u32 $0x13880, s1  }
0x9: {  	[smem:$0x7FF] =	sst s3;
	s24 =	sadd.s32 $0x1139E00, s4;
	s7 =	smul.u32 $0x140000, s6  }
0xa: {  	s9 =	sshll.u32 s6, $0x4;
	_ =	strace $0x8000005C;
	s25 =	ssub.s32 $0x2, s6  }
0xb: {  	s30 =	smul.u32 $0x138800, s6;
	s23 =	sor.u32 s1, s9;
	s11 =	sshrl.u32 s25, $0x1  }
0xc: {  	s28 =	sshrl.u32 s12, $0x2;
	s12 =	simm.s32 $0x1400;
	s10 =	smul.u32 $0x1388, s23  }
0xd: {  	s7 =	sadd.s32 s8, s7;
	s8 =	smul.u32 $0x9C400, s23;
	s11 =	ssub.s32 s25, s11  }
0xe: {  	s9 =	sadd.s32 s30, s24;
	s23 =	simm.s32 $0x0;
	s7 =	sshrl.u32 s7, $0x3  }
0xf: {  	s9 =	sadd.s32 s31, s9;
	s7 =	sadd.s32 s7, s4;
	s10 =	sshrl.u32 s10, $0x3  }
0x10: {  	s26 =	sshrl.u32 s8, $0x3;
	s8 =	smax.u32 s11, $0x1;
	s11 =	simm.s32 $0x5400  }
0x11: {  	s4 =	sadd.s32 s5, s10;
	s29 =	sadd.s32 s24, s26;
	s5 =	sadd.s32 s28, s2  }
0x12: {  	v0 =	vimm.f32 $0.0e+00;
	vm0 =	vmmov $0xffff;
	vm1 =	vmmov $0xff;
	s7 =	sadd.s32 $0xF18E00, s7;
	s10 =	simm.s32 $0x4;
	s6 =	sadd.s32 $0x13780, s29  }
.LBB2_1:
0x13: {  	[tilespmem:s3], [sflag:$0x4] =	stream.linear.gather [hbm4b:s4+s3], $0x1388, $0x38;
	[tilespmem:$0x19C00] =	vst v63  }
0x14: {  	_ =	swait.ge [sflag:s10], $0x1388  }
0x15: {  	[sflag:s10] =	ssyncset.done $0x0  }
0x16: {  	s24 =	simm.s32 $0x0;
	s25 =	simm.s32 $0x200;
	[sflag:s10] =	ssyncadd.s32 $0xFFFFEC78  }
.LBB2_2:
0x17: {  	p0 =	sne.s32 s25, $0x1E00;
	[tilespmem:s24+$0x5470] =	vst v0  }
0x18: {  	[tilespmem:s24+$0x5400] =	vst v0  }
0x19: {  	[tilespmem:s24+$0x5410] =	vst v0  }
.Ltmp0:
0x1a: {  	[tilespmem:s24+$0x5420] =	vst v0;
	(pc) =	sbr.rel @p0 .LBB2_2-.Ltmp0, $4  }
0x1b: {  	[tilespmem:s24+$0x5430] =	vst v0  }
0x1c: {  	[tilespmem:s24+$0x5440] =	vst v0  }
0x1d: {  	[tilespmem:s24+$0x5450] =	vst v0  }
0x1e: {  	[tilespmem:s24+$0x5460] =	vst v0;
	s24 =	sshra.s32 s25, $0x2;
	s25 =	sadd.s32 $0x200, s25  }
0x1f: {  	[tilespmem:s24+$0x5470] =	vst v0  }
0x20: {  	[tilespmem:s24+$0x5400] =	vst v0  }
0x21: {  	[tilespmem:s24+$0x5410] =	vst v0  }
0x22: {  	[tilespmem:s24+$0x5420] =	vst v0  }
0x23: {  	[tilespmem:s24+$0x5430] =	vst v0  }
0x24: {  	[tilespmem:s24+$0x5440] =	vst v0  }
0x25: {  	[tilespmem:s24+$0x5450] =	vst v0  }
0x26: {  	[tilespmem:s24+$0x5460] =	vst v0;
	s31 =	sadd.s32 $0x0, s5  }
0x27: {  	[spmem:s31] =	stream.linear.scatter [tilespmem:s11], [sflag:$0x4], $0x800, $0x38;
	[tilespmem:$0x19C00] =	vst v63  }
0x28: {  	s24 =	simm.s32 $0x2000;
	_ =	swait.ge [sflag:s10], $0x800  }
.LBB2_4:
0x29: {  	s25 =	sshra.s32 s24, $0x2;
	[sflag:s10] =	ssyncset.done $0x0;
	p0 =	sne.s32 s24, $0x4E000  }
.Ltmp1:
0x2a: {  	s25 =	sadd.s32 s25, s5;
	[sflag:s10] =	ssyncadd.s32 $0xFFFFF800;
	(pc) =	sbr.rel @p0 .LBB2_4-.Ltmp1, $3  }
0x2b: {  	[spmem:s25] =	stream.linear.scatter [tilespmem:s11], [sflag:$0x4], $0x800, $0x38;
	[tilespmem:$0x19C00] =	vst v63  }
0x2c: {  	s24 =	sadd.s32 $0x2000, s24;
	_ =	sdelay $0x1  }
0x2d: {  	_ =	swait.ge [sflag:s10], $0x800  }
0x2e: {  	[sflag:s10] =	ssyncset.done $0x0  }
0x2f: {  	[sflag:s10] =	ssyncadd.s32 $0xFFFFF800  }
0x30: {  	s24 =	simm.s32 $0x0;
	s25 =	simm.s32 $0x40;
	[bflag:$0x0] =	sbarrier.arrive $0xFFFF  }
.LBB2_6:
0x31: {  	s26 =	sadd.s32 s24, s9  }
0x32: {  	[tilespmem:s12], [sflag:$0x1] =	stream.linear.gather [hbm4b:s26+s3], $0x2000, $0x38;
	[tilespmem:$0x19C00] =	vst v63  }
0x33: {  	s26 =	sadd.s32 $0x400, s26  }
0x34: {  	[tilespmem:s13], [sflag:$0x2] =	stream.linear.gather [hbm4b:s26+s3], $0x2000, $0x38;
	[tilespmem:$0x19C00] =	vst v63  }
0x35: {  	_ =	swait.ge [sflag:s14], $0x2000  }
0x36: {  	[sflag:s14] =	ssyncset.done $0x0  }
0x37: {  	[sflag:s14] =	ssyncadd.s32 $0xFFFFE000  }
0x38: {  	v1 =	vld [tilespmem:s25+$0xFFFFFFC0];
	_ =	sdelay $0x7  }
0x39: {  	[spmem:s2] =	stream.indirect_vreg.scatter.add.f32 [tilespmem:s12], [sflag:$0x3], $0x80, v1, vm0, $0xb8;
	[tilespmem:$0x19C00] =	vst v63  }
0x3a: {  	v1 =	vld [tilespmem:s25+$0xFFFFFFD0];
	_ =	sdelay $0x7  }
0x3b: {  	[spmem:s2] =	stream.indirect_vreg.scatter.add.f32 [tilespmem:s15], [sflag:$0x3], $0x80, v1, vm0, $0xb8;
	[tilespmem:$0x19C00] =	vst v63  }
0x3c: {  	v1 =	vld [tilespmem:s25+$0xFFFFFFE0];
	_ =	sdelay $0x7  }
0x3d: {  	[spmem:s2] =	stream.indirect_vreg.scatter.add.f32 [tilespmem:s16], [sflag:$0x3], $0x80, v1, vm0, $0xb8;
	[tilespmem:$0x19C00] =	vst v63  }
0x3e: {  	v1 =	vld [tilespmem:s25+$0xFFFFFFF0];
	_ =	sdelay $0x7  }
0x3f: {  	[spmem:s2] =	stream.indirect_vreg.scatter.add.f32 [tilespmem:s17], [sflag:$0x3], $0x80, v1, vm0, $0xb8;
	[tilespmem:$0x19C00] =	vst v63  }
0x40: {  	_ =	swait.ge [sflag:s18], $0x2000  }
0x41: {  	[sflag:s18] =	ssyncset.done $0x0  }
0x42: {  	[sflag:s18] =	ssyncadd.s32 $0xFFFFE000  }
0x43: {  	v1 =	vld [tilespmem:s25+$0x0];
	_ =	sdelay $0x7  }
0x44: {  	[spmem:s2] =	stream.indirect_vreg.scatter.add.f32 [tilespmem:s13], [sflag:$0x3], $0x80, v1, vm0, $0xb8;
	[tilespmem:$0x19C00] =	vst v63  }
0x45: {  	v1 =	vld [tilespmem:s25+$0x10];
	_ =	sdelay $0x7  }
0x46: {  	[spmem:s2] =	stream.indirect_vreg.scatter.add.f32 [tilespmem:s19], [sflag:$0x3], $0x80, v1, vm0, $0xb8;
	[tilespmem:$0x19C00] =	vst v63  }
0x47: {  	v1 =	vld [tilespmem:s25+$0x20];
	_ =	sdelay $0x7  }
0x48: {  	[spmem:s2] =	stream.indirect_vreg.scatter.add.f32 [tilespmem:s20], [sflag:$0x3], $0x80, v1, vm0, $0xb8;
	[tilespmem:$0x19C00] =	vst v63  }
0x49: {  	v1 =	vld [tilespmem:s25+$0x30];
	_ =	sdelay $0x7  }
0x4a: {  	[spmem:s2] =	stream.indirect_vreg.scatter.add.f32 [tilespmem:s21], [sflag:$0x3], $0x80, v1, vm0, $0xb8;
	[tilespmem:$0x19C00] =	vst v63  }
0x4b: {  	_ =	swait.ge [sflag:s22], $0x800  }
0x4c: {  	[sflag:s22] =	ssyncset.done $0x0  }
0x4d: {  	[sflag:s22] =	ssyncadd.s32 $0xFFFFF800  }
0x4e: {  	_ =	swait.ge [sflag:s22], $0x800  }
0x4f: {  	[sflag:s22] =	ssyncset.done $0x0  }
0x50: {  	[sflag:s22] =	ssyncadd.s32 $0xFFFFF800  }
0x51: {  	_ =	swait.ge [sflag:s22], $0x800  }
0x52: {  	[sflag:s22] =	ssyncset.done $0x0  }
0x53: {  	[sflag:s22] =	ssyncadd.s32 $0xFFFFF800  }
0x54: {  	_ =	swait.ge [sflag:s22], $0x800  }
0x55: {  	[sflag:s22] =	ssyncset.done $0x0  }
0x56: {  	[sflag:s22] =	ssyncadd.s32 $0xFFFFF800  }
0x57: {  	_ =	swait.ge [sflag:s22], $0x800  }
0x58: {  	[sflag:s22] =	ssyncset.done $0x0  }
0x59: {  	[sflag:s22] =	ssyncadd.s32 $0xFFFFF800  }
0x5a: {  	_ =	swait.ge [sflag:s22], $0x800  }
0x5b: {  	[sflag:s22] =	ssyncset.done $0x0  }
0x5c: {  	[sflag:s22] =	ssyncadd.s32 $0xFFFFF800  }
0x5d: {  	p0 =	sne.s32 s24, $0x13000;
	_ =	swait.ge [sflag:s22], $0x800  }
.Ltmp2:
0x5e: {  	[sflag:s22] =	ssyncset.done $0x0;
	(pc) =	sbr.rel @p0 .LBB2_6-.Ltmp2, $4  }
0x5f: {  	[sflag:s22] =	ssyncadd.s32 $0xFFFFF800  }
0x60: {  	_ =	swait.ge [sflag:s22], $0x800  }
0x61: {  	[sflag:s22] =	ssyncset.done $0x0  }
0x62: {  	s24 =	sadd.s32 $0x800, s24;
	s25 =	sadd.s32 $0x80, s25;
	[sflag:s22] =	ssyncadd.s32 $0xFFFFF800  }
0x63: {  	[tilespmem:s12], [sflag:$0x4] =	stream.linear.gather [hbm4b:s6+s3], $0x800, $0x38;
	[tilespmem:$0x19C00] =	vst v63  }
0x64: {  	_ =	swait.ge [sflag:s10], $0x800  }
0x65: {  	[sflag:s10] =	ssyncset.done $0x0  }
0x66: {  	[sflag:s10] =	ssyncadd.s32 $0xFFFFF800  }
0x67: {  	v1 =	vld [tilespmem:$0x1378];
	_ =	sdelay $0x4  }
0x68: {  	v1 =	vsel vm1, $0x2710, v1;
	_ =	sdelay $0x4  }
0x69: {  	[spmem:s2] =	stream.indirect_vreg.scatter.add.f32 [tilespmem:s12], [sflag:$0x4], $0x80, v1, vm0, $0xb8;
	[tilespmem:$0x19C00] =	vst v63  }
0x6a: {  	_ =	swait.ge [sflag:s10], $0x800  }
0x6b: {  	s24 =	sshll.u32 s1, $0x6;
	s23 =	sadd.s32 $0x1, s23;
	[sflag:s10] =	ssyncset.done $0x0  }
0x6c: {  	s25 =	sshrl.u32 s5, $0x3;
	p0 =	sne.s32 s23, s8;
	[sflag:s10] =	ssyncadd.s32 $0xFFFFF800  }
.Ltmp3:
0x6d: {  	s24 =	sor.u32 $0x1C04, s24;
	[bflag:$0x0] =	sbarrier.arrive $0xFFFF;
	(pc) =	sbr.rel @p0 .LBB2_1-.Ltmp3, $4  }
0x6e: {  	[hbm:s7], [sflag:s24] =	dma.local [spmem:s25], $0x2800  }
0x6f: {  	_ =	swait.ge [sflag:s10], $0x2800  }
0x70: {  	[sflag:s10] =	ssyncset.done $0x0  }
0x71: {  	[sflag:s10] =	ssyncadd.s32 $0xFFFFD800  }
0x72: {  	_ =	sfence.sel $0x180000  }
0x73: {  	[bflag:$0x0] =	sbarrier.arrive $0xFFFF  }
0x74: {  	p0 =	sne.s32 s1, $0x0;
	_ =	strace $0x9000005C  }
0x75: {  	s0 =	sadd.s32 @!p0 $0x100000, s0;
	[bflag:$0x2] =	sbarrier.arrive $0xFFFF  }
0x76: {  	[sflag:s0] =	ssyncadd.tile.s32 @!p0 $0x1;
	_ =	shalt  }
.Lfunc_end2:
_tile_overlayer_lowered:
.L_overlay_start_2:
0x77: {  	(tag) =	ssettag $0x2  }
0x78: {  	s0 =	rddreg [dreg:$0x0];
	s2 =	stileid.u32  }
0x79: {  	s1 =	rddreg [dreg:$0x1];
	p0 =	sne.s32 s2, $0x0  }
0x7a: {  	s3 =	rddreg [dreg:$0x2];
	[bflag:$0x3] =	sbarrier.arrive $0xFFFF;
	s2 =	simm.s32 @!p0 $0x1C04  }
0x7b: {  	[timem:s3], [sflag:s2] =	dma.local @!p0 [hbm:s0], s1  }
0x7c: {  	s0 =	simm.s32 @!p0 $0x4  }
0x7d: {  	_ =	swait.ge @!p0 [sflag:s0], s1  }
0x7e: {  	s1 =	ssub.s32 @!p0 $0x0, s1;
	[sflag:s0] =	ssyncset.done @!p0 $0x0  }
0x7f: {  	[sflag:s0] =	ssyncadd.s32 @!p0 s1  }
0x80: {  	[bflag:$0x3] =	sbarrier.arrive $0xFFFF  }
0x81: {  	_ =	shalt  }

// kernel: kernel.36.cloned.1.call-start
scs
__scs_entry_jumppad:
0x0: {  	(pc) =	sbr.rel $0x88, $3  }
0x1: {  	(tag) =	ssettag $0x0;
	lr =	simm.s32 $0x1  }
0x2: {  	[smem:$0x3F6A] =	sst lr;
	_ =	strace $0xD0000000  }
0x3: {  	_ = 	snop  }
0x4: {  	_ = 	snop  }
0x5: {  	_ = 	snop  }
0x6: {  	_ = 	snop  }
0x7: {  	_ = 	snop  }
__scs_overlays_trampoline_lowered:
0x8: {  	[smem:$0x3F79] =	sst s0  }
0x9: {  	[smem:$0x3F7A] =	sst s1  }
0xa: {  	[smem:$0x3F7B] =	sst s2  }
0xb: {  	[smem:$0x3F7C] =	sst s3  }
0xc: {  	[smem:$0x3F7D] =	sst s4  }
0xd: {  	[smem:$0x3F7E] =	sst s5  }
0xe: {  	[smem:$0x3F7F] =	sst s6  }
0xf: {  	[smem:$0x3F80] =	sst s7  }
0x10: {  	[smem:$0x3F81] =	sst s8  }
0x11: {  	[smem:$0x3F82] =	sst s9;
	s0 =	simm.s32 @!p0 $0x0  }
0x12: {  	s1 =	sld [smem:$0x3F68];
	s0 =	simm.s32 @p0 $0x1  }
0x13: {  	[smem:$0x3F83] =	sst s0;
	s0 =	simm.s32 @!p1 $0x0  }
0x14: {  	s2 =	sld [smem:$0x3F67];
	s0 =	simm.s32 @p1 $0x1  }
0x15: {  	[smem:$0x3F84] =	sst s0;
	s0 =	simm.s32 @!p2 $0x0  }
0x16: {  	s3 =	sld [smem:$0x3FDB];
	s0 =	simm.s32 @p2 $0x1  }
0x17: {  	s4 =	simm.s32 $0x1BF5;
	[smem:$0x3F86] =	sst s0  }
0x18: {  	s0 =	sld [smem:$0x3F69];
	_ =	swait.ge [sflag:s4], $0x0  }
0x19: {  	s7 =	sld [smem:$0x3F6A]  }
0x1a: {  	s8 =	sadd.s32 $0xFFFFE003, lr  }
0x1b: {  	s9 =	sadd.s32 $0xFFFFFEF7, lr;
	s5 =	simm.s32 $0xFFFFFFFF;
	p2 =	slt.u32 s8, $0xFFFFF086  }
0x1c: {  	p1 =	slt.u32 s9, $0xF7A;
	s5 =	simm.s32 @!p2 $0x0  }
0x1d: {  	s5 =	simm.s32 @p1 $0x1;
	p0 =	seq.s32 s7, s2  }
0x1e: {  	s7 =	smul.u32 @!p0 $0xF7A, s2;
	p2 =	seq.s32 @!p0 s5, $0x0  }
0x1f: {  	s9 =	smul.u32 $0xF7A, s1;
	s8 =	simm.s32 @!p0 $0x1BF5;
	p2 =	por !p2, p0  }
0x20: {  	[sflag:s8] =	ssyncset.s32 @!p0 $0xFFFFF086;
	s6 =	sadd.s32 @!p0 s3, s7;
	s7 =	simm.s32 @!p0 $0x108  }
0x21: {  	s3 =	sadd.s32 s3, s9;
	s6 =	sadd.s32 @!p0 $0x88, s6;
	s7 =	simm.s32 @p2 $0x1082  }
0x22: {  	[simem:s7], [sflag:s8] =	dma.local @!p0 [hbm:s6], $0xF7A  }
0x23: {  	s9 =	sor.u32 $0xD0000000, s2;
	s6 =	simm.s32 $0x108;
	_ =	swait.ge @!p0 [sflag:s8], $0x0  }
0x24: {  	s3 =	sadd.s32 $0x88, s3;
	s6 =	simm.s32 @!p1 $0x1082;
	[sflag:s4] =	ssyncset.s32 $0xFFFFF086  }
0x25: {  	[simem:s6], [sflag:s4] =	dma.local [hbm:s3], $0xF7A  }
0x26: {  	[smem:$0x3F6A] =	sst s1;
	(tag) =	ssettag s2;
	_ =	strace s9  }
0x27: {  	s1 =	sld [smem:$0x3F7A]  }
0x28: {  	s2 =	sld [smem:$0x3F7B]  }
0x29: {  	s4 =	sld [smem:$0x3F7D]  }
0x2a: {  	p0 =	seq.s32 s5, $0x0;
	s5 =	sld [smem:$0x3F7E]  }
0x2b: {  	s6 =	sld [smem:$0x3F7F]  }
0x2c: {  	s7 =	sld [smem:$0x3F80]  }
0x2d: {  	s3 =	simm.s32 $0x108;
	s8 =	sld [smem:$0x3F81]  }
0x2e: {  	s3 =	simm.s32 @!p0 $0x1082;
	s9 =	sld [smem:$0x3F82]  }
0x2f: {  	lr =	sadd.s32 s0, s3;
	s0 =	sld [smem:$0x3F79]  }
0x30: {  	s3 =	sld [smem:$0x3F7C]  }
0x31: {  	[smem:$0x3F85] =	sst s10  }
0x32: {  	s10 =	sld [smem:$0x3F83];
	_ =	sdelay $0x3  }
0x33: {  	p0 =	seq.s32 s10, $0x1;
	s10 =	sld [smem:$0x3F85];
	_ =	sdelay $0x3  }
0x34: {  	[smem:$0x3F85] =	sst s10  }
0x35: {  	s10 =	sld [smem:$0x3F84];
	_ =	sdelay $0x3  }
0x36: {  	p1 =	seq.s32 s10, $0x1;
	s10 =	sld [smem:$0x3F85];
	_ =	sdelay $0x3  }
0x37: {  	[smem:$0x3F85] =	sst s10  }
0x38: {  	s10 =	sld [smem:$0x3F86]  }
0x39: {  	_ = 	snop;
	(pc) =	sbr.ind lr, $3  }
0x3a: {  	_ = 	snop  }
0x3b: {  	_ = 	snop  }
0x3c: {  	p2 =	seq.s32 s10, $0x1;
	s10 =	sld [smem:$0x3F85]  }
0x3d: {  	_ =	shalt  }
0x3e: {  	_ =	shalt  }
0x3f: {  	_ =	shalt  }
0x40: {  	_ =	shalt  }
0x41: {  	_ =	shalt  }
0x42: {  	_ =	shalt  }
0x43: {  	_ =	shalt  }
0x44: {  	_ =	shalt  }
0x45: {  	_ =	shalt  }
0x46: {  	_ =	shalt  }
0x47: {  	_ =	shalt  }
0x48: {  	_ =	shalt  }
0x49: {  	_ =	shalt  }
0x4a: {  	_ =	shalt  }
0x4b: {  	_ =	shalt  }
0x4c: {  	_ =	shalt  }
0x4d: {  	_ =	shalt  }
0x4e: {  	_ =	shalt  }
0x4f: {  	_ =	shalt  }
0x50: {  	_ =	shalt  }
0x51: {  	_ =	shalt  }
0x52: {  	_ =	shalt  }
0x53: {  	_ =	shalt  }
0x54: {  	_ =	shalt  }
0x55: {  	_ =	shalt  }
0x56: {  	_ =	shalt  }
0x57: {  	_ =	shalt  }
0x58: {  	_ =	shalt  }
0x59: {  	_ =	shalt  }
0x5a: {  	_ =	shalt  }
0x5b: {  	_ =	shalt  }
0x5c: {  	_ =	shalt  }
0x5d: {  	_ =	shalt  }
0x5e: {  	_ =	shalt  }
0x5f: {  	_ =	shalt  }
0x60: {  	_ =	shalt  }
0x61: {  	_ =	shalt  }
0x62: {  	_ =	shalt  }
0x63: {  	_ =	shalt  }
0x64: {  	_ =	shalt  }
0x65: {  	_ =	shalt  }
0x66: {  	_ =	shalt  }
0x67: {  	_ =	shalt  }
0x68: {  	_ =	shalt  }
0x69: {  	_ =	shalt  }
0x6a: {  	_ =	shalt  }
0x6b: {  	_ =	shalt  }
0x6c: {  	_ =	shalt  }
0x6d: {  	_ =	shalt  }
0x6e: {  	_ =	shalt  }
0x6f: {  	_ =	shalt  }
0x70: {  	_ =	shalt  }
0x71: {  	_ =	shalt  }
0x72: {  	_ =	shalt  }
0x73: {  	_ =	shalt  }
0x74: {  	_ =	shalt  }
0x75: {  	_ =	shalt  }
0x76: {  	_ =	shalt  }
0x77: {  	_ =	shalt  }
0x78: {  	_ =	shalt  }
0x79: {  	_ =	shalt  }
0x7a: {  	_ =	shalt  }
0x7b: {  	_ =	shalt  }
0x7c: {  	_ =	shalt  }
0x7d: {  	_ =	shalt  }
0x7e: {  	_ =	shalt  }
0x7f: {  	_ =	shalt  }
0x80: {  	_ =	shalt  }
0x81: {  	_ =	shalt  }
0x82: {  	_ =	shalt  }
0x83: {  	_ =	shalt  }
0x84: {  	_ =	shalt  }
0x85: {  	_ =	shalt  }
0x86: {  	_ =	shalt  }
0x87: {  	_ =	shalt  }
.Lfunc_end0:
.L_simem_size_0:
called_computation.6_lowered:
.L_overlay_start_0:
0x88: {  	s2 =	sld [smem:$0x3FD9]  }
0x89: {  	s3 =	sld [smem:$0x3FFE];
	_ =	sdelay $0x1  }
0x8a: {  	s1 =	srdreg.scid  }
0x8b: {  	s0 =	sand.u32 $0x1, s1  }
0x8c: {  	s17 =	sshll.u32 s0, $0xA;
	s2 =	sadd.s32 s3, s2  }
0x8d: {  	s2 =	sadd.s32 s2, s17  }
0x8e: {  	[smem:$0x3F91] =	sst s2  }
0x8f: {  	_ = 	snop  }
0x90: {  	s2 =	sld [smem:$0x3FC6];
	(tm) =	ssettm $0x1  }
0x91: {  	s18 =	sld [smem:$0x3FFB];
	_ =	sdelay $0x3  }
0x92: {  	_ =	strace s18  }
0x93: {  	s3 =	sld [smem:$0x3FFC];
	_ =	sdelay $0x3  }
0x94: {  	_ =	strace s3  }
0x95: {  	s3 =	sld [smem:$0x3FFD];
	_ =	sdelay $0x3  }
0x96: {  	_ =	strace s3  }
0x97: {  	_ =	strace $0x8FFFFFFF  }
0x98: {  	s19 =	sld [smem:$0x3FDB];
	_ =	sdelay $0x1  }
0x99: {  	s4 =	simm.s32 $_scs_section_size  }
0x9a: {  	s5 =	simm.s32 $_size__tile_overlayer_lowered;
	s6 =	simm.s32 $_tile_overlayer_lowered  }
0x9b: {  	s22 =	simm.s32 $0x1BFF;
	s21 =	sshll.u32 s6, $0x1;
	s3 =	sadd.s32 s4, s19  }
0x9c: {  	s7 =	simm.s32 $0x0;
	s20 =	sshll.u32 s5, $0x1;
	s5 =	sadd.s32 s21, s3  }
0x9d: {  	[timem:s7], [sflag:s22] =	dma.local [hbm:s5], s20  }
0x9e: {  	_ =	swait.ge [sflag:s22], s20  }
0x9f: {  	s4 =	ssub.s32 $0x0, s20;
	[sflag:s22] =	ssyncset.done $0x0  }
0xa0: {  	[sflag:s22] =	ssyncadd.s32 s4;
	_ =	sdelay $0x1  }
0xa1: {  	s23 =	simm.s32 $0x1B8B  }
0xa2: {  	_ =	swait.ge [sflag:s23], $0x1  }
0xa3: {  	[sflag:s23] =	ssyncset.done $0x0  }
0xa4: {  	s25 =	simm.s32 $0x1B8E;
	s24 =	sld [smem:$0x3FFE];
	[sflag:s23] =	ssyncadd.s32 $0xFFFFFFFF  }
0xa5: {  	s26 =	simm.s32 $execute0_lowered;
	[smem:$0x3FD2] =	sst s25  }
0xa6: {  	s5 =	sshll.u32 s26, $0x1;
	_ =	strace $0x80000052;
	[dreg:$0x1] =	wrdreg $0xFFFFFFFF  }
0xa7: {  	s28 =	simm.s32 $_size_execute0_lowered;
	s3 =	sadd.s32 s3, s5;
	[dreg:$0x0] =	wrdreg $0x0  }
0xa8: {  	s5 =	sshll.u32 s28, $0x1;
	[dreg:$0x2] =	wrdreg s3  }
0xa9: {  	[dreg:$0x3] =	wrdreg s5  }
0xaa: {  	[dreg:$0x4] =	wrdreg $0xC0  }
0xab: {  	_ =	task [dreg:s7], $0x5FFFF  }
0xac: {  	[dreg:$0x1] =	wrdreg $0xFFFFFFFF  }
0xad: {  	[dreg:$0x0] =	wrdreg $0x60  }
0xae: {  	[dreg:$0x2] =	wrdreg s24  }
0xaf: {  	[dreg:$0x3] =	wrdreg s2  }
0xb0: {  	[dreg:$0x4] =	wrdreg $0x9  }
0xb1: {  	_ =	task.clear_ibuf [dreg:s7], $0x5FFFF;
	_ =	strace $0x90000052  }
0xb2: {  	s29 =	simm.s32 $0x9;
	_ =	strace $0x80000054  }
0xb3: {  	_ =	swait.ge [sflag:s29], $0x1  }
0xb4: {  	[sflag:s29] =	ssyncadd.s32 $0xFFFFFFFF  }
0xb5: {  	_ =	strace $0x90000054  }
0xb6: {  	_ =	sfence  }
0xb7: {  	s30 =	sld [smem:$0x0];
	_ =	sdelay $0x2  }
0xb8: {  	s31 =	sshll.u32 s1, $0xD;
	s1 =	sshrl.u32 s1, $0x2  }
0xb9: {  	s3 =	sand.u32 $0x4000, s31;
	s1 =	sadd.s32 s1, s30  }
0xba: {  	s0 =	sor.u32 s3, s0;
	s1 =	sshll.u32 s1, $0x11  }
0xbb: {  	s0 =	sor.u32 s1, s0  }
0xbc: {  	s0 =	sadd.s32 $0x8F2B, s0  }
0xbd: {  	[sflag:s0] =	ssyncadd.remote.s32 $0x1  }
0xbe: {  	_ =	sfence.sel $0xFFFF  }
0xbf: {  	[dreg:$0x0] =	wrdreg $0xFFFFFFFF;
	(pc) =	sbr.abs _section_cstart, $3  }
0xc0: {  	[dreg:$0x1] =	wrdreg $0xFFFFFFFF  }
0xc1: {  	_ =	task.clear_ibuf [dreg:s7], $0x2FFFF;
	_ =	strace $0x9FFFFFFF  }
0xc2: {  	(tm) =	ssettm $0x7FFFFFFF  }
0xc3: {  	_ =	shalt  }
tec
execute0_lowered:
.L_overlay_start_1:
0x0: {  	(tag) =	ssettag $0x1  }
0x1: {  	s4 =	rddreg [dreg:$0x0]  }
0x2: {  	s0 =	srdreg.scid;
	s1 =	stileid.u32  }
0x3: {  	s6 =	rddreg [dreg:$0x1];
	s7 =	smul.u32 $0x13880, s1  }
0x4: {  	s2 =	simm.s32 $0x0;
	s3 =	sand.u32 $0x1, s0;
	s10 =	smul.u32 $0x1388, s1  }
0x5: {  	s11 =	simm.s32 $0x0;
	s0 =	rddreg [dreg:$0x2];
	s5 =	smul.u32 $0x138800, s3  }
0x6: {  	[smem:$0x7FF] =	sst s2;
	s8 =	smul.u32 $0x13880, s3;
	s9 =	ssub.s32 $0x2, s3  }
0x7: {  	_ =	strace $0x80000053;
	s3 =	sadd.s32 $0xC57E00, s4;
	s30 =	sshrl.u32 s9, $0x1  }
0x8: {  	s4 =	sadd.s32 s5, s4;
	s5 =	ssub.s32 s9, s30;
	s8 =	sadd.s32 s10, s8  }
0x9: {  	s9 =	simm.s32 $0x100;
	s10 =	simm.s32 $0x1;
	s7 =	sadd.s32 s7, s4  }
0xa: {  	s4 =	smax.u32 s5, $0x1;
	s31 =	sshrl.u32 s8, $0x3;
	s8 =	simm.s32 $0xC8  }
0xb: {  	s5 =	sadd.s32 $0x9E6E00, s7;
	s6 =	sadd.s32 s31, s6;
	s7 =	simm.s32 $0x2  }
.LBB2_1:
0xc: {  	s12 =	sadd.s32 $0x0, s6  }
0xd: {  	[tilespmem:s2], [sflag:$0x2] =	stream.linear.gather [hbm4b:s12+s2], $0xC8, $0x38;
	[tilespmem:$0x6500] =	vst v63  }
0xe: {  	_ =	swait.ge [sflag:s7], $0xC8  }
0xf: {  	[sflag:s7] =	ssyncset.done $0x0  }
0x10: {  	[sflag:s7] =	ssyncadd.s32 $0xFFFFFF38  }
0x11: {  	[tilespmem:s9], [sflag:$0x1] =	stream.indirect.gather [hbm4b:s3+s8], $0x80, s2, s8, $0xb8;
	[tilespmem:$0x6500] =	vst v63  }
0x12: {  	_ =	swait.ge [sflag:s10], $0x6400  }
0x13: {  	[sflag:s10] =	ssyncset.done $0x0  }
0x14: {  	[sflag:s10] =	ssyncadd.s32 $0xFFFF9C00  }
0x15: {  	[hbm4b:s5+s2] =	stream.linear.scatter [tilespmem:s9], [sflag:$0x2], $0x6400, $0x38;
	[tilespmem:$0x6500] =	vst v63  }
0x16: {  	s13 =	simm.s32 $0x19;
	_ =	swait.ge [sflag:s7], $0x6400  }
0x17: {  	s14 =	simm.s32 $0x32;
	s12 =	sadd.s32 $0xC80, s5;
	[sflag:s7] =	ssyncset.done $0x0  }
.LBB2_2:
0x18: {  	s15 =	sadd.s32 s13, s6  }
0x19: {  	[sflag:s7] =	ssyncadd.s32 $0xFFFF9C00;
	s13 =	smov.u32 s14;
	s16 =	sadd.s32 $0x19, s14  }
0x1a: {  	[tilespmem:s2], [sflag:$0x2] =	stream.linear.gather [hbm4b:s15+s2], $0xC8, $0x38;
	[tilespmem:$0x6500] =	vst v63  }
0x1b: {  	p0 =	sne.s32 s14, $0x258;
	_ =	swait.ge [sflag:s7], $0xC8  }
0x1c: {  	[sflag:s7] =	ssyncset.done $0x0  }
0x1d: {  	[sflag:s7] =	ssyncadd.s32 $0xFFFFFF38  }
0x1e: {  	[tilespmem:s9], [sflag:$0x1] =	stream.indirect.gather [hbm4b:s3+s8], $0x80, s2, s8, $0xb8;
	[tilespmem:$0x6500] =	vst v63  }
0x1f: {  	_ =	swait.ge [sflag:s10], $0x6400  }
.Ltmp0:
0x20: {  	[sflag:s10] =	ssyncset.done $0x0;
	(pc) =	sbr.rel @p0 .LBB2_2-.Ltmp0, $4  }
0x21: {  	[sflag:s10] =	ssyncadd.s32 $0xFFFF9C00  }
0x22: {  	[hbm4b:s12+s2] =	stream.linear.scatter [tilespmem:s9], [sflag:$0x2], $0x6400, $0x38;
	[tilespmem:$0x6500] =	vst v63  }
0x23: {  	_ =	swait.ge [sflag:s7], $0x6400  }
0x24: {  	s14 =	smov.u32 s16;
	s12 =	sadd.s32 $0xC80, s12;
	[sflag:s7] =	ssyncset.done $0x0  }
0x25: {  	s13 =	sadd.s32 s13, s6;
	[sflag:s7] =	ssyncadd.s32 $0xFFFF9C00  }
0x26: {  	[tilespmem:s2], [sflag:$0x2] =	stream.linear.gather [hbm4b:s13+s2], $0xC8, $0x38;
	[tilespmem:$0x6500] =	vst v63  }
0x27: {  	_ =	swait.ge [sflag:s7], $0xC8  }
0x28: {  	[sflag:s7] =	ssyncset.done $0x0  }
0x29: {  	[sflag:s7] =	ssyncadd.s32 $0xFFFFFF38  }
0x2a: {  	[tilespmem:s9], [sflag:$0x1] =	stream.indirect.gather [hbm4b:s3+s8], $0x80, s2, s8, $0xb8;
	[tilespmem:$0x6500] =	vst v63  }
0x2b: {  	s11 =	sadd.s32 $0x1, s11;
	_ =	swait.ge [sflag:s10], $0x6400  }
0x2c: {  	p0 =	sne.s32 s11, s4;
	[sflag:s10] =	ssyncset.done $0x0  }
.Ltmp1:
0x2d: {  	[sflag:s10] =	ssyncadd.s32 $0xFFFF9C00;
	(pc) =	sbr.rel @p0 .LBB2_1-.Ltmp1, $4  }
0x2e: {  	[hbm4b:s12+s2] =	stream.linear.scatter [tilespmem:s9], [sflag:$0x2], $0x6400, $0x38;
	[tilespmem:$0x6500] =	vst v63  }
0x2f: {  	_ =	swait.ge [sflag:s7], $0x6400  }
0x30: {  	[sflag:s7] =	ssyncset.done $0x0  }
0x31: {  	[sflag:s7] =	ssyncadd.s32 $0xFFFF9C00  }
0x32: {  	_ =	sfence.sel $0x180000  }
0x33: {  	[bflag:$0x0] =	sbarrier.arrive $0xFFFF  }
0x34: {  	p0 =	sne.s32 s1, $0x0;
	_ =	strace $0x90000053  }
0x35: {  	s0 =	sadd.s32 @!p0 $0x100000, s0;
	[bflag:$0x2] =	sbarrier.arrive $0xFFFF  }
0x36: {  	[sflag:s0] =	ssyncadd.tile.s32 @!p0 $0x1;
	_ =	shalt  }
.Lfunc_end2:
_tile_overlayer_lowered:
.L_overlay_start_2:
0x37: {  	(tag) =	ssettag $0x2  }
0x38: {  	s0 =	rddreg [dreg:$0x0];
	s2 =	stileid.u32  }
0x39: {  	s1 =	rddreg [dreg:$0x1];
	p0 =	sne.s32 s2, $0x0  }
0x3a: {  	s3 =	rddreg [dreg:$0x2];
	[bflag:$0x3] =	sbarrier.arrive $0xFFFF;
	s2 =	simm.s32 @!p0 $0x1C02  }
0x3b: {  	[timem:s3], [sflag:s2] =	dma.local @!p0 [hbm:s0], s1  }
0x3c: {  	s0 =	simm.s32 @!p0 $0x2  }
0x3d: {  	_ =	swait.ge @!p0 [sflag:s0], s1  }
0x3e: {  	s1 =	ssub.s32 @!p0 $0x0, s1;
	[sflag:s0] =	ssyncset.done @!p0 $0x0  }
0x3f: {  	[sflag:s0] =	ssyncadd.s32 @!p0 s1  }
0x40: {  	[bflag:$0x3] =	sbarrier.arrive $0xFFFF  }
0x41: {  	_ =	shalt  }

// kernel: kernel.39.cloned.1.call-start
scs
__scs_entry_jumppad:
0x0: {  	(pc) =	sbr.rel $0x88, $3  }
0x1: {  	(tag) =	ssettag $0x0;
	lr =	simm.s32 $0x1  }
0x2: {  	[smem:$0x3F6A] =	sst lr;
	_ =	strace $0xD0000000  }
0x3: {  	_ = 	snop  }
0x4: {  	_ = 	snop  }
0x5: {  	_ = 	snop  }
0x6: {  	_ = 	snop  }
0x7: {  	_ = 	snop  }
__scs_overlays_trampoline_lowered:
0x8: {  	[smem:$0x3F79] =	sst s0  }
0x9: {  	[smem:$0x3F7A] =	sst s1  }
0xa: {  	[smem:$0x3F7B] =	sst s2  }
0xb: {  	[smem:$0x3F7C] =	sst s3  }
0xc: {  	[smem:$0x3F7D] =	sst s4  }
0xd: {  	[smem:$0x3F7E] =	sst s5  }
0xe: {  	[smem:$0x3F7F] =	sst s6  }
0xf: {  	[smem:$0x3F80] =	sst s7  }
0x10: {  	[smem:$0x3F81] =	sst s8  }
0x11: {  	[smem:$0x3F82] =	sst s9;
	s0 =	simm.s32 @!p0 $0x0  }
0x12: {  	s1 =	sld [smem:$0x3F68];
	s0 =	simm.s32 @p0 $0x1  }
0x13: {  	[smem:$0x3F83] =	sst s0;
	s0 =	simm.s32 @!p1 $0x0  }
0x14: {  	s2 =	sld [smem:$0x3F67];
	s0 =	simm.s32 @p1 $0x1  }
0x15: {  	[smem:$0x3F84] =	sst s0;
	s0 =	simm.s32 @!p2 $0x0  }
0x16: {  	s3 =	sld [smem:$0x3FDB];
	s0 =	simm.s32 @p2 $0x1  }
0x17: {  	s4 =	simm.s32 $0x1BF5;
	[smem:$0x3F86] =	sst s0  }
0x18: {  	s0 =	sld [smem:$0x3F69];
	_ =	swait.ge [sflag:s4], $0x0  }
0x19: {  	s7 =	sld [smem:$0x3F6A]  }
0x1a: {  	s8 =	sadd.s32 $0xFFFFE003, lr  }
0x1b: {  	s9 =	sadd.s32 $0xFFFFFEF7, lr;
	s5 =	simm.s32 $0xFFFFFFFF;
	p2 =	slt.u32 s8, $0xFFFFF086  }
0x1c: {  	p1 =	slt.u32 s9, $0xF7A;
	s5 =	simm.s32 @!p2 $0x0  }
0x1d: {  	s5 =	simm.s32 @p1 $0x1;
	p0 =	seq.s32 s7, s2  }
0x1e: {  	s7 =	smul.u32 @!p0 $0xF7A, s2;
	p2 =	seq.s32 @!p0 s5, $0x0  }
0x1f: {  	s9 =	smul.u32 $0xF7A, s1;
	s8 =	simm.s32 @!p0 $0x1BF5;
	p2 =	por !p2, p0  }
0x20: {  	[sflag:s8] =	ssyncset.s32 @!p0 $0xFFFFF086;
	s6 =	sadd.s32 @!p0 s3, s7;
	s7 =	simm.s32 @!p0 $0x108  }
0x21: {  	s3 =	sadd.s32 s3, s9;
	s6 =	sadd.s32 @!p0 $0x88, s6;
	s7 =	simm.s32 @p2 $0x1082  }
0x22: {  	[simem:s7], [sflag:s8] =	dma.local @!p0 [hbm:s6], $0xF7A  }
0x23: {  	s9 =	sor.u32 $0xD0000000, s2;
	s6 =	simm.s32 $0x108;
	_ =	swait.ge @!p0 [sflag:s8], $0x0  }
0x24: {  	s3 =	sadd.s32 $0x88, s3;
	s6 =	simm.s32 @!p1 $0x1082;
	[sflag:s4] =	ssyncset.s32 $0xFFFFF086  }
0x25: {  	[simem:s6], [sflag:s4] =	dma.local [hbm:s3], $0xF7A  }
0x26: {  	[smem:$0x3F6A] =	sst s1;
	(tag) =	ssettag s2;
	_ =	strace s9  }
0x27: {  	s1 =	sld [smem:$0x3F7A]  }
0x28: {  	s2 =	sld [smem:$0x3F7B]  }
0x29: {  	s4 =	sld [smem:$0x3F7D]  }
0x2a: {  	p0 =	seq.s32 s5, $0x0;
	s5 =	sld [smem:$0x3F7E]  }
0x2b: {  	s6 =	sld [smem:$0x3F7F]  }
0x2c: {  	s7 =	sld [smem:$0x3F80]  }
0x2d: {  	s3 =	simm.s32 $0x108;
	s8 =	sld [smem:$0x3F81]  }
0x2e: {  	s3 =	simm.s32 @!p0 $0x1082;
	s9 =	sld [smem:$0x3F82]  }
0x2f: {  	lr =	sadd.s32 s0, s3;
	s0 =	sld [smem:$0x3F79]  }
0x30: {  	s3 =	sld [smem:$0x3F7C]  }
0x31: {  	[smem:$0x3F85] =	sst s10  }
0x32: {  	s10 =	sld [smem:$0x3F83];
	_ =	sdelay $0x3  }
0x33: {  	p0 =	seq.s32 s10, $0x1;
	s10 =	sld [smem:$0x3F85];
	_ =	sdelay $0x3  }
0x34: {  	[smem:$0x3F85] =	sst s10  }
0x35: {  	s10 =	sld [smem:$0x3F84];
	_ =	sdelay $0x3  }
0x36: {  	p1 =	seq.s32 s10, $0x1;
	s10 =	sld [smem:$0x3F85];
	_ =	sdelay $0x3  }
0x37: {  	[smem:$0x3F85] =	sst s10  }
0x38: {  	s10 =	sld [smem:$0x3F86]  }
0x39: {  	_ = 	snop;
	(pc) =	sbr.ind lr, $3  }
0x3a: {  	_ = 	snop  }
0x3b: {  	_ = 	snop  }
0x3c: {  	p2 =	seq.s32 s10, $0x1;
	s10 =	sld [smem:$0x3F85]  }
0x3d: {  	_ =	shalt  }
0x3e: {  	_ =	shalt  }
0x3f: {  	_ =	shalt  }
0x40: {  	_ =	shalt  }
0x41: {  	_ =	shalt  }
0x42: {  	_ =	shalt  }
0x43: {  	_ =	shalt  }
0x44: {  	_ =	shalt  }
0x45: {  	_ =	shalt  }
0x46: {  	_ =	shalt  }
0x47: {  	_ =	shalt  }
0x48: {  	_ =	shalt  }
0x49: {  	_ =	shalt  }
0x4a: {  	_ =	shalt  }
0x4b: {  	_ =	shalt  }
0x4c: {  	_ =	shalt  }
0x4d: {  	_ =	shalt  }
0x4e: {  	_ =	shalt  }
0x4f: {  	_ =	shalt  }
0x50: {  	_ =	shalt  }
0x51: {  	_ =	shalt  }
0x52: {  	_ =	shalt  }
0x53: {  	_ =	shalt  }
0x54: {  	_ =	shalt  }
0x55: {  	_ =	shalt  }
0x56: {  	_ =	shalt  }
0x57: {  	_ =	shalt  }
0x58: {  	_ =	shalt  }
0x59: {  	_ =	shalt  }
0x5a: {  	_ =	shalt  }
0x5b: {  	_ =	shalt  }
0x5c: {  	_ =	shalt  }
0x5d: {  	_ =	shalt  }
0x5e: {  	_ =	shalt  }
0x5f: {  	_ =	shalt  }
0x60: {  	_ =	shalt  }
0x61: {  	_ =	shalt  }
0x62: {  	_ =	shalt  }
0x63: {  	_ =	shalt  }
0x64: {  	_ =	shalt  }
0x65: {  	_ =	shalt  }
0x66: {  	_ =	shalt  }
0x67: {  	_ =	shalt  }
0x68: {  	_ =	shalt  }
0x69: {  	_ =	shalt  }
0x6a: {  	_ =	shalt  }
0x6b: {  	_ =	shalt  }
0x6c: {  	_ =	shalt  }
0x6d: {  	_ =	shalt  }
0x6e: {  	_ =	shalt  }
0x6f: {  	_ =	shalt  }
0x70: {  	_ =	shalt  }
0x71: {  	_ =	shalt  }
0x72: {  	_ =	shalt  }
0x73: {  	_ =	shalt  }
0x74: {  	_ =	shalt  }
0x75: {  	_ =	shalt  }
0x76: {  	_ =	shalt  }
0x77: {  	_ =	shalt  }
0x78: {  	_ =	shalt  }
0x79: {  	_ =	shalt  }
0x7a: {  	_ =	shalt  }
0x7b: {  	_ =	shalt  }
0x7c: {  	_ =	shalt  }
0x7d: {  	_ =	shalt  }
0x7e: {  	_ =	shalt  }
0x7f: {  	_ =	shalt  }
0x80: {  	_ =	shalt  }
0x81: {  	_ =	shalt  }
0x82: {  	_ =	shalt  }
0x83: {  	_ =	shalt  }
0x84: {  	_ =	shalt  }
0x85: {  	_ =	shalt  }
0x86: {  	_ =	shalt  }
0x87: {  	_ =	shalt  }
.Lfunc_end0:
.L_simem_size_0:
called_computation.7_lowered:
.L_overlay_start_0:
0x88: {  	s2 =	sld [smem:$0x3FD9]  }
0x89: {  	s3 =	sld [smem:$0x3FFE];
	_ =	sdelay $0x1  }
0x8a: {  	s1 =	srdreg.scid  }
0x8b: {  	s0 =	sand.u32 $0x1, s1  }
0x8c: {  	s17 =	sshll.u32 s0, $0xA;
	s2 =	sadd.s32 s3, s2  }
0x8d: {  	s2 =	sadd.s32 s2, s17  }
0x8e: {  	[smem:$0x3F91] =	sst s2  }
0x8f: {  	_ = 	snop  }
0x90: {  	s2 =	sld [smem:$0x3FC5];
	(tm) =	ssettm $0x1  }
0x91: {  	s18 =	sld [smem:$0x3FFB];
	_ =	sdelay $0x3  }
0x92: {  	_ =	strace s18  }
0x93: {  	s3 =	sld [smem:$0x3FFC];
	_ =	sdelay $0x3  }
0x94: {  	_ =	strace s3  }
0x95: {  	s3 =	sld [smem:$0x3FFD];
	_ =	sdelay $0x3  }
0x96: {  	_ =	strace s3  }
0x97: {  	_ =	strace $0x8FFFFFFF  }
0x98: {  	s19 =	sld [smem:$0x3FDB];
	_ =	sdelay $0x1  }
0x99: {  	s4 =	simm.s32 $_scs_section_size  }
0x9a: {  	s5 =	simm.s32 $_size__tile_overlayer_lowered;
	s6 =	simm.s32 $_tile_overlayer_lowered  }
0x9b: {  	s22 =	simm.s32 $0x1BFF;
	s21 =	sshll.u32 s6, $0x1;
	s3 =	sadd.s32 s4, s19  }
0x9c: {  	s7 =	simm.s32 $0x0;
	s20 =	sshll.u32 s5, $0x1;
	s5 =	sadd.s32 s21, s3  }
0x9d: {  	[timem:s7], [sflag:s22] =	dma.local [hbm:s5], s20  }
0x9e: {  	_ =	swait.ge [sflag:s22], s20  }
0x9f: {  	s4 =	ssub.s32 $0x0, s20;
	[sflag:s22] =	ssyncset.done $0x0  }
0xa0: {  	[sflag:s22] =	ssyncadd.s32 s4;
	_ =	sdelay $0x1  }
0xa1: {  	s23 =	simm.s32 $0x1B8B  }
0xa2: {  	_ =	swait.ge [sflag:s23], $0x1  }
0xa3: {  	[sflag:s23] =	ssyncset.done $0x0  }
0xa4: {  	s25 =	simm.s32 $0x1B8E;
	s24 =	sld [smem:$0x3FFE];
	[sflag:s23] =	ssyncadd.s32 $0xFFFFFFFF  }
0xa5: {  	s26 =	simm.s32 $execute0_lowered;
	[smem:$0x3FD2] =	sst s25  }
0xa6: {  	s5 =	sshll.u32 s26, $0x1;
	_ =	strace $0x80000055;
	[dreg:$0x1] =	wrdreg $0xFFFFFFFF  }
0xa7: {  	s28 =	simm.s32 $_size_execute0_lowered;
	s3 =	sadd.s32 s3, s5;
	[dreg:$0x0] =	wrdreg $0x0  }
0xa8: {  	s5 =	sshll.u32 s28, $0x1;
	[dreg:$0x2] =	wrdreg s3  }
0xa9: {  	[dreg:$0x3] =	wrdreg s5  }
0xaa: {  	[dreg:$0x4] =	wrdreg $0xC0  }
0xab: {  	_ =	task [dreg:s7], $0x5FFFF  }
0xac: {  	[dreg:$0x1] =	wrdreg $0xFFFFFFFF  }
0xad: {  	[dreg:$0x0] =	wrdreg $0x60  }
0xae: {  	[dreg:$0x2] =	wrdreg s24  }
0xaf: {  	[dreg:$0x3] =	wrdreg s2  }
0xb0: {  	[dreg:$0x4] =	wrdreg $0x77800  }
0xb1: {  	[dreg:$0x5] =	wrdreg $0xB  }
0xb2: {  	_ =	task.clear_ibuf [dreg:s7], $0x6FFFF;
	_ =	strace $0x90000055  }
0xb3: {  	s29 =	simm.s32 $0xB;
	_ =	strace $0x80000057  }
0xb4: {  	_ =	swait.ge [sflag:s29], $0x1  }
0xb5: {  	[sflag:s29] =	ssyncadd.s32 $0xFFFFFFFF  }
0xb6: {  	_ =	strace $0x90000057  }
0xb7: {  	_ =	sfence  }
0xb8: {  	s30 =	sld [smem:$0x0];
	_ =	sdelay $0x2  }
0xb9: {  	s31 =	sshll.u32 s1, $0xD;
	s1 =	sshrl.u32 s1, $0x2  }
0xba: {  	s3 =	sand.u32 $0x4000, s31;
	s1 =	sadd.s32 s1, s30  }
0xbb: {  	s0 =	sor.u32 s3, s0;
	s1 =	sshll.u32 s1, $0x11  }
0xbc: {  	s0 =	sor.u32 s1, s0  }
0xbd: {  	s0 =	sadd.s32 $0x8F2B, s0  }
0xbe: {  	[sflag:s0] =	ssyncadd.remote.s32 $0x1  }
0xbf: {  	_ =	sfence.sel $0xFFFF  }
0xc0: {  	[dreg:$0x0] =	wrdreg $0xFFFFFFFF;
	(pc) =	sbr.abs _section_cstart, $3  }
0xc1: {  	[dreg:$0x1] =	wrdreg $0xFFFFFFFF  }
0xc2: {  	_ =	task.clear_ibuf [dreg:s7], $0x2FFFF;
	_ =	strace $0x9FFFFFFF  }
0xc3: {  	(tm) =	ssettm $0x7FFFFFFF  }
tec
execute0_lowered:
.L_overlay_start_1:
0x0: {  	(tag) =	ssettag $0x1  }
0x1: {  	s6 =	rddreg [dreg:$0x0]  }
0x2: {  	s7 =	rddreg [dreg:$0x1]  }
0x3: {  	s1 =	rddreg [dreg:$0x2]  }
0x4: {  	s0 =	rddreg [dreg:$0x3]  }
0x5: {  	s3 =	simm.s32 $0x0;
	s4 =	srdreg.scid;
	s2 =	stileid.u32  }
0x6: {  	s13 =	simm.s32 $0x6F80;
	s14 =	simm.s32 $0x1;
	s15 =	simm.s32 $0x4F80  }
0x7: {  	s17 =	simm.s32 $0x0;
	s8 =	sand.u32 $0x1, s4;
	s4 =	smul.u32 $0x2710, s2  }
0x8: {  	[smem:$0x7FF] =	sst s3;
	s5 =	sadd.s32 $0xC57E00, s6;
	s11 =	smul.u32 $0x7D000, s2  }
0x9: {  	s6 =	sadd.s32 $0x9E6E00, s6;
	s30 =	sshll.u32 s2, $0x10;
	p0 =	sgt.u32 s2, $0x7  }
.Ltmp0:
0xa: {  	_ =	strace $0x80000056;
	s9 =	ssub.s32 $0x2, s8;
	(pc) =	sbr.rel .LBB2_1-.Ltmp0, $4  }
0xb: {  	s8 =	smul.u32 $0x13880, s8;
	s10 =	sshrl.u32 s9, $0x1;
	s29 =	sshrl.u32 s4, $0x3  }
0xc: {  	s31 =	sshrl.u32 s11, $0x2;
	s12 =	ssub.s32 s9, s10;
	s7 =	sadd.s32 s7, s29  }
0xd: {  	v1 =	vlaneseq.u32;
	v0 =	vimm.f32 $0.0e+00;
	v2 =	vimm.s32 $0x0;
	s9 =	sadd.s32 s30, s1;
	s16 =	sadd.s32 s31, s1;
	s10 =	smul.u32 $0x3E8, s2  }
0xe: {  	v3 =	vimm.s32 $0x1F40;
	vm0 =	vmmov $0xffff;
	v1 =	vmul.u32 $0x2000, v1;
	s11 =	smax.u32 s12, $0x1;
	s12 =	simm.s32 $0x2;
	s16 =	sshrl.u32 @!p0 s16, $0x3  }
.LBB2_13:
0xf: {  	s17 =	sadd.s32 $0x1, s17  }
0x10: {  	p1 =	sne.s32 s17, s11  }
.Ltmp1:
0x11: {  	_ = 	snop;
	(pc) =	sbr.rel @!p1 .LBB2_14-.Ltmp1, $1  }
0x12: {  	_ =	sdelay $0x3  }
.LBB2_1:
0x13: {  	[tilespmem:s3], [sflag:$0x2] =	stream.linear.gather [hbm4b:s7+s3], $0x2710, $0x38;
	[tilespmem:$0x17780] =	vst v63  }
0x14: {  	_ =	swait.ge [sflag:s12], $0x2710  }
0x15: {  	[sflag:s12] =	ssyncset.done $0x0  }
0x16: {  	s19 =	simm.s32 $0x0;
	s18 =	simm.s32 $0x200;
	[sflag:s12] =	ssyncadd.s32 $0xFFFFD8F0  }
.LBB2_2:
0x17: {  	p1 =	sne.s32 s18, $0x1E00;
	[tilespmem:s19+$0x6FF0] =	vst v0  }
0x18: {  	[tilespmem:s19+$0x6F80] =	vst v0  }
0x19: {  	[tilespmem:s19+$0x6F90] =	vst v0  }
.Ltmp2:
0x1a: {  	[tilespmem:s19+$0x6FA0] =	vst v0;
	(pc) =	sbr.rel @p1 .LBB2_2-.Ltmp2, $4  }
0x1b: {  	[tilespmem:s19+$0x6FB0] =	vst v0  }
0x1c: {  	[tilespmem:s19+$0x6FC0] =	vst v0  }
0x1d: {  	[tilespmem:s19+$0x6FD0] =	vst v0  }
0x1e: {  	[tilespmem:s19+$0x6FE0] =	vst v0;
	s19 =	sshra.s32 s18, $0x2;
	s18 =	sadd.s32 $0x200, s18  }
0x1f: {  	[tilespmem:s19+$0x6FF0] =	vst v0  }
0x20: {  	[tilespmem:s19+$0x6F80] =	vst v0  }
0x21: {  	[tilespmem:s19+$0x6F90] =	vst v0  }
.Ltmp3:
0x22: {  	[tilespmem:s19+$0x6FA0] =	vst v0;
	(pc) =	sbr.rel .LBB2_4-.Ltmp3, $4  }
0x23: {  	[tilespmem:s19+$0x6FB0] =	vst v0  }
0x24: {  	[tilespmem:s19+$0x6FC0] =	vst v0  }
0x25: {  	[tilespmem:s19+$0x6FD0] =	vst v0  }
0x26: {  	s18 =	simm.s32 $0x0;
	[tilespmem:s19+$0x6FE0] =	vst v0  }
.LBB2_11:
0x27: {  	[sflag:s12] =	ssyncadd.s32 $0xFFFFF800  }
.LBB2_12:
0x28: {  	s19 =	sadd.s32 @!p0 s10, s19  }
0x29: {  	s20 =	sshll.u32 @!p0 s2, $0x6;
	[bflag:$0x0] =	sbarrier.arrive $0xFFFF;
	s19 =	sshll.u32 @!p0 s19, $0x4  }
0x2a: {  	s18 =	sadd.s32 $0x1, s18;
	s20 =	sor.u32 @!p0 $0x1C02, s20;
	s19 =	sadd.s32 @!p0 s6, s19  }
0x2b: {  	[hbm:s19], [sflag:s20] =	dma.local @!p0 [spmem:s16], $0x3E80  }
0x2c: {  	p1 =	sne.s32 s18, $0xA;
	s19 =	simm.s32 @!p0 $0x2  }
.Ltmp4:
0x2d: {  	_ =	swait.ge @!p0 [sflag:s19], $0x3E80;
	(pc) =	sbr.rel @!p1 .LBB2_13-.Ltmp4, $3  }
0x2e: {  	[sflag:s19] =	ssyncset.done @!p0 $0x0  }
0x2f: {  	[sflag:s19] =	ssyncadd.s32 @!p0 $0xFFFFC180  }
0x30: {  	[bflag:$0x0] =	sbarrier.arrive $0xFFFF;
	_ =	sdelay $0x1  }
.LBB2_4:
0x31: {  	s19 =	sadd.s32 $0x0, s9  }
0x32: {  	[spmem:s19] =	stream.linear.scatter [tilespmem:s13], [sflag:$0x2], $0x800, $0x38;
	[tilespmem:$0x17780] =	vst v63  }
0x33: {  	s19 =	simm.s32 $0x2000;
	_ =	swait.ge [sflag:s12], $0x800  }
.LBB2_5:
0x34: {  	s20 =	sshra.s32 s19, $0x2;
	[sflag:s12] =	ssyncset.done $0x0;
	p1 =	sne.s32 s19, $0x3E000  }
.Ltmp5:
0x35: {  	s20 =	sadd.s32 s20, s9;
	[sflag:s12] =	ssyncadd.s32 $0xFFFFF800;
	(pc) =	sbr.rel @p1 .LBB2_5-.Ltmp5, $3  }
0x36: {  	[spmem:s20] =	stream.linear.scatter [tilespmem:s13], [sflag:$0x2], $0x800, $0x38;
	[tilespmem:$0x17780] =	vst v63  }
0x37: {  	s19 =	sadd.s32 $0x2000, s19;
	_ =	sdelay $0x1  }
0x38: {  	_ =	swait.ge [sflag:s12], $0x800  }
0x39: {  	[sflag:s12] =	ssyncset.done $0x0  }
0x3a: {  	[sflag:s12] =	ssyncadd.s32 $0xFFFFF800  }
0x3b: {  	s19 =	simm.s32 $0x0;
	[bflag:$0x0] =	sbarrier.arrive $0xFFFF  }
0x3c: {  	v5 =	vld [tilespmem:s19+$0x0]  }
0x3d: {  	s31 =	smul.u32 $0x1F40, s18;
	_ =	sdelay $0x1  }
0x3e: {  	s19 =	sadd.s32 s8, s31  }
0x3f: {  	v4 =	vmov s19  }
0x40: {  	v5 =	vsub.s32 v5, v4  }
0x41: {  	vm1 =	vlt.u32 v5, $0x1F40  }
0x42: {  	v6 =	vsel vm1, $0x1, v2  }
0x43: {  	(xrf0) =	vadd.scan.msk.s32 $0xffff, v6  }
0x44: {  	v6 =	vmov s4  }
0x45: {  	v6 =	vshll.u32 v6, $0xD  }
0x46: {  	v6 =	vor.u32 v1, v6;
	_ =	sdelay $0x2  }
0x47: {  	v5 =	vor.u32 v6, v5;
	v6, _, _ =	vpop (xrf0)  }
0x48: {  	s20 =	simm.s32 $0x0;
	(v2sf) =	vpush v6, $0xF  }
0x49: {  	s23 =	simm.s32 $0x10;
	s22 =	simm.s32 $0x80;
	s21 =	smov.u32 s4;
	[tilespmem:s20+$0x2780] =	vst.msk vm1, v5  }
.LBB2_7:
0x4a: {  	p1 =	sne.s32 s22, $0x9C00;
	v5 =	vld [tilespmem:s23+$0x0];
	_ =	sdelay $0x1  }
0x4b: {  	s21 =	sadd.s32 $0x10, s21  }
0x4c: {  	v6 =	vmov s21  }
0x4d: {  	v6 =	vshll.u32 v6, $0xD  }
0x4e: {  	v6 =	vor.u32 v1, v6;
	v5 =	vsub.s32 v5, v4  }
0x4f: {  	vm1 =	vlt.u32 v5, $0x1F40;
	v5 =	vor.u32 v6, v5  }
0x50: {  	v6 =	vsel vm1, $0x1, v2  }
0x51: {  	(xrf0) =	vadd.scan.msk.s32 $0xffff, v6;
	_ =	sdelay $0x3  }
.Ltmp6:
0x52: {  	(pc) =	sbr.rel @p1 .LBB2_7-.Ltmp6, $4  }
0x53: {  	s23 =	spop (v2sf)  }
0x54: {  	v6, _, _ =	vpop (xrf0);
	s20 =	sadd.s32 s20, s23  }
0x55: {  	[tilespmem:s20+$0x2780] =	vst.msk vm1, v5;
	(v2sf) =	vpush v6, $0xF  }
0x56: {  	s23 =	sshra.s32 s22, $0x2;
	s22 =	sadd.s32 $0x40, s22  }
0x57: {  	v5 =	vld [tilespmem:s23+$0x0];
	_ =	sdelay $0x4  }
0x58: {  	v4 =	vsub.s32 v5, v4  }
0x59: {  	vm1 =	vlt.u32 v4, $0x1F40  }
0x5a: {  	v5 =	vsel vm1, $0x1, v2  }
0x5b: {  	(xrf0) =	vadd.scan.msk.s32 $0xffff, v5;
	_ =	sdelay $0x5  }
0x5c: {  	v5, _, _ =	vpop (xrf0)  }
0x5d: {  	(v2sf) =	vpush v5, $0xF;
	_ =	sdelay $0xd  }
0x5e: {  	s26 =	spop (v2sf)  }
0x5f: {  	s20 =	sadd.s32 s20, s26;
	s28 =	spop (v2sf)  }
0x60: {  	s21 =	sadd.s32 $0x10, s21;
	s22 =	sadd.s32 s20, s28  }
0x61: {  	v5 =	vmov s21;
	s29 =	sadd.s32 $0xF, s22  }
0x62: {  	v5 =	vshll.u32 v5, $0xD;
	s30 =	sand.u32 $0xF, s29  }
0x63: {  	v5 =	vor.u32 v1, v5;
	s31 =	sshra.s32 s29, $0x1F;
	p2 =	slt.s32 s29, $0x1;
	p1 =	sne.s32 s30, $0x0  }
0x64: {  	v4 =	vor.u32 v5, v4;
	s21 =	sshrl.u32 s31, $0x1C;
	p1 =	por !p2, !p1  }
0x65: {  	[tilespmem:s20+$0x2780] =	vst.msk vm1, v4;
	s20 =	sadd.s32 s21, s29;
	s21 =	simm.s32 $0x1;
	p1 =	por !p1, !p1  }
0x66: {  	[tilespmem:s22+$0x2780] =	vst v3;
	s20 =	sshra.s32 s20, $0x4;
	s21 =	simm.s32 @!p1 $0x0  }
0x67: {  	[tilespmem:s22+$0x2790] =	vst v3;
	s21 =	ssub.s32 s20, s21  }
0x68: {  	[tilespmem:s22+$0x27A0] =	vst v3;
	p1 =	slt.s32 s21, $0x1  }
.Ltmp7:
0x69: {  	[tilespmem:s22+$0x27B0] =	vst v3;
	(pc) =	sbr.rel @p1 .LBB2_12-.Ltmp7, $4  }
0x6a: {  	[tilespmem:s22+$0x27C0] =	vst v3  }
0x6b: {  	[tilespmem:s22+$0x27D0] =	vst v3  }
0x6c: {  	[tilespmem:s22+$0x27E0] =	vst v3  }
0x6d: {  	[tilespmem:s22+$0x27F0] =	vst v3;
	s20 =	simm.s32 $0x2780  }
0x6e: {  	v4 =	vld [tilespmem:s20+$0x0];
	_ =	sdelay $0x4  }
0x6f: {  	v5 =	vshrl.u32 v4, $0xD;
	_ =	sdelay $0x3  }
0x70: {  	v4 =	vand.u32 $0x1FFF, v4  }
0x71: {  	[tilespmem:s15], [sflag:$0x1] =	stream.indirect_vreg.gather [hbm4b:s5+s3], $0x80, v5, vm0, $0xb8;
	[tilespmem:$0x17780] =	vst v63  }
0x72: {  	p1 =	sne.s32 s21, $0x1;
	_ =	swait.ge [sflag:s14], $0x800  }
.Ltmp8:
0x73: {  	[sflag:s14] =	ssyncset.done $0x0;
	(pc) =	sbr.rel @!p1 .LBB2_11-.Ltmp8, $4  }
0x74: {  	[sflag:s14] =	ssyncadd.s32 $0xFFFFF800  }
0x75: {  	[spmem:s1] =	stream.indirect_vreg.scatter.add.f32 [tilespmem:s15], [sflag:$0x2], $0x80, v4, vm0, $0xb8;
	[tilespmem:$0x17780] =	vst v63  }
0x76: {  	_ =	swait.ge [sflag:s12], $0x800  }
0x77: {  	s21 =	sadd.s32 $0xFFFFFFFF, s21;
	[sflag:s12] =	ssyncset.done $0x0  }
.LBB2_10:
0x78: {  	p1 =	sne.s32 s21, $0x1;
	[sflag:s12] =	ssyncadd.s32 $0xFFFFF800;
	s20 =	sadd.s32 $0x10, s20  }
0x79: {  	s21 =	sadd.s32 $0xFFFFFFFF, s21;
	v4 =	vld [tilespmem:s20+$0x0];
	_ =	sdelay $0x4  }
0x7a: {  	v5 =	vshrl.u32 v4, $0xD;
	_ =	sdelay $0x3  }
0x7b: {  	v4 =	vand.u32 $0x1FFF, v4  }
0x7c: {  	[tilespmem:s15], [sflag:$0x1] =	stream.indirect_vreg.gather [hbm4b:s5+s3], $0x80, v5, vm0, $0xb8;
	[tilespmem:$0x17780] =	vst v63  }
0x7d: {  	_ =	swait.ge [sflag:s14], $0x800  }
.Ltmp9:
0x7e: {  	[sflag:s14] =	ssyncset.done $0x0;
	(pc) =	sbr.rel @p1 .LBB2_10-.Ltmp9, $4  }
0x7f: {  	[sflag:s14] =	ssyncadd.s32 $0xFFFFF800  }
0x80: {  	[spmem:s1] =	stream.indirect_vreg.scatter.add.f32 [tilespmem:s15], [sflag:$0x2], $0x80, v4, vm0, $0xb8;
	[tilespmem:$0x17780] =	vst v63  }
0x81: {  	_ =	swait.ge [sflag:s12], $0x800  }
0x82: {  	[sflag:s12] =	ssyncset.done $0x0  }
.Ltmp10:
0x83: {  	_ = 	snop;
	(pc) =	sbr.rel .LBB2_11-.Ltmp10, $1  }
0x84: {  	_ =	sdelay $0x3  }
.LBB2_14:
0x85: {  	_ =	sfence.sel $0x180000  }
0x86: {  	[bflag:$0x0] =	sbarrier.arrive $0xFFFF  }
0x87: {  	p0 =	sne.s32 s2, $0x0;
	_ =	strace $0x90000056  }
0x88: {  	s0 =	sadd.s32 @!p0 $0x100000, s0;
	[bflag:$0x2] =	sbarrier.arrive $0xFFFF  }
0x89: {  	[sflag:s0] =	ssyncadd.tile.s32 @!p0 $0x1;
	_ =	shalt  }
.Lfunc_end2:
_tile_overlayer_lowered:
.L_overlay_start_2:
0x8a: {  	(tag) =	ssettag $0x2  }
0x8b: {  	s0 =	rddreg [dreg:$0x0];
	s2 =	stileid.u32  }
0x8c: {  	s1 =	rddreg [dreg:$0x1];
	p0 =	sne.s32 s2, $0x0  }
0x8d: {  	s3 =	rddreg [dreg:$0x2];
	[bflag:$0x3] =	sbarrier.arrive $0xFFFF;
	s2 =	simm.s32 @!p0 $0x1C02  }
0x8e: {  	[timem:s3], [sflag:s2] =	dma.local @!p0 [hbm:s0], s1  }
0x8f: {  	s0 =	simm.s32 @!p0 $0x2  }
0x90: {  	_ =	swait.ge @!p0 [sflag:s0], s1  }
0x91: {  	s1 =	ssub.s32 @!p0 $0x0, s1;
	[sflag:s0] =	ssyncset.done @!p0 $0x0  }
0x92: {  	[sflag:s0] =	ssyncadd.s32 @!p0 s1  }
0x93: {  	[bflag:$0x3] =	sbarrier.arrive $0xFFFF  }
0x94: {  	_ =	shalt  }

// kernel: kernel.42.cloned.1.call-start
scs
__scs_entry_jumppad:
0x0: {  	(pc) =	sbr.rel $0x88, $3  }
0x1: {  	(tag) =	ssettag $0x0;
	lr =	simm.s32 $0x1  }
0x2: {  	[smem:$0x3F6A] =	sst lr;
	_ =	strace $0xD0000000  }
0x3: {  	_ = 	snop  }
0x4: {  	_ = 	snop  }
0x5: {  	_ = 	snop  }
0x6: {  	_ = 	snop  }
0x7: {  	_ = 	snop  }
__scs_overlays_trampoline_lowered:
0x8: {  	[smem:$0x3F79] =	sst s0  }
0x9: {  	[smem:$0x3F7A] =	sst s1  }
0xa: {  	[smem:$0x3F7B] =	sst s2  }
0xb: {  	[smem:$0x3F7C] =	sst s3  }
0xc: {  	[smem:$0x3F7D] =	sst s4  }
0xd: {  	[smem:$0x3F7E] =	sst s5  }
0xe: {  	[smem:$0x3F7F] =	sst s6  }
0xf: {  	[smem:$0x3F80] =	sst s7  }
0x10: {  	[smem:$0x3F81] =	sst s8  }
0x11: {  	[smem:$0x3F82] =	sst s9;
	s0 =	simm.s32 @!p0 $0x0  }
0x12: {  	s1 =	sld [smem:$0x3F68];
	s0 =	simm.s32 @p0 $0x1  }
0x13: {  	[smem:$0x3F83] =	sst s0;
	s0 =	simm.s32 @!p1 $0x0  }
0x14: {  	s2 =	sld [smem:$0x3F67];
	s0 =	simm.s32 @p1 $0x1  }
0x15: {  	[smem:$0x3F84] =	sst s0;
	s0 =	simm.s32 @!p2 $0x0  }
0x16: {  	s3 =	sld [smem:$0x3FDB];
	s0 =	simm.s32 @p2 $0x1  }
0x17: {  	s4 =	simm.s32 $0x1BF5;
	[smem:$0x3F86] =	sst s0  }
0x18: {  	s0 =	sld [smem:$0x3F69];
	_ =	swait.ge [sflag:s4], $0x0  }
0x19: {  	s7 =	sld [smem:$0x3F6A]  }
0x1a: {  	s8 =	sadd.s32 $0xFFFFE003, lr  }
0x1b: {  	s9 =	sadd.s32 $0xFFFFFEF7, lr;
	s5 =	simm.s32 $0xFFFFFFFF;
	p2 =	slt.u32 s8, $0xFFFFF086  }
0x1c: {  	p1 =	slt.u32 s9, $0xF7A;
	s5 =	simm.s32 @!p2 $0x0  }
0x1d: {  	s5 =	simm.s32 @p1 $0x1;
	p0 =	seq.s32 s7, s2  }
0x1e: {  	s7 =	smul.u32 @!p0 $0xF7A, s2;
	p2 =	seq.s32 @!p0 s5, $0x0  }
0x1f: {  	s9 =	smul.u32 $0xF7A, s1;
	s8 =	simm.s32 @!p0 $0x1BF5;
	p2 =	por !p2, p0  }
0x20: {  	[sflag:s8] =	ssyncset.s32 @!p0 $0xFFFFF086;
	s6 =	sadd.s32 @!p0 s3, s7;
	s7 =	simm.s32 @!p0 $0x108  }
0x21: {  	s3 =	sadd.s32 s3, s9;
	s6 =	sadd.s32 @!p0 $0x88, s6;
	s7 =	simm.s32 @p2 $0x1082  }
0x22: {  	[simem:s7], [sflag:s8] =	dma.local @!p0 [hbm:s6], $0xF7A  }
0x23: {  	s9 =	sor.u32 $0xD0000000, s2;
	s6 =	simm.s32 $0x108;
	_ =	swait.ge @!p0 [sflag:s8], $0x0  }
0x24: {  	s3 =	sadd.s32 $0x88, s3;
	s6 =	simm.s32 @!p1 $0x1082;
	[sflag:s4] =	ssyncset.s32 $0xFFFFF086  }
0x25: {  	[simem:s6], [sflag:s4] =	dma.local [hbm:s3], $0xF7A  }
0x26: {  	[smem:$0x3F6A] =	sst s1;
	(tag) =	ssettag s2;
	_ =	strace s9  }
0x27: {  	s1 =	sld [smem:$0x3F7A]  }
0x28: {  	s2 =	sld [smem:$0x3F7B]  }
0x29: {  	s4 =	sld [smem:$0x3F7D]  }
0x2a: {  	p0 =	seq.s32 s5, $0x0;
	s5 =	sld [smem:$0x3F7E]  }
0x2b: {  	s6 =	sld [smem:$0x3F7F]  }
0x2c: {  	s7 =	sld [smem:$0x3F80]  }
0x2d: {  	s3 =	simm.s32 $0x108;
	s8 =	sld [smem:$0x3F81]  }
0x2e: {  	s3 =	simm.s32 @!p0 $0x1082;
	s9 =	sld [smem:$0x3F82]  }
0x2f: {  	lr =	sadd.s32 s0, s3;
	s0 =	sld [smem:$0x3F79]  }
0x30: {  	s3 =	sld [smem:$0x3F7C]  }
0x31: {  	[smem:$0x3F85] =	sst s10  }
0x32: {  	s10 =	sld [smem:$0x3F83];
	_ =	sdelay $0x3  }
0x33: {  	p0 =	seq.s32 s10, $0x1;
	s10 =	sld [smem:$0x3F85];
	_ =	sdelay $0x3  }
0x34: {  	[smem:$0x3F85] =	sst s10  }
0x35: {  	s10 =	sld [smem:$0x3F84];
	_ =	sdelay $0x3  }
0x36: {  	p1 =	seq.s32 s10, $0x1;
	s10 =	sld [smem:$0x3F85];
	_ =	sdelay $0x3  }
0x37: {  	[smem:$0x3F85] =	sst s10  }
0x38: {  	s10 =	sld [smem:$0x3F86]  }
0x39: {  	_ = 	snop;
	(pc) =	sbr.ind lr, $3  }
0x3a: {  	_ = 	snop  }
0x3b: {  	_ = 	snop  }
0x3c: {  	p2 =	seq.s32 s10, $0x1;
	s10 =	sld [smem:$0x3F85]  }
0x3d: {  	_ =	shalt  }
0x3e: {  	_ =	shalt  }
0x3f: {  	_ =	shalt  }
0x40: {  	_ =	shalt  }
0x41: {  	_ =	shalt  }
0x42: {  	_ =	shalt  }
0x43: {  	_ =	shalt  }
0x44: {  	_ =	shalt  }
0x45: {  	_ =	shalt  }
0x46: {  	_ =	shalt  }
0x47: {  	_ =	shalt  }
0x48: {  	_ =	shalt  }
0x49: {  	_ =	shalt  }
0x4a: {  	_ =	shalt  }
0x4b: {  	_ =	shalt  }
0x4c: {  	_ =	shalt  }
0x4d: {  	_ =	shalt  }
0x4e: {  	_ =	shalt  }
0x4f: {  	_ =	shalt  }
0x50: {  	_ =	shalt  }
0x51: {  	_ =	shalt  }
0x52: {  	_ =	shalt  }
0x53: {  	_ =	shalt  }
0x54: {  	_ =	shalt  }
0x55: {  	_ =	shalt  }
0x56: {  	_ =	shalt  }
0x57: {  	_ =	shalt  }
0x58: {  	_ =	shalt  }
0x59: {  	_ =	shalt  }
0x5a: {  	_ =	shalt  }
0x5b: {  	_ =	shalt  }
0x5c: {  	_ =	shalt  }
0x5d: {  	_ =	shalt  }
0x5e: {  	_ =	shalt  }
0x5f: {  	_ =	shalt  }
0x60: {  	_ =	shalt  }
0x61: {  	_ =	shalt  }
0x62: {  	_ =	shalt  }
0x63: {  	_ =	shalt  }
0x64: {  	_ =	shalt  }
0x65: {  	_ =	shalt  }
0x66: {  	_ =	shalt  }
0x67: {  	_ =	shalt  }
0x68: {  	_ =	shalt  }
0x69: {  	_ =	shalt  }
0x6a: {  	_ =	shalt  }
0x6b: {  	_ =	shalt  }
0x6c: {  	_ =	shalt  }
0x6d: {  	_ =	shalt  }
0x6e: {  	_ =	shalt  }
0x6f: {  	_ =	shalt  }
0x70: {  	_ =	shalt  }
0x71: {  	_ =	shalt  }
0x72: {  	_ =	shalt  }
0x73: {  	_ =	shalt  }
0x74: {  	_ =	shalt  }
0x75: {  	_ =	shalt  }
0x76: {  	_ =	shalt  }
0x77: {  	_ =	shalt  }
0x78: {  	_ =	shalt  }
0x79: {  	_ =	shalt  }
0x7a: {  	_ =	shalt  }
0x7b: {  	_ =	shalt  }
0x7c: {  	_ =	shalt  }
0x7d: {  	_ =	shalt  }
0x7e: {  	_ =	shalt  }
0x7f: {  	_ =	shalt  }
0x80: {  	_ =	shalt  }
0x81: {  	_ =	shalt  }
0x82: {  	_ =	shalt  }
0x83: {  	_ =	shalt  }
0x84: {  	_ =	shalt  }
0x85: {  	_ =	shalt  }
0x86: {  	_ =	shalt  }
0x87: {  	_ =	shalt  }
.Lfunc_end0:
.L_simem_size_0:
called_computation.8_lowered:
.L_overlay_start_0:
0x88: {  	s2 =	sld [smem:$0x3FD9]  }
0x89: {  	s3 =	sld [smem:$0x3FFE];
	_ =	sdelay $0x1  }
0x8a: {  	s1 =	srdreg.scid  }
0x8b: {  	s0 =	sand.u32 $0x1, s1  }
0x8c: {  	s17 =	sshll.u32 s0, $0xA;
	s2 =	sadd.s32 s3, s2  }
0x8d: {  	s2 =	sadd.s32 s2, s17  }
0x8e: {  	[smem:$0x3F91] =	sst s2  }
0x8f: {  	_ = 	snop  }
0x90: {  	s18 =	sld [smem:$0x3FC8];
	(tm) =	ssettm $0x1  }
0x91: {  	s19 =	sld [smem:$0x3FFB];
	_ =	sdelay $0x3  }
0x92: {  	_ =	strace s19  }
0x93: {  	s2 =	sld [smem:$0x3FFC];
	_ =	sdelay $0x3  }
0x94: {  	_ =	strace s2  }
0x95: {  	s2 =	sld [smem:$0x3FFD];
	_ =	sdelay $0x3  }
0x96: {  	_ =	strace s2  }
0x97: {  	_ =	strace $0x8FFFFFFF  }
0x98: {  	s20 =	sld [smem:$0x3FDB];
	_ =	sdelay $0x1  }
0x99: {  	s4 =	simm.s32 $_scs_section_size  }
0x9a: {  	s5 =	simm.s32 $_size__tile_overlayer_lowered;
	s6 =	simm.s32 $_tile_overlayer_lowered  }
0x9b: {  	s7 =	simm.s32 $0x1BFF;
	s21 =	sshll.u32 s6, $0x1;
	s4 =	sadd.s32 s4, s20  }
0x9c: {  	s22 =	simm.s32 $0x0;
	s5 =	sshll.u32 s5, $0x1;
	s6 =	sadd.s32 s21, s4  }
0x9d: {  	[timem:s22], [sflag:s7] =	dma.local [hbm:s6], s5  }
0x9e: {  	_ =	swait.ge [sflag:s7], s5  }
0x9f: {  	s5 =	ssub.s32 $0x0, s5;
	[sflag:s7] =	ssyncset.done $0x0  }
0xa0: {  	[sflag:s7] =	ssyncadd.s32 s5;
	_ =	sdelay $0x1  }
0xa1: {  	s23 =	simm.s32 $0x1B8B  }
0xa2: {  	_ =	swait.ge [sflag:s23], $0x1  }
0xa3: {  	[sflag:s23] =	ssyncset.done $0x0  }
0xa4: {  	[sflag:s23] =	ssyncadd.s32 $0xFFFFFFFF  }
0xa5: {  	s5 =	sld [smem:$0x0]  }
0xa6: {  	s6 =	sand.u32 $0xFFFFFFFE, s1  }
0xa7: {  	p0 =	sne.s32 s1, s6  }
0xa8: {  	s6 =	sshll.u32 @p0 s6, $0xE  }
0xa9: {  	s6 =	sadd.s32 @p0 $0x11B8D, s6;
	s7 =	sshll.u32 @p0 s5, $0x11  }
0xaa: {  	s6 =	sor.u32 @p0 s7, s6  }
0xab: {  	[sflag:s6] =	ssyncadd.remote.s32 @p0 $0x1;
	_ =	sdelay $0x1  }
0xac: {  	s6 =	simm.s32 @p0 $0x1B8D  }
0xad: {  	_ =	swait.eq @p0 [sflag:s6], $0x1  }
0xae: {  	[sflag:s6] =	ssyncadd.s32 @p0 $0xFFFFFFFF  }
0xaf: {  	s7 =	sshll.u32 @!p0 s1, $0xE  }
0xb0: {  	s7 =	sor.u32 @!p0 $0x4000, s7;
	s6 =	simm.s32 @!p0 $0x1B8D  }
0xb1: {  	s5 =	sshll.u32 @!p0 s5, $0x11;
	s7 =	sadd.s32 @!p0 $0x11B8D, s7;
	_ =	swait.eq @!p0 [sflag:s6], $0x1  }
0xb2: {  	s5 =	sor.u32 @!p0 s5, s7;
	[sflag:s6] =	ssyncadd.s32 @!p0 $0xFFFFFFFF  }
0xb3: {  	s25 =	simm.s32 $0x1B8E;
	s24 =	sld [smem:$0x3FFE];
	[sflag:s5] =	ssyncadd.remote.s32 @!p0 $0x1  }
0xb4: {  	s26 =	simm.s32 $execute0_lowered;
	[smem:$0x3FD2] =	sst s25  }
0xb5: {  	s6 =	sshll.u32 s26, $0x1;
	_ =	strace $0x8000005E;
	[dreg:$0x1] =	wrdreg $0xFFFFFFFF  }
0xb6: {  	s28 =	simm.s32 $_size_execute0_lowered;
	s4 =	sadd.s32 s4, s6;
	[dreg:$0x0] =	wrdreg $0x0  }
0xb7: {  	s6 =	sshll.u32 s28, $0x1;
	[dreg:$0x2] =	wrdreg s4  }
0xb8: {  	[dreg:$0x3] =	wrdreg s6  }
0xb9: {  	[dreg:$0x4] =	wrdreg $0xC0  }
0xba: {  	_ =	task [dreg:s22], $0x5FFFF  }
0xbb: {  	[dreg:$0x1] =	wrdreg $0xFFFFFFFF  }
0xbc: {  	[dreg:$0x0] =	wrdreg $0x60  }
0xbd: {  	[dreg:$0x2] =	wrdreg s24  }
0xbe: {  	[dreg:$0x3] =	wrdreg s18  }
0xbf: {  	[dreg:$0x4] =	wrdreg $0x5C000  }
0xc0: {  	[dreg:$0x5] =	wrdreg $0xB  }
0xc1: {  	_ =	task.clear_ibuf [dreg:s22], $0x6FFFF;
	_ =	strace $0x9000005E  }
0xc2: {  	s29 =	simm.s32 $0xB;
	_ =	strace $0x80000060  }
0xc3: {  	_ =	swait.ge [sflag:s29], $0x1  }
0xc4: {  	[sflag:s29] =	ssyncadd.s32 $0xFFFFFFFF  }
0xc5: {  	_ =	strace $0x90000060  }
0xc6: {  	_ =	sfence  }
0xc7: {  	s30 =	sld [smem:$0x0];
	_ =	sdelay $0x2  }
0xc8: {  	s31 =	sshll.u32 s1, $0xD;
	s1 =	sshrl.u32 s1, $0x2  }
0xc9: {  	s4 =	sand.u32 $0x4000, s31;
	s1 =	sadd.s32 s1, s30  }
0xca: {  	s0 =	sor.u32 s4, s0;
	s1 =	sshll.u32 s1, $0x11  }
0xcb: {  	s0 =	sor.u32 s1, s0  }
0xcc: {  	s0 =	sadd.s32 $0x8F2B, s0  }
0xcd: {  	[sflag:s0] =	ssyncadd.remote.s32 $0x1  }
0xce: {  	_ =	sfence.sel $0xFFFF  }
0xcf: {  	[dreg:$0x0] =	wrdreg $0xFFFFFFFF;
	(pc) =	sbr.abs _section_cstart, $3  }
0xd0: {  	[dreg:$0x1] =	wrdreg $0xFFFFFFFF  }
0xd1: {  	_ =	task.clear_ibuf [dreg:s22], $0x2FFFF;
	_ =	strace $0x9FFFFFFF  }
0xd2: {  	(tm) =	ssettm $0x7FFFFFFF  }
0xd3: {  	_ =	shalt  }
tec
execute0_lowered:
.L_overlay_start_1:
0x0: {  	(tag) =	ssettag $0x1  }
0x1: {  	s4 =	rddreg [dreg:$0x0]  }
0x2: {  	s5 =	rddreg [dreg:$0x1];
	s0 =	srdreg.scid  }
0x3: {  	s2 =	rddreg [dreg:$0x2];
	s1 =	stileid.u32;
	s3 =	simm.s32 $0x0  }
0x4: {  	s13 =	simm.s32 $0x3400;
	s14 =	simm.s32 $0x1;
	s15 =	simm.s32 $0x1C00  }
0x5: {  	s16 =	simm.s32 $0x2400;
	s17 =	simm.s32 $0x2C00;
	s18 =	simm.s32 $0x2  }
0x6: {  	s19 =	simm.s32 $0x3C00;
	s20 =	simm.s32 $0x4400;
	s8 =	smul.u32 $0x14000, s1  }
0x7: {  	s21 =	simm.s32 $0x4C00;
	s22 =	simm.s32 $0x3;
	s12 =	smul.u32 $0x50000, s1  }
0x8: {  	s6 =	sand.u32 $0x1, s0;
	s0 =	rddreg [dreg:$0x3];
	s31 =	smul.u32 $0x13880, s1  }
0x9: {  	[smem:$0x7FF] =	sst s3;
	s24 =	sadd.s32 $0x279C00, s4;
	s7 =	smul.u32 $0x140000, s6  }
0xa: {  	s9 =	sshll.u32 s6, $0x4;
	_ =	strace $0x8000005F;
	s25 =	ssub.s32 $0x2, s6  }
0xb: {  	s30 =	smul.u32 $0x138800, s6;
	s23 =	sor.u32 s1, s9;
	s11 =	sshrl.u32 s25, $0x1  }
0xc: {  	s28 =	sshrl.u32 s12, $0x2;
	s12 =	simm.s32 $0x1400;
	s10 =	smul.u32 $0x1388, s23  }
0xd: {  	s7 =	sadd.s32 s8, s7;
	s8 =	smul.u32 $0x9C400, s23;
	s11 =	ssub.s32 s25, s11  }
0xe: {  	s9 =	sadd.s32 s30, s24;
	s23 =	simm.s32 $0x0;
	s7 =	sshrl.u32 s7, $0x3  }
0xf: {  	s9 =	sadd.s32 s31, s9;
	s7 =	sadd.s32 s7, s4;
	s10 =	sshrl.u32 s10, $0x3  }
0x10: {  	s26 =	sshrl.u32 s8, $0x3;
	s8 =	smax.u32 s11, $0x1;
	s11 =	simm.s32 $0x5400  }
0x11: {  	s4 =	sadd.s32 s5, s10;
	s29 =	sadd.s32 s24, s26;
	s5 =	sadd.s32 s28, s2  }
0x12: {  	v0 =	vimm.f32 $0.0e+00;
	vm0 =	vmmov $0xffff;
	vm1 =	vmmov $0xff;
	s7 =	sadd.s32 $0xF68E00, s7;
	s10 =	simm.s32 $0x4;
	s6 =	sadd.s32 $0x13780, s29  }
.LBB2_1:
0x13: {  	[tilespmem:s3], [sflag:$0x4] =	stream.linear.gather [hbm4b:s4+s3], $0x1388, $0x38;
	[tilespmem:$0x19C00] =	vst v63  }
0x14: {  	_ =	swait.ge [sflag:s10], $0x1388  }
0x15: {  	[sflag:s10] =	ssyncset.done $0x0  }
0x16: {  	s24 =	simm.s32 $0x0;
	s25 =	simm.s32 $0x200;
	[sflag:s10] =	ssyncadd.s32 $0xFFFFEC78  }
.LBB2_2:
0x17: {  	p0 =	sne.s32 s25, $0x1E00;
	[tilespmem:s24+$0x5470] =	vst v0  }
0x18: {  	[tilespmem:s24+$0x5400] =	vst v0  }
0x19: {  	[tilespmem:s24+$0x5410] =	vst v0  }
.Ltmp0:
0x1a: {  	[tilespmem:s24+$0x5420] =	vst v0;
	(pc) =	sbr.rel @p0 .LBB2_2-.Ltmp0, $4  }
0x1b: {  	[tilespmem:s24+$0x5430] =	vst v0  }
0x1c: {  	[tilespmem:s24+$0x5440] =	vst v0  }
0x1d: {  	[tilespmem:s24+$0x5450] =	vst v0  }
0x1e: {  	[tilespmem:s24+$0x5460] =	vst v0;
	s24 =	sshra.s32 s25, $0x2;
	s25 =	sadd.s32 $0x200, s25  }
0x1f: {  	[tilespmem:s24+$0x5470] =	vst v0  }
0x20: {  	[tilespmem:s24+$0x5400] =	vst v0  }
0x21: {  	[tilespmem:s24+$0x5410] =	vst v0  }
0x22: {  	[tilespmem:s24+$0x5420] =	vst v0  }
0x23: {  	[tilespmem:s24+$0x5430] =	vst v0  }
0x24: {  	[tilespmem:s24+$0x5440] =	vst v0  }
0x25: {  	[tilespmem:s24+$0x5450] =	vst v0  }
0x26: {  	[tilespmem:s24+$0x5460] =	vst v0;
	s31 =	sadd.s32 $0x0, s5  }
0x27: {  	[spmem:s31] =	stream.linear.scatter [tilespmem:s11], [sflag:$0x4], $0x800, $0x38;
	[tilespmem:$0x19C00] =	vst v63  }
0x28: {  	s24 =	simm.s32 $0x2000;
	_ =	swait.ge [sflag:s10], $0x800  }
.LBB2_4:
0x29: {  	s25 =	sshra.s32 s24, $0x2;
	[sflag:s10] =	ssyncset.done $0x0;
	p0 =	sne.s32 s24, $0x4E000  }
.Ltmp1:
0x2a: {  	s25 =	sadd.s32 s25, s5;
	[sflag:s10] =	ssyncadd.s32 $0xFFFFF800;
	(pc) =	sbr.rel @p0 .LBB2_4-.Ltmp1, $3  }
0x2b: {  	[spmem:s25] =	stream.linear.scatter [tilespmem:s11], [sflag:$0x4], $0x800, $0x38;
	[tilespmem:$0x19C00] =	vst v63  }
0x2c: {  	s24 =	sadd.s32 $0x2000, s24;
	_ =	sdelay $0x1  }
0x2d: {  	_ =	swait.ge [sflag:s10], $0x800  }
0x2e: {  	[sflag:s10] =	ssyncset.done $0x0  }
0x2f: {  	[sflag:s10] =	ssyncadd.s32 $0xFFFFF800  }
0x30: {  	s24 =	simm.s32 $0x0;
	s25 =	simm.s32 $0x40;
	[bflag:$0x0] =	sbarrier.arrive $0xFFFF  }
.LBB2_6:
0x31: {  	s26 =	sadd.s32 s24, s9  }
0x32: {  	[tilespmem:s12], [sflag:$0x1] =	stream.linear.gather [hbm4b:s26+s3], $0x2000, $0x38;
	[tilespmem:$0x19C00] =	vst v63  }
0x33: {  	s26 =	sadd.s32 $0x400, s26  }
0x34: {  	[tilespmem:s13], [sflag:$0x2] =	stream.linear.gather [hbm4b:s26+s3], $0x2000, $0x38;
	[tilespmem:$0x19C00] =	vst v63  }
0x35: {  	_ =	swait.ge [sflag:s14], $0x2000  }
0x36: {  	[sflag:s14] =	ssyncset.done $0x0  }
0x37: {  	[sflag:s14] =	ssyncadd.s32 $0xFFFFE000  }
0x38: {  	v1 =	vld [tilespmem:s25+$0xFFFFFFC0];
	_ =	sdelay $0x7  }
0x39: {  	[spmem:s2] =	stream.indirect_vreg.scatter.add.f32 [tilespmem:s12], [sflag:$0x3], $0x80, v1, vm0, $0xb8;
	[tilespmem:$0x19C00] =	vst v63  }
0x3a: {  	v1 =	vld [tilespmem:s25+$0xFFFFFFD0];
	_ =	sdelay $0x7  }
0x3b: {  	[spmem:s2] =	stream.indirect_vreg.scatter.add.f32 [tilespmem:s15], [sflag:$0x3], $0x80, v1, vm0, $0xb8;
	[tilespmem:$0x19C00] =	vst v63  }
0x3c: {  	v1 =	vld [tilespmem:s25+$0xFFFFFFE0];
	_ =	sdelay $0x7  }
0x3d: {  	[spmem:s2] =	stream.indirect_vreg.scatter.add.f32 [tilespmem:s16], [sflag:$0x3], $0x80, v1, vm0, $0xb8;
	[tilespmem:$0x19C00] =	vst v63  }
0x3e: {  	v1 =	vld [tilespmem:s25+$0xFFFFFFF0];
	_ =	sdelay $0x7  }
0x3f: {  	[spmem:s2] =	stream.indirect_vreg.scatter.add.f32 [tilespmem:s17], [sflag:$0x3], $0x80, v1, vm0, $0xb8;
	[tilespmem:$0x19C00] =	vst v63  }
0x40: {  	_ =	swait.ge [sflag:s18], $0x2000  }
0x41: {  	[sflag:s18] =	ssyncset.done $0x0  }
0x42: {  	[sflag:s18] =	ssyncadd.s32 $0xFFFFE000  }
0x43: {  	v1 =	vld [tilespmem:s25+$0x0];
	_ =	sdelay $0x7  }
0x44: {  	[spmem:s2] =	stream.indirect_vreg.scatter.add.f32 [tilespmem:s13], [sflag:$0x3], $0x80, v1, vm0, $0xb8;
	[tilespmem:$0x19C00] =	vst v63  }
0x45: {  	v1 =	vld [tilespmem:s25+$0x10];
	_ =	sdelay $0x7  }
0x46: {  	[spmem:s2] =	stream.indirect_vreg.scatter.add.f32 [tilespmem:s19], [sflag:$0x3], $0x80, v1, vm0, $0xb8;
	[tilespmem:$0x19C00] =	vst v63  }
0x47: {  	v1 =	vld [tilespmem:s25+$0x20];
	_ =	sdelay $0x7  }
0x48: {  	[spmem:s2] =	stream.indirect_vreg.scatter.add.f32 [tilespmem:s20], [sflag:$0x3], $0x80, v1, vm0, $0xb8;
	[tilespmem:$0x19C00] =	vst v63  }
0x49: {  	v1 =	vld [tilespmem:s25+$0x30];
	_ =	sdelay $0x7  }
0x4a: {  	[spmem:s2] =	stream.indirect_vreg.scatter.add.f32 [tilespmem:s21], [sflag:$0x3], $0x80, v1, vm0, $0xb8;
	[tilespmem:$0x19C00] =	vst v63  }
0x4b: {  	_ =	swait.ge [sflag:s22], $0x800  }
0x4c: {  	[sflag:s22] =	ssyncset.done $0x0  }
0x4d: {  	[sflag:s22] =	ssyncadd.s32 $0xFFFFF800  }
0x4e: {  	_ =	swait.ge [sflag:s22], $0x800  }
0x4f: {  	[sflag:s22] =	ssyncset.done $0x0  }
0x50: {  	[sflag:s22] =	ssyncadd.s32 $0xFFFFF800  }
0x51: {  	_ =	swait.ge [sflag:s22], $0x800  }
0x52: {  	[sflag:s22] =	ssyncset.done $0x0  }
0x53: {  	[sflag:s22] =	ssyncadd.s32 $0xFFFFF800  }
0x54: {  	_ =	swait.ge [sflag:s22], $0x800  }
0x55: {  	[sflag:s22] =	ssyncset.done $0x0  }
0x56: {  	[sflag:s22] =	ssyncadd.s32 $0xFFFFF800  }
0x57: {  	_ =	swait.ge [sflag:s22], $0x800  }
0x58: {  	[sflag:s22] =	ssyncset.done $0x0  }
0x59: {  	[sflag:s22] =	ssyncadd.s32 $0xFFFFF800  }
0x5a: {  	_ =	swait.ge [sflag:s22], $0x800  }
0x5b: {  	[sflag:s22] =	ssyncset.done $0x0  }
0x5c: {  	[sflag:s22] =	ssyncadd.s32 $0xFFFFF800  }
0x5d: {  	p0 =	sne.s32 s24, $0x13000;
	_ =	swait.ge [sflag:s22], $0x800  }
.Ltmp2:
0x5e: {  	[sflag:s22] =	ssyncset.done $0x0;
	(pc) =	sbr.rel @p0 .LBB2_6-.Ltmp2, $4  }
0x5f: {  	[sflag:s22] =	ssyncadd.s32 $0xFFFFF800  }
0x60: {  	_ =	swait.ge [sflag:s22], $0x800  }
0x61: {  	[sflag:s22] =	ssyncset.done $0x0  }
0x62: {  	s24 =	sadd.s32 $0x800, s24;
	s25 =	sadd.s32 $0x80, s25;
	[sflag:s22] =	ssyncadd.s32 $0xFFFFF800  }
0x63: {  	[tilespmem:s12], [sflag:$0x4] =	stream.linear.gather [hbm4b:s6+s3], $0x800, $0x38;
	[tilespmem:$0x19C00] =	vst v63  }
0x64: {  	_ =	swait.ge [sflag:s10], $0x800  }
0x65: {  	[sflag:s10] =	ssyncset.done $0x0  }
0x66: {  	[sflag:s10] =	ssyncadd.s32 $0xFFFFF800  }
0x67: {  	v1 =	vld [tilespmem:$0x1378];
	_ =	sdelay $0x4  }
0x68: {  	v1 =	vsel vm1, $0x2710, v1;
	_ =	sdelay $0x4  }
0x69: {  	[spmem:s2] =	stream.indirect_vreg.scatter.add.f32 [tilespmem:s12], [sflag:$0x4], $0x80, v1, vm0, $0xb8;
	[tilespmem:$0x19C00] =	vst v63  }
0x6a: {  	_ =	swait.ge [sflag:s10], $0x800  }
0x6b: {  	s24 =	sshll.u32 s1, $0x6;
	s23 =	sadd.s32 $0x1, s23;
	[sflag:s10] =	ssyncset.done $0x0  }
0x6c: {  	s25 =	sshrl.u32 s5, $0x3;
	p0 =	sne.s32 s23, s8;
	[sflag:s10] =	ssyncadd.s32 $0xFFFFF800  }
.Ltmp3:
0x6d: {  	s24 =	sor.u32 $0x1C04, s24;
	[bflag:$0x0] =	sbarrier.arrive $0xFFFF;
	(pc) =	sbr.rel @p0 .LBB2_1-.Ltmp3, $4  }
0x6e: {  	[hbm:s7], [sflag:s24] =	dma.local [spmem:s25], $0x2800  }
0x6f: {  	_ =	swait.ge [sflag:s10], $0x2800  }
0x70: {  	[sflag:s10] =	ssyncset.done $0x0  }
0x71: {  	[sflag:s10] =	ssyncadd.s32 $0xFFFFD800  }
0x72: {  	_ =	sfence.sel $0x180000  }
0x73: {  	[bflag:$0x0] =	sbarrier.arrive $0xFFFF  }
0x74: {  	p0 =	sne.s32 s1, $0x0;
	_ =	strace $0x9000005F  }
0x75: {  	s0 =	sadd.s32 @!p0 $0x100000, s0;
	[bflag:$0x2] =	sbarrier.arrive $0xFFFF  }
0x76: {  	[sflag:s0] =	ssyncadd.tile.s32 @!p0 $0x1;
	_ =	shalt  }
.Lfunc_end2:
_tile_overlayer_lowered:
.L_overlay_start_2:
0x77: {  	(tag) =	ssettag $0x2  }
0x78: {  	s0 =	rddreg [dreg:$0x0];
	s2 =	stileid.u32  }
0x79: {  	s1 =	rddreg [dreg:$0x1];
	p0 =	sne.s32 s2, $0x0  }
0x7a: {  	s3 =	rddreg [dreg:$0x2];
	[bflag:$0x3] =	sbarrier.arrive $0xFFFF;
	s2 =	simm.s32 @!p0 $0x1C04  }
0x7b: {  	[timem:s3], [sflag:s2] =	dma.local @!p0 [hbm:s0], s1  }
0x7c: {  	s0 =	simm.s32 @!p0 $0x4  }
0x7d: {  	_ =	swait.ge @!p0 [sflag:s0], s1  }
0x7e: {  	s1 =	ssub.s32 @!p0 $0x0, s1;
	[sflag:s0] =	ssyncset.done @!p0 $0x0  }
0x7f: {  	[sflag:s0] =	ssyncadd.s32 @!p0 s1  }
0x80: {  	[bflag:$0x3] =	sbarrier.arrive $0xFFFF  }
0x81: {  	_ =	shalt  }

</sc_bundles>
